<compile_context>
chip_gen: v7x
topology: tpu7x:2x2x1
jax: 0.10.2.dev20260603
libtpu: 0.0.44.dev20260713+nightly
codegen_flags: <defaults>
</compile_context>

<pallas_src>
import functools

import jax
import jax.numpy as jnp
from jax import lax
from jax.experimental import pallas as pl
from jax.experimental.pallas import tpu as pltpu
from jax.experimental.pallas import tpu_sc as plsc

_CH = 4
_NB = 7
_LA = 3

_ROWS = 128


def _make_sc_copy(C, G, D, T, NC, NS):
    NW = NC * NS
    rows = C // NW
    nch = rows // _CH
    mesh = plsc.VectorSubcoreMesh(core_axis_name="c", subcore_axis_name="s")

    @functools.partial(
        pl.kernel,
        mesh=mesh,
        out_type=jax.ShapeDtypeStruct((C, G, D), jnp.float32),
        scratch_types=(
            [pltpu.VMEM((16,), jnp.int32)]
            + [pltpu.VMEM((_CH, G, D), jnp.float32) for _ in range(_NB)]
            + [pltpu.SemaphoreType.DMA for _ in range(2 * _NB)]
        ),
    )
    def sc_copy(seq_hbm, vb, nv, ov, seq_v, *bufs_sems):
        bufs = bufs_sems[:_NB]
        gsems = bufs_sems[_NB : 2 * _NB]
        ssems = bufs_sems[2 * _NB :]

        wid = lax.axis_index("s") * NC + lax.axis_index("c")
        base = wid * rows
        pltpu.sync_copy(seq_hbm, seq_v)
        seq = seq_v[...][0]

        def gather(c, b):
            r = base + c * _CH
            in_new = jnp.logical_and(r >= seq, r < seq + T)

            @pl.when(in_new)
            def _():
                pltpu.make_async_copy(
                    nv.at[pl.ds(r - seq, _CH)], bufs[b], gsems[b]
                ).start()

            @pl.when(jnp.logical_not(in_new))
            def _():
                pltpu.make_async_copy(
                    vb.at[pl.ds(r, _CH)], bufs[b], gsems[b]
                ).start()

        def wait_gather(b):
            pltpu.make_async_copy(vb.at[pl.ds(0, _CH)], bufs[b], gsems[b]).wait()

        def scatter(c, b):
            r = base + c * _CH
            pltpu.make_async_copy(bufs[b], ov.at[pl.ds(r, _CH)], ssems[b]).start()

        def wait_scatter(c, b):
            r = base + c * _CH
            pltpu.make_async_copy(bufs[b], ov.at[pl.ds(r, _CH)], ssems[b]).wait()

        for k in range(min(_LA + 1, nch)):
            gather(k, k % _NB)
        for j in range(nch):
            b = j % _NB
            nxt = j + _LA + 1
            if nxt < nch:
                bn = nxt % _NB
                if nxt >= _NB:
                    wait_scatter(nxt - _NB, bn)
                gather(nxt, bn)
            wait_gather(b)
            scatter(j, b)
        for j in range(max(nch - _NB, 0), nch):
            wait_scatter(j, j % _NB)

    return sc_copy


def _tc_copy(seqb, kb, nk, C, G, D, T):
    nb = C // _ROWS
    tb = T // _ROWS

    def body(seqb_ref, kb_ref, nk_ref, ok_ref):
        i = pl.program_id(0)
        sb = seqb_ref[0]
        use_new = jnp.logical_and(i >= sb, i < sb + tb)

        @pl.when(use_new)
        def _():
            ok_ref[...] = nk_ref[...]

        @pl.when(jnp.logical_not(use_new))
        def _():
            ok_ref[...] = kb_ref[...]

    def buf_map(i, seqb_ref):
        sb = seqb_ref[0]
        in_new = jnp.logical_and(i >= sb, i < sb + tb)
        return (jnp.where(in_new, jnp.maximum(sb - 1, 0), i), 0, 0)

    def new_map(i, seqb_ref):
        sb = seqb_ref[0]
        return (jnp.clip(i - sb, 0, tb - 1), 0, 0)

    blk = (_ROWS, G, D)
    grid_spec = pltpu.PrefetchScalarGridSpec(
        num_scalar_prefetch=1,
        grid=(nb,),
        in_specs=[pl.BlockSpec(blk, buf_map), pl.BlockSpec(blk, new_map)],
        out_specs=pl.BlockSpec(blk, lambda i, s: (i, 0, 0)),
    )
    return pl.pallas_call(
        body,
        grid_spec=grid_spec,
        out_shape=jax.ShapeDtypeStruct((C, G, D), jnp.float32),
    )(seqb, kb, nk)


def kernel(keys_buffer, values_buffer, new_keys, new_values, sequence_length):
    C, G, D = keys_buffer.shape
    T = new_keys.shape[0]
    seq = jnp.asarray(sequence_length, jnp.int32)

    info = plsc.get_sparse_core_info()
    NC, NS = info.num_cores, info.num_subcores

    seq16 = jnp.full((16,), seq, jnp.int32)
    ov = _make_sc_copy(C, G, D, T, NC, NS)(seq16, values_buffer, new_values)
    ok = _tc_copy((seq // _ROWS).reshape(1), keys_buffer, new_keys, C, G, D, T)

    return ((seq + T).astype(jnp.int32), ok, ov)

# --- scband reference (transcript-rebuilt; emitter-appended) ---
"""Pipeline reference for scband-static-kvcache-layer-33741263077807 (READ-ONLY COPY).

The authoritative reference and input builder live on the scoring server;
editing this copy changes nothing except your own understanding.
"""

import jax, jax.numpy as jnp
import numpy as np
from jax.lax import dynamic_update_slice_in_dim


def setup_inputs(seed: int = 0) -> dict:
    key = jax.random.key(seed)
    k1, k2, k3, k4 = jax.random.split(key, 4)
    C, G, D = 8192, 32, 128
    T = 4096
    return {
        "keys_buffer": jax.random.normal(k1, (C, G, D), dtype=jnp.float32),
        "values_buffer": jax.random.normal(k2, (C, G, D), dtype=jnp.float32),
        "new_keys": jax.random.normal(k3, (T, G, D), dtype=jnp.float32),
        "new_values": jax.random.normal(k4, (T, G, D), dtype=jnp.float32),
        "sequence_length": 2048,
    }


def reference(keys_buffer, values_buffer, new_keys, new_values, sequence_length):
    # StaticKVCacheLayer.extend, no-growth path:
    #   new_sequence_length = sequence_length + num_new_tokens (<= capacity)
    #   keys_buffer[seq:new_seq] = new_keys ; values_buffer[seq:new_seq] = new_values
    if new_keys.shape != new_values.shape:
        raise ValueError("Keys and values must have the same shape")
    num_new_tokens, new_groups, new_head_dim = new_keys.shape
    capacity, groups, head_dim = keys_buffer.shape
    if new_groups != groups or new_head_dim != head_dim:
        raise ValueError("New keys and values must have the same number of groups and head dimensions")
    new_sequence_length = sequence_length + num_new_tokens
    # contiguous scatter-overwrite into the cache buffers
    new_keys_buffer = dynamic_update_slice_in_dim(keys_buffer, new_keys, sequence_length, axis=0)
    new_values_buffer = dynamic_update_slice_in_dim(values_buffer, new_values, sequence_length, axis=0)
    return (jnp.asarray(new_sequence_length, dtype=jnp.int32), new_keys_buffer, new_values_buffer)

if __name__ == "__main__":
    import jax
    _d = setup_inputs()
    print(jax.jit(kernel)(*tuple(_d.values())))

</pallas_src>

<mosaic_0001>
#map = affine_map<(d0, d1) -> (0)>
#map1 = affine_map<(d0, d1) -> (0, 0, 0)>
module attributes {stable_mosaic.version = 14 : i64} {
  func.func @sc_copy(%arg0: i32, %arg1: i32, %arg2: memref<16xi32, #tpu.memory_space<hbm>>, %arg3: memref<8192x32x128xf32, #tpu.memory_space<hbm>>, %arg4: memref<4096x32x128xf32, #tpu.memory_space<hbm>>, %arg5: memref<8192x32x128xf32, #tpu.memory_space<hbm>>, %arg6: memref<16xi32, #tpu.memory_space<vmem>>, %arg7: memref<4x32x128xf32, #tpu.memory_space<vmem>>, %arg8: memref<4x32x128xf32, #tpu.memory_space<vmem>>, %arg9: memref<4x32x128xf32, #tpu.memory_space<vmem>>, %arg10: memref<4x32x128xf32, #tpu.memory_space<vmem>>, %arg11: memref<4x32x128xf32, #tpu.memory_space<vmem>>, %arg12: memref<4x32x128xf32, #tpu.memory_space<vmem>>, %arg13: memref<4x32x128xf32, #tpu.memory_space<vmem>>, %arg14: memref<!tpu.dma_semaphore, #tpu.memory_space<semaphore_mem>>, %arg15: memref<!tpu.dma_semaphore, #tpu.memory_space<semaphore_mem>>, %arg16: memref<!tpu.dma_semaphore, #tpu.memory_space<semaphore_mem>>, %arg17: memref<!tpu.dma_semaphore, #tpu.memory_space<semaphore_mem>>, %arg18: memref<!tpu.dma_semaphore, #tpu.memory_space<semaphore_mem>>, %arg19: memref<!tpu.dma_semaphore, #tpu.memory_space<semaphore_mem>>, %arg20: memref<!tpu.dma_semaphore, #tpu.memory_space<semaphore_mem>>, %arg21: memref<!tpu.dma_semaphore, #tpu.memory_space<semaphore_mem>>, %arg22: memref<!tpu.dma_semaphore, #tpu.memory_space<semaphore_mem>>, %arg23: memref<!tpu.dma_semaphore, #tpu.memory_space<semaphore_mem>>, %arg24: memref<!tpu.dma_semaphore, #tpu.memory_space<semaphore_mem>>, %arg25: memref<!tpu.dma_semaphore, #tpu.memory_space<semaphore_mem>>, %arg26: memref<!tpu.dma_semaphore, #tpu.memory_space<semaphore_mem>>, %arg27: memref<!tpu.dma_semaphore, #tpu.memory_space<semaphore_mem>>) attributes {dimension_semantics = [#tpu.dimension_semantics<core_parallel>, #tpu.dimension_semantics<subcore_parallel>], iteration_bounds = array<i64: 2, 16>, scalar_prefetch = 0 : i64, scratch_operands = 22 : i64, tpu.core_type = #tpu.core_type<sc_vector_subcore>, window_params = [{transform_indices = #map}, {transform_indices = #map1}, {transform_indices = #map1}, {transform_indices = #map1}]} {
    %mul3A = arith.constant 2 : i32
    %mul3A_0 = arith.muli %arg1, %mul3A : i32
    %add3A = arith.addi %mul3A_0, %arg0 : i32
    %mul3A_1 = arith.constant 256 : i32
    %mul3A_2 = arith.muli %add3A, %mul3A_1 : i32
    "tpu.region"() ({
      %run_scoped3A = tpu.sem_alloc : memref<!tpu.dma_semaphore, #tpu.memory_space<semaphore_mem>>
      tpu.enqueue_dma source(%arg2 : memref<16xi32, #tpu.memory_space<hbm>>) target(%arg6 : memref<16xi32, #tpu.memory_space<vmem>>) target_semaphore(%run_scoped3A : memref<!tpu.dma_semaphore, #tpu.memory_space<semaphore_mem>>)
      tpu.wait_dma2 semaphore(%run_scoped3A : memref<!tpu.dma_semaphore, #tpu.memory_space<semaphore_mem>>) src(%arg2 : memref<16xi32, #tpu.memory_space<hbm>>) dst(%arg6 : memref<16xi32, #tpu.memory_space<vmem>>)
      tpu.yield
    }) : () -> ()
    %get3A = arith.constant 0 : index
    %get3A_3 = tpu.vector_load %arg6[%get3A] {strides = array<i32>} : memref<16xi32, #tpu.memory_space<vmem>>, vector<16xi32>,
    %get3A_4 = vector.shape_cast %get3A_3 : vector<16xi32> to vector<16xi32>
    %slice3A = vector.extract_strided_slice %get3A_4 {offsets = [0], sizes = [1], strides = [1]} : vector<16xi32> to vector<1xi32>
    %squeeze3A = vector.extract %slice3A[0] : i32 from vector<1xi32>
    %add3A_5 = arith.constant 0 : i32
    %add3A_6 = arith.addi %mul3A_2, %add3A_5 : i32
    %ge3A = arith.cmpi sge, %add3A_6, %squeeze3A : i32
    %add3A_7 = arith.constant 4096 : i32
    %add3A_8 = arith.addi %squeeze3A, %add3A_7 : i32
    %lt3A = arith.cmpi slt, %add3A_6, %add3A_8 : i32
    %and3A = arith.andi %ge3A, %lt3A : i1
    %convert_element_type3A = arith.extui %and3A : i1 to i32
    %cond3A = arith.constant 0 : i32
    %cond3A_9 = arith.cmpi ne, %convert_element_type3A, %cond3A : i32
    scf.if %cond3A_9 {
      %sub3A = arith.subi %add3A_6, %squeeze3A : i32
      %dma_start3A_2493 = arith.constant 0 : i32
      %dma_start3A_2494 = arith.constant 0 : i32
      %dma_start3A_2495 = tpu.memref_slice %arg4[%sub3A, %dma_start3A_2493, %dma_start3A_2494] : memref<4096x32x128xf32, #tpu.memory_space<hbm>> -> memref<4x32x128xf32, #tpu.memory_space<hbm>>
      %dma_start3A_2496 = arith.constant 0 : i32
      %dma_start3A_2497 = arith.constant 0 : i32
      %dma_start3A_2498 = tpu.memref_slice %arg4[%sub3A, %dma_start3A_2496, %dma_start3A_2497] : memref<4096x32x128xf32, #tpu.memory_space<hbm>> -> memref<4x32x128xf32, #tpu.memory_space<hbm>>
      tpu.enqueue_dma source(%dma_start3A_2498 : memref<4x32x128xf32, #tpu.memory_space<hbm>>) target(%arg7 : memref<4x32x128xf32, #tpu.memory_space<vmem>>) target_semaphore(%arg14 : memref<!tpu.dma_semaphore, #tpu.memory_space<semaphore_mem>>)
    } else {
    }
    %not3A = arith.constant true
    %not3A_10 = arith.xori %and3A, %not3A : i1
    %convert_element_type3A_11 = arith.extui %not3A_10 : i1 to i32
    %cond3A_12 = arith.constant 0 : i32
    %cond3A_13 = arith.cmpi ne, %convert_element_type3A_11, %cond3A_12 : i32
    scf.if %cond3A_13 {
      %dma_start3A_2493 = arith.constant 0 : i32
      %dma_start3A_2494 = arith.constant 0 : i32
      %dma_start3A_2495 = tpu.memref_slice %arg3[%add3A_6, %dma_start3A_2493, %dma_start3A_2494] : memref<8192x32x128xf32, #tpu.memory_space<hbm>> -> memref<4x32x128xf32, #tpu.memory_space<hbm>>
      %dma_start3A_2496 = arith.constant 0 : i32
      %dma_start3A_2497 = arith.constant 0 : i32
      %dma_start3A_2498 = tpu.memref_slice %arg3[%add3A_6, %dma_start3A_2496, %dma_start3A_2497] : memref<8192x32x128xf32, #tpu.memory_space<hbm>> -> memref<4x32x128xf32, #tpu.memory_space<hbm>>
      tpu.enqueue_dma source(%dma_start3A_2498 : memref<4x32x128xf32, #tpu.memory_space<hbm>>) target(%arg7 : memref<4x32x128xf32, #tpu.memory_space<vmem>>) target_semaphore(%arg14 : memref<!tpu.dma_semaphore, #tpu.memory_space<semaphore_mem>>)
    } else {
    }
    %add3A_14 = arith.constant 4 : i32
    %add3A_15 = arith.addi %mul3A_2, %add3A_14 : i32
    %ge3A_16 = arith.cmpi sge, %add3A_15, %squeeze3A : i32
    %add3A_17 = arith.constant 4096 : i32
    %add3A_18 = arith.addi %squeeze3A, %add3A_17 : i32
    %lt3A_19 = arith.cmpi slt, %add3A_15, %add3A_18 : i32
    %and3A_20 = arith.andi %ge3A_16, %lt3A_19 : i1
    %convert_element_type3A_21 = arith.extui %and3A_20 : i1 to i32
    %cond3A_22 = arith.constant 0 : i32
    %cond3A_23 = arith.cmpi ne, %convert_element_type3A_21, %cond3A_22 : i32
    scf.if %cond3A_23 {
      %sub3A = arith.subi %add3A_15, %squeeze3A : i32
      %dma_start3A_2493 = arith.constant 0 : i32
      %dma_start3A_2494 = arith.constant 0 : i32
      %dma_start3A_2495 = tpu.memref_slice %arg4[%sub3A, %dma_start3A_2493, %dma_start3A_2494] : memref<4096x32x128xf32, #tpu.memory_space<hbm>> -> memref<4x32x128xf32, #tpu.memory_space<hbm>>
      %dma_start3A_2496 = arith.constant 0 : i32
      %dma_start3A_2497 = arith.constant 0 : i32
      %dma_start3A_2498 = tpu.memref_slice %arg4[%sub3A, %dma_start3A_2496, %dma_start3A_2497] : memref<4096x32x128xf32, #tpu.memory_space<hbm>> -> memref<4x32x128xf32, #tpu.memory_space<hbm>>
      tpu.enqueue_dma source(%dma_start3A_2498 : memref<4x32x128xf32, #tpu.memory_space<hbm>>) target(%arg8 : memref<4x32x128xf32, #tpu.memory_space<vmem>>) target_semaphore(%arg15 : memref<!tpu.dma_semaphore, #tpu.memory_space<semaphore_mem>>)
    } else {
    }
    %not3A_24 = arith.constant true
    %not3A_25 = arith.xori %and3A_20, %not3A_24 : i1
    %convert_element_type3A_26 = arith.extui %not3A_25 : i1 to i32
    %cond3A_27 = arith.constant 0 : i32
    %cond3A_28 = arith.cmpi ne, %convert_element_type3A_26, %cond3A_27 : i32
    scf.if %cond3A_28 {
      %dma_start3A_2493 = arith.constant 0 : i32
      %dma_start3A_2494 = arith.constant 0 : i32
      %dma_start3A_2495 = tpu.memref_slice %arg3[%add3A_15, %dma_start3A_2493, %dma_start3A_2494] : memref<8192x32x128xf32, #tpu.memory_space<hbm>> -> memref<4x32x128xf32, #tpu.memory_space<hbm>>
      %dma_start3A_2496 = arith.constant 0 : i32
      %dma_start3A_2497 = arith.constant 0 : i32
      %dma_start3A_2498 = tpu.memref_slice %arg3[%add3A_15, %dma_start3A_2496, %dma_start3A_2497] : memref<8192x32x128xf32, #tpu.memory_space<hbm>> -> memref<4x32x128xf32, #tpu.memory_space<hbm>>
      tpu.enqueue_dma source(%dma_start3A_2498 : memref<4x32x128xf32, #tpu.memory_space<hbm>>) target(%arg8 : memref<4x32x128xf32, #tpu.memory_space<vmem>>) target_semaphore(%arg15 : memref<!tpu.dma_semaphore, #tpu.memory_space<semaphore_mem>>)
    } else {
    }
    %add3A_29 = arith.constant 8 : i32
    %add3A_30 = arith.addi %mul3A_2, %add3A_29 : i32
    %ge3A_31 = arith.cmpi sge, %add3A_30, %squeeze3A : i32
    %add3A_32 = arith.constant 4096 : i32
    %add3A_33 = arith.addi %squeeze3A, %add3A_32 : i32
    %lt3A_34 = arith.cmpi slt, %add3A_30, %add3A_33 : i32
    %and3A_35 = arith.andi %ge3A_31, %lt3A_34 : i1
    %convert_element_type3A_36 = arith.extui %and3A_35 : i1 to i32
    %cond3A_37 = arith.constant 0 : i32
    %cond3A_38 = arith.cmpi ne, %convert_element_type3A_36, %cond3A_37 : i32
    scf.if %cond3A_38 {
      %sub3A = arith.subi %add3A_30, %squeeze3A : i32
      %dma_start3A_2493 = arith.constant 0 : i32
      %dma_start3A_2494 = arith.constant 0 : i32
      %dma_start3A_2495 = tpu.memref_slice %arg4[%sub3A, %dma_start3A_2493, %dma_start3A_2494] : memref<4096x32x128xf32, #tpu.memory_space<hbm>> -> memref<4x32x128xf32, #tpu.memory_space<hbm>>
      %dma_start3A_2496 = arith.constant 0 : i32
      %dma_start3A_2497 = arith.constant 0 : i32
      %dma_start3A_2498 = tpu.memref_slice %arg4[%sub3A, %dma_start3A_2496, %dma_start3A_2497] : memref<4096x32x128xf32, #tpu.memory_space<hbm>> -> memref<4x32x128xf32, #tpu.memory_space<hbm>>
      tpu.enqueue_dma source(%dma_start3A_2498 : memref<4x32x128xf32, #tpu.memory_space<hbm>>) target(%arg9 : memref<4x32x128xf32, #tpu.memory_space<vmem>>) target_semaphore(%arg16 : memref<!tpu.dma_semaphore, #tpu.memory_space<semaphore_mem>>)
    } else {
    }
    %not3A_39 = arith.constant true
    %not3A_40 = arith.xori %and3A_35, %not3A_39 : i1
    %convert_element_type3A_41 = arith.extui %not3A_40 : i1 to i32
    %cond3A_42 = arith.constant 0 : i32
    %cond3A_43 = arith.cmpi ne, %convert_element_type3A_41, %cond3A_42 : i32
    scf.if %cond3A_43 {
      %dma_start3A_2493 = arith.constant 0 : i32
      %dma_start3A_2494 = arith.constant 0 : i32
      %dma_start3A_2495 = tpu.memref_slice %arg3[%add3A_30, %dma_start3A_2493, %dma_start3A_2494] : memref<8192x32x128xf32, #tpu.memory_space<hbm>> -> memref<4x32x128xf32, #tpu.memory_space<hbm>>
      %dma_start3A_2496 = arith.constant 0 : i32
      %dma_start3A_2497 = arith.constant 0 : i32
      %dma_start3A_2498 = tpu.memref_slice %arg3[%add3A_30, %dma_start3A_2496, %dma_start3A_2497] : memref<8192x32x128xf32, #tpu.memory_space<hbm>> -> memref<4x32x128xf32, #tpu.memory_space<hbm>>
      tpu.enqueue_dma source(%dma_start3A_2498 : memref<4x32x128xf32, #tpu.memory_space<hbm>>) target(%arg9 : memref<4x32x128xf32, #tpu.memory_space<vmem>>) target_semaphore(%arg16 : memref<!tpu.dma_semaphore, #tpu.memory_space<semaphore_mem>>)
    } else {
    }
    %add3A_44 = arith.constant 12 : i32
    %add3A_45 = arith.addi %mul3A_2, %add3A_44 : i32
    %ge3A_46 = arith.cmpi sge, %add3A_45, %squeeze3A : i32
    %add3A_47 = arith.constant 4096 : i32
    %add3A_48 = arith.addi %squeeze3A, %add3A_47 : i32
    %lt3A_49 = arith.cmpi slt, %add3A_45, %add3A_48 : i32
    %and3A_50 = arith.andi %ge3A_46, %lt3A_49 : i1
    %convert_element_type3A_51 = arith.extui %and3A_50 : i1 to i32
    %cond3A_52 = arith.constant 0 : i32
    %cond3A_53 = arith.cmpi ne, %convert_element_type3A_51, %cond3A_52 : i32
    scf.if %cond3A_53 {
      %sub3A = arith.subi %add3A_45, %squeeze3A : i32
      %dma_start3A_2493 = arith.constant 0 : i32
      %dma_start3A_2494 = arith.constant 0 : i32
      %dma_start3A_2495 = tpu.memref_slice %arg4[%sub3A, %dma_start3A_2493, %dma_start3A_2494] : memref<4096x32x128xf32, #tpu.memory_space<hbm>> -> memref<4x32x128xf32, #tpu.memory_space<hbm>>
      %dma_start3A_2496 = arith.constant 0 : i32
      %dma_start3A_2497 = arith.constant 0 : i32
      %dma_start3A_2498 = tpu.memref_slice %arg4[%sub3A, %dma_start3A_2496, %dma_start3A_2497] : memref<4096x32x128xf32, #tpu.memory_space<hbm>> -> memref<4x32x128xf32, #tpu.memory_space<hbm>>
      tpu.enqueue_dma source(%dma_start3A_2498 : memref<4x32x128xf32, #tpu.memory_space<hbm>>) target(%arg10 : memref<4x32x128xf32, #tpu.memory_space<vmem>>) target_semaphore(%arg17 : memref<!tpu.dma_semaphore, #tpu.memory_space<semaphore_mem>>)
    } else {
    }
    %not3A_54 = arith.constant true
    %not3A_55 = arith.xori %and3A_50, %not3A_54 : i1
    %convert_element_type3A_56 = arith.extui %not3A_55 : i1 to i32
    %cond3A_57 = arith.constant 0 : i32
    %cond3A_58 = arith.cmpi ne, %convert_element_type3A_56, %cond3A_57 : i32
    scf.if %cond3A_58 {
      %dma_start3A_2493 = arith.constant 0 : i32
      %dma_start3A_2494 = arith.constant 0 : i32
      %dma_start3A_2495 = tpu.memref_slice %arg3[%add3A_45, %dma_start3A_2493, %dma_start3A_2494] : memref<8192x32x128xf32, #tpu.memory_space<hbm>> -> memref<4x32x128xf32, #tpu.memory_space<hbm>>
      %dma_start3A_2496 = arith.constant 0 : i32
      %dma_start3A_2497 = arith.constant 0 : i32
      %dma_start3A_2498 = tpu.memref_slice %arg3[%add3A_45, %dma_start3A_2496, %dma_start3A_2497] : memref<8192x32x128xf32, #tpu.memory_space<hbm>> -> memref<4x32x128xf32, #tpu.memory_space<hbm>>
      tpu.enqueue_dma source(%dma_start3A_2498 : memref<4x32x128xf32, #tpu.memory_space<hbm>>) target(%arg10 : memref<4x32x128xf32, #tpu.memory_space<vmem>>) target_semaphore(%arg17 : memref<!tpu.dma_semaphore, #tpu.memory_space<semaphore_mem>>)
    } else {
    }
    %add3A_59 = arith.constant 16 : i32
    %add3A_60 = arith.addi %mul3A_2, %add3A_59 : i32
    %ge3A_61 = arith.cmpi sge, %add3A_60, %squeeze3A : i32
    %add3A_62 = arith.constant 4096 : i32
    %add3A_63 = arith.addi %squeeze3A, %add3A_62 : i32
    %lt3A_64 = arith.cmpi slt, %add3A_60, %add3A_63 : i32
    %and3A_65 = arith.andi %ge3A_61, %lt3A_64 : i1
    %convert_element_type3A_66 = arith.extui %and3A_65 : i1 to i32
    %cond3A_67 = arith.constant 0 : i32
    %cond3A_68 = arith.cmpi ne, %convert_element_type3A_66, %cond3A_67 : i32
    scf.if %cond3A_68 {
      %sub3A = arith.subi %add3A_60, %squeeze3A : i32
      %dma_start3A_2493 = arith.constant 0 : i32
      %dma_start3A_2494 = arith.constant 0 : i32
      %dma_start3A_2495 = tpu.memref_slice %arg4[%sub3A, %dma_start3A_2493, %dma_start3A_2494] : memref<4096x32x128xf32, #tpu.memory_space<hbm>> -> memref<4x32x128xf32, #tpu.memory_space<hbm>>
      %dma_start3A_2496 = arith.constant 0 : i32
      %dma_start3A_2497 = arith.constant 0 : i32
      %dma_start3A_2498 = tpu.memref_slice %arg4[%sub3A, %dma_start3A_2496, %dma_start3A_2497] : memref<4096x32x128xf32, #tpu.memory_space<hbm>> -> memref<4x32x128xf32, #tpu.memory_space<hbm>>
      tpu.enqueue_dma source(%dma_start3A_2498 : memref<4x32x128xf32, #tpu.memory_space<hbm>>) target(%arg11 : memref<4x32x128xf32, #tpu.memory_space<vmem>>) target_semaphore(%arg18 : memref<!tpu.dma_semaphore, #tpu.memory_space<semaphore_mem>>)
    } else {
    }
    %not3A_69 = arith.constant true
    %not3A_70 = arith.xori %and3A_65, %not3A_69 : i1
    %convert_element_type3A_71 = arith.extui %not3A_70 : i1 to i32
    %cond3A_72 = arith.constant 0 : i32
    %cond3A_73 = arith.cmpi ne, %convert_element_type3A_71, %cond3A_72 : i32
    scf.if %cond3A_73 {
      %dma_start3A_2493 = arith.constant 0 : i32
      %dma_start3A_2494 = arith.constant 0 : i32
      %dma_start3A_2495 = tpu.memref_slice %arg3[%add3A_60, %dma_start3A_2493, %dma_start3A_2494] : memref<8192x32x128xf32, #tpu.memory_space<hbm>> -> memref<4x32x128xf32, #tpu.memory_space<hbm>>
      %dma_start3A_2496 = arith.constant 0 : i32
      %dma_start3A_2497 = arith.constant 0 : i32
      %dma_start3A_2498 = tpu.memref_slice %arg3[%add3A_60, %dma_start3A_2496, %dma_start3A_2497] : memref<8192x32x128xf32, #tpu.memory_space<hbm>> -> memref<4x32x128xf32, #tpu.memory_space<hbm>>
      tpu.enqueue_dma source(%dma_start3A_2498 : memref<4x32x128xf32, #tpu.memory_space<hbm>>) target(%arg11 : memref<4x32x128xf32, #tpu.memory_space<vmem>>) target_semaphore(%arg18 : memref<!tpu.dma_semaphore, #tpu.memory_space<semaphore_mem>>)
    } else {
    }
    %dma_wait3A = arith.constant 0 : i32
    %dma_wait3A_74 = arith.constant 0 : i32
    %dma_wait3A_75 = arith.constant 0 : i32
    %dma_wait3A_76 = tpu.memref_slice %arg3[%dma_wait3A, %dma_wait3A_74, %dma_wait3A_75] : memref<8192x32x128xf32, #tpu.memory_space<hbm>> -> memref<4x32x128xf32, #tpu.memory_space<hbm>>
    %dma_wait3A_77 = arith.constant 0 : i32
    %dma_wait3A_78 = arith.constant 0 : i32
    %dma_wait3A_79 = arith.constant 0 : i32
    %dma_wait3A_80 = tpu.memref_slice %arg3[%dma_wait3A_77, %dma_wait3A_78, %dma_wait3A_79] : memref<8192x32x128xf32, #tpu.memory_space<hbm>> -> memref<4x32x128xf32, #tpu.memory_space<hbm>>
    tpu.wait_dma2 semaphore(%arg14 : memref<!tpu.dma_semaphore, #tpu.memory_space<semaphore_mem>>) src(%dma_wait3A_80 : memref<4x32x128xf32, #tpu.memory_space<hbm>>) dst(%arg7 : memref<4x32x128xf32, #tpu.memory_space<vmem>>)
    %add3A_81 = arith.constant 0 : i32
    %add3A_82 = arith.addi %mul3A_2, %add3A_81 : i32
    %dma_start3A = arith.constant 0 : i32
    %dma_start3A_83 = arith.constant 0 : i32
    %dma_start3A_84 = tpu.memref_slice %arg5[%add3A_82, %dma_start3A, %dma_start3A_83] : memref<8192x32x128xf32, #tpu.memory_space<hbm>> -> memref<4x32x128xf32, #tpu.memory_space<hbm>>
    %dma_start3A_85 = arith.constant 0 : i32
    %dma_start3A_86 = arith.constant 0 : i32
    %dma_start3A_87 = tpu.memref_slice %arg5[%add3A_82, %dma_start3A_85, %dma_start3A_86] : memref<8192x32x128xf32, #tpu.memory_space<hbm>> -> memref<4x32x128xf32, #tpu.memory_space<hbm>>
    tpu.enqueue_dma source(%arg7 : memref<4x32x128xf32, #tpu.memory_space<vmem>>) target(%dma_start3A_87 : memref<4x32x128xf32, #tpu.memory_space<hbm>>) target_semaphore(%arg21 : memref<!tpu.dma_semaphore, #tpu.memory_space<semaphore_mem>>)
    %add3A_88 = arith.constant 20 : i32
    %add3A_89 = arith.addi %mul3A_2, %add3A_88 : i32
    %ge3A_90 = arith.cmpi sge, %add3A_89, %squeeze3A : i32
    %add3A_91 = arith.constant 4096 : i32
    %add3A_92 = arith.addi %squeeze3A, %add3A_91 : i32
    %lt3A_93 = arith.cmpi slt, %add3A_89, %add3A_92 : i32
    %and3A_94 = arith.andi %ge3A_90, %lt3A_93 : i1
    %convert_element_type3A_95 = arith.extui %and3A_94 : i1 to i32
    %cond3A_96 = arith.constant 0 : i32
    %cond3A_97 = arith.cmpi ne, %convert_element_type3A_95, %cond3A_96 : i32
    scf.if %cond3A_97 {
      %sub3A = arith.subi %add3A_89, %squeeze3A : i32
      %dma_start3A_2493 = arith.constant 0 : i32
      %dma_start3A_2494 = arith.constant 0 : i32
      %dma_start3A_2495 = tpu.memref_slice %arg4[%sub3A, %dma_start3A_2493, %dma_start3A_2494] : memref<4096x32x128xf32, #tpu.memory_space<hbm>> -> memref<4x32x128xf32, #tpu.memory_space<hbm>>
      %dma_start3A_2496 = arith.constant 0 : i32
      %dma_start3A_2497 = arith.constant 0 : i32
      %dma_start3A_2498 = tpu.memref_slice %arg4[%sub3A, %dma_start3A_2496, %dma_start3A_2497] : memref<4096x32x128xf32, #tpu.memory_space<hbm>> -> memref<4x32x128xf32, #tpu.memory_space<hbm>>
      tpu.enqueue_dma source(%dma_start3A_2498 : memref<4x32x128xf32, #tpu.memory_space<hbm>>) target(%arg12 : memref<4x32x128xf32, #tpu.memory_space<vmem>>) target_semaphore(%arg19 : memref<!tpu.dma_semaphore, #tpu.memory_space<semaphore_mem>>)
    } else {
    }
    %not3A_98 = arith.constant true
    %not3A_99 = arith.xori %and3A_94, %not3A_98 : i1
    %convert_element_type3A_100 = arith.extui %not3A_99 : i1 to i32
    %cond3A_101 = arith.constant 0 : i32
    %cond3A_102 = arith.cmpi ne, %convert_element_type3A_100, %cond3A_101 : i32
    scf.if %cond3A_102 {
      %dma_start3A_2493 = arith.constant 0 : i32
      %dma_start3A_2494 = arith.constant 0 : i32
      %dma_start3A_2495 = tpu.memref_slice %arg3[%add3A_89, %dma_start3A_2493, %dma_start3A_2494] : memref<8192x32x128xf32, #tpu.memory_space<hbm>> -> memref<4x32x128xf32, #tpu.memory_space<hbm>>
      %dma_start3A_2496 = arith.constant 0 : i32
      %dma_start3A_2497 = arith.constant 0 : i32
      %dma_start3A_2498 = tpu.memref_slice %arg3[%add3A_89, %dma_start3A_2496, %dma_start3A_2497] : memref<8192x32x128xf32, #tpu.memory_space<hbm>> -> memref<4x32x128xf32, #tpu.memory_space<hbm>>
      tpu.enqueue_dma source(%dma_start3A_2498 : memref<4x32x128xf32, #tpu.memory_space<hbm>>) target(%arg12 : memref<4x32x128xf32, #tpu.memory_space<vmem>>) target_semaphore(%arg19 : memref<!tpu.dma_semaphore, #tpu.memory_space<semaphore_mem>>)
    } else {
    }
    %dma_wait3A_103 = arith.constant 0 : i32
    %dma_wait3A_104 = arith.constant 0 : i32
    %dma_wait3A_105 = arith.constant 0 : i32
    %dma_wait3A_106 = tpu.memref_slice %arg3[%dma_wait3A_103, %dma_wait3A_104, %dma_wait3A_105] : memref<8192x32x128xf32, #tpu.memory_space<hbm>> -> memref<4x32x128xf32, #tpu.memory_space<hbm>>
    %dma_wait3A_107 = arith.constant 0 : i32
    %dma_wait3A_108 = arith.constant 0 : i32
    %dma_wait3A_109 = arith.constant 0 : i32
    %dma_wait3A_110 = tpu.memref_slice %arg3[%dma_wait3A_107, %dma_wait3A_108, %dma_wait3A_109] : memref<8192x32x128xf32, #tpu.memory_space<hbm>> -> memref<4x32x128xf32, #tpu.memory_space<hbm>>
    tpu.wait_dma2 semaphore(%arg15 : memref<!tpu.dma_semaphore, #tpu.memory_space<semaphore_mem>>) src(%dma_wait3A_110 : memref<4x32x128xf32, #tpu.memory_space<hbm>>) dst(%arg8 : memref<4x32x128xf32, #tpu.memory_space<vmem>>)
    %add3A_111 = arith.constant 4 : i32
    %add3A_112 = arith.addi %mul3A_2, %add3A_111 : i32
    %dma_start3A_113 = arith.constant 0 : i32
    %dma_start3A_114 = arith.constant 0 : i32
    %dma_start3A_115 = tpu.memref_slice %arg5[%add3A_112, %dma_start3A_113, %dma_start3A_114] : memref<8192x32x128xf32, #tpu.memory_space<hbm>> -> memref<4x32x128xf32, #tpu.memory_space<hbm>>
    %dma_start3A_116 = arith.constant 0 : i32
    %dma_start3A_117 = arith.constant 0 : i32
    %dma_start3A_118 = tpu.memref_slice %arg5[%add3A_112, %dma_start3A_116, %dma_start3A_117] : memref<8192x32x128xf32, #tpu.memory_space<hbm>> -> memref<4x32x128xf32, #tpu.memory_space<hbm>>
    tpu.enqueue_dma source(%arg8 : memref<4x32x128xf32, #tpu.memory_space<vmem>>) target(%dma_start3A_118 : memref<4x32x128xf32, #tpu.memory_space<hbm>>) target_semaphore(%arg22 : memref<!tpu.dma_semaphore, #tpu.memory_space<semaphore_mem>>)
    %add3A_119 = arith.constant 24 : i32
    %add3A_120 = arith.addi %mul3A_2, %add3A_119 : i32
    %ge3A_121 = arith.cmpi sge, %add3A_120, %squeeze3A : i32
    %add3A_122 = arith.constant 4096 : i32
    %add3A_123 = arith.addi %squeeze3A, %add3A_122 : i32
    %lt3A_124 = arith.cmpi slt, %add3A_120, %add3A_123 : i32
    %and3A_125 = arith.andi %ge3A_121, %lt3A_124 : i1
    %convert_element_type3A_126 = arith.extui %and3A_125 : i1 to i32
    %cond3A_127 = arith.constant 0 : i32
    %cond3A_128 = arith.cmpi ne, %convert_element_type3A_126, %cond3A_127 : i32
    scf.if %cond3A_128 {
      %sub3A = arith.subi %add3A_120, %squeeze3A : i32
      %dma_start3A_2493 = arith.constant 0 : i32
      %dma_start3A_2494 = arith.constant 0 : i32
      %dma_start3A_2495 = tpu.memref_slice %arg4[%sub3A, %dma_start3A_2493, %dma_start3A_2494] : memref<4096x32x128xf32, #tpu.memory_space<hbm>> -> memref<4x32x128xf32, #tpu.memory_space<hbm>>
      %dma_start3A_2496 = arith.constant 0 : i32
      %dma_start3A_2497 = arith.constant 0 : i32
      %dma_start3A_2498 = tpu.memref_slice %arg4[%sub3A, %dma_start3A_2496, %dma_start3A_2497] : memref<4096x32x128xf32, #tpu.memory_space<hbm>> -> memref<4x32x128xf32, #tpu.memory_space<hbm>>
      tpu.enqueue_dma source(%dma_start3A_2498 : memref<4x32x128xf32, #tpu.memory_space<hbm>>) target(%arg13 : memref<4x32x128xf32, #tpu.memory_space<vmem>>) target_semaphore(%arg20 : memref<!tpu.dma_semaphore, #tpu.memory_space<semaphore_mem>>)
    } else {
    }
    %not3A_129 = arith.constant true
    %not3A_130 = arith.xori %and3A_125, %not3A_129 : i1
    %convert_element_type3A_131 = arith.extui %not3A_130 : i1 to i32
    %cond3A_132 = arith.constant 0 : i32
    %cond3A_133 = arith.cmpi ne, %convert_element_type3A_131, %cond3A_132 : i32
    scf.if %cond3A_133 {
      %dma_start3A_2493 = arith.constant 0 : i32
      %dma_start3A_2494 = arith.constant 0 : i32
      %dma_start3A_2495 = tpu.memref_slice %arg3[%add3A_120, %dma_start3A_2493, %dma_start3A_2494] : memref<8192x32x128xf32, #tpu.memory_space<hbm>> -> memref<4x32x128xf32, #tpu.memory_space<hbm>>
      %dma_start3A_2496 = arith.constant 0 : i32
      %dma_start3A_2497 = arith.constant 0 : i32
      %dma_start3A_2498 = tpu.memref_slice %arg3[%add3A_120, %dma_start3A_2496, %dma_start3A_2497] : memref<8192x32x128xf32, #tpu.memory_space<hbm>> -> memref<4x32x128xf32, #tpu.memory_space<hbm>>
      tpu.enqueue_dma source(%dma_start3A_2498 : memref<4x32x128xf32, #tpu.memory_space<hbm>>) target(%arg13 : memref<4x32x128xf32, #tpu.memory_space<vmem>>) target_semaphore(%arg20 : memref<!tpu.dma_semaphore, #tpu.memory_space<semaphore_mem>>)
    } else {
    }
    %dma_wait3A_134 = arith.constant 0 : i32
    %dma_wait3A_135 = arith.constant 0 : i32
    %dma_wait3A_136 = arith.constant 0 : i32
    %dma_wait3A_137 = tpu.memref_slice %arg3[%dma_wait3A_134, %dma_wait3A_135, %dma_wait3A_136] : memref<8192x32x128xf32, #tpu.memory_space<hbm>> -> memref<4x32x128xf32, #tpu.memory_space<hbm>>
    %dma_wait3A_138 = arith.constant 0 : i32
    %dma_wait3A_139 = arith.constant 0 : i32
    %dma_wait3A_140 = arith.constant 0 : i32
    %dma_wait3A_141 = tpu.memref_slice %arg3[%dma_wait3A_138, %dma_wait3A_139, %dma_wait3A_140] : memref<8192x32x128xf32, #tpu.memory_space<hbm>> -> memref<4x32x128xf32, #tpu.memory_space<hbm>>
    tpu.wait_dma2 semaphore(%arg16 : memref<!tpu.dma_semaphore, #tpu.memory_space<semaphore_mem>>) src(%dma_wait3A_141 : memref<4x32x128xf32, #tpu.memory_space<hbm>>) dst(%arg9 : memref<4x32x128xf32, #tpu.memory_space<vmem>>)
    %add3A_142 = arith.constant 8 : i32
    %add3A_143 = arith.addi %mul3A_2, %add3A_142 : i32
    %dma_start3A_144 = arith.constant 0 : i32
    %dma_start3A_145 = arith.constant 0 : i32
    %dma_start3A_146 = tpu.memref_slice %arg5[%add3A_143, %dma_start3A_144, %dma_start3A_145] : memref<8192x32x128xf32, #tpu.memory_space<hbm>> -> memref<4x32x128xf32, #tpu.memory_space<hbm>>
    %dma_start3A_147 = arith.constant 0 : i32
    %dma_start3A_148 = arith.constant 0 : i32
    %dma_start3A_149 = tpu.memref_slice %arg5[%add3A_143, %dma_start3A_147, %dma_start3A_148] : memref<8192x32x128xf32, #tpu.memory_space<hbm>> -> memref<4x32x128xf32, #tpu.memory_space<hbm>>
    tpu.enqueue_dma source(%arg9 : memref<4x32x128xf32, #tpu.memory_space<vmem>>) target(%dma_start3A_149 : memref<4x32x128xf32, #tpu.memory_space<hbm>>) target_semaphore(%arg23 : memref<!tpu.dma_semaphore, #tpu.memory_space<semaphore_mem>>)
    %add3A_150 = arith.constant 0 : i32
    %add3A_151 = arith.addi %mul3A_2, %add3A_150 : i32
    %dma_wait3A_152 = arith.constant 0 : i32
    %dma_wait3A_153 = arith.constant 0 : i32
    %dma_wait3A_154 = tpu.memref_slice %arg5[%add3A_151, %dma_wait3A_152, %dma_wait3A_153] : memref<8192x32x128xf32, #tpu.memory_space<hbm>> -> memref<4x32x128xf32, #tpu.memory_space<hbm>>
    %dma_wait3A_155 = arith.constant 0 : i32
    %dma_wait3A_156 = arith.constant 0 : i32
    %dma_wait3A_157 = tpu.memref_slice %arg5[%add3A_151, %dma_wait3A_155, %dma_wait3A_156] : memref<8192x32x128xf32, #tpu.memory_space<hbm>> -> memref<4x32x128xf32, #tpu.memory_space<hbm>>
    tpu.wait_dma2 semaphore(%arg21 : memref<!tpu.dma_semaphore, #tpu.memory_space<semaphore_mem>>) src(%arg7 : memref<4x32x128xf32, #tpu.memory_space<vmem>>) dst(%dma_wait3A_157 : memref<4x32x128xf32, #tpu.memory_space<hbm>>)
    %add3A_158 = arith.constant 28 : i32
    %add3A_159 = arith.addi %mul3A_2, %add3A_158 : i32
    %ge3A_160 = arith.cmpi sge, %add3A_159, %squeeze3A : i32
    %add3A_161 = arith.constant 4096 : i32
    %add3A_162 = arith.addi %squeeze3A, %add3A_161 : i32
    %lt3A_163 = arith.cmpi slt, %add3A_159, %add3A_162 : i32
    %and3A_164 = arith.andi %ge3A_160, %lt3A_163 : i1
    %convert_element_type3A_165 = arith.extui %and3A_164 : i1 to i32
    %cond3A_166 = arith.constant 0 : i32
    %cond3A_167 = arith.cmpi ne, %convert_element_type3A_165, %cond3A_166 : i32
    scf.if %cond3A_167 {
      %sub3A = arith.subi %add3A_159, %squeeze3A : i32
      %dma_start3A_2493 = arith.constant 0 : i32
      %dma_start3A_2494 = arith.constant 0 : i32
      %dma_start3A_2495 = tpu.memref_slice %arg4[%sub3A, %dma_start3A_2493, %dma_start3A_2494] : memref<4096x32x128xf32, #tpu.memory_space<hbm>> -> memref<4x32x128xf32, #tpu.memory_space<hbm>>
      %dma_start3A_2496 = arith.constant 0 : i32
      %dma_start3A_2497 = arith.constant 0 : i32
      %dma_start3A_2498 = tpu.memref_slice %arg4[%sub3A, %dma_start3A_2496, %dma_start3A_2497] : memref<4096x32x128xf32, #tpu.memory_space<hbm>> -> memref<4x32x128xf32, #tpu.memory_space<hbm>>
      tpu.enqueue_dma source(%dma_start3A_2498 : memref<4x32x128xf32, #tpu.memory_space<hbm>>) target(%arg7 : memref<4x32x128xf32, #tpu.memory_space<vmem>>) target_semaphore(%arg14 : memref<!tpu.dma_semaphore, #tpu.memory_space<semaphore_mem>>)
    } else {
    }
    %not3A_168 = arith.constant true
    %not3A_169 = arith.xori %and3A_164, %not3A_168 : i1
    %convert_element_type3A_170 = arith.extui %not3A_169 : i1 to i32
    %cond3A_171 = arith.constant 0 : i32
    %cond3A_172 = arith.cmpi ne, %convert_element_type3A_170, %cond3A_171 : i32
    scf.if %cond3A_172 {
      %dma_start3A_2493 = arith.constant 0 : i32
      %dma_start3A_2494 = arith.constant 0 : i32
      %dma_start3A_2495 = tpu.memref_slice %arg3[%add3A_159, %dma_start3A_2493, %dma_start3A_2494] : memref<8192x32x128xf32, #tpu.memory_space<hbm>> -> memref<4x32x128xf32, #tpu.memory_space<hbm>>
      %dma_start3A_2496 = arith.constant 0 : i32
      %dma_start3A_2497 = arith.constant 0 : i32
      %dma_start3A_2498 = tpu.memref_slice %arg3[%add3A_159, %dma_start3A_2496, %dma_start3A_2497] : memref<8192x32x128xf32, #tpu.memory_space<hbm>> -> memref<4x32x128xf32, #tpu.memory_space<hbm>>
      tpu.enqueue_dma source(%dma_start3A_2498 : memref<4x32x128xf32, #tpu.memory_space<hbm>>) target(%arg7 : memref<4x32x128xf32, #tpu.memory_space<vmem>>) target_semaphore(%arg14 : memref<!tpu.dma_semaphore, #tpu.memory_space<semaphore_mem>>)
    } else {
    }
    %dma_wait3A_173 = arith.constant 0 : i32
    %dma_wait3A_174 = arith.constant 0 : i32
    %dma_wait3A_175 = arith.constant 0 : i32
    %dma_wait3A_176 = tpu.memref_slice %arg3[%dma_wait3A_173, %dma_wait3A_174, %dma_wait3A_175] : memref<8192x32x128xf32, #tpu.memory_space<hbm>> -> memref<4x32x128xf32, #tpu.memory_space<hbm>>
    %dma_wait3A_177 = arith.constant 0 : i32
    %dma_wait3A_178 = arith.constant 0 : i32
    %dma_wait3A_179 = arith.constant 0 : i32
    %dma_wait3A_180 = tpu.memref_slice %arg3[%dma_wait3A_177, %dma_wait3A_178, %dma_wait3A_179] : memref<8192x32x128xf32, #tpu.memory_space<hbm>> -> memref<4x32x128xf32, #tpu.memory_space<hbm>>
    tpu.wait_dma2 semaphore(%arg17 : memref<!tpu.dma_semaphore, #tpu.memory_space<semaphore_mem>>) src(%dma_wait3A_180 : memref<4x32x128xf32, #tpu.memory_space<hbm>>) dst(%arg10 : memref<4x32x128xf32, #tpu.memory_space<vmem>>)
    %add3A_181 = arith.constant 12 : i32
    %add3A_182 = arith.addi %mul3A_2, %add3A_181 : i32
    %dma_start3A_183 = arith.constant 0 : i32
    %dma_start3A_184 = arith.constant 0 : i32
    %dma_start3A_185 = tpu.memref_slice %arg5[%add3A_182, %dma_start3A_183, %dma_start3A_184] : memref<8192x32x128xf32, #tpu.memory_space<hbm>> -> memref<4x32x128xf32, #tpu.memory_space<hbm>>
    %dma_start3A_186 = arith.constant 0 : i32
    %dma_start3A_187 = arith.constant 0 : i32
    %dma_start3A_188 = tpu.memref_slice %arg5[%add3A_182, %dma_start3A_186, %dma_start3A_187] : memref<8192x32x128xf32, #tpu.memory_space<hbm>> -> memref<4x32x128xf32, #tpu.memory_space<hbm>>
    tpu.enqueue_dma source(%arg10 : memref<4x32x128xf32, #tpu.memory_space<vmem>>) target(%dma_start3A_188 : memref<4x32x128xf32, #tpu.memory_space<hbm>>) target_semaphore(%arg24 : memref<!tpu.dma_semaphore, #tpu.memory_space<semaphore_mem>>)
    %add3A_189 = arith.constant 4 : i32
    %add3A_190 = arith.addi %mul3A_2, %add3A_189 : i32
    %dma_wait3A_191 = arith.constant 0 : i32
    %dma_wait3A_192 = arith.constant 0 : i32
    %dma_wait3A_193 = tpu.memref_slice %arg5[%add3A_190, %dma_wait3A_191, %dma_wait3A_192] : memref<8192x32x128xf32, #tpu.memory_space<hbm>> -> memref<4x32x128xf32, #tpu.memory_space<hbm>>
    %dma_wait3A_194 = arith.constant 0 : i32
    %dma_wait3A_195 = arith.constant 0 : i32
    %dma_wait3A_196 = tpu.memref_slice %arg5[%add3A_190, %dma_wait3A_194, %dma_wait3A_195] : memref<8192x32x128xf32, #tpu.memory_space<hbm>> -> memref<4x32x128xf32, #tpu.memory_space<hbm>>
    tpu.wait_dma2 semaphore(%arg22 : memref<!tpu.dma_semaphore, #tpu.memory_space<semaphore_mem>>) src(%arg8 : memref<4x32x128xf32, #tpu.memory_space<vmem>>) dst(%dma_wait3A_196 : memref<4x32x128xf32, #tpu.memory_space<hbm>>)
    %add3A_197 = arith.constant 32 : i32
    %add3A_198 = arith.addi %mul3A_2, %add3A_197 : i32
    %ge3A_199 = arith.cmpi sge, %add3A_198, %squeeze3A : i32
    %add3A_200 = arith.constant 4096 : i32
    %add3A_201 = arith.addi %squeeze3A, %add3A_200 : i32
    %lt3A_202 = arith.cmpi slt, %add3A_198, %add3A_201 : i32
    %and3A_203 = arith.andi %ge3A_199, %lt3A_202 : i1
    %convert_element_type3A_204 = arith.extui %and3A_203 : i1 to i32
    %cond3A_205 = arith.constant 0 : i32
    %cond3A_206 = arith.cmpi ne, %convert_element_type3A_204, %cond3A_205 : i32
    scf.if %cond3A_206 {
      %sub3A = arith.subi %add3A_198, %squeeze3A : i32
      %dma_start3A_2493 = arith.constant 0 : i32
      %dma_start3A_2494 = arith.constant 0 : i32
      %dma_start3A_2495 = tpu.memref_slice %arg4[%sub3A, %dma_start3A_2493, %dma_start3A_2494] : memref<4096x32x128xf32, #tpu.memory_space<hbm>> -> memref<4x32x128xf32, #tpu.memory_space<hbm>>
      %dma_start3A_2496 = arith.constant 0 : i32
      %dma_start3A_2497 = arith.constant 0 : i32
      %dma_start3A_2498 = tpu.memref_slice %arg4[%sub3A, %dma_start3A_2496, %dma_start3A_2497] : memref<4096x32x128xf32, #tpu.memory_space<hbm>> -> memref<4x32x128xf32, #tpu.memory_space<hbm>>
      tpu.enqueue_dma source(%dma_start3A_2498 : memref<4x32x128xf32, #tpu.memory_space<hbm>>) target(%arg8 : memref<4x32x128xf32, #tpu.memory_space<vmem>>) target_semaphore(%arg15 : memref<!tpu.dma_semaphore, #tpu.memory_space<semaphore_mem>>)
    } else {
    }
    %not3A_207 = arith.constant true
    %not3A_208 = arith.xori %and3A_203, %not3A_207 : i1
    %convert_element_type3A_209 = arith.extui %not3A_208 : i1 to i32
    %cond3A_210 = arith.constant 0 : i32
    %cond3A_211 = arith.cmpi ne, %convert_element_type3A_209, %cond3A_210 : i32
    scf.if %cond3A_211 {
      %dma_start3A_2493 = arith.constant 0 : i32
      %dma_start3A_2494 = arith.constant 0 : i32
      %dma_start3A_2495 = tpu.memref_slice %arg3[%add3A_198, %dma_start3A_2493, %dma_start3A_2494] : memref<8192x32x128xf32, #tpu.memory_space<hbm>> -> memref<4x32x128xf32, #tpu.memory_space<hbm>>
      %dma_start3A_2496 = arith.constant 0 : i32
      %dma_start3A_2497 = arith.constant 0 : i32
      %dma_start3A_2498 = tpu.memref_slice %arg3[%add3A_198, %dma_start3A_2496, %dma_start3A_2497] : memref<8192x32x128xf32, #tpu.memory_space<hbm>> -> memref<4x32x128xf32, #tpu.memory_space<hbm>>
      tpu.enqueue_dma source(%dma_start3A_2498 : memref<4x32x128xf32, #tpu.memory_space<hbm>>) target(%arg8 : memref<4x32x128xf32, #tpu.memory_space<vmem>>) target_semaphore(%arg15 : memref<!tpu.dma_semaphore, #tpu.memory_space<semaphore_mem>>)
    } else {
    }
    %dma_wait3A_212 = arith.constant 0 : i32
    %dma_wait3A_213 = arith.constant 0 : i32
    %dma_wait3A_214 = arith.constant 0 : i32
    %dma_wait3A_215 = tpu.memref_slice %arg3[%dma_wait3A_212, %dma_wait3A_213, %dma_wait3A_214] : memref<8192x32x128xf32, #tpu.memory_space<hbm>> -> memref<4x32x128xf32, #tpu.memory_space<hbm>>
    %dma_wait3A_216 = arith.constant 0 : i32
    %dma_wait3A_217 = arith.constant 0 : i32
    %dma_wait3A_218 = arith.constant 0 : i32
    %dma_wait3A_219 = tpu.memref_slice %arg3[%dma_wait3A_216, %dma_wait3A_217, %dma_wait3A_218] : memref<8192x32x128xf32, #tpu.memory_space<hbm>> -> memref<4x32x128xf32, #tpu.memory_space<hbm>>
    tpu.wait_dma2 semaphore(%arg18 : memref<!tpu.dma_semaphore, #tpu.memory_space<semaphore_mem>>) src(%dma_wait3A_219 : memref<4x32x128xf32, #tpu.memory_space<hbm>>) dst(%arg11 : memref<4x32x128xf32, #tpu.memory_space<vmem>>)
    %add3A_220 = arith.constant 16 : i32
    %add3A_221 = arith.addi %mul3A_2, %add3A_220 : i32
    %dma_start3A_222 = arith.constant 0 : i32
    %dma_start3A_223 = arith.constant 0 : i32
    %dma_start3A_224 = tpu.memref_slice %arg5[%add3A_221, %dma_start3A_222, %dma_start3A_223] : memref<8192x32x128xf32, #tpu.memory_space<hbm>> -> memref<4x32x128xf32, #tpu.memory_space<hbm>>
    %dma_start3A_225 = arith.constant 0 : i32
    %dma_start3A_226 = arith.constant 0 : i32
    %dma_start3A_227 = tpu.memref_slice %arg5[%add3A_221, %dma_start3A_225, %dma_start3A_226] : memref<8192x32x128xf32, #tpu.memory_space<hbm>> -> memref<4x32x128xf32, #tpu.memory_space<hbm>>
    tpu.enqueue_dma source(%arg11 : memref<4x32x128xf32, #tpu.memory_space<vmem>>) target(%dma_start3A_227 : memref<4x32x128xf32, #tpu.memory_space<hbm>>) target_semaphore(%arg25 : memref<!tpu.dma_semaphore, #tpu.memory_space<semaphore_mem>>)
    %add3A_228 = arith.constant 8 : i32
    %add3A_229 = arith.addi %mul3A_2, %add3A_228 : i32
    %dma_wait3A_230 = arith.constant 0 : i32
    %dma_wait3A_231 = arith.constant 0 : i32
    %dma_wait3A_232 = tpu.memref_slice %arg5[%add3A_229, %dma_wait3A_230, %dma_wait3A_231] : memref<8192x32x128xf32, #tpu.memory_space<hbm>> -> memref<4x32x128xf32, #tpu.memory_space<hbm>>
    %dma_wait3A_233 = arith.constant 0 : i32
    %dma_wait3A_234 = arith.constant 0 : i32
    %dma_wait3A_235 = tpu.memref_slice %arg5[%add3A_229, %dma_wait3A_233, %dma_wait3A_234] : memref<8192x32x128xf32, #tpu.memory_space<hbm>> -> memref<4x32x128xf32, #tpu.memory_space<hbm>>
    tpu.wait_dma2 semaphore(%arg23 : memref<!tpu.dma_semaphore, #tpu.memory_space<semaphore_mem>>) src(%arg9 : memref<4x32x128xf32, #tpu.memory_space<vmem>>) dst(%dma_wait3A_235 : memref<4x32x128xf32, #tpu.memory_space<hbm>>)
    %add3A_236 = arith.constant 36 : i32
    %add3A_237 = arith.addi %mul3A_2, %add3A_236 : i32
    %ge3A_238 = arith.cmpi sge, %add3A_237, %squeeze3A : i32
    %add3A_239 = arith.constant 4096 : i32
    %add3A_240 = arith.addi %squeeze3A, %add3A_239 : i32
    %lt3A_241 = arith.cmpi slt, %add3A_237, %add3A_240 : i32
    %and3A_242 = arith.andi %ge3A_238, %lt3A_241 : i1
    %convert_element_type3A_243 = arith.extui %and3A_242 : i1 to i32
    %cond3A_244 = arith.constant 0 : i32
    %cond3A_245 = arith.cmpi ne, %convert_element_type3A_243, %cond3A_244 : i32
    scf.if %cond3A_245 {
      %sub3A = arith.subi %add3A_237, %squeeze3A : i32
      %dma_start3A_2493 = arith.constant 0 : i32
      %dma_start3A_2494 = arith.constant 0 : i32
      %dma_start3A_2495 = tpu.memref_slice %arg4[%sub3A, %dma_start3A_2493, %dma_start3A_2494] : memref<4096x32x128xf32, #tpu.memory_space<hbm>> -> memref<4x32x128xf32, #tpu.memory_space<hbm>>
      %dma_start3A_2496 = arith.constant 0 : i32
      %dma_start3A_2497 = arith.constant 0 : i32
      %dma_start3A_2498 = tpu.memref_slice %arg4[%sub3A, %dma_start3A_2496, %dma_start3A_2497] : memref<4096x32x128xf32, #tpu.memory_space<hbm>> -> memref<4x32x128xf32, #tpu.memory_space<hbm>>
      tpu.enqueue_dma source(%dma_start3A_2498 : memref<4x32x128xf32, #tpu.memory_space<hbm>>) target(%arg9 : memref<4x32x128xf32, #tpu.memory_space<vmem>>) target_semaphore(%arg16 : memref<!tpu.dma_semaphore, #tpu.memory_space<semaphore_mem>>)
    } else {
    }
    %not3A_246 = arith.constant true
    %not3A_247 = arith.xori %and3A_242, %not3A_246 : i1
    %convert_element_type3A_248 = arith.extui %not3A_247 : i1 to i32
    %cond3A_249 = arith.constant 0 : i32
    %cond3A_250 = arith.cmpi ne, %convert_element_type3A_248, %cond3A_249 : i32
    scf.if %cond3A_250 {
      %dma_start3A_2493 = arith.constant 0 : i32
      %dma_start3A_2494 = arith.constant 0 : i32
      %dma_start3A_2495 = tpu.memref_slice %arg3[%add3A_237, %dma_start3A_2493, %dma_start3A_2494] : memref<8192x32x128xf32, #tpu.memory_space<hbm>> -> memref<4x32x128xf32, #tpu.memory_space<hbm>>
      %dma_start3A_2496 = arith.constant 0 : i32
      %dma_start3A_2497 = arith.constant 0 : i32
      %dma_start3A_2498 = tpu.memref_slice %arg3[%add3A_237, %dma_start3A_2496, %dma_start3A_2497] : memref<8192x32x128xf32, #tpu.memory_space<hbm>> -> memref<4x32x128xf32, #tpu.memory_space<hbm>>
      tpu.enqueue_dma source(%dma_start3A_2498 : memref<4x32x128xf32, #tpu.memory_space<hbm>>) target(%arg9 : memref<4x32x128xf32, #tpu.memory_space<vmem>>) target_semaphore(%arg16 : memref<!tpu.dma_semaphore, #tpu.memory_space<semaphore_mem>>)
    } else {
    }
    %dma_wait3A_251 = arith.constant 0 : i32
    %dma_wait3A_252 = arith.constant 0 : i32
    %dma_wait3A_253 = arith.constant 0 : i32
    %dma_wait3A_254 = tpu.memref_slice %arg3[%dma_wait3A_251, %dma_wait3A_252, %dma_wait3A_253] : memref<8192x32x128xf32, #tpu.memory_space<hbm>> -> memref<4x32x128xf32, #tpu.memory_space<hbm>>
    %dma_wait3A_255 = arith.constant 0 : i32
    %dma_wait3A_256 = arith.constant 0 : i32
    %dma_wait3A_257 = arith.constant 0 : i32
    %dma_wait3A_258 = tpu.memref_slice %arg3[%dma_wait3A_255, %dma_wait3A_256, %dma_wait3A_257] : memref<8192x32x128xf32, #tpu.memory_space<hbm>> -> memref<4x32x128xf32, #tpu.memory_space<hbm>>
    tpu.wait_dma2 semaphore(%arg19 : memref<!tpu.dma_semaphore, #tpu.memory_space<semaphore_mem>>) src(%dma_wait3A_258 : memref<4x32x128xf32, #tpu.memory_space<hbm>>) dst(%arg12 : memref<4x32x128xf32, #tpu.memory_space<vmem>>)
    %add3A_259 = arith.constant 20 : i32
    %add3A_260 = arith.addi %mul3A_2, %add3A_259 : i32
    %dma_start3A_261 = arith.constant 0 : i32
    %dma_start3A_262 = arith.constant 0 : i32
    %dma_start3A_263 = tpu.memref_slice %arg5[%add3A_260, %dma_start3A_261, %dma_start3A_262] : memref<8192x32x128xf32, #tpu.memory_space<hbm>> -> memref<4x32x128xf32, #tpu.memory_space<hbm>>
    %dma_start3A_264 = arith.constant 0 : i32
    %dma_start3A_265 = arith.constant 0 : i32
    %dma_start3A_266 = tpu.memref_slice %arg5[%add3A_260, %dma_start3A_264, %dma_start3A_265] : memref<8192x32x128xf32, #tpu.memory_space<hbm>> -> memref<4x32x128xf32, #tpu.memory_space<hbm>>
    tpu.enqueue_dma source(%arg12 : memref<4x32x128xf32, #tpu.memory_space<vmem>>) target(%dma_start3A_266 : memref<4x32x128xf32, #tpu.memory_space<hbm>>) target_semaphore(%arg26 : memref<!tpu.dma_semaphore, #tpu.memory_space<semaphore_mem>>)
    %add3A_267 = arith.constant 12 : i32
    %add3A_268 = arith.addi %mul3A_2, %add3A_267 : i32
    %dma_wait3A_269 = arith.constant 0 : i32
    %dma_wait3A_270 = arith.constant 0 : i32
    %dma_wait3A_271 = tpu.memref_slice %arg5[%add3A_268, %dma_wait3A_269, %dma_wait3A_270] : memref<8192x32x128xf32, #tpu.memory_space<hbm>> -> memref<4x32x128xf32, #tpu.memory_space<hbm>>
    %dma_wait3A_272 = arith.constant 0 : i32
    %dma_wait3A_273 = arith.constant 0 : i32
    %dma_wait3A_274 = tpu.memref_slice %arg5[%add3A_268, %dma_wait3A_272, %dma_wait3A_273] : memref<8192x32x128xf32, #tpu.memory_space<hbm>> -> memref<4x32x128xf32, #tpu.memory_space<hbm>>
    tpu.wait_dma2 semaphore(%arg24 : memref<!tpu.dma_semaphore, #tpu.memory_space<semaphore_mem>>) src(%arg10 : memref<4x32x128xf32, #tpu.memory_space<vmem>>) dst(%dma_wait3A_274 : memref<4x32x128xf32, #tpu.memory_space<hbm>>)
    %add3A_275 = arith.constant 40 : i32
    %add3A_276 = arith.addi %mul3A_2, %add3A_275 : i32
    %ge3A_277 = arith.cmpi sge, %add3A_276, %squeeze3A : i32
    %add3A_278 = arith.constant 4096 : i32
    %add3A_279 = arith.addi %squeeze3A, %add3A_278 : i32
    %lt3A_280 = arith.cmpi slt, %add3A_276, %add3A_279 : i32
    %and3A_281 = arith.andi %ge3A_277, %lt3A_280 : i1
    %convert_element_type3A_282 = arith.extui %and3A_281 : i1 to i32
    %cond3A_283 = arith.constant 0 : i32
    %cond3A_284 = arith.cmpi ne, %convert_element_type3A_282, %cond3A_283 : i32
    scf.if %cond3A_284 {
      %sub3A = arith.subi %add3A_276, %squeeze3A : i32
      %dma_start3A_2493 = arith.constant 0 : i32
      %dma_start3A_2494 = arith.constant 0 : i32
      %dma_start3A_2495 = tpu.memref_slice %arg4[%sub3A, %dma_start3A_2493, %dma_start3A_2494] : memref<4096x32x128xf32, #tpu.memory_space<hbm>> -> memref<4x32x128xf32, #tpu.memory_space<hbm>>
      %dma_start3A_2496 = arith.constant 0 : i32
      %dma_start3A_2497 = arith.constant 0 : i32
      %dma_start3A_2498 = tpu.memref_slice %arg4[%sub3A, %dma_start3A_2496, %dma_start3A_2497] : memref<4096x32x128xf32, #tpu.memory_space<hbm>> -> memref<4x32x128xf32, #tpu.memory_space<hbm>>
      tpu.enqueue_dma source(%dma_start3A_2498 : memref<4x32x128xf32, #tpu.memory_space<hbm>>) target(%arg10 : memref<4x32x128xf32, #tpu.memory_space<vmem>>) target_semaphore(%arg17 : memref<!tpu.dma_semaphore, #tpu.memory_space<semaphore_mem>>)
    } else {
    }
    %not3A_285 = arith.constant true
    %not3A_286 = arith.xori %and3A_281, %not3A_285 : i1
    %convert_element_type3A_287 = arith.extui %not3A_286 : i1 to i32
    %cond3A_288 = arith.constant 0 : i32
    %cond3A_289 = arith.cmpi ne, %convert_element_type3A_287, %cond3A_288 : i32
    scf.if %cond3A_289 {
      %dma_start3A_2493 = arith.constant 0 : i32
      %dma_start3A_2494 = arith.constant 0 : i32
      %dma_start3A_2495 = tpu.memref_slice %arg3[%add3A_276, %dma_start3A_2493, %dma_start3A_2494] : memref<8192x32x128xf32, #tpu.memory_space<hbm>> -> memref<4x32x128xf32, #tpu.memory_space<hbm>>
      %dma_start3A_2496 = arith.constant 0 : i32
      %dma_start3A_2497 = arith.constant 0 : i32
      %dma_start3A_2498 = tpu.memref_slice %arg3[%add3A_276, %dma_start3A_2496, %dma_start3A_2497] : memref<8192x32x128xf32, #tpu.memory_space<hbm>> -> memref<4x32x128xf32, #tpu.memory_space<hbm>>
      tpu.enqueue_dma source(%dma_start3A_2498 : memref<4x32x128xf32, #tpu.memory_space<hbm>>) target(%arg10 : memref<4x32x128xf32, #tpu.memory_space<vmem>>) target_semaphore(%arg17 : memref<!tpu.dma_semaphore, #tpu.memory_space<semaphore_mem>>)
    } else {
    }
    %dma_wait3A_290 = arith.constant 0 : i32
    %dma_wait3A_291 = arith.constant 0 : i32
    %dma_wait3A_292 = arith.constant 0 : i32
    %dma_wait3A_293 = tpu.memref_slice %arg3[%dma_wait3A_290, %dma_wait3A_291, %dma_wait3A_292] : memref<8192x32x128xf32, #tpu.memory_space<hbm>> -> memref<4x32x128xf32, #tpu.memory_space<hbm>>
    %dma_wait3A_294 = arith.constant 0 : i32
    %dma_wait3A_295 = arith.constant 0 : i32
    %dma_wait3A_296 = arith.constant 0 : i32
    %dma_wait3A_297 = tpu.memref_slice %arg3[%dma_wait3A_294, %dma_wait3A_295, %dma_wait3A_296] : memref<8192x32x128xf32, #tpu.memory_space<hbm>> -> memref<4x32x128xf32, #tpu.memory_space<hbm>>
    tpu.wait_dma2 semaphore(%arg20 : memref<!tpu.dma_semaphore, #tpu.memory_space<semaphore_mem>>) src(%dma_wait3A_297 : memref<4x32x128xf32, #tpu.memory_space<hbm>>) dst(%arg13 : memref<4x32x128xf32, #tpu.memory_space<vmem>>)
    %add3A_298 = arith.constant 24 : i32
    %add3A_299 = arith.addi %mul3A_2, %add3A_298 : i32
    %dma_start3A_300 = arith.constant 0 : i32
    %dma_start3A_301 = arith.constant 0 : i32
    %dma_start3A_302 = tpu.memref_slice %arg5[%add3A_299, %dma_start3A_300, %dma_start3A_301] : memref<8192x32x128xf32, #tpu.memory_space<hbm>> -> memref<4x32x128xf32, #tpu.memory_space<hbm>>
    %dma_start3A_303 = arith.constant 0 : i32
    %dma_start3A_304 = arith.constant 0 : i32
    %dma_start3A_305 = tpu.memref_slice %arg5[%add3A_299, %dma_start3A_303, %dma_start3A_304] : memref<8192x32x128xf32, #tpu.memory_space<hbm>> -> memref<4x32x128xf32, #tpu.memory_space<hbm>>
    tpu.enqueue_dma source(%arg13 : memref<4x32x128xf32, #tpu.memory_space<vmem>>) target(%dma_start3A_305 : memref<4x32x128xf32, #tpu.memory_space<hbm>>) target_semaphore(%arg27 : memref<!tpu.dma_semaphore, #tpu.memory_space<semaphore_mem>>)
    %add3A_306 = arith.constant 16 : i32
    %add3A_307 = arith.addi %mul3A_2, %add3A_306 : i32
    %dma_wait3A_308 = arith.constant 0 : i32
    %dma_wait3A_309 = arith.constant 0 : i32
    %dma_wait3A_310 = tpu.memref_slice %arg5[%add3A_307, %dma_wait3A_308, %dma_wait3A_309] : memref<8192x32x128xf32, #tpu.memory_space<hbm>> -> memref<4x32x128xf32, #tpu.memory_space<hbm>>
    %dma_wait3A_311 = arith.constant 0 : i32
    %dma_wait3A_312 = arith.constant 0 : i32
    %dma_wait3A_313 = tpu.memref_slice %arg5[%add3A_307, %dma_wait3A_311, %dma_wait3A_312] : memref<8192x32x128xf32, #tpu.memory_space<hbm>> -> memref<4x32x128xf32, #tpu.memory_space<hbm>>
    tpu.wait_dma2 semaphore(%arg25 : memref<!tpu.dma_semaphore, #tpu.memory_space<semaphore_mem>>) src(%arg11 : memref<4x32x128xf32, #tpu.memory_space<vmem>>) dst(%dma_wait3A_313 : memref<4x32x128xf32, #tpu.memory_space<hbm>>)
    %add3A_314 = arith.constant 44 : i32
    %add3A_315 = arith.addi %mul3A_2, %add3A_314 : i32
    %ge3A_316 = arith.cmpi sge, %add3A_315, %squeeze3A : i32
    %add3A_317 = arith.constant 4096 : i32
    %add3A_318 = arith.addi %squeeze3A, %add3A_317 : i32
    %lt3A_319 = arith.cmpi slt, %add3A_315, %add3A_318 : i32
    %and3A_320 = arith.andi %ge3A_316, %lt3A_319 : i1
    %convert_element_type3A_321 = arith.extui %and3A_320 : i1 to i32
    %cond3A_322 = arith.constant 0 : i32
    %cond3A_323 = arith.cmpi ne, %convert_element_type3A_321, %cond3A_322 : i32
    scf.if %cond3A_323 {
      %sub3A = arith.subi %add3A_315, %squeeze3A : i32
      %dma_start3A_2493 = arith.constant 0 : i32
      %dma_start3A_2494 = arith.constant 0 : i32
      %dma_start3A_2495 = tpu.memref_slice %arg4[%sub3A, %dma_start3A_2493, %dma_start3A_2494] : memref<4096x32x128xf32, #tpu.memory_space<hbm>> -> memref<4x32x128xf32, #tpu.memory_space<hbm>>
      %dma_start3A_2496 = arith.constant 0 : i32
      %dma_start3A_2497 = arith.constant 0 : i32
      %dma_start3A_2498 = tpu.memref_slice %arg4[%sub3A, %dma_start3A_2496, %dma_start3A_2497] : memref<4096x32x128xf32, #tpu.memory_space<hbm>> -> memref<4x32x128xf32, #tpu.memory_space<hbm>>
      tpu.enqueue_dma source(%dma_start3A_2498 : memref<4x32x128xf32, #tpu.memory_space<hbm>>) target(%arg11 : memref<4x32x128xf32, #tpu.memory_space<vmem>>) target_semaphore(%arg18 : memref<!tpu.dma_semaphore, #tpu.memory_space<semaphore_mem>>)
    } else {
    }
    %not3A_324 = arith.constant true
    %not3A_325 = arith.xori %and3A_320, %not3A_324 : i1
    %convert_element_type3A_326 = arith.extui %not3A_325 : i1 to i32
    %cond3A_327 = arith.constant 0 : i32
    %cond3A_328 = arith.cmpi ne, %convert_element_type3A_326, %cond3A_327 : i32
    scf.if %cond3A_328 {
      %dma_start3A_2493 = arith.constant 0 : i32
      %dma_start3A_2494 = arith.constant 0 : i32
      %dma_start3A_2495 = tpu.memref_slice %arg3[%add3A_315, %dma_start3A_2493, %dma_start3A_2494] : memref<8192x32x128xf32, #tpu.memory_space<hbm>> -> memref<4x32x128xf32, #tpu.memory_space<hbm>>
      %dma_start3A_2496 = arith.constant 0 : i32
      %dma_start3A_2497 = arith.constant 0 : i32
      %dma_start3A_2498 = tpu.memref_slice %arg3[%add3A_315, %dma_start3A_2496, %dma_start3A_2497] : memref<8192x32x128xf32, #tpu.memory_space<hbm>> -> memref<4x32x128xf32, #tpu.memory_space<hbm>>
      tpu.enqueue_dma source(%dma_start3A_2498 : memref<4x32x128xf32, #tpu.memory_space<hbm>>) target(%arg11 : memref<4x32x128xf32, #tpu.memory_space<vmem>>) target_semaphore(%arg18 : memref<!tpu.dma_semaphore, #tpu.memory_space<semaphore_mem>>)
    } else {
    }
    %dma_wait3A_329 = arith.constant 0 : i32
    %dma_wait3A_330 = arith.constant 0 : i32
    %dma_wait3A_331 = arith.constant 0 : i32
    %dma_wait3A_332 = tpu.memref_slice %arg3[%dma_wait3A_329, %dma_wait3A_330, %dma_wait3A_331] : memref<8192x32x128xf32, #tpu.memory_space<hbm>> -> memref<4x32x128xf32, #tpu.memory_space<hbm>>
    %dma_wait3A_333 = arith.constant 0 : i32
    %dma_wait3A_334 = arith.constant 0 : i32
    %dma_wait3A_335 = arith.constant 0 : i32
    %dma_wait3A_336 = tpu.memref_slice %arg3[%dma_wait3A_333, %dma_wait3A_334, %dma_wait3A_335] : memref<8192x32x128xf32, #tpu.memory_space<hbm>> -> memref<4x32x128xf32, #tpu.memory_space<hbm>>
    tpu.wait_dma2 semaphore(%arg14 : memref<!tpu.dma_semaphore, #tpu.memory_space<semaphore_mem>>) src(%dma_wait3A_336 : memref<4x32x128xf32, #tpu.memory_space<hbm>>) dst(%arg7 : memref<4x32x128xf32, #tpu.memory_space<vmem>>)
    %add3A_337 = arith.constant 28 : i32
    %add3A_338 = arith.addi %mul3A_2, %add3A_337 : i32
    %dma_start3A_339 = arith.constant 0 : i32
    %dma_start3A_340 = arith.constant 0 : i32
    %dma_start3A_341 = tpu.memref_slice %arg5[%add3A_338, %dma_start3A_339, %dma_start3A_340] : memref<8192x32x128xf32, #tpu.memory_space<hbm>> -> memref<4x32x128xf32, #tpu.memory_space<hbm>>
    %dma_start3A_342 = arith.constant 0 : i32
    %dma_start3A_343 = arith.constant 0 : i32
    %dma_start3A_344 = tpu.memref_slice %arg5[%add3A_338, %dma_start3A_342, %dma_start3A_343] : memref<8192x32x128xf32, #tpu.memory_space<hbm>> -> memref<4x32x128xf32, #tpu.memory_space<hbm>>
    tpu.enqueue_dma source(%arg7 : memref<4x32x128xf32, #tpu.memory_space<vmem>>) target(%dma_start3A_344 : memref<4x32x128xf32, #tpu.memory_space<hbm>>) target_semaphore(%arg21 : memref<!tpu.dma_semaphore, #tpu.memory_space<semaphore_mem>>)
    %add3A_345 = arith.constant 20 : i32
    %add3A_346 = arith.addi %mul3A_2, %add3A_345 : i32
    %dma_wait3A_347 = arith.constant 0 : i32
    %dma_wait3A_348 = arith.constant 0 : i32
    %dma_wait3A_349 = tpu.memref_slice %arg5[%add3A_346, %dma_wait3A_347, %dma_wait3A_348] : memref<8192x32x128xf32, #tpu.memory_space<hbm>> -> memref<4x32x128xf32, #tpu.memory_space<hbm>>
    %dma_wait3A_350 = arith.constant 0 : i32
    %dma_wait3A_351 = arith.constant 0 : i32
    %dma_wait3A_352 = tpu.memref_slice %arg5[%add3A_346, %dma_wait3A_350, %dma_wait3A_351] : memref<8192x32x128xf32, #tpu.memory_space<hbm>> -> memref<4x32x128xf32, #tpu.memory_space<hbm>>
    tpu.wait_dma2 semaphore(%arg26 : memref<!tpu.dma_semaphore, #tpu.memory_space<semaphore_mem>>) src(%arg12 : memref<4x32x128xf32, #tpu.memory_space<vmem>>) dst(%dma_wait3A_352 : memref<4x32x128xf32, #tpu.memory_space<hbm>>)
    %add3A_353 = arith.constant 48 : i32
    %add3A_354 = arith.addi %mul3A_2, %add3A_353 : i32
    %ge3A_355 = arith.cmpi sge, %add3A_354, %squeeze3A : i32
    %add3A_356 = arith.constant 4096 : i32
    %add3A_357 = arith.addi %squeeze3A, %add3A_356 : i32
    %lt3A_358 = arith.cmpi slt, %add3A_354, %add3A_357 : i32
    %and3A_359 = arith.andi %ge3A_355, %lt3A_358 : i1
    %convert_element_type3A_360 = arith.extui %and3A_359 : i1 to i32
    %cond3A_361 = arith.constant 0 : i32
    %cond3A_362 = arith.cmpi ne, %convert_element_type3A_360, %cond3A_361 : i32
    scf.if %cond3A_362 {
      %sub3A = arith.subi %add3A_354, %squeeze3A : i32
      %dma_start3A_2493 = arith.constant 0 : i32
      %dma_start3A_2494 = arith.constant 0 : i32
      %dma_start3A_2495 = tpu.memref_slice %arg4[%sub3A, %dma_start3A_2493, %dma_start3A_2494] : memref<4096x32x128xf32, #tpu.memory_space<hbm>> -> memref<4x32x128xf32, #tpu.memory_space<hbm>>
      %dma_start3A_2496 = arith.constant 0 : i32
      %dma_start3A_2497 = arith.constant 0 : i32
      %dma_start3A_2498 = tpu.memref_slice %arg4[%sub3A, %dma_start3A_2496, %dma_start3A_2497] : memref<4096x32x128xf32, #tpu.memory_space<hbm>> -> memref<4x32x128xf32, #tpu.memory_space<hbm>>
      tpu.enqueue_dma source(%dma_start3A_2498 : memref<4x32x128xf32, #tpu.memory_space<hbm>>) target(%arg12 : memref<4x32x128xf32, #tpu.memory_space<vmem>>) target_semaphore(%arg19 : memref<!tpu.dma_semaphore, #tpu.memory_space<semaphore_mem>>)
    } else {
    }
    %not3A_363 = arith.constant true
    %not3A_364 = arith.xori %and3A_359, %not3A_363 : i1
    %convert_element_type3A_365 = arith.extui %not3A_364 : i1 to i32
    %cond3A_366 = arith.constant 0 : i32
    %cond3A_367 = arith.cmpi ne, %convert_element_type3A_365, %cond3A_366 : i32
    scf.if %cond3A_367 {
      %dma_start3A_2493 = arith.constant 0 : i32
      %dma_start3A_2494 = arith.constant 0 : i32
      %dma_start3A_2495 = tpu.memref_slice %arg3[%add3A_354, %dma_start3A_2493, %dma_start3A_2494] : memref<8192x32x128xf32, #tpu.memory_space<hbm>> -> memref<4x32x128xf32, #tpu.memory_space<hbm>>
      %dma_start3A_2496 = arith.constant 0 : i32
      %dma_start3A_2497 = arith.constant 0 : i32
      %dma_start3A_2498 = tpu.memref_slice %arg3[%add3A_354, %dma_start3A_2496, %dma_start3A_2497] : memref<8192x32x128xf32, #tpu.memory_space<hbm>> -> memref<4x32x128xf32, #tpu.memory_space<hbm>>
      tpu.enqueue_dma source(%dma_start3A_2498 : memref<4x32x128xf32, #tpu.memory_space<hbm>>) target(%arg12 : memref<4x32x128xf32, #tpu.memory_space<vmem>>) target_semaphore(%arg19 : memref<!tpu.dma_semaphore, #tpu.memory_space<semaphore_mem>>)
    } else {
    }
    %dma_wait3A_368 = arith.constant 0 : i32
    %dma_wait3A_369 = arith.constant 0 : i32
    %dma_wait3A_370 = arith.constant 0 : i32
    %dma_wait3A_371 = tpu.memref_slice %arg3[%dma_wait3A_368, %dma_wait3A_369, %dma_wait3A_370] : memref<8192x32x128xf32, #tpu.memory_space<hbm>> -> memref<4x32x128xf32, #tpu.memory_space<hbm>>
    %dma_wait3A_372 = arith.constant 0 : i32
    %dma_wait3A_373 = arith.constant 0 : i32
    %dma_wait3A_374 = arith.constant 0 : i32
    %dma_wait3A_375 = tpu.memref_slice %arg3[%dma_wait3A_372, %dma_wait3A_373, %dma_wait3A_374] : memref<8192x32x128xf32, #tpu.memory_space<hbm>> -> memref<4x32x128xf32, #tpu.memory_space<hbm>>
    tpu.wait_dma2 semaphore(%arg15 : memref<!tpu.dma_semaphore, #tpu.memory_space<semaphore_mem>>) src(%dma_wait3A_375 : memref<4x32x128xf32, #tpu.memory_space<hbm>>) dst(%arg8 : memref<4x32x128xf32, #tpu.memory_space<vmem>>)
    %add3A_376 = arith.constant 32 : i32
    %add3A_377 = arith.addi %mul3A_2, %add3A_376 : i32
    %dma_start3A_378 = arith.constant 0 : i32
    %dma_start3A_379 = arith.constant 0 : i32
    %dma_start3A_380 = tpu.memref_slice %arg5[%add3A_377, %dma_start3A_378, %dma_start3A_379] : memref<8192x32x128xf32, #tpu.memory_space<hbm>> -> memref<4x32x128xf32, #tpu.memory_space<hbm>>
    %dma_start3A_381 = arith.constant 0 : i32
    %dma_start3A_382 = arith.constant 0 : i32
    %dma_start3A_383 = tpu.memref_slice %arg5[%add3A_377, %dma_start3A_381, %dma_start3A_382] : memref<8192x32x128xf32, #tpu.memory_space<hbm>> -> memref<4x32x128xf32, #tpu.memory_space<hbm>>
    tpu.enqueue_dma source(%arg8 : memref<4x32x128xf32, #tpu.memory_space<vmem>>) target(%dma_start3A_383 : memref<4x32x128xf32, #tpu.memory_space<hbm>>) target_semaphore(%arg22 : memref<!tpu.dma_semaphore, #tpu.memory_space<semaphore_mem>>)
    %add3A_384 = arith.constant 24 : i32
    %add3A_385 = arith.addi %mul3A_2, %add3A_384 : i32
    %dma_wait3A_386 = arith.constant 0 : i32
    %dma_wait3A_387 = arith.constant 0 : i32
    %dma_wait3A_388 = tpu.memref_slice %arg5[%add3A_385, %dma_wait3A_386, %dma_wait3A_387] : memref<8192x32x128xf32, #tpu.memory_space<hbm>> -> memref<4x32x128xf32, #tpu.memory_space<hbm>>
    %dma_wait3A_389 = arith.constant 0 : i32
    %dma_wait3A_390 = arith.constant 0 : i32
    %dma_wait3A_391 = tpu.memref_slice %arg5[%add3A_385, %dma_wait3A_389, %dma_wait3A_390] : memref<8192x32x128xf32, #tpu.memory_space<hbm>> -> memref<4x32x128xf32, #tpu.memory_space<hbm>>
    tpu.wait_dma2 semaphore(%arg27 : memref<!tpu.dma_semaphore, #tpu.memory_space<semaphore_mem>>) src(%arg13 : memref<4x32x128xf32, #tpu.memory_space<vmem>>) dst(%dma_wait3A_391 : memref<4x32x128xf32, #tpu.memory_space<hbm>>)
    %add3A_392 = arith.constant 52 : i32
    %add3A_393 = arith.addi %mul3A_2, %add3A_392 : i32
    %ge3A_394 = arith.cmpi sge, %add3A_393, %squeeze3A : i32
    %add3A_395 = arith.constant 4096 : i32
    %add3A_396 = arith.addi %squeeze3A, %add3A_395 : i32
    %lt3A_397 = arith.cmpi slt, %add3A_393, %add3A_396 : i32
    %and3A_398 = arith.andi %ge3A_394, %lt3A_397 : i1
    %convert_element_type3A_399 = arith.extui %and3A_398 : i1 to i32
    %cond3A_400 = arith.constant 0 : i32
    %cond3A_401 = arith.cmpi ne, %convert_element_type3A_399, %cond3A_400 : i32
    scf.if %cond3A_401 {
      %sub3A = arith.subi %add3A_393, %squeeze3A : i32
      %dma_start3A_2493 = arith.constant 0 : i32
      %dma_start3A_2494 = arith.constant 0 : i32
      %dma_start3A_2495 = tpu.memref_slice %arg4[%sub3A, %dma_start3A_2493, %dma_start3A_2494] : memref<4096x32x128xf32, #tpu.memory_space<hbm>> -> memref<4x32x128xf32, #tpu.memory_space<hbm>>
      %dma_start3A_2496 = arith.constant 0 : i32
      %dma_start3A_2497 = arith.constant 0 : i32
      %dma_start3A_2498 = tpu.memref_slice %arg4[%sub3A, %dma_start3A_2496, %dma_start3A_2497] : memref<4096x32x128xf32, #tpu.memory_space<hbm>> -> memref<4x32x128xf32, #tpu.memory_space<hbm>>
      tpu.enqueue_dma source(%dma_start3A_2498 : memref<4x32x128xf32, #tpu.memory_space<hbm>>) target(%arg13 : memref<4x32x128xf32, #tpu.memory_space<vmem>>) target_semaphore(%arg20 : memref<!tpu.dma_semaphore, #tpu.memory_space<semaphore_mem>>)
    } else {
    }
    %not3A_402 = arith.constant true
    %not3A_403 = arith.xori %and3A_398, %not3A_402 : i1
    %convert_element_type3A_404 = arith.extui %not3A_403 : i1 to i32
    %cond3A_405 = arith.constant 0 : i32
    %cond3A_406 = arith.cmpi ne, %convert_element_type3A_404, %cond3A_405 : i32
    scf.if %cond3A_406 {
      %dma_start3A_2493 = arith.constant 0 : i32
      %dma_start3A_2494 = arith.constant 0 : i32
      %dma_start3A_2495 = tpu.memref_slice %arg3[%add3A_393, %dma_start3A_2493, %dma_start3A_2494] : memref<8192x32x128xf32, #tpu.memory_space<hbm>> -> memref<4x32x128xf32, #tpu.memory_space<hbm>>
      %dma_start3A_2496 = arith.constant 0 : i32
      %dma_start3A_2497 = arith.constant 0 : i32
      %dma_start3A_2498 = tpu.memref_slice %arg3[%add3A_393, %dma_start3A_2496, %dma_start3A_2497] : memref<8192x32x128xf32, #tpu.memory_space<hbm>> -> memref<4x32x128xf32, #tpu.memory_space<hbm>>
      tpu.enqueue_dma source(%dma_start3A_2498 : memref<4x32x128xf32, #tpu.memory_space<hbm>>) target(%arg13 : memref<4x32x128xf32, #tpu.memory_space<vmem>>) target_semaphore(%arg20 : memref<!tpu.dma_semaphore, #tpu.memory_space<semaphore_mem>>)
    } else {
    }
    %dma_wait3A_407 = arith.constant 0 : i32
    %dma_wait3A_408 = arith.constant 0 : i32
    %dma_wait3A_409 = arith.constant 0 : i32
    %dma_wait3A_410 = tpu.memref_slice %arg3[%dma_wait3A_407, %dma_wait3A_408, %dma_wait3A_409] : memref<8192x32x128xf32, #tpu.memory_space<hbm>> -> memref<4x32x128xf32, #tpu.memory_space<hbm>>
    %dma_wait3A_411 = arith.constant 0 : i32
    %dma_wait3A_412 = arith.constant 0 : i32
    %dma_wait3A_413 = arith.constant 0 : i32
    %dma_wait3A_414 = tpu.memref_slice %arg3[%dma_wait3A_411, %dma_wait3A_412, %dma_wait3A_413] : memref<8192x32x128xf32, #tpu.memory_space<hbm>> -> memref<4x32x128xf32, #tpu.memory_space<hbm>>
    tpu.wait_dma2 semaphore(%arg16 : memref<!tpu.dma_semaphore, #tpu.memory_space<semaphore_mem>>) src(%dma_wait3A_414 : memref<4x32x128xf32, #tpu.memory_space<hbm>>) dst(%arg9 : memref<4x32x128xf32, #tpu.memory_space<vmem>>)
    %add3A_415 = arith.constant 36 : i32
    %add3A_416 = arith.addi %mul3A_2, %add3A_415 : i32
    %dma_start3A_417 = arith.constant 0 : i32
    %dma_start3A_418 = arith.constant 0 : i32
    %dma_start3A_419 = tpu.memref_slice %arg5[%add3A_416, %dma_start3A_417, %dma_start3A_418] : memref<8192x32x128xf32, #tpu.memory_space<hbm>> -> memref<4x32x128xf32, #tpu.memory_space<hbm>>
    %dma_start3A_420 = arith.constant 0 : i32
    %dma_start3A_421 = arith.constant 0 : i32
    %dma_start3A_422 = tpu.memref_slice %arg5[%add3A_416, %dma_start3A_420, %dma_start3A_421] : memref<8192x32x128xf32, #tpu.memory_space<hbm>> -> memref<4x32x128xf32, #tpu.memory_space<hbm>>
    tpu.enqueue_dma source(%arg9 : memref<4x32x128xf32, #tpu.memory_space<vmem>>) target(%dma_start3A_422 : memref<4x32x128xf32, #tpu.memory_space<hbm>>) target_semaphore(%arg23 : memref<!tpu.dma_semaphore, #tpu.memory_space<semaphore_mem>>)
    %add3A_423 = arith.constant 28 : i32
    %add3A_424 = arith.addi %mul3A_2, %add3A_423 : i32
    %dma_wait3A_425 = arith.constant 0 : i32
    %dma_wait3A_426 = arith.constant 0 : i32
    %dma_wait3A_427 = tpu.memref_slice %arg5[%add3A_424, %dma_wait3A_425, %dma_wait3A_426] : memref<8192x32x128xf32, #tpu.memory_space<hbm>> -> memref<4x32x128xf32, #tpu.memory_space<hbm>>
    %dma_wait3A_428 = arith.constant 0 : i32
    %dma_wait3A_429 = arith.constant 0 : i32
    %dma_wait3A_430 = tpu.memref_slice %arg5[%add3A_424, %dma_wait3A_428, %dma_wait3A_429] : memref<8192x32x128xf32, #tpu.memory_space<hbm>> -> memref<4x32x128xf32, #tpu.memory_space<hbm>>
    tpu.wait_dma2 semaphore(%arg21 : memref<!tpu.dma_semaphore, #tpu.memory_space<semaphore_mem>>) src(%arg7 : memref<4x32x128xf32, #tpu.memory_space<vmem>>) dst(%dma_wait3A_430 : memref<4x32x128xf32, #tpu.memory_space<hbm>>)
    %add3A_431 = arith.constant 56 : i32
    %add3A_432 = arith.addi %mul3A_2, %add3A_431 : i32
    %ge3A_433 = arith.cmpi sge, %add3A_432, %squeeze3A : i32
    %add3A_434 = arith.constant 4096 : i32
    %add3A_435 = arith.addi %squeeze3A, %add3A_434 : i32
    %lt3A_436 = arith.cmpi slt, %add3A_432, %add3A_435 : i32
    %and3A_437 = arith.andi %ge3A_433, %lt3A_436 : i1
    %convert_element_type3A_438 = arith.extui %and3A_437 : i1 to i32
    %cond3A_439 = arith.constant 0 : i32
    %cond3A_440 = arith.cmpi ne, %convert_element_type3A_438, %cond3A_439 : i32
    scf.if %cond3A_440 {
      %sub3A = arith.subi %add3A_432, %squeeze3A : i32
      %dma_start3A_2493 = arith.constant 0 : i32
      %dma_start3A_2494 = arith.constant 0 : i32
      %dma_start3A_2495 = tpu.memref_slice %arg4[%sub3A, %dma_start3A_2493, %dma_start3A_2494] : memref<4096x32x128xf32, #tpu.memory_space<hbm>> -> memref<4x32x128xf32, #tpu.memory_space<hbm>>
      %dma_start3A_2496 = arith.constant 0 : i32
      %dma_start3A_2497 = arith.constant 0 : i32
      %dma_start3A_2498 = tpu.memref_slice %arg4[%sub3A, %dma_start3A_2496, %dma_start3A_2497] : memref<4096x32x128xf32, #tpu.memory_space<hbm>> -> memref<4x32x128xf32, #tpu.memory_space<hbm>>
      tpu.enqueue_dma source(%dma_start3A_2498 : memref<4x32x128xf32, #tpu.memory_space<hbm>>) target(%arg7 : memref<4x32x128xf32, #tpu.memory_space<vmem>>) target_semaphore(%arg14 : memref<!tpu.dma_semaphore, #tpu.memory_space<semaphore_mem>>)
    } else {
    }
    %not3A_441 = arith.constant true
    %not3A_442 = arith.xori %and3A_437, %not3A_441 : i1
    %convert_element_type3A_443 = arith.extui %not3A_442 : i1 to i32
    %cond3A_444 = arith.constant 0 : i32
    %cond3A_445 = arith.cmpi ne, %convert_element_type3A_443, %cond3A_444 : i32
    scf.if %cond3A_445 {
      %dma_start3A_2493 = arith.constant 0 : i32
      %dma_start3A_2494 = arith.constant 0 : i32
      %dma_start3A_2495 = tpu.memref_slice %arg3[%add3A_432, %dma_start3A_2493, %dma_start3A_2494] : memref<8192x32x128xf32, #tpu.memory_space<hbm>> -> memref<4x32x128xf32, #tpu.memory_space<hbm>>
      %dma_start3A_2496 = arith.constant 0 : i32
      %dma_start3A_2497 = arith.constant 0 : i32
      %dma_start3A_2498 = tpu.memref_slice %arg3[%add3A_432, %dma_start3A_2496, %dma_start3A_2497] : memref<8192x32x128xf32, #tpu.memory_space<hbm>> -> memref<4x32x128xf32, #tpu.memory_space<hbm>>
      tpu.enqueue_dma source(%dma_start3A_2498 : memref<4x32x128xf32, #tpu.memory_space<hbm>>) target(%arg7 : memref<4x32x128xf32, #tpu.memory_space<vmem>>) target_semaphore(%arg14 : memref<!tpu.dma_semaphore, #tpu.memory_space<semaphore_mem>>)
    } else {
    }
    %dma_wait3A_446 = arith.constant 0 : i32
    %dma_wait3A_447 = arith.constant 0 : i32
    %dma_wait3A_448 = arith.constant 0 : i32
    %dma_wait3A_449 = tpu.memref_slice %arg3[%dma_wait3A_446, %dma_wait3A_447, %dma_wait3A_448] : memref<8192x32x128xf32, #tpu.memory_space<hbm>> -> memref<4x32x128xf32, #tpu.memory_space<hbm>>
    %dma_wait3A_450 = arith.constant 0 : i32
    %dma_wait3A_451 = arith.constant 0 : i32
    %dma_wait3A_452 = arith.constant 0 : i32
    %dma_wait3A_453 = tpu.memref_slice %arg3[%dma_wait3A_450, %dma_wait3A_451, %dma_wait3A_452] : memref<8192x32x128xf32, #tpu.memory_space<hbm>> -> memref<4x32x128xf32, #tpu.memory_space<hbm>>
    tpu.wait_dma2 semaphore(%arg17 : memref<!tpu.dma_semaphore, #tpu.memory_space<semaphore_mem>>) src(%dma_wait3A_453 : memref<4x32x128xf32, #tpu.memory_space<hbm>>) dst(%arg10 : memref<4x32x128xf32, #tpu.memory_space<vmem>>)
    %add3A_454 = arith.constant 40 : i32
    %add3A_455 = arith.addi %mul3A_2, %add3A_454 : i32
    %dma_start3A_456 = arith.constant 0 : i32
    %dma_start3A_457 = arith.constant 0 : i32
    %dma_start3A_458 = tpu.memref_slice %arg5[%add3A_455, %dma_start3A_456, %dma_start3A_457] : memref<8192x32x128xf32, #tpu.memory_space<hbm>> -> memref<4x32x128xf32, #tpu.memory_space<hbm>>
    %dma_start3A_459 = arith.constant 0 : i32
    %dma_start3A_460 = arith.constant 0 : i32
    %dma_start3A_461 = tpu.memref_slice %arg5[%add3A_455, %dma_start3A_459, %dma_start3A_460] : memref<8192x32x128xf32, #tpu.memory_space<hbm>> -> memref<4x32x128xf32, #tpu.memory_space<hbm>>
    tpu.enqueue_dma source(%arg10 : memref<4x32x128xf32, #tpu.memory_space<vmem>>) target(%dma_start3A_461 : memref<4x32x128xf32, #tpu.memory_space<hbm>>) target_semaphore(%arg24 : memref<!tpu.dma_semaphore, #tpu.memory_space<semaphore_mem>>)
    %add3A_462 = arith.constant 32 : i32
    %add3A_463 = arith.addi %mul3A_2, %add3A_462 : i32
    %dma_wait3A_464 = arith.constant 0 : i32
    %dma_wait3A_465 = arith.constant 0 : i32
    %dma_wait3A_466 = tpu.memref_slice %arg5[%add3A_463, %dma_wait3A_464, %dma_wait3A_465] : memref<8192x32x128xf32, #tpu.memory_space<hbm>> -> memref<4x32x128xf32, #tpu.memory_space<hbm>>
    %dma_wait3A_467 = arith.constant 0 : i32
    %dma_wait3A_468 = arith.constant 0 : i32
    %dma_wait3A_469 = tpu.memref_slice %arg5[%add3A_463, %dma_wait3A_467, %dma_wait3A_468] : memref<8192x32x128xf32, #tpu.memory_space<hbm>> -> memref<4x32x128xf32, #tpu.memory_space<hbm>>
    tpu.wait_dma2 semaphore(%arg22 : memref<!tpu.dma_semaphore, #tpu.memory_space<semaphore_mem>>) src(%arg8 : memref<4x32x128xf32, #tpu.memory_space<vmem>>) dst(%dma_wait3A_469 : memref<4x32x128xf32, #tpu.memory_space<hbm>>)
    %add3A_470 = arith.constant 60 : i32
    %add3A_471 = arith.addi %mul3A_2, %add3A_470 : i32
    %ge3A_472 = arith.cmpi sge, %add3A_471, %squeeze3A : i32
    %add3A_473 = arith.constant 4096 : i32
    %add3A_474 = arith.addi %squeeze3A, %add3A_473 : i32
    %lt3A_475 = arith.cmpi slt, %add3A_471, %add3A_474 : i32
    %and3A_476 = arith.andi %ge3A_472, %lt3A_475 : i1
    %convert_element_type3A_477 = arith.extui %and3A_476 : i1 to i32
    %cond3A_478 = arith.constant 0 : i32
    %cond3A_479 = arith.cmpi ne, %convert_element_type3A_477, %cond3A_478 : i32
    scf.if %cond3A_479 {
      %sub3A = arith.subi %add3A_471, %squeeze3A : i32
      %dma_start3A_2493 = arith.constant 0 : i32
      %dma_start3A_2494 = arith.constant 0 : i32
      %dma_start3A_2495 = tpu.memref_slice %arg4[%sub3A, %dma_start3A_2493, %dma_start3A_2494] : memref<4096x32x128xf32, #tpu.memory_space<hbm>> -> memref<4x32x128xf32, #tpu.memory_space<hbm>>
      %dma_start3A_2496 = arith.constant 0 : i32
      %dma_start3A_2497 = arith.constant 0 : i32
      %dma_start3A_2498 = tpu.memref_slice %arg4[%sub3A, %dma_start3A_2496, %dma_start3A_2497] : memref<4096x32x128xf32, #tpu.memory_space<hbm>> -> memref<4x32x128xf32, #tpu.memory_space<hbm>>
      tpu.enqueue_dma source(%dma_start3A_2498 : memref<4x32x128xf32, #tpu.memory_space<hbm>>) target(%arg8 : memref<4x32x128xf32, #tpu.memory_space<vmem>>) target_semaphore(%arg15 : memref<!tpu.dma_semaphore, #tpu.memory_space<semaphore_mem>>)
    } else {
    }
    %not3A_480 = arith.constant true
    %not3A_481 = arith.xori %and3A_476, %not3A_480 : i1
    %convert_element_type3A_482 = arith.extui %not3A_481 : i1 to i32
    %cond3A_483 = arith.constant 0 : i32
    %cond3A_484 = arith.cmpi ne, %convert_element_type3A_482, %cond3A_483 : i32
    scf.if %cond3A_484 {
      %dma_start3A_2493 = arith.constant 0 : i32
      %dma_start3A_2494 = arith.constant 0 : i32
      %dma_start3A_2495 = tpu.memref_slice %arg3[%add3A_471, %dma_start3A_2493, %dma_start3A_2494] : memref<8192x32x128xf32, #tpu.memory_space<hbm>> -> memref<4x32x128xf32, #tpu.memory_space<hbm>>
      %dma_start3A_2496 = arith.constant 0 : i32
      %dma_start3A_2497 = arith.constant 0 : i32
      %dma_start3A_2498 = tpu.memref_slice %arg3[%add3A_471, %dma_start3A_2496, %dma_start3A_2497] : memref<8192x32x128xf32, #tpu.memory_space<hbm>> -> memref<4x32x128xf32, #tpu.memory_space<hbm>>
      tpu.enqueue_dma source(%dma_start3A_2498 : memref<4x32x128xf32, #tpu.memory_space<hbm>>) target(%arg8 : memref<4x32x128xf32, #tpu.memory_space<vmem>>) target_semaphore(%arg15 : memref<!tpu.dma_semaphore, #tpu.memory_space<semaphore_mem>>)
    } else {
    }
    %dma_wait3A_485 = arith.constant 0 : i32
    %dma_wait3A_486 = arith.constant 0 : i32
    %dma_wait3A_487 = arith.constant 0 : i32
    %dma_wait3A_488 = tpu.memref_slice %arg3[%dma_wait3A_485, %dma_wait3A_486, %dma_wait3A_487] : memref<8192x32x128xf32, #tpu.memory_space<hbm>> -> memref<4x32x128xf32, #tpu.memory_space<hbm>>
    %dma_wait3A_489 = arith.constant 0 : i32
    %dma_wait3A_490 = arith.constant 0 : i32
    %dma_wait3A_491 = arith.constant 0 : i32
    %dma_wait3A_492 = tpu.memref_slice %arg3[%dma_wait3A_489, %dma_wait3A_490, %dma_wait3A_491] : memref<8192x32x128xf32, #tpu.memory_space<hbm>> -> memref<4x32x128xf32, #tpu.memory_space<hbm>>
    tpu.wait_dma2 semaphore(%arg18 : memref<!tpu.dma_semaphore, #tpu.memory_space<semaphore_mem>>) src(%dma_wait3A_492 : memref<4x32x128xf32, #tpu.memory_space<hbm>>) dst(%arg11 : memref<4x32x128xf32, #tpu.memory_space<vmem>>)
    %add3A_493 = arith.constant 44 : i32
    %add3A_494 = arith.addi %mul3A_2, %add3A_493 : i32
    %dma_start3A_495 = arith.constant 0 : i32
    %dma_start3A_496 = arith.constant 0 : i32
    %dma_start3A_497 = tpu.memref_slice %arg5[%add3A_494, %dma_start3A_495, %dma_start3A_496] : memref<8192x32x128xf32, #tpu.memory_space<hbm>> -> memref<4x32x128xf32, #tpu.memory_space<hbm>>
    %dma_start3A_498 = arith.constant 0 : i32
    %dma_start3A_499 = arith.constant 0 : i32
    %dma_start3A_500 = tpu.memref_slice %arg5[%add3A_494, %dma_start3A_498, %dma_start3A_499] : memref<8192x32x128xf32, #tpu.memory_space<hbm>> -> memref<4x32x128xf32, #tpu.memory_space<hbm>>
    tpu.enqueue_dma source(%arg11 : memref<4x32x128xf32, #tpu.memory_space<vmem>>) target(%dma_start3A_500 : memref<4x32x128xf32, #tpu.memory_space<hbm>>) target_semaphore(%arg25 : memref<!tpu.dma_semaphore, #tpu.memory_space<semaphore_mem>>)
    %add3A_501 = arith.constant 36 : i32
    %add3A_502 = arith.addi %mul3A_2, %add3A_501 : i32
    %dma_wait3A_503 = arith.constant 0 : i32
    %dma_wait3A_504 = arith.constant 0 : i32
    %dma_wait3A_505 = tpu.memref_slice %arg5[%add3A_502, %dma_wait3A_503, %dma_wait3A_504] : memref<8192x32x128xf32, #tpu.memory_space<hbm>> -> memref<4x32x128xf32, #tpu.memory_space<hbm>>
    %dma_wait3A_506 = arith.constant 0 : i32
    %dma_wait3A_507 = arith.constant 0 : i32
    %dma_wait3A_508 = tpu.memref_slice %arg5[%add3A_502, %dma_wait3A_506, %dma_wait3A_507] : memref<8192x32x128xf32, #tpu.memory_space<hbm>> -> memref<4x32x128xf32, #tpu.memory_space<hbm>>
    tpu.wait_dma2 semaphore(%arg23 : memref<!tpu.dma_semaphore, #tpu.memory_space<semaphore_mem>>) src(%arg9 : memref<4x32x128xf32, #tpu.memory_space<vmem>>) dst(%dma_wait3A_508 : memref<4x32x128xf32, #tpu.memory_space<hbm>>)
    %add3A_509 = arith.constant 64 : i32
    %add3A_510 = arith.addi %mul3A_2, %add3A_509 : i32
    %ge3A_511 = arith.cmpi sge, %add3A_510, %squeeze3A : i32
    %add3A_512 = arith.constant 4096 : i32
    %add3A_513 = arith.addi %squeeze3A, %add3A_512 : i32
    %lt3A_514 = arith.cmpi slt, %add3A_510, %add3A_513 : i32
    %and3A_515 = arith.andi %ge3A_511, %lt3A_514 : i1
    %convert_element_type3A_516 = arith.extui %and3A_515 : i1 to i32
    %cond3A_517 = arith.constant 0 : i32
    %cond3A_518 = arith.cmpi ne, %convert_element_type3A_516, %cond3A_517 : i32
    scf.if %cond3A_518 {
      %sub3A = arith.subi %add3A_510, %squeeze3A : i32
      %dma_start3A_2493 = arith.constant 0 : i32
      %dma_start3A_2494 = arith.constant 0 : i32
      %dma_start3A_2495 = tpu.memref_slice %arg4[%sub3A, %dma_start3A_2493, %dma_start3A_2494] : memref<4096x32x128xf32, #tpu.memory_space<hbm>> -> memref<4x32x128xf32, #tpu.memory_space<hbm>>
      %dma_start3A_2496 = arith.constant 0 : i32
      %dma_start3A_2497 = arith.constant 0 : i32
      %dma_start3A_2498 = tpu.memref_slice %arg4[%sub3A, %dma_start3A_2496, %dma_start3A_2497] : memref<4096x32x128xf32, #tpu.memory_space<hbm>> -> memref<4x32x128xf32, #tpu.memory_space<hbm>>
      tpu.enqueue_dma source(%dma_start3A_2498 : memref<4x32x128xf32, #tpu.memory_space<hbm>>) target(%arg9 : memref<4x32x128xf32, #tpu.memory_space<vmem>>) target_semaphore(%arg16 : memref<!tpu.dma_semaphore, #tpu.memory_space<semaphore_mem>>)
    } else {
    }
    %not3A_519 = arith.constant true
    %not3A_520 = arith.xori %and3A_515, %not3A_519 : i1
    %convert_element_type3A_521 = arith.extui %not3A_520 : i1 to i32
    %cond3A_522 = arith.constant 0 : i32
    %cond3A_523 = arith.cmpi ne, %convert_element_type3A_521, %cond3A_522 : i32
    scf.if %cond3A_523 {
      %dma_start3A_2493 = arith.constant 0 : i32
      %dma_start3A_2494 = arith.constant 0 : i32
      %dma_start3A_2495 = tpu.memref_slice %arg3[%add3A_510, %dma_start3A_2493, %dma_start3A_2494] : memref<8192x32x128xf32, #tpu.memory_space<hbm>> -> memref<4x32x128xf32, #tpu.memory_space<hbm>>
      %dma_start3A_2496 = arith.constant 0 : i32
      %dma_start3A_2497 = arith.constant 0 : i32
      %dma_start3A_2498 = tpu.memref_slice %arg3[%add3A_510, %dma_start3A_2496, %dma_start3A_2497] : memref<8192x32x128xf32, #tpu.memory_space<hbm>> -> memref<4x32x128xf32, #tpu.memory_space<hbm>>
      tpu.enqueue_dma source(%dma_start3A_2498 : memref<4x32x128xf32, #tpu.memory_space<hbm>>) target(%arg9 : memref<4x32x128xf32, #tpu.memory_space<vmem>>) target_semaphore(%arg16 : memref<!tpu.dma_semaphore, #tpu.memory_space<semaphore_mem>>)
    } else {
    }
    %dma_wait3A_524 = arith.constant 0 : i32
    %dma_wait3A_525 = arith.constant 0 : i32
    %dma_wait3A_526 = arith.constant 0 : i32
    %dma_wait3A_527 = tpu.memref_slice %arg3[%dma_wait3A_524, %dma_wait3A_525, %dma_wait3A_526] : memref<8192x32x128xf32, #tpu.memory_space<hbm>> -> memref<4x32x128xf32, #tpu.memory_space<hbm>>
    %dma_wait3A_528 = arith.constant 0 : i32
    %dma_wait3A_529 = arith.constant 0 : i32
    %dma_wait3A_530 = arith.constant 0 : i32
    %dma_wait3A_531 = tpu.memref_slice %arg3[%dma_wait3A_528, %dma_wait3A_529, %dma_wait3A_530] : memref<8192x32x128xf32, #tpu.memory_space<hbm>> -> memref<4x32x128xf32, #tpu.memory_space<hbm>>
    tpu.wait_dma2 semaphore(%arg19 : memref<!tpu.dma_semaphore, #tpu.memory_space<semaphore_mem>>) src(%dma_wait3A_531 : memref<4x32x128xf32, #tpu.memory_space<hbm>>) dst(%arg12 : memref<4x32x128xf32, #tpu.memory_space<vmem>>)
    %add3A_532 = arith.constant 48 : i32
    %add3A_533 = arith.addi %mul3A_2, %add3A_532 : i32
    %dma_start3A_534 = arith.constant 0 : i32
    %dma_start3A_535 = arith.constant 0 : i32
    %dma_start3A_536 = tpu.memref_slice %arg5[%add3A_533, %dma_start3A_534, %dma_start3A_535] : memref<8192x32x128xf32, #tpu.memory_space<hbm>> -> memref<4x32x128xf32, #tpu.memory_space<hbm>>
    %dma_start3A_537 = arith.constant 0 : i32
    %dma_start3A_538 = arith.constant 0 : i32
    %dma_start3A_539 = tpu.memref_slice %arg5[%add3A_533, %dma_start3A_537, %dma_start3A_538] : memref<8192x32x128xf32, #tpu.memory_space<hbm>> -> memref<4x32x128xf32, #tpu.memory_space<hbm>>
    tpu.enqueue_dma source(%arg12 : memref<4x32x128xf32, #tpu.memory_space<vmem>>) target(%dma_start3A_539 : memref<4x32x128xf32, #tpu.memory_space<hbm>>) target_semaphore(%arg26 : memref<!tpu.dma_semaphore, #tpu.memory_space<semaphore_mem>>)
    %add3A_540 = arith.constant 40 : i32
    %add3A_541 = arith.addi %mul3A_2, %add3A_540 : i32
    %dma_wait3A_542 = arith.constant 0 : i32
    %dma_wait3A_543 = arith.constant 0 : i32
    %dma_wait3A_544 = tpu.memref_slice %arg5[%add3A_541, %dma_wait3A_542, %dma_wait3A_543] : memref<8192x32x128xf32, #tpu.memory_space<hbm>> -> memref<4x32x128xf32, #tpu.memory_space<hbm>>
    %dma_wait3A_545 = arith.constant 0 : i32
    %dma_wait3A_546 = arith.constant 0 : i32
    %dma_wait3A_547 = tpu.memref_slice %arg5[%add3A_541, %dma_wait3A_545, %dma_wait3A_546] : memref<8192x32x128xf32, #tpu.memory_space<hbm>> -> memref<4x32x128xf32, #tpu.memory_space<hbm>>
    tpu.wait_dma2 semaphore(%arg24 : memref<!tpu.dma_semaphore, #tpu.memory_space<semaphore_mem>>) src(%arg10 : memref<4x32x128xf32, #tpu.memory_space<vmem>>) dst(%dma_wait3A_547 : memref<4x32x128xf32, #tpu.memory_space<hbm>>)
    %add3A_548 = arith.constant 68 : i32
    %add3A_549 = arith.addi %mul3A_2, %add3A_548 : i32
    %ge3A_550 = arith.cmpi sge, %add3A_549, %squeeze3A : i32
    %add3A_551 = arith.constant 4096 : i32
    %add3A_552 = arith.addi %squeeze3A, %add3A_551 : i32
    %lt3A_553 = arith.cmpi slt, %add3A_549, %add3A_552 : i32
    %and3A_554 = arith.andi %ge3A_550, %lt3A_553 : i1
    %convert_element_type3A_555 = arith.extui %and3A_554 : i1 to i32
    %cond3A_556 = arith.constant 0 : i32
    %cond3A_557 = arith.cmpi ne, %convert_element_type3A_555, %cond3A_556 : i32
    scf.if %cond3A_557 {
      %sub3A = arith.subi %add3A_549, %squeeze3A : i32
      %dma_start3A_2493 = arith.constant 0 : i32
      %dma_start3A_2494 = arith.constant 0 : i32
      %dma_start3A_2495 = tpu.memref_slice %arg4[%sub3A, %dma_start3A_2493, %dma_start3A_2494] : memref<4096x32x128xf32, #tpu.memory_space<hbm>> -> memref<4x32x128xf32, #tpu.memory_space<hbm>>
      %dma_start3A_2496 = arith.constant 0 : i32
      %dma_start3A_2497 = arith.constant 0 : i32
      %dma_start3A_2498 = tpu.memref_slice %arg4[%sub3A, %dma_start3A_2496, %dma_start3A_2497] : memref<4096x32x128xf32, #tpu.memory_space<hbm>> -> memref<4x32x128xf32, #tpu.memory_space<hbm>>
      tpu.enqueue_dma source(%dma_start3A_2498 : memref<4x32x128xf32, #tpu.memory_space<hbm>>) target(%arg10 : memref<4x32x128xf32, #tpu.memory_space<vmem>>) target_semaphore(%arg17 : memref<!tpu.dma_semaphore, #tpu.memory_space<semaphore_mem>>)
    } else {
    }
    %not3A_558 = arith.constant true
    %not3A_559 = arith.xori %and3A_554, %not3A_558 : i1
    %convert_element_type3A_560 = arith.extui %not3A_559 : i1 to i32
    %cond3A_561 = arith.constant 0 : i32
    %cond3A_562 = arith.cmpi ne, %convert_element_type3A_560, %cond3A_561 : i32
    scf.if %cond3A_562 {
      %dma_start3A_2493 = arith.constant 0 : i32
      %dma_start3A_2494 = arith.constant 0 : i32
      %dma_start3A_2495 = tpu.memref_slice %arg3[%add3A_549, %dma_start3A_2493, %dma_start3A_2494] : memref<8192x32x128xf32, #tpu.memory_space<hbm>> -> memref<4x32x128xf32, #tpu.memory_space<hbm>>
      %dma_start3A_2496 = arith.constant 0 : i32
      %dma_start3A_2497 = arith.constant 0 : i32
      %dma_start3A_2498 = tpu.memref_slice %arg3[%add3A_549, %dma_start3A_2496, %dma_start3A_2497] : memref<8192x32x128xf32, #tpu.memory_space<hbm>> -> memref<4x32x128xf32, #tpu.memory_space<hbm>>
      tpu.enqueue_dma source(%dma_start3A_2498 : memref<4x32x128xf32, #tpu.memory_space<hbm>>) target(%arg10 : memref<4x32x128xf32, #tpu.memory_space<vmem>>) target_semaphore(%arg17 : memref<!tpu.dma_semaphore, #tpu.memory_space<semaphore_mem>>)
    } else {
    }
    %dma_wait3A_563 = arith.constant 0 : i32
    %dma_wait3A_564 = arith.constant 0 : i32
    %dma_wait3A_565 = arith.constant 0 : i32
    %dma_wait3A_566 = tpu.memref_slice %arg3[%dma_wait3A_563, %dma_wait3A_564, %dma_wait3A_565] : memref<8192x32x128xf32, #tpu.memory_space<hbm>> -> memref<4x32x128xf32, #tpu.memory_space<hbm>>
    %dma_wait3A_567 = arith.constant 0 : i32
    %dma_wait3A_568 = arith.constant 0 : i32
    %dma_wait3A_569 = arith.constant 0 : i32
    %dma_wait3A_570 = tpu.memref_slice %arg3[%dma_wait3A_567, %dma_wait3A_568, %dma_wait3A_569] : memref<8192x32x128xf32, #tpu.memory_space<hbm>> -> memref<4x32x128xf32, #tpu.memory_space<hbm>>
    tpu.wait_dma2 semaphore(%arg20 : memref<!tpu.dma_semaphore, #tpu.memory_space<semaphore_mem>>) src(%dma_wait3A_570 : memref<4x32x128xf32, #tpu.memory_space<hbm>>) dst(%arg13 : memref<4x32x128xf32, #tpu.memory_space<vmem>>)
    %add3A_571 = arith.constant 52 : i32
    %add3A_572 = arith.addi %mul3A_2, %add3A_571 : i32
    %dma_start3A_573 = arith.constant 0 : i32
    %dma_start3A_574 = arith.constant 0 : i32
    %dma_start3A_575 = tpu.memref_slice %arg5[%add3A_572, %dma_start3A_573, %dma_start3A_574] : memref<8192x32x128xf32, #tpu.memory_space<hbm>> -> memref<4x32x128xf32, #tpu.memory_space<hbm>>
    %dma_start3A_576 = arith.constant 0 : i32
    %dma_start3A_577 = arith.constant 0 : i32
    %dma_start3A_578 = tpu.memref_slice %arg5[%add3A_572, %dma_start3A_576, %dma_start3A_577] : memref<8192x32x128xf32, #tpu.memory_space<hbm>> -> memref<4x32x128xf32, #tpu.memory_space<hbm>>
    tpu.enqueue_dma source(%arg13 : memref<4x32x128xf32, #tpu.memory_space<vmem>>) target(%dma_start3A_578 : memref<4x32x128xf32, #tpu.memory_space<hbm>>) target_semaphore(%arg27 : memref<!tpu.dma_semaphore, #tpu.memory_space<semaphore_mem>>)
    %add3A_579 = arith.constant 44 : i32
    %add3A_580 = arith.addi %mul3A_2, %add3A_579 : i32
    %dma_wait3A_581 = arith.constant 0 : i32
    %dma_wait3A_582 = arith.constant 0 : i32
    %dma_wait3A_583 = tpu.memref_slice %arg5[%add3A_580, %dma_wait3A_581, %dma_wait3A_582] : memref<8192x32x128xf32, #tpu.memory_space<hbm>> -> memref<4x32x128xf32, #tpu.memory_space<hbm>>
    %dma_wait3A_584 = arith.constant 0 : i32
    %dma_wait3A_585 = arith.constant 0 : i32
    %dma_wait3A_586 = tpu.memref_slice %arg5[%add3A_580, %dma_wait3A_584, %dma_wait3A_585] : memref<8192x32x128xf32, #tpu.memory_space<hbm>> -> memref<4x32x128xf32, #tpu.memory_space<hbm>>
    tpu.wait_dma2 semaphore(%arg25 : memref<!tpu.dma_semaphore, #tpu.memory_space<semaphore_mem>>) src(%arg11 : memref<4x32x128xf32, #tpu.memory_space<vmem>>) dst(%dma_wait3A_586 : memref<4x32x128xf32, #tpu.memory_space<hbm>>)
    %add3A_587 = arith.constant 72 : i32
    %add3A_588 = arith.addi %mul3A_2, %add3A_587 : i32
    %ge3A_589 = arith.cmpi sge, %add3A_588, %squeeze3A : i32
    %add3A_590 = arith.constant 4096 : i32
    %add3A_591 = arith.addi %squeeze3A, %add3A_590 : i32
    %lt3A_592 = arith.cmpi slt, %add3A_588, %add3A_591 : i32
    %and3A_593 = arith.andi %ge3A_589, %lt3A_592 : i1
    %convert_element_type3A_594 = arith.extui %and3A_593 : i1 to i32
    %cond3A_595 = arith.constant 0 : i32
    %cond3A_596 = arith.cmpi ne, %convert_element_type3A_594, %cond3A_595 : i32
    scf.if %cond3A_596 {
      %sub3A = arith.subi %add3A_588, %squeeze3A : i32
      %dma_start3A_2493 = arith.constant 0 : i32
      %dma_start3A_2494 = arith.constant 0 : i32
      %dma_start3A_2495 = tpu.memref_slice %arg4[%sub3A, %dma_start3A_2493, %dma_start3A_2494] : memref<4096x32x128xf32, #tpu.memory_space<hbm>> -> memref<4x32x128xf32, #tpu.memory_space<hbm>>
      %dma_start3A_2496 = arith.constant 0 : i32
      %dma_start3A_2497 = arith.constant 0 : i32
      %dma_start3A_2498 = tpu.memref_slice %arg4[%sub3A, %dma_start3A_2496, %dma_start3A_2497] : memref<4096x32x128xf32, #tpu.memory_space<hbm>> -> memref<4x32x128xf32, #tpu.memory_space<hbm>>
      tpu.enqueue_dma source(%dma_start3A_2498 : memref<4x32x128xf32, #tpu.memory_space<hbm>>) target(%arg11 : memref<4x32x128xf32, #tpu.memory_space<vmem>>) target_semaphore(%arg18 : memref<!tpu.dma_semaphore, #tpu.memory_space<semaphore_mem>>)
    } else {
    }
    %not3A_597 = arith.constant true
    %not3A_598 = arith.xori %and3A_593, %not3A_597 : i1
    %convert_element_type3A_599 = arith.extui %not3A_598 : i1 to i32
    %cond3A_600 = arith.constant 0 : i32
    %cond3A_601 = arith.cmpi ne, %convert_element_type3A_599, %cond3A_600 : i32
    scf.if %cond3A_601 {
      %dma_start3A_2493 = arith.constant 0 : i32
      %dma_start3A_2494 = arith.constant 0 : i32
      %dma_start3A_2495 = tpu.memref_slice %arg3[%add3A_588, %dma_start3A_2493, %dma_start3A_2494] : memref<8192x32x128xf32, #tpu.memory_space<hbm>> -> memref<4x32x128xf32, #tpu.memory_space<hbm>>
      %dma_start3A_2496 = arith.constant 0 : i32
      %dma_start3A_2497 = arith.constant 0 : i32
      %dma_start3A_2498 = tpu.memref_slice %arg3[%add3A_588, %dma_start3A_2496, %dma_start3A_2497] : memref<8192x32x128xf32, #tpu.memory_space<hbm>> -> memref<4x32x128xf32, #tpu.memory_space<hbm>>
      tpu.enqueue_dma source(%dma_start3A_2498 : memref<4x32x128xf32, #tpu.memory_space<hbm>>) target(%arg11 : memref<4x32x128xf32, #tpu.memory_space<vmem>>) target_semaphore(%arg18 : memref<!tpu.dma_semaphore, #tpu.memory_space<semaphore_mem>>)
    } else {
    }
    %dma_wait3A_602 = arith.constant 0 : i32
    %dma_wait3A_603 = arith.constant 0 : i32
    %dma_wait3A_604 = arith.constant 0 : i32
    %dma_wait3A_605 = tpu.memref_slice %arg3[%dma_wait3A_602, %dma_wait3A_603, %dma_wait3A_604] : memref<8192x32x128xf32, #tpu.memory_space<hbm>> -> memref<4x32x128xf32, #tpu.memory_space<hbm>>
    %dma_wait3A_606 = arith.constant 0 : i32
    %dma_wait3A_607 = arith.constant 0 : i32
    %dma_wait3A_608 = arith.constant 0 : i32
    %dma_wait3A_609 = tpu.memref_slice %arg3[%dma_wait3A_606, %dma_wait3A_607, %dma_wait3A_608] : memref<8192x32x128xf32, #tpu.memory_space<hbm>> -> memref<4x32x128xf32, #tpu.memory_space<hbm>>
    tpu.wait_dma2 semaphore(%arg14 : memref<!tpu.dma_semaphore, #tpu.memory_space<semaphore_mem>>) src(%dma_wait3A_609 : memref<4x32x128xf32, #tpu.memory_space<hbm>>) dst(%arg7 : memref<4x32x128xf32, #tpu.memory_space<vmem>>)
    %add3A_610 = arith.constant 56 : i32
    %add3A_611 = arith.addi %mul3A_2, %add3A_610 : i32
    %dma_start3A_612 = arith.constant 0 : i32
    %dma_start3A_613 = arith.constant 0 : i32
    %dma_start3A_614 = tpu.memref_slice %arg5[%add3A_611, %dma_start3A_612, %dma_start3A_613] : memref<8192x32x128xf32, #tpu.memory_space<hbm>> -> memref<4x32x128xf32, #tpu.memory_space<hbm>>
    %dma_start3A_615 = arith.constant 0 : i32
    %dma_start3A_616 = arith.constant 0 : i32
    %dma_start3A_617 = tpu.memref_slice %arg5[%add3A_611, %dma_start3A_615, %dma_start3A_616] : memref<8192x32x128xf32, #tpu.memory_space<hbm>> -> memref<4x32x128xf32, #tpu.memory_space<hbm>>
    tpu.enqueue_dma source(%arg7 : memref<4x32x128xf32, #tpu.memory_space<vmem>>) target(%dma_start3A_617 : memref<4x32x128xf32, #tpu.memory_space<hbm>>) target_semaphore(%arg21 : memref<!tpu.dma_semaphore, #tpu.memory_space<semaphore_mem>>)
    %add3A_618 = arith.constant 48 : i32
    %add3A_619 = arith.addi %mul3A_2, %add3A_618 : i32
    %dma_wait3A_620 = arith.constant 0 : i32
    %dma_wait3A_621 = arith.constant 0 : i32
    %dma_wait3A_622 = tpu.memref_slice %arg5[%add3A_619, %dma_wait3A_620, %dma_wait3A_621] : memref<8192x32x128xf32, #tpu.memory_space<hbm>> -> memref<4x32x128xf32, #tpu.memory_space<hbm>>
    %dma_wait3A_623 = arith.constant 0 : i32
    %dma_wait3A_624 = arith.constant 0 : i32
    %dma_wait3A_625 = tpu.memref_slice %arg5[%add3A_619, %dma_wait3A_623, %dma_wait3A_624] : memref<8192x32x128xf32, #tpu.memory_space<hbm>> -> memref<4x32x128xf32, #tpu.memory_space<hbm>>
    tpu.wait_dma2 semaphore(%arg26 : memref<!tpu.dma_semaphore, #tpu.memory_space<semaphore_mem>>) src(%arg12 : memref<4x32x128xf32, #tpu.memory_space<vmem>>) dst(%dma_wait3A_625 : memref<4x32x128xf32, #tpu.memory_space<hbm>>)
    %add3A_626 = arith.constant 76 : i32
    %add3A_627 = arith.addi %mul3A_2, %add3A_626 : i32
    %ge3A_628 = arith.cmpi sge, %add3A_627, %squeeze3A : i32
    %add3A_629 = arith.constant 4096 : i32
    %add3A_630 = arith.addi %squeeze3A, %add3A_629 : i32
    %lt3A_631 = arith.cmpi slt, %add3A_627, %add3A_630 : i32
    %and3A_632 = arith.andi %ge3A_628, %lt3A_631 : i1
    %convert_element_type3A_633 = arith.extui %and3A_632 : i1 to i32
    %cond3A_634 = arith.constant 0 : i32
    %cond3A_635 = arith.cmpi ne, %convert_element_type3A_633, %cond3A_634 : i32
    scf.if %cond3A_635 {
      %sub3A = arith.subi %add3A_627, %squeeze3A : i32
      %dma_start3A_2493 = arith.constant 0 : i32
      %dma_start3A_2494 = arith.constant 0 : i32
      %dma_start3A_2495 = tpu.memref_slice %arg4[%sub3A, %dma_start3A_2493, %dma_start3A_2494] : memref<4096x32x128xf32, #tpu.memory_space<hbm>> -> memref<4x32x128xf32, #tpu.memory_space<hbm>>
      %dma_start3A_2496 = arith.constant 0 : i32
      %dma_start3A_2497 = arith.constant 0 : i32
      %dma_start3A_2498 = tpu.memref_slice %arg4[%sub3A, %dma_start3A_2496, %dma_start3A_2497] : memref<4096x32x128xf32, #tpu.memory_space<hbm>> -> memref<4x32x128xf32, #tpu.memory_space<hbm>>
      tpu.enqueue_dma source(%dma_start3A_2498 : memref<4x32x128xf32, #tpu.memory_space<hbm>>) target(%arg12 : memref<4x32x128xf32, #tpu.memory_space<vmem>>) target_semaphore(%arg19 : memref<!tpu.dma_semaphore, #tpu.memory_space<semaphore_mem>>)
    } else {
    }
    %not3A_636 = arith.constant true
    %not3A_637 = arith.xori %and3A_632, %not3A_636 : i1
    %convert_element_type3A_638 = arith.extui %not3A_637 : i1 to i32
    %cond3A_639 = arith.constant 0 : i32
    %cond3A_640 = arith.cmpi ne, %convert_element_type3A_638, %cond3A_639 : i32
    scf.if %cond3A_640 {
      %dma_start3A_2493 = arith.constant 0 : i32
      %dma_start3A_2494 = arith.constant 0 : i32
      %dma_start3A_2495 = tpu.memref_slice %arg3[%add3A_627, %dma_start3A_2493, %dma_start3A_2494] : memref<8192x32x128xf32, #tpu.memory_space<hbm>> -> memref<4x32x128xf32, #tpu.memory_space<hbm>>
      %dma_start3A_2496 = arith.constant 0 : i32
      %dma_start3A_2497 = arith.constant 0 : i32
      %dma_start3A_2498 = tpu.memref_slice %arg3[%add3A_627, %dma_start3A_2496, %dma_start3A_2497] : memref<8192x32x128xf32, #tpu.memory_space<hbm>> -> memref<4x32x128xf32, #tpu.memory_space<hbm>>
      tpu.enqueue_dma source(%dma_start3A_2498 : memref<4x32x128xf32, #tpu.memory_space<hbm>>) target(%arg12 : memref<4x32x128xf32, #tpu.memory_space<vmem>>) target_semaphore(%arg19 : memref<!tpu.dma_semaphore, #tpu.memory_space<semaphore_mem>>)
    } else {
    }
    %dma_wait3A_641 = arith.constant 0 : i32
    %dma_wait3A_642 = arith.constant 0 : i32
    %dma_wait3A_643 = arith.constant 0 : i32
    %dma_wait3A_644 = tpu.memref_slice %arg3[%dma_wait3A_641, %dma_wait3A_642, %dma_wait3A_643] : memref<8192x32x128xf32, #tpu.memory_space<hbm>> -> memref<4x32x128xf32, #tpu.memory_space<hbm>>
    %dma_wait3A_645 = arith.constant 0 : i32
    %dma_wait3A_646 = arith.constant 0 : i32
    %dma_wait3A_647 = arith.constant 0 : i32
    %dma_wait3A_648 = tpu.memref_slice %arg3[%dma_wait3A_645, %dma_wait3A_646, %dma_wait3A_647] : memref<8192x32x128xf32, #tpu.memory_space<hbm>> -> memref<4x32x128xf32, #tpu.memory_space<hbm>>
    tpu.wait_dma2 semaphore(%arg15 : memref<!tpu.dma_semaphore, #tpu.memory_space<semaphore_mem>>) src(%dma_wait3A_648 : memref<4x32x128xf32, #tpu.memory_space<hbm>>) dst(%arg8 : memref<4x32x128xf32, #tpu.memory_space<vmem>>)
    %add3A_649 = arith.constant 60 : i32
    %add3A_650 = arith.addi %mul3A_2, %add3A_649 : i32
    %dma_start3A_651 = arith.constant 0 : i32
    %dma_start3A_652 = arith.constant 0 : i32
    %dma_start3A_653 = tpu.memref_slice %arg5[%add3A_650, %dma_start3A_651, %dma_start3A_652] : memref<8192x32x128xf32, #tpu.memory_space<hbm>> -> memref<4x32x128xf32, #tpu.memory_space<hbm>>
    %dma_start3A_654 = arith.constant 0 : i32
    %dma_start3A_655 = arith.constant 0 : i32
    %dma_start3A_656 = tpu.memref_slice %arg5[%add3A_650, %dma_start3A_654, %dma_start3A_655] : memref<8192x32x128xf32, #tpu.memory_space<hbm>> -> memref<4x32x128xf32, #tpu.memory_space<hbm>>
    tpu.enqueue_dma source(%arg8 : memref<4x32x128xf32, #tpu.memory_space<vmem>>) target(%dma_start3A_656 : memref<4x32x128xf32, #tpu.memory_space<hbm>>) target_semaphore(%arg22 : memref<!tpu.dma_semaphore, #tpu.memory_space<semaphore_mem>>)
    %add3A_657 = arith.constant 52 : i32
    %add3A_658 = arith.addi %mul3A_2, %add3A_657 : i32
    %dma_wait3A_659 = arith.constant 0 : i32
    %dma_wait3A_660 = arith.constant 0 : i32
    %dma_wait3A_661 = tpu.memref_slice %arg5[%add3A_658, %dma_wait3A_659, %dma_wait3A_660] : memref<8192x32x128xf32, #tpu.memory_space<hbm>> -> memref<4x32x128xf32, #tpu.memory_space<hbm>>
    %dma_wait3A_662 = arith.constant 0 : i32
    %dma_wait3A_663 = arith.constant 0 : i32
    %dma_wait3A_664 = tpu.memref_slice %arg5[%add3A_658, %dma_wait3A_662, %dma_wait3A_663] : memref<8192x32x128xf32, #tpu.memory_space<hbm>> -> memref<4x32x128xf32, #tpu.memory_space<hbm>>
    tpu.wait_dma2 semaphore(%arg27 : memref<!tpu.dma_semaphore, #tpu.memory_space<semaphore_mem>>) src(%arg13 : memref<4x32x128xf32, #tpu.memory_space<vmem>>) dst(%dma_wait3A_664 : memref<4x32x128xf32, #tpu.memory_space<hbm>>)
    %add3A_665 = arith.constant 80 : i32
    %add3A_666 = arith.addi %mul3A_2, %add3A_665 : i32
    %ge3A_667 = arith.cmpi sge, %add3A_666, %squeeze3A : i32
    %add3A_668 = arith.constant 4096 : i32
    %add3A_669 = arith.addi %squeeze3A, %add3A_668 : i32
    %lt3A_670 = arith.cmpi slt, %add3A_666, %add3A_669 : i32
    %and3A_671 = arith.andi %ge3A_667, %lt3A_670 : i1
    %convert_element_type3A_672 = arith.extui %and3A_671 : i1 to i32
    %cond3A_673 = arith.constant 0 : i32
    %cond3A_674 = arith.cmpi ne, %convert_element_type3A_672, %cond3A_673 : i32
    scf.if %cond3A_674 {
      %sub3A = arith.subi %add3A_666, %squeeze3A : i32
      %dma_start3A_2493 = arith.constant 0 : i32
      %dma_start3A_2494 = arith.constant 0 : i32
      %dma_start3A_2495 = tpu.memref_slice %arg4[%sub3A, %dma_start3A_2493, %dma_start3A_2494] : memref<4096x32x128xf32, #tpu.memory_space<hbm>> -> memref<4x32x128xf32, #tpu.memory_space<hbm>>
      %dma_start3A_2496 = arith.constant 0 : i32
      %dma_start3A_2497 = arith.constant 0 : i32
      %dma_start3A_2498 = tpu.memref_slice %arg4[%sub3A, %dma_start3A_2496, %dma_start3A_2497] : memref<4096x32x128xf32, #tpu.memory_space<hbm>> -> memref<4x32x128xf32, #tpu.memory_space<hbm>>
      tpu.enqueue_dma source(%dma_start3A_2498 : memref<4x32x128xf32, #tpu.memory_space<hbm>>) target(%arg13 : memref<4x32x128xf32, #tpu.memory_space<vmem>>) target_semaphore(%arg20 : memref<!tpu.dma_semaphore, #tpu.memory_space<semaphore_mem>>)
    } else {
    }
    %not3A_675 = arith.constant true
    %not3A_676 = arith.xori %and3A_671, %not3A_675 : i1
    %convert_element_type3A_677 = arith.extui %not3A_676 : i1 to i32
    %cond3A_678 = arith.constant 0 : i32
    %cond3A_679 = arith.cmpi ne, %convert_element_type3A_677, %cond3A_678 : i32
    scf.if %cond3A_679 {
      %dma_start3A_2493 = arith.constant 0 : i32
      %dma_start3A_2494 = arith.constant 0 : i32
      %dma_start3A_2495 = tpu.memref_slice %arg3[%add3A_666, %dma_start3A_2493, %dma_start3A_2494] : memref<8192x32x128xf32, #tpu.memory_space<hbm>> -> memref<4x32x128xf32, #tpu.memory_space<hbm>>
      %dma_start3A_2496 = arith.constant 0 : i32
      %dma_start3A_2497 = arith.constant 0 : i32
      %dma_start3A_2498 = tpu.memref_slice %arg3[%add3A_666, %dma_start3A_2496, %dma_start3A_2497] : memref<8192x32x128xf32, #tpu.memory_space<hbm>> -> memref<4x32x128xf32, #tpu.memory_space<hbm>>
      tpu.enqueue_dma source(%dma_start3A_2498 : memref<4x32x128xf32, #tpu.memory_space<hbm>>) target(%arg13 : memref<4x32x128xf32, #tpu.memory_space<vmem>>) target_semaphore(%arg20 : memref<!tpu.dma_semaphore, #tpu.memory_space<semaphore_mem>>)
    } else {
    }
    %dma_wait3A_680 = arith.constant 0 : i32
    %dma_wait3A_681 = arith.constant 0 : i32
    %dma_wait3A_682 = arith.constant 0 : i32
    %dma_wait3A_683 = tpu.memref_slice %arg3[%dma_wait3A_680, %dma_wait3A_681, %dma_wait3A_682] : memref<8192x32x128xf32, #tpu.memory_space<hbm>> -> memref<4x32x128xf32, #tpu.memory_space<hbm>>
    %dma_wait3A_684 = arith.constant 0 : i32
    %dma_wait3A_685 = arith.constant 0 : i32
    %dma_wait3A_686 = arith.constant 0 : i32
    %dma_wait3A_687 = tpu.memref_slice %arg3[%dma_wait3A_684, %dma_wait3A_685, %dma_wait3A_686] : memref<8192x32x128xf32, #tpu.memory_space<hbm>> -> memref<4x32x128xf32, #tpu.memory_space<hbm>>
    tpu.wait_dma2 semaphore(%arg16 : memref<!tpu.dma_semaphore, #tpu.memory_space<semaphore_mem>>) src(%dma_wait3A_687 : memref<4x32x128xf32, #tpu.memory_space<hbm>>) dst(%arg9 : memref<4x32x128xf32, #tpu.memory_space<vmem>>)
    %add3A_688 = arith.constant 64 : i32
    %add3A_689 = arith.addi %mul3A_2, %add3A_688 : i32
    %dma_start3A_690 = arith.constant 0 : i32
    %dma_start3A_691 = arith.constant 0 : i32
    %dma_start3A_692 = tpu.memref_slice %arg5[%add3A_689, %dma_start3A_690, %dma_start3A_691] : memref<8192x32x128xf32, #tpu.memory_space<hbm>> -> memref<4x32x128xf32, #tpu.memory_space<hbm>>
    %dma_start3A_693 = arith.constant 0 : i32
    %dma_start3A_694 = arith.constant 0 : i32
    %dma_start3A_695 = tpu.memref_slice %arg5[%add3A_689, %dma_start3A_693, %dma_start3A_694] : memref<8192x32x128xf32, #tpu.memory_space<hbm>> -> memref<4x32x128xf32, #tpu.memory_space<hbm>>
    tpu.enqueue_dma source(%arg9 : memref<4x32x128xf32, #tpu.memory_space<vmem>>) target(%dma_start3A_695 : memref<4x32x128xf32, #tpu.memory_space<hbm>>) target_semaphore(%arg23 : memref<!tpu.dma_semaphore, #tpu.memory_space<semaphore_mem>>)
    %add3A_696 = arith.constant 56 : i32
    %add3A_697 = arith.addi %mul3A_2, %add3A_696 : i32
    %dma_wait3A_698 = arith.constant 0 : i32
    %dma_wait3A_699 = arith.constant 0 : i32
    %dma_wait3A_700 = tpu.memref_slice %arg5[%add3A_697, %dma_wait3A_698, %dma_wait3A_699] : memref<8192x32x128xf32, #tpu.memory_space<hbm>> -> memref<4x32x128xf32, #tpu.memory_space<hbm>>
    %dma_wait3A_701 = arith.constant 0 : i32
    %dma_wait3A_702 = arith.constant 0 : i32
    %dma_wait3A_703 = tpu.memref_slice %arg5[%add3A_697, %dma_wait3A_701, %dma_wait3A_702] : memref<8192x32x128xf32, #tpu.memory_space<hbm>> -> memref<4x32x128xf32, #tpu.memory_space<hbm>>
    tpu.wait_dma2 semaphore(%arg21 : memref<!tpu.dma_semaphore, #tpu.memory_space<semaphore_mem>>) src(%arg7 : memref<4x32x128xf32, #tpu.memory_space<vmem>>) dst(%dma_wait3A_703 : memref<4x32x128xf32, #tpu.memory_space<hbm>>)
    %add3A_704 = arith.constant 84 : i32
    %add3A_705 = arith.addi %mul3A_2, %add3A_704 : i32
    %ge3A_706 = arith.cmpi sge, %add3A_705, %squeeze3A : i32
    %add3A_707 = arith.constant 4096 : i32
    %add3A_708 = arith.addi %squeeze3A, %add3A_707 : i32
    %lt3A_709 = arith.cmpi slt, %add3A_705, %add3A_708 : i32
    %and3A_710 = arith.andi %ge3A_706, %lt3A_709 : i1
    %convert_element_type3A_711 = arith.extui %and3A_710 : i1 to i32
    %cond3A_712 = arith.constant 0 : i32
    %cond3A_713 = arith.cmpi ne, %convert_element_type3A_711, %cond3A_712 : i32
    scf.if %cond3A_713 {
      %sub3A = arith.subi %add3A_705, %squeeze3A : i32
      %dma_start3A_2493 = arith.constant 0 : i32
      %dma_start3A_2494 = arith.constant 0 : i32
      %dma_start3A_2495 = tpu.memref_slice %arg4[%sub3A, %dma_start3A_2493, %dma_start3A_2494] : memref<4096x32x128xf32, #tpu.memory_space<hbm>> -> memref<4x32x128xf32, #tpu.memory_space<hbm>>
      %dma_start3A_2496 = arith.constant 0 : i32
      %dma_start3A_2497 = arith.constant 0 : i32
      %dma_start3A_2498 = tpu.memref_slice %arg4[%sub3A, %dma_start3A_2496, %dma_start3A_2497] : memref<4096x32x128xf32, #tpu.memory_space<hbm>> -> memref<4x32x128xf32, #tpu.memory_space<hbm>>
      tpu.enqueue_dma source(%dma_start3A_2498 : memref<4x32x128xf32, #tpu.memory_space<hbm>>) target(%arg7 : memref<4x32x128xf32, #tpu.memory_space<vmem>>) target_semaphore(%arg14 : memref<!tpu.dma_semaphore, #tpu.memory_space<semaphore_mem>>)
    } else {
    }
    %not3A_714 = arith.constant true
    %not3A_715 = arith.xori %and3A_710, %not3A_714 : i1
    %convert_element_type3A_716 = arith.extui %not3A_715 : i1 to i32
    %cond3A_717 = arith.constant 0 : i32
    %cond3A_718 = arith.cmpi ne, %convert_element_type3A_716, %cond3A_717 : i32
    scf.if %cond3A_718 {
      %dma_start3A_2493 = arith.constant 0 : i32
      %dma_start3A_2494 = arith.constant 0 : i32
      %dma_start3A_2495 = tpu.memref_slice %arg3[%add3A_705, %dma_start3A_2493, %dma_start3A_2494] : memref<8192x32x128xf32, #tpu.memory_space<hbm>> -> memref<4x32x128xf32, #tpu.memory_space<hbm>>
      %dma_start3A_2496 = arith.constant 0 : i32
      %dma_start3A_2497 = arith.constant 0 : i32
      %dma_start3A_2498 = tpu.memref_slice %arg3[%add3A_705, %dma_start3A_2496, %dma_start3A_2497] : memref<8192x32x128xf32, #tpu.memory_space<hbm>> -> memref<4x32x128xf32, #tpu.memory_space<hbm>>
      tpu.enqueue_dma source(%dma_start3A_2498 : memref<4x32x128xf32, #tpu.memory_space<hbm>>) target(%arg7 : memref<4x32x128xf32, #tpu.memory_space<vmem>>) target_semaphore(%arg14 : memref<!tpu.dma_semaphore, #tpu.memory_space<semaphore_mem>>)
    } else {
    }
    %dma_wait3A_719 = arith.constant 0 : i32
    %dma_wait3A_720 = arith.constant 0 : i32
    %dma_wait3A_721 = arith.constant 0 : i32
    %dma_wait3A_722 = tpu.memref_slice %arg3[%dma_wait3A_719, %dma_wait3A_720, %dma_wait3A_721] : memref<8192x32x128xf32, #tpu.memory_space<hbm>> -> memref<4x32x128xf32, #tpu.memory_space<hbm>>
    %dma_wait3A_723 = arith.constant 0 : i32
    %dma_wait3A_724 = arith.constant 0 : i32
    %dma_wait3A_725 = arith.constant 0 : i32
    %dma_wait3A_726 = tpu.memref_slice %arg3[%dma_wait3A_723, %dma_wait3A_724, %dma_wait3A_725] : memref<8192x32x128xf32, #tpu.memory_space<hbm>> -> memref<4x32x128xf32, #tpu.memory_space<hbm>>
    tpu.wait_dma2 semaphore(%arg17 : memref<!tpu.dma_semaphore, #tpu.memory_space<semaphore_mem>>) src(%dma_wait3A_726 : memref<4x32x128xf32, #tpu.memory_space<hbm>>) dst(%arg10 : memref<4x32x128xf32, #tpu.memory_space<vmem>>)
    %add3A_727 = arith.constant 68 : i32
    %add3A_728 = arith.addi %mul3A_2, %add3A_727 : i32
    %dma_start3A_729 = arith.constant 0 : i32
    %dma_start3A_730 = arith.constant 0 : i32
    %dma_start3A_731 = tpu.memref_slice %arg5[%add3A_728, %dma_start3A_729, %dma_start3A_730] : memref<8192x32x128xf32, #tpu.memory_space<hbm>> -> memref<4x32x128xf32, #tpu.memory_space<hbm>>
    %dma_start3A_732 = arith.constant 0 : i32
    %dma_start3A_733 = arith.constant 0 : i32
    %dma_start3A_734 = tpu.memref_slice %arg5[%add3A_728, %dma_start3A_732, %dma_start3A_733] : memref<8192x32x128xf32, #tpu.memory_space<hbm>> -> memref<4x32x128xf32, #tpu.memory_space<hbm>>
    tpu.enqueue_dma source(%arg10 : memref<4x32x128xf32, #tpu.memory_space<vmem>>) target(%dma_start3A_734 : memref<4x32x128xf32, #tpu.memory_space<hbm>>) target_semaphore(%arg24 : memref<!tpu.dma_semaphore, #tpu.memory_space<semaphore_mem>>)
    %add3A_735 = arith.constant 60 : i32
    %add3A_736 = arith.addi %mul3A_2, %add3A_735 : i32
    %dma_wait3A_737 = arith.constant 0 : i32
    %dma_wait3A_738 = arith.constant 0 : i32
    %dma_wait3A_739 = tpu.memref_slice %arg5[%add3A_736, %dma_wait3A_737, %dma_wait3A_738] : memref<8192x32x128xf32, #tpu.memory_space<hbm>> -> memref<4x32x128xf32, #tpu.memory_space<hbm>>
    %dma_wait3A_740 = arith.constant 0 : i32
    %dma_wait3A_741 = arith.constant 0 : i32
    %dma_wait3A_742 = tpu.memref_slice %arg5[%add3A_736, %dma_wait3A_740, %dma_wait3A_741] : memref<8192x32x128xf32, #tpu.memory_space<hbm>> -> memref<4x32x128xf32, #tpu.memory_space<hbm>>
    tpu.wait_dma2 semaphore(%arg22 : memref<!tpu.dma_semaphore, #tpu.memory_space<semaphore_mem>>) src(%arg8 : memref<4x32x128xf32, #tpu.memory_space<vmem>>) dst(%dma_wait3A_742 : memref<4x32x128xf32, #tpu.memory_space<hbm>>)
    %add3A_743 = arith.constant 88 : i32
    %add3A_744 = arith.addi %mul3A_2, %add3A_743 : i32
    %ge3A_745 = arith.cmpi sge, %add3A_744, %squeeze3A : i32
    %add3A_746 = arith.constant 4096 : i32
    %add3A_747 = arith.addi %squeeze3A, %add3A_746 : i32
    %lt3A_748 = arith.cmpi slt, %add3A_744, %add3A_747 : i32
    %and3A_749 = arith.andi %ge3A_745, %lt3A_748 : i1
    %convert_element_type3A_750 = arith.extui %and3A_749 : i1 to i32
    %cond3A_751 = arith.constant 0 : i32
    %cond3A_752 = arith.cmpi ne, %convert_element_type3A_750, %cond3A_751 : i32
    scf.if %cond3A_752 {
      %sub3A = arith.subi %add3A_744, %squeeze3A : i32
      %dma_start3A_2493 = arith.constant 0 : i32
      %dma_start3A_2494 = arith.constant 0 : i32
      %dma_start3A_2495 = tpu.memref_slice %arg4[%sub3A, %dma_start3A_2493, %dma_start3A_2494] : memref<4096x32x128xf32, #tpu.memory_space<hbm>> -> memref<4x32x128xf32, #tpu.memory_space<hbm>>
      %dma_start3A_2496 = arith.constant 0 : i32
      %dma_start3A_2497 = arith.constant 0 : i32
      %dma_start3A_2498 = tpu.memref_slice %arg4[%sub3A, %dma_start3A_2496, %dma_start3A_2497] : memref<4096x32x128xf32, #tpu.memory_space<hbm>> -> memref<4x32x128xf32, #tpu.memory_space<hbm>>
      tpu.enqueue_dma source(%dma_start3A_2498 : memref<4x32x128xf32, #tpu.memory_space<hbm>>) target(%arg8 : memref<4x32x128xf32, #tpu.memory_space<vmem>>) target_semaphore(%arg15 : memref<!tpu.dma_semaphore, #tpu.memory_space<semaphore_mem>>)
    } else {
    }
    %not3A_753 = arith.constant true
    %not3A_754 = arith.xori %and3A_749, %not3A_753 : i1
    %convert_element_type3A_755 = arith.extui %not3A_754 : i1 to i32
    %cond3A_756 = arith.constant 0 : i32
    %cond3A_757 = arith.cmpi ne, %convert_element_type3A_755, %cond3A_756 : i32
    scf.if %cond3A_757 {
      %dma_start3A_2493 = arith.constant 0 : i32
      %dma_start3A_2494 = arith.constant 0 : i32
      %dma_start3A_2495 = tpu.memref_slice %arg3[%add3A_744, %dma_start3A_2493, %dma_start3A_2494] : memref<8192x32x128xf32, #tpu.memory_space<hbm>> -> memref<4x32x128xf32, #tpu.memory_space<hbm>>
      %dma_start3A_2496 = arith.constant 0 : i32
      %dma_start3A_2497 = arith.constant 0 : i32
      %dma_start3A_2498 = tpu.memref_slice %arg3[%add3A_744, %dma_start3A_2496, %dma_start3A_2497] : memref<8192x32x128xf32, #tpu.memory_space<hbm>> -> memref<4x32x128xf32, #tpu.memory_space<hbm>>
      tpu.enqueue_dma source(%dma_start3A_2498 : memref<4x32x128xf32, #tpu.memory_space<hbm>>) target(%arg8 : memref<4x32x128xf32, #tpu.memory_space<vmem>>) target_semaphore(%arg15 : memref<!tpu.dma_semaphore, #tpu.memory_space<semaphore_mem>>)
    } else {
    }
    %dma_wait3A_758 = arith.constant 0 : i32
    %dma_wait3A_759 = arith.constant 0 : i32
    %dma_wait3A_760 = arith.constant 0 : i32
    %dma_wait3A_761 = tpu.memref_slice %arg3[%dma_wait3A_758, %dma_wait3A_759, %dma_wait3A_760] : memref<8192x32x128xf32, #tpu.memory_space<hbm>> -> memref<4x32x128xf32, #tpu.memory_space<hbm>>
    %dma_wait3A_762 = arith.constant 0 : i32
    %dma_wait3A_763 = arith.constant 0 : i32
    %dma_wait3A_764 = arith.constant 0 : i32
    %dma_wait3A_765 = tpu.memref_slice %arg3[%dma_wait3A_762, %dma_wait3A_763, %dma_wait3A_764] : memref<8192x32x128xf32, #tpu.memory_space<hbm>> -> memref<4x32x128xf32, #tpu.memory_space<hbm>>
    tpu.wait_dma2 semaphore(%arg18 : memref<!tpu.dma_semaphore, #tpu.memory_space<semaphore_mem>>) src(%dma_wait3A_765 : memref<4x32x128xf32, #tpu.memory_space<hbm>>) dst(%arg11 : memref<4x32x128xf32, #tpu.memory_space<vmem>>)
    %add3A_766 = arith.constant 72 : i32
    %add3A_767 = arith.addi %mul3A_2, %add3A_766 : i32
    %dma_start3A_768 = arith.constant 0 : i32
    %dma_start3A_769 = arith.constant 0 : i32
    %dma_start3A_770 = tpu.memref_slice %arg5[%add3A_767, %dma_start3A_768, %dma_start3A_769] : memref<8192x32x128xf32, #tpu.memory_space<hbm>> -> memref<4x32x128xf32, #tpu.memory_space<hbm>>
    %dma_start3A_771 = arith.constant 0 : i32
    %dma_start3A_772 = arith.constant 0 : i32
    %dma_start3A_773 = tpu.memref_slice %arg5[%add3A_767, %dma_start3A_771, %dma_start3A_772] : memref<8192x32x128xf32, #tpu.memory_space<hbm>> -> memref<4x32x128xf32, #tpu.memory_space<hbm>>
    tpu.enqueue_dma source(%arg11 : memref<4x32x128xf32, #tpu.memory_space<vmem>>) target(%dma_start3A_773 : memref<4x32x128xf32, #tpu.memory_space<hbm>>) target_semaphore(%arg25 : memref<!tpu.dma_semaphore, #tpu.memory_space<semaphore_mem>>)
    %add3A_774 = arith.constant 64 : i32
    %add3A_775 = arith.addi %mul3A_2, %add3A_774 : i32
    %dma_wait3A_776 = arith.constant 0 : i32
    %dma_wait3A_777 = arith.constant 0 : i32
    %dma_wait3A_778 = tpu.memref_slice %arg5[%add3A_775, %dma_wait3A_776, %dma_wait3A_777] : memref<8192x32x128xf32, #tpu.memory_space<hbm>> -> memref<4x32x128xf32, #tpu.memory_space<hbm>>
    %dma_wait3A_779 = arith.constant 0 : i32
    %dma_wait3A_780 = arith.constant 0 : i32
    %dma_wait3A_781 = tpu.memref_slice %arg5[%add3A_775, %dma_wait3A_779, %dma_wait3A_780] : memref<8192x32x128xf32, #tpu.memory_space<hbm>> -> memref<4x32x128xf32, #tpu.memory_space<hbm>>
    tpu.wait_dma2 semaphore(%arg23 : memref<!tpu.dma_semaphore, #tpu.memory_space<semaphore_mem>>) src(%arg9 : memref<4x32x128xf32, #tpu.memory_space<vmem>>) dst(%dma_wait3A_781 : memref<4x32x128xf32, #tpu.memory_space<hbm>>)
    %add3A_782 = arith.constant 92 : i32
    %add3A_783 = arith.addi %mul3A_2, %add3A_782 : i32
    %ge3A_784 = arith.cmpi sge, %add3A_783, %squeeze3A : i32
    %add3A_785 = arith.constant 4096 : i32
    %add3A_786 = arith.addi %squeeze3A, %add3A_785 : i32
    %lt3A_787 = arith.cmpi slt, %add3A_783, %add3A_786 : i32
    %and3A_788 = arith.andi %ge3A_784, %lt3A_787 : i1
    %convert_element_type3A_789 = arith.extui %and3A_788 : i1 to i32
    %cond3A_790 = arith.constant 0 : i32
    %cond3A_791 = arith.cmpi ne, %convert_element_type3A_789, %cond3A_790 : i32
    scf.if %cond3A_791 {
      %sub3A = arith.subi %add3A_783, %squeeze3A : i32
      %dma_start3A_2493 = arith.constant 0 : i32
      %dma_start3A_2494 = arith.constant 0 : i32
      %dma_start3A_2495 = tpu.memref_slice %arg4[%sub3A, %dma_start3A_2493, %dma_start3A_2494] : memref<4096x32x128xf32, #tpu.memory_space<hbm>> -> memref<4x32x128xf32, #tpu.memory_space<hbm>>
      %dma_start3A_2496 = arith.constant 0 : i32
      %dma_start3A_2497 = arith.constant 0 : i32
      %dma_start3A_2498 = tpu.memref_slice %arg4[%sub3A, %dma_start3A_2496, %dma_start3A_2497] : memref<4096x32x128xf32, #tpu.memory_space<hbm>> -> memref<4x32x128xf32, #tpu.memory_space<hbm>>
      tpu.enqueue_dma source(%dma_start3A_2498 : memref<4x32x128xf32, #tpu.memory_space<hbm>>) target(%arg9 : memref<4x32x128xf32, #tpu.memory_space<vmem>>) target_semaphore(%arg16 : memref<!tpu.dma_semaphore, #tpu.memory_space<semaphore_mem>>)
    } else {
    }
    %not3A_792 = arith.constant true
    %not3A_793 = arith.xori %and3A_788, %not3A_792 : i1
    %convert_element_type3A_794 = arith.extui %not3A_793 : i1 to i32
    %cond3A_795 = arith.constant 0 : i32
    %cond3A_796 = arith.cmpi ne, %convert_element_type3A_794, %cond3A_795 : i32
    scf.if %cond3A_796 {
      %dma_start3A_2493 = arith.constant 0 : i32
      %dma_start3A_2494 = arith.constant 0 : i32
      %dma_start3A_2495 = tpu.memref_slice %arg3[%add3A_783, %dma_start3A_2493, %dma_start3A_2494] : memref<8192x32x128xf32, #tpu.memory_space<hbm>> -> memref<4x32x128xf32, #tpu.memory_space<hbm>>
      %dma_start3A_2496 = arith.constant 0 : i32
      %dma_start3A_2497 = arith.constant 0 : i32
      %dma_start3A_2498 = tpu.memref_slice %arg3[%add3A_783, %dma_start3A_2496, %dma_start3A_2497] : memref<8192x32x128xf32, #tpu.memory_space<hbm>> -> memref<4x32x128xf32, #tpu.memory_space<hbm>>
      tpu.enqueue_dma source(%dma_start3A_2498 : memref<4x32x128xf32, #tpu.memory_space<hbm>>) target(%arg9 : memref<4x32x128xf32, #tpu.memory_space<vmem>>) target_semaphore(%arg16 : memref<!tpu.dma_semaphore, #tpu.memory_space<semaphore_mem>>)
    } else {
    }
    %dma_wait3A_797 = arith.constant 0 : i32
    %dma_wait3A_798 = arith.constant 0 : i32
    %dma_wait3A_799 = arith.constant 0 : i32
    %dma_wait3A_800 = tpu.memref_slice %arg3[%dma_wait3A_797, %dma_wait3A_798, %dma_wait3A_799] : memref<8192x32x128xf32, #tpu.memory_space<hbm>> -> memref<4x32x128xf32, #tpu.memory_space<hbm>>
    %dma_wait3A_801 = arith.constant 0 : i32
    %dma_wait3A_802 = arith.constant 0 : i32
    %dma_wait3A_803 = arith.constant 0 : i32
    %dma_wait3A_804 = tpu.memref_slice %arg3[%dma_wait3A_801, %dma_wait3A_802, %dma_wait3A_803] : memref<8192x32x128xf32, #tpu.memory_space<hbm>> -> memref<4x32x128xf32, #tpu.memory_space<hbm>>
    tpu.wait_dma2 semaphore(%arg19 : memref<!tpu.dma_semaphore, #tpu.memory_space<semaphore_mem>>) src(%dma_wait3A_804 : memref<4x32x128xf32, #tpu.memory_space<hbm>>) dst(%arg12 : memref<4x32x128xf32, #tpu.memory_space<vmem>>)
    %add3A_805 = arith.constant 76 : i32
    %add3A_806 = arith.addi %mul3A_2, %add3A_805 : i32
    %dma_start3A_807 = arith.constant 0 : i32
    %dma_start3A_808 = arith.constant 0 : i32
    %dma_start3A_809 = tpu.memref_slice %arg5[%add3A_806, %dma_start3A_807, %dma_start3A_808] : memref<8192x32x128xf32, #tpu.memory_space<hbm>> -> memref<4x32x128xf32, #tpu.memory_space<hbm>>
    %dma_start3A_810 = arith.constant 0 : i32
    %dma_start3A_811 = arith.constant 0 : i32
    %dma_start3A_812 = tpu.memref_slice %arg5[%add3A_806, %dma_start3A_810, %dma_start3A_811] : memref<8192x32x128xf32, #tpu.memory_space<hbm>> -> memref<4x32x128xf32, #tpu.memory_space<hbm>>
    tpu.enqueue_dma source(%arg12 : memref<4x32x128xf32, #tpu.memory_space<vmem>>) target(%dma_start3A_812 : memref<4x32x128xf32, #tpu.memory_space<hbm>>) target_semaphore(%arg26 : memref<!tpu.dma_semaphore, #tpu.memory_space<semaphore_mem>>)
    %add3A_813 = arith.constant 68 : i32
    %add3A_814 = arith.addi %mul3A_2, %add3A_813 : i32
    %dma_wait3A_815 = arith.constant 0 : i32
    %dma_wait3A_816 = arith.constant 0 : i32
    %dma_wait3A_817 = tpu.memref_slice %arg5[%add3A_814, %dma_wait3A_815, %dma_wait3A_816] : memref<8192x32x128xf32, #tpu.memory_space<hbm>> -> memref<4x32x128xf32, #tpu.memory_space<hbm>>
    %dma_wait3A_818 = arith.constant 0 : i32
    %dma_wait3A_819 = arith.constant 0 : i32
    %dma_wait3A_820 = tpu.memref_slice %arg5[%add3A_814, %dma_wait3A_818, %dma_wait3A_819] : memref<8192x32x128xf32, #tpu.memory_space<hbm>> -> memref<4x32x128xf32, #tpu.memory_space<hbm>>
    tpu.wait_dma2 semaphore(%arg24 : memref<!tpu.dma_semaphore, #tpu.memory_space<semaphore_mem>>) src(%arg10 : memref<4x32x128xf32, #tpu.memory_space<vmem>>) dst(%dma_wait3A_820 : memref<4x32x128xf32, #tpu.memory_space<hbm>>)
    %add3A_821 = arith.constant 96 : i32
    %add3A_822 = arith.addi %mul3A_2, %add3A_821 : i32
    %ge3A_823 = arith.cmpi sge, %add3A_822, %squeeze3A : i32
    %add3A_824 = arith.constant 4096 : i32
    %add3A_825 = arith.addi %squeeze3A, %add3A_824 : i32
    %lt3A_826 = arith.cmpi slt, %add3A_822, %add3A_825 : i32
    %and3A_827 = arith.andi %ge3A_823, %lt3A_826 : i1
    %convert_element_type3A_828 = arith.extui %and3A_827 : i1 to i32
    %cond3A_829 = arith.constant 0 : i32
    %cond3A_830 = arith.cmpi ne, %convert_element_type3A_828, %cond3A_829 : i32
    scf.if %cond3A_830 {
      %sub3A = arith.subi %add3A_822, %squeeze3A : i32
      %dma_start3A_2493 = arith.constant 0 : i32
      %dma_start3A_2494 = arith.constant 0 : i32
      %dma_start3A_2495 = tpu.memref_slice %arg4[%sub3A, %dma_start3A_2493, %dma_start3A_2494] : memref<4096x32x128xf32, #tpu.memory_space<hbm>> -> memref<4x32x128xf32, #tpu.memory_space<hbm>>
      %dma_start3A_2496 = arith.constant 0 : i32
      %dma_start3A_2497 = arith.constant 0 : i32
      %dma_start3A_2498 = tpu.memref_slice %arg4[%sub3A, %dma_start3A_2496, %dma_start3A_2497] : memref<4096x32x128xf32, #tpu.memory_space<hbm>> -> memref<4x32x128xf32, #tpu.memory_space<hbm>>
      tpu.enqueue_dma source(%dma_start3A_2498 : memref<4x32x128xf32, #tpu.memory_space<hbm>>) target(%arg10 : memref<4x32x128xf32, #tpu.memory_space<vmem>>) target_semaphore(%arg17 : memref<!tpu.dma_semaphore, #tpu.memory_space<semaphore_mem>>)
    } else {
    }
    %not3A_831 = arith.constant true
    %not3A_832 = arith.xori %and3A_827, %not3A_831 : i1
    %convert_element_type3A_833 = arith.extui %not3A_832 : i1 to i32
    %cond3A_834 = arith.constant 0 : i32
    %cond3A_835 = arith.cmpi ne, %convert_element_type3A_833, %cond3A_834 : i32
    scf.if %cond3A_835 {
      %dma_start3A_2493 = arith.constant 0 : i32
      %dma_start3A_2494 = arith.constant 0 : i32
      %dma_start3A_2495 = tpu.memref_slice %arg3[%add3A_822, %dma_start3A_2493, %dma_start3A_2494] : memref<8192x32x128xf32, #tpu.memory_space<hbm>> -> memref<4x32x128xf32, #tpu.memory_space<hbm>>
      %dma_start3A_2496 = arith.constant 0 : i32
      %dma_start3A_2497 = arith.constant 0 : i32
      %dma_start3A_2498 = tpu.memref_slice %arg3[%add3A_822, %dma_start3A_2496, %dma_start3A_2497] : memref<8192x32x128xf32, #tpu.memory_space<hbm>> -> memref<4x32x128xf32, #tpu.memory_space<hbm>>
      tpu.enqueue_dma source(%dma_start3A_2498 : memref<4x32x128xf32, #tpu.memory_space<hbm>>) target(%arg10 : memref<4x32x128xf32, #tpu.memory_space<vmem>>) target_semaphore(%arg17 : memref<!tpu.dma_semaphore, #tpu.memory_space<semaphore_mem>>)
    } else {
    }
    %dma_wait3A_836 = arith.constant 0 : i32
    %dma_wait3A_837 = arith.constant 0 : i32
    %dma_wait3A_838 = arith.constant 0 : i32
    %dma_wait3A_839 = tpu.memref_slice %arg3[%dma_wait3A_836, %dma_wait3A_837, %dma_wait3A_838] : memref<8192x32x128xf32, #tpu.memory_space<hbm>> -> memref<4x32x128xf32, #tpu.memory_space<hbm>>
    %dma_wait3A_840 = arith.constant 0 : i32
    %dma_wait3A_841 = arith.constant 0 : i32
    %dma_wait3A_842 = arith.constant 0 : i32
    %dma_wait3A_843 = tpu.memref_slice %arg3[%dma_wait3A_840, %dma_wait3A_841, %dma_wait3A_842] : memref<8192x32x128xf32, #tpu.memory_space<hbm>> -> memref<4x32x128xf32, #tpu.memory_space<hbm>>
    tpu.wait_dma2 semaphore(%arg20 : memref<!tpu.dma_semaphore, #tpu.memory_space<semaphore_mem>>) src(%dma_wait3A_843 : memref<4x32x128xf32, #tpu.memory_space<hbm>>) dst(%arg13 : memref<4x32x128xf32, #tpu.memory_space<vmem>>)
    %add3A_844 = arith.constant 80 : i32
    %add3A_845 = arith.addi %mul3A_2, %add3A_844 : i32
    %dma_start3A_846 = arith.constant 0 : i32
    %dma_start3A_847 = arith.constant 0 : i32
    %dma_start3A_848 = tpu.memref_slice %arg5[%add3A_845, %dma_start3A_846, %dma_start3A_847] : memref<8192x32x128xf32, #tpu.memory_space<hbm>> -> memref<4x32x128xf32, #tpu.memory_space<hbm>>
    %dma_start3A_849 = arith.constant 0 : i32
    %dma_start3A_850 = arith.constant 0 : i32
    %dma_start3A_851 = tpu.memref_slice %arg5[%add3A_845, %dma_start3A_849, %dma_start3A_850] : memref<8192x32x128xf32, #tpu.memory_space<hbm>> -> memref<4x32x128xf32, #tpu.memory_space<hbm>>
    tpu.enqueue_dma source(%arg13 : memref<4x32x128xf32, #tpu.memory_space<vmem>>) target(%dma_start3A_851 : memref<4x32x128xf32, #tpu.memory_space<hbm>>) target_semaphore(%arg27 : memref<!tpu.dma_semaphore, #tpu.memory_space<semaphore_mem>>)
    %add3A_852 = arith.constant 72 : i32
    %add3A_853 = arith.addi %mul3A_2, %add3A_852 : i32
    %dma_wait3A_854 = arith.constant 0 : i32
    %dma_wait3A_855 = arith.constant 0 : i32
    %dma_wait3A_856 = tpu.memref_slice %arg5[%add3A_853, %dma_wait3A_854, %dma_wait3A_855] : memref<8192x32x128xf32, #tpu.memory_space<hbm>> -> memref<4x32x128xf32, #tpu.memory_space<hbm>>
    %dma_wait3A_857 = arith.constant 0 : i32
    %dma_wait3A_858 = arith.constant 0 : i32
    %dma_wait3A_859 = tpu.memref_slice %arg5[%add3A_853, %dma_wait3A_857, %dma_wait3A_858] : memref<8192x32x128xf32, #tpu.memory_space<hbm>> -> memref<4x32x128xf32, #tpu.memory_space<hbm>>
    tpu.wait_dma2 semaphore(%arg25 : memref<!tpu.dma_semaphore, #tpu.memory_space<semaphore_mem>>) src(%arg11 : memref<4x32x128xf32, #tpu.memory_space<vmem>>) dst(%dma_wait3A_859 : memref<4x32x128xf32, #tpu.memory_space<hbm>>)
    %add3A_860 = arith.constant 100 : i32
    %add3A_861 = arith.addi %mul3A_2, %add3A_860 : i32
    %ge3A_862 = arith.cmpi sge, %add3A_861, %squeeze3A : i32
    %add3A_863 = arith.constant 4096 : i32
    %add3A_864 = arith.addi %squeeze3A, %add3A_863 : i32
    %lt3A_865 = arith.cmpi slt, %add3A_861, %add3A_864 : i32
    %and3A_866 = arith.andi %ge3A_862, %lt3A_865 : i1
    %convert_element_type3A_867 = arith.extui %and3A_866 : i1 to i32
    %cond3A_868 = arith.constant 0 : i32
    %cond3A_869 = arith.cmpi ne, %convert_element_type3A_867, %cond3A_868 : i32
    scf.if %cond3A_869 {
      %sub3A = arith.subi %add3A_861, %squeeze3A : i32
      %dma_start3A_2493 = arith.constant 0 : i32
      %dma_start3A_2494 = arith.constant 0 : i32
      %dma_start3A_2495 = tpu.memref_slice %arg4[%sub3A, %dma_start3A_2493, %dma_start3A_2494] : memref<4096x32x128xf32, #tpu.memory_space<hbm>> -> memref<4x32x128xf32, #tpu.memory_space<hbm>>
      %dma_start3A_2496 = arith.constant 0 : i32
      %dma_start3A_2497 = arith.constant 0 : i32
      %dma_start3A_2498 = tpu.memref_slice %arg4[%sub3A, %dma_start3A_2496, %dma_start3A_2497] : memref<4096x32x128xf32, #tpu.memory_space<hbm>> -> memref<4x32x128xf32, #tpu.memory_space<hbm>>
      tpu.enqueue_dma source(%dma_start3A_2498 : memref<4x32x128xf32, #tpu.memory_space<hbm>>) target(%arg11 : memref<4x32x128xf32, #tpu.memory_space<vmem>>) target_semaphore(%arg18 : memref<!tpu.dma_semaphore, #tpu.memory_space<semaphore_mem>>)
    } else {
    }
    %not3A_870 = arith.constant true
    %not3A_871 = arith.xori %and3A_866, %not3A_870 : i1
    %convert_element_type3A_872 = arith.extui %not3A_871 : i1 to i32
    %cond3A_873 = arith.constant 0 : i32
    %cond3A_874 = arith.cmpi ne, %convert_element_type3A_872, %cond3A_873 : i32
    scf.if %cond3A_874 {
      %dma_start3A_2493 = arith.constant 0 : i32
      %dma_start3A_2494 = arith.constant 0 : i32
      %dma_start3A_2495 = tpu.memref_slice %arg3[%add3A_861, %dma_start3A_2493, %dma_start3A_2494] : memref<8192x32x128xf32, #tpu.memory_space<hbm>> -> memref<4x32x128xf32, #tpu.memory_space<hbm>>
      %dma_start3A_2496 = arith.constant 0 : i32
      %dma_start3A_2497 = arith.constant 0 : i32
      %dma_start3A_2498 = tpu.memref_slice %arg3[%add3A_861, %dma_start3A_2496, %dma_start3A_2497] : memref<8192x32x128xf32, #tpu.memory_space<hbm>> -> memref<4x32x128xf32, #tpu.memory_space<hbm>>
      tpu.enqueue_dma source(%dma_start3A_2498 : memref<4x32x128xf32, #tpu.memory_space<hbm>>) target(%arg11 : memref<4x32x128xf32, #tpu.memory_space<vmem>>) target_semaphore(%arg18 : memref<!tpu.dma_semaphore, #tpu.memory_space<semaphore_mem>>)
    } else {
    }
    %dma_wait3A_875 = arith.constant 0 : i32
    %dma_wait3A_876 = arith.constant 0 : i32
    %dma_wait3A_877 = arith.constant 0 : i32
    %dma_wait3A_878 = tpu.memref_slice %arg3[%dma_wait3A_875, %dma_wait3A_876, %dma_wait3A_877] : memref<8192x32x128xf32, #tpu.memory_space<hbm>> -> memref<4x32x128xf32, #tpu.memory_space<hbm>>
    %dma_wait3A_879 = arith.constant 0 : i32
    %dma_wait3A_880 = arith.constant 0 : i32
    %dma_wait3A_881 = arith.constant 0 : i32
    %dma_wait3A_882 = tpu.memref_slice %arg3[%dma_wait3A_879, %dma_wait3A_880, %dma_wait3A_881] : memref<8192x32x128xf32, #tpu.memory_space<hbm>> -> memref<4x32x128xf32, #tpu.memory_space<hbm>>
    tpu.wait_dma2 semaphore(%arg14 : memref<!tpu.dma_semaphore, #tpu.memory_space<semaphore_mem>>) src(%dma_wait3A_882 : memref<4x32x128xf32, #tpu.memory_space<hbm>>) dst(%arg7 : memref<4x32x128xf32, #tpu.memory_space<vmem>>)
    %add3A_883 = arith.constant 84 : i32
    %add3A_884 = arith.addi %mul3A_2, %add3A_883 : i32
    %dma_start3A_885 = arith.constant 0 : i32
    %dma_start3A_886 = arith.constant 0 : i32
    %dma_start3A_887 = tpu.memref_slice %arg5[%add3A_884, %dma_start3A_885, %dma_start3A_886] : memref<8192x32x128xf32, #tpu.memory_space<hbm>> -> memref<4x32x128xf32, #tpu.memory_space<hbm>>
    %dma_start3A_888 = arith.constant 0 : i32
    %dma_start3A_889 = arith.constant 0 : i32
    %dma_start3A_890 = tpu.memref_slice %arg5[%add3A_884, %dma_start3A_888, %dma_start3A_889] : memref<8192x32x128xf32, #tpu.memory_space<hbm>> -> memref<4x32x128xf32, #tpu.memory_space<hbm>>
    tpu.enqueue_dma source(%arg7 : memref<4x32x128xf32, #tpu.memory_space<vmem>>) target(%dma_start3A_890 : memref<4x32x128xf32, #tpu.memory_space<hbm>>) target_semaphore(%arg21 : memref<!tpu.dma_semaphore, #tpu.memory_space<semaphore_mem>>)
    %add3A_891 = arith.constant 76 : i32
    %add3A_892 = arith.addi %mul3A_2, %add3A_891 : i32
    %dma_wait3A_893 = arith.constant 0 : i32
    %dma_wait3A_894 = arith.constant 0 : i32
    %dma_wait3A_895 = tpu.memref_slice %arg5[%add3A_892, %dma_wait3A_893, %dma_wait3A_894] : memref<8192x32x128xf32, #tpu.memory_space<hbm>> -> memref<4x32x128xf32, #tpu.memory_space<hbm>>
    %dma_wait3A_896 = arith.constant 0 : i32
    %dma_wait3A_897 = arith.constant 0 : i32
    %dma_wait3A_898 = tpu.memref_slice %arg5[%add3A_892, %dma_wait3A_896, %dma_wait3A_897] : memref<8192x32x128xf32, #tpu.memory_space<hbm>> -> memref<4x32x128xf32, #tpu.memory_space<hbm>>
    tpu.wait_dma2 semaphore(%arg26 : memref<!tpu.dma_semaphore, #tpu.memory_space<semaphore_mem>>) src(%arg12 : memref<4x32x128xf32, #tpu.memory_space<vmem>>) dst(%dma_wait3A_898 : memref<4x32x128xf32, #tpu.memory_space<hbm>>)
    %add3A_899 = arith.constant 104 : i32
    %add3A_900 = arith.addi %mul3A_2, %add3A_899 : i32
    %ge3A_901 = arith.cmpi sge, %add3A_900, %squeeze3A : i32
    %add3A_902 = arith.constant 4096 : i32
    %add3A_903 = arith.addi %squeeze3A, %add3A_902 : i32
    %lt3A_904 = arith.cmpi slt, %add3A_900, %add3A_903 : i32
    %and3A_905 = arith.andi %ge3A_901, %lt3A_904 : i1
    %convert_element_type3A_906 = arith.extui %and3A_905 : i1 to i32
    %cond3A_907 = arith.constant 0 : i32
    %cond3A_908 = arith.cmpi ne, %convert_element_type3A_906, %cond3A_907 : i32
    scf.if %cond3A_908 {
      %sub3A = arith.subi %add3A_900, %squeeze3A : i32
      %dma_start3A_2493 = arith.constant 0 : i32
      %dma_start3A_2494 = arith.constant 0 : i32
      %dma_start3A_2495 = tpu.memref_slice %arg4[%sub3A, %dma_start3A_2493, %dma_start3A_2494] : memref<4096x32x128xf32, #tpu.memory_space<hbm>> -> memref<4x32x128xf32, #tpu.memory_space<hbm>>
      %dma_start3A_2496 = arith.constant 0 : i32
      %dma_start3A_2497 = arith.constant 0 : i32
      %dma_start3A_2498 = tpu.memref_slice %arg4[%sub3A, %dma_start3A_2496, %dma_start3A_2497] : memref<4096x32x128xf32, #tpu.memory_space<hbm>> -> memref<4x32x128xf32, #tpu.memory_space<hbm>>
      tpu.enqueue_dma source(%dma_start3A_2498 : memref<4x32x128xf32, #tpu.memory_space<hbm>>) target(%arg12 : memref<4x32x128xf32, #tpu.memory_space<vmem>>) target_semaphore(%arg19 : memref<!tpu.dma_semaphore, #tpu.memory_space<semaphore_mem>>)
    } else {
    }
    %not3A_909 = arith.constant true
    %not3A_910 = arith.xori %and3A_905, %not3A_909 : i1
    %convert_element_type3A_911 = arith.extui %not3A_910 : i1 to i32
    %cond3A_912 = arith.constant 0 : i32
    %cond3A_913 = arith.cmpi ne, %convert_element_type3A_911, %cond3A_912 : i32
    scf.if %cond3A_913 {
      %dma_start3A_2493 = arith.constant 0 : i32
      %dma_start3A_2494 = arith.constant 0 : i32
      %dma_start3A_2495 = tpu.memref_slice %arg3[%add3A_900, %dma_start3A_2493, %dma_start3A_2494] : memref<8192x32x128xf32, #tpu.memory_space<hbm>> -> memref<4x32x128xf32, #tpu.memory_space<hbm>>
      %dma_start3A_2496 = arith.constant 0 : i32
      %dma_start3A_2497 = arith.constant 0 : i32
      %dma_start3A_2498 = tpu.memref_slice %arg3[%add3A_900, %dma_start3A_2496, %dma_start3A_2497] : memref<8192x32x128xf32, #tpu.memory_space<hbm>> -> memref<4x32x128xf32, #tpu.memory_space<hbm>>
      tpu.enqueue_dma source(%dma_start3A_2498 : memref<4x32x128xf32, #tpu.memory_space<hbm>>) target(%arg12 : memref<4x32x128xf32, #tpu.memory_space<vmem>>) target_semaphore(%arg19 : memref<!tpu.dma_semaphore, #tpu.memory_space<semaphore_mem>>)
    } else {
    }
    %dma_wait3A_914 = arith.constant 0 : i32
    %dma_wait3A_915 = arith.constant 0 : i32
    %dma_wait3A_916 = arith.constant 0 : i32
    %dma_wait3A_917 = tpu.memref_slice %arg3[%dma_wait3A_914, %dma_wait3A_915, %dma_wait3A_916] : memref<8192x32x128xf32, #tpu.memory_space<hbm>> -> memref<4x32x128xf32, #tpu.memory_space<hbm>>
    %dma_wait3A_918 = arith.constant 0 : i32
    %dma_wait3A_919 = arith.constant 0 : i32
    %dma_wait3A_920 = arith.constant 0 : i32
    %dma_wait3A_921 = tpu.memref_slice %arg3[%dma_wait3A_918, %dma_wait3A_919, %dma_wait3A_920] : memref<8192x32x128xf32, #tpu.memory_space<hbm>> -> memref<4x32x128xf32, #tpu.memory_space<hbm>>
    tpu.wait_dma2 semaphore(%arg15 : memref<!tpu.dma_semaphore, #tpu.memory_space<semaphore_mem>>) src(%dma_wait3A_921 : memref<4x32x128xf32, #tpu.memory_space<hbm>>) dst(%arg8 : memref<4x32x128xf32, #tpu.memory_space<vmem>>)
    %add3A_922 = arith.constant 88 : i32
    %add3A_923 = arith.addi %mul3A_2, %add3A_922 : i32
    %dma_start3A_924 = arith.constant 0 : i32
    %dma_start3A_925 = arith.constant 0 : i32
    %dma_start3A_926 = tpu.memref_slice %arg5[%add3A_923, %dma_start3A_924, %dma_start3A_925] : memref<8192x32x128xf32, #tpu.memory_space<hbm>> -> memref<4x32x128xf32, #tpu.memory_space<hbm>>
    %dma_start3A_927 = arith.constant 0 : i32
    %dma_start3A_928 = arith.constant 0 : i32
    %dma_start3A_929 = tpu.memref_slice %arg5[%add3A_923, %dma_start3A_927, %dma_start3A_928] : memref<8192x32x128xf32, #tpu.memory_space<hbm>> -> memref<4x32x128xf32, #tpu.memory_space<hbm>>
    tpu.enqueue_dma source(%arg8 : memref<4x32x128xf32, #tpu.memory_space<vmem>>) target(%dma_start3A_929 : memref<4x32x128xf32, #tpu.memory_space<hbm>>) target_semaphore(%arg22 : memref<!tpu.dma_semaphore, #tpu.memory_space<semaphore_mem>>)
    %add3A_930 = arith.constant 80 : i32
    %add3A_931 = arith.addi %mul3A_2, %add3A_930 : i32
    %dma_wait3A_932 = arith.constant 0 : i32
    %dma_wait3A_933 = arith.constant 0 : i32
    %dma_wait3A_934 = tpu.memref_slice %arg5[%add3A_931, %dma_wait3A_932, %dma_wait3A_933] : memref<8192x32x128xf32, #tpu.memory_space<hbm>> -> memref<4x32x128xf32, #tpu.memory_space<hbm>>
    %dma_wait3A_935 = arith.constant 0 : i32
    %dma_wait3A_936 = arith.constant 0 : i32
    %dma_wait3A_937 = tpu.memref_slice %arg5[%add3A_931, %dma_wait3A_935, %dma_wait3A_936] : memref<8192x32x128xf32, #tpu.memory_space<hbm>> -> memref<4x32x128xf32, #tpu.memory_space<hbm>>
    tpu.wait_dma2 semaphore(%arg27 : memref<!tpu.dma_semaphore, #tpu.memory_space<semaphore_mem>>) src(%arg13 : memref<4x32x128xf32, #tpu.memory_space<vmem>>) dst(%dma_wait3A_937 : memref<4x32x128xf32, #tpu.memory_space<hbm>>)
    %add3A_938 = arith.constant 108 : i32
    %add3A_939 = arith.addi %mul3A_2, %add3A_938 : i32
    %ge3A_940 = arith.cmpi sge, %add3A_939, %squeeze3A : i32
    %add3A_941 = arith.constant 4096 : i32
    %add3A_942 = arith.addi %squeeze3A, %add3A_941 : i32
    %lt3A_943 = arith.cmpi slt, %add3A_939, %add3A_942 : i32
    %and3A_944 = arith.andi %ge3A_940, %lt3A_943 : i1
    %convert_element_type3A_945 = arith.extui %and3A_944 : i1 to i32
    %cond3A_946 = arith.constant 0 : i32
    %cond3A_947 = arith.cmpi ne, %convert_element_type3A_945, %cond3A_946 : i32
    scf.if %cond3A_947 {
      %sub3A = arith.subi %add3A_939, %squeeze3A : i32
      %dma_start3A_2493 = arith.constant 0 : i32
      %dma_start3A_2494 = arith.constant 0 : i32
      %dma_start3A_2495 = tpu.memref_slice %arg4[%sub3A, %dma_start3A_2493, %dma_start3A_2494] : memref<4096x32x128xf32, #tpu.memory_space<hbm>> -> memref<4x32x128xf32, #tpu.memory_space<hbm>>
      %dma_start3A_2496 = arith.constant 0 : i32
      %dma_start3A_2497 = arith.constant 0 : i32
      %dma_start3A_2498 = tpu.memref_slice %arg4[%sub3A, %dma_start3A_2496, %dma_start3A_2497] : memref<4096x32x128xf32, #tpu.memory_space<hbm>> -> memref<4x32x128xf32, #tpu.memory_space<hbm>>
      tpu.enqueue_dma source(%dma_start3A_2498 : memref<4x32x128xf32, #tpu.memory_space<hbm>>) target(%arg13 : memref<4x32x128xf32, #tpu.memory_space<vmem>>) target_semaphore(%arg20 : memref<!tpu.dma_semaphore, #tpu.memory_space<semaphore_mem>>)
    } else {
    }
    %not3A_948 = arith.constant true
    %not3A_949 = arith.xori %and3A_944, %not3A_948 : i1
    %convert_element_type3A_950 = arith.extui %not3A_949 : i1 to i32
    %cond3A_951 = arith.constant 0 : i32
    %cond3A_952 = arith.cmpi ne, %convert_element_type3A_950, %cond3A_951 : i32
    scf.if %cond3A_952 {
      %dma_start3A_2493 = arith.constant 0 : i32
      %dma_start3A_2494 = arith.constant 0 : i32
      %dma_start3A_2495 = tpu.memref_slice %arg3[%add3A_939, %dma_start3A_2493, %dma_start3A_2494] : memref<8192x32x128xf32, #tpu.memory_space<hbm>> -> memref<4x32x128xf32, #tpu.memory_space<hbm>>
      %dma_start3A_2496 = arith.constant 0 : i32
      %dma_start3A_2497 = arith.constant 0 : i32
      %dma_start3A_2498 = tpu.memref_slice %arg3[%add3A_939, %dma_start3A_2496, %dma_start3A_2497] : memref<8192x32x128xf32, #tpu.memory_space<hbm>> -> memref<4x32x128xf32, #tpu.memory_space<hbm>>
      tpu.enqueue_dma source(%dma_start3A_2498 : memref<4x32x128xf32, #tpu.memory_space<hbm>>) target(%arg13 : memref<4x32x128xf32, #tpu.memory_space<vmem>>) target_semaphore(%arg20 : memref<!tpu.dma_semaphore, #tpu.memory_space<semaphore_mem>>)
    } else {
    }
    %dma_wait3A_953 = arith.constant 0 : i32
    %dma_wait3A_954 = arith.constant 0 : i32
    %dma_wait3A_955 = arith.constant 0 : i32
    %dma_wait3A_956 = tpu.memref_slice %arg3[%dma_wait3A_953, %dma_wait3A_954, %dma_wait3A_955] : memref<8192x32x128xf32, #tpu.memory_space<hbm>> -> memref<4x32x128xf32, #tpu.memory_space<hbm>>
    %dma_wait3A_957 = arith.constant 0 : i32
    %dma_wait3A_958 = arith.constant 0 : i32
    %dma_wait3A_959 = arith.constant 0 : i32
    %dma_wait3A_960 = tpu.memref_slice %arg3[%dma_wait3A_957, %dma_wait3A_958, %dma_wait3A_959] : memref<8192x32x128xf32, #tpu.memory_space<hbm>> -> memref<4x32x128xf32, #tpu.memory_space<hbm>>
    tpu.wait_dma2 semaphore(%arg16 : memref<!tpu.dma_semaphore, #tpu.memory_space<semaphore_mem>>) src(%dma_wait3A_960 : memref<4x32x128xf32, #tpu.memory_space<hbm>>) dst(%arg9 : memref<4x32x128xf32, #tpu.memory_space<vmem>>)
    %add3A_961 = arith.constant 92 : i32
    %add3A_962 = arith.addi %mul3A_2, %add3A_961 : i32
    %dma_start3A_963 = arith.constant 0 : i32
    %dma_start3A_964 = arith.constant 0 : i32
    %dma_start3A_965 = tpu.memref_slice %arg5[%add3A_962, %dma_start3A_963, %dma_start3A_964] : memref<8192x32x128xf32, #tpu.memory_space<hbm>> -> memref<4x32x128xf32, #tpu.memory_space<hbm>>
    %dma_start3A_966 = arith.constant 0 : i32
    %dma_start3A_967 = arith.constant 0 : i32
    %dma_start3A_968 = tpu.memref_slice %arg5[%add3A_962, %dma_start3A_966, %dma_start3A_967] : memref<8192x32x128xf32, #tpu.memory_space<hbm>> -> memref<4x32x128xf32, #tpu.memory_space<hbm>>
    tpu.enqueue_dma source(%arg9 : memref<4x32x128xf32, #tpu.memory_space<vmem>>) target(%dma_start3A_968 : memref<4x32x128xf32, #tpu.memory_space<hbm>>) target_semaphore(%arg23 : memref<!tpu.dma_semaphore, #tpu.memory_space<semaphore_mem>>)
    %add3A_969 = arith.constant 84 : i32
    %add3A_970 = arith.addi %mul3A_2, %add3A_969 : i32
    %dma_wait3A_971 = arith.constant 0 : i32
    %dma_wait3A_972 = arith.constant 0 : i32
    %dma_wait3A_973 = tpu.memref_slice %arg5[%add3A_970, %dma_wait3A_971, %dma_wait3A_972] : memref<8192x32x128xf32, #tpu.memory_space<hbm>> -> memref<4x32x128xf32, #tpu.memory_space<hbm>>
    %dma_wait3A_974 = arith.constant 0 : i32
    %dma_wait3A_975 = arith.constant 0 : i32
    %dma_wait3A_976 = tpu.memref_slice %arg5[%add3A_970, %dma_wait3A_974, %dma_wait3A_975] : memref<8192x32x128xf32, #tpu.memory_space<hbm>> -> memref<4x32x128xf32, #tpu.memory_space<hbm>>
    tpu.wait_dma2 semaphore(%arg21 : memref<!tpu.dma_semaphore, #tpu.memory_space<semaphore_mem>>) src(%arg7 : memref<4x32x128xf32, #tpu.memory_space<vmem>>) dst(%dma_wait3A_976 : memref<4x32x128xf32, #tpu.memory_space<hbm>>)
    %add3A_977 = arith.constant 112 : i32
    %add3A_978 = arith.addi %mul3A_2, %add3A_977 : i32
    %ge3A_979 = arith.cmpi sge, %add3A_978, %squeeze3A : i32
    %add3A_980 = arith.constant 4096 : i32
    %add3A_981 = arith.addi %squeeze3A, %add3A_980 : i32
    %lt3A_982 = arith.cmpi slt, %add3A_978, %add3A_981 : i32
    %and3A_983 = arith.andi %ge3A_979, %lt3A_982 : i1
    %convert_element_type3A_984 = arith.extui %and3A_983 : i1 to i32
    %cond3A_985 = arith.constant 0 : i32
    %cond3A_986 = arith.cmpi ne, %convert_element_type3A_984, %cond3A_985 : i32
    scf.if %cond3A_986 {
      %sub3A = arith.subi %add3A_978, %squeeze3A : i32
      %dma_start3A_2493 = arith.constant 0 : i32
      %dma_start3A_2494 = arith.constant 0 : i32
      %dma_start3A_2495 = tpu.memref_slice %arg4[%sub3A, %dma_start3A_2493, %dma_start3A_2494] : memref<4096x32x128xf32, #tpu.memory_space<hbm>> -> memref<4x32x128xf32, #tpu.memory_space<hbm>>
      %dma_start3A_2496 = arith.constant 0 : i32
      %dma_start3A_2497 = arith.constant 0 : i32
      %dma_start3A_2498 = tpu.memref_slice %arg4[%sub3A, %dma_start3A_2496, %dma_start3A_2497] : memref<4096x32x128xf32, #tpu.memory_space<hbm>> -> memref<4x32x128xf32, #tpu.memory_space<hbm>>
      tpu.enqueue_dma source(%dma_start3A_2498 : memref<4x32x128xf32, #tpu.memory_space<hbm>>) target(%arg7 : memref<4x32x128xf32, #tpu.memory_space<vmem>>) target_semaphore(%arg14 : memref<!tpu.dma_semaphore, #tpu.memory_space<semaphore_mem>>)
    } else {
    }
    %not3A_987 = arith.constant true
    %not3A_988 = arith.xori %and3A_983, %not3A_987 : i1
    %convert_element_type3A_989 = arith.extui %not3A_988 : i1 to i32
    %cond3A_990 = arith.constant 0 : i32
    %cond3A_991 = arith.cmpi ne, %convert_element_type3A_989, %cond3A_990 : i32
    scf.if %cond3A_991 {
      %dma_start3A_2493 = arith.constant 0 : i32
      %dma_start3A_2494 = arith.constant 0 : i32
      %dma_start3A_2495 = tpu.memref_slice %arg3[%add3A_978, %dma_start3A_2493, %dma_start3A_2494] : memref<8192x32x128xf32, #tpu.memory_space<hbm>> -> memref<4x32x128xf32, #tpu.memory_space<hbm>>
      %dma_start3A_2496 = arith.constant 0 : i32
      %dma_start3A_2497 = arith.constant 0 : i32
      %dma_start3A_2498 = tpu.memref_slice %arg3[%add3A_978, %dma_start3A_2496, %dma_start3A_2497] : memref<8192x32x128xf32, #tpu.memory_space<hbm>> -> memref<4x32x128xf32, #tpu.memory_space<hbm>>
      tpu.enqueue_dma source(%dma_start3A_2498 : memref<4x32x128xf32, #tpu.memory_space<hbm>>) target(%arg7 : memref<4x32x128xf32, #tpu.memory_space<vmem>>) target_semaphore(%arg14 : memref<!tpu.dma_semaphore, #tpu.memory_space<semaphore_mem>>)
    } else {
    }
    %dma_wait3A_992 = arith.constant 0 : i32
    %dma_wait3A_993 = arith.constant 0 : i32
    %dma_wait3A_994 = arith.constant 0 : i32
    %dma_wait3A_995 = tpu.memref_slice %arg3[%dma_wait3A_992, %dma_wait3A_993, %dma_wait3A_994] : memref<8192x32x128xf32, #tpu.memory_space<hbm>> -> memref<4x32x128xf32, #tpu.memory_space<hbm>>
    %dma_wait3A_996 = arith.constant 0 : i32
    %dma_wait3A_997 = arith.constant 0 : i32
    %dma_wait3A_998 = arith.constant 0 : i32
    %dma_wait3A_999 = tpu.memref_slice %arg3[%dma_wait3A_996, %dma_wait3A_997, %dma_wait3A_998] : memref<8192x32x128xf32, #tpu.memory_space<hbm>> -> memref<4x32x128xf32, #tpu.memory_space<hbm>>
    tpu.wait_dma2 semaphore(%arg17 : memref<!tpu.dma_semaphore, #tpu.memory_space<semaphore_mem>>) src(%dma_wait3A_999 : memref<4x32x128xf32, #tpu.memory_space<hbm>>) dst(%arg10 : memref<4x32x128xf32, #tpu.memory_space<vmem>>)
    %add3A_1000 = arith.constant 96 : i32
    %add3A_1001 = arith.addi %mul3A_2, %add3A_1000 : i32
    %dma_start3A_1002 = arith.constant 0 : i32
    %dma_start3A_1003 = arith.constant 0 : i32
    %dma_start3A_1004 = tpu.memref_slice %arg5[%add3A_1001, %dma_start3A_1002, %dma_start3A_1003] : memref<8192x32x128xf32, #tpu.memory_space<hbm>> -> memref<4x32x128xf32, #tpu.memory_space<hbm>>
    %dma_start3A_1005 = arith.constant 0 : i32
    %dma_start3A_1006 = arith.constant 0 : i32
    %dma_start3A_1007 = tpu.memref_slice %arg5[%add3A_1001, %dma_start3A_1005, %dma_start3A_1006] : memref<8192x32x128xf32, #tpu.memory_space<hbm>> -> memref<4x32x128xf32, #tpu.memory_space<hbm>>
    tpu.enqueue_dma source(%arg10 : memref<4x32x128xf32, #tpu.memory_space<vmem>>) target(%dma_start3A_1007 : memref<4x32x128xf32, #tpu.memory_space<hbm>>) target_semaphore(%arg24 : memref<!tpu.dma_semaphore, #tpu.memory_space<semaphore_mem>>)
    %add3A_1008 = arith.constant 88 : i32
    %add3A_1009 = arith.addi %mul3A_2, %add3A_1008 : i32
    %dma_wait3A_1010 = arith.constant 0 : i32
    %dma_wait3A_1011 = arith.constant 0 : i32
    %dma_wait3A_1012 = tpu.memref_slice %arg5[%add3A_1009, %dma_wait3A_1010, %dma_wait3A_1011] : memref<8192x32x128xf32, #tpu.memory_space<hbm>> -> memref<4x32x128xf32, #tpu.memory_space<hbm>>
    %dma_wait3A_1013 = arith.constant 0 : i32
    %dma_wait3A_1014 = arith.constant 0 : i32
    %dma_wait3A_1015 = tpu.memref_slice %arg5[%add3A_1009, %dma_wait3A_1013, %dma_wait3A_1014] : memref<8192x32x128xf32, #tpu.memory_space<hbm>> -> memref<4x32x128xf32, #tpu.memory_space<hbm>>
    tpu.wait_dma2 semaphore(%arg22 : memref<!tpu.dma_semaphore, #tpu.memory_space<semaphore_mem>>) src(%arg8 : memref<4x32x128xf32, #tpu.memory_space<vmem>>) dst(%dma_wait3A_1015 : memref<4x32x128xf32, #tpu.memory_space<hbm>>)
    %add3A_1016 = arith.constant 116 : i32
    %add3A_1017 = arith.addi %mul3A_2, %add3A_1016 : i32
    %ge3A_1018 = arith.cmpi sge, %add3A_1017, %squeeze3A : i32
    %add3A_1019 = arith.constant 4096 : i32
    %add3A_1020 = arith.addi %squeeze3A, %add3A_1019 : i32
    %lt3A_1021 = arith.cmpi slt, %add3A_1017, %add3A_1020 : i32
    %and3A_1022 = arith.andi %ge3A_1018, %lt3A_1021 : i1
    %convert_element_type3A_1023 = arith.extui %and3A_1022 : i1 to i32
    %cond3A_1024 = arith.constant 0 : i32
    %cond3A_1025 = arith.cmpi ne, %convert_element_type3A_1023, %cond3A_1024 : i32
    scf.if %cond3A_1025 {
      %sub3A = arith.subi %add3A_1017, %squeeze3A : i32
      %dma_start3A_2493 = arith.constant 0 : i32
      %dma_start3A_2494 = arith.constant 0 : i32
      %dma_start3A_2495 = tpu.memref_slice %arg4[%sub3A, %dma_start3A_2493, %dma_start3A_2494] : memref<4096x32x128xf32, #tpu.memory_space<hbm>> -> memref<4x32x128xf32, #tpu.memory_space<hbm>>
      %dma_start3A_2496 = arith.constant 0 : i32
      %dma_start3A_2497 = arith.constant 0 : i32
      %dma_start3A_2498 = tpu.memref_slice %arg4[%sub3A, %dma_start3A_2496, %dma_start3A_2497] : memref<4096x32x128xf32, #tpu.memory_space<hbm>> -> memref<4x32x128xf32, #tpu.memory_space<hbm>>
      tpu.enqueue_dma source(%dma_start3A_2498 : memref<4x32x128xf32, #tpu.memory_space<hbm>>) target(%arg8 : memref<4x32x128xf32, #tpu.memory_space<vmem>>) target_semaphore(%arg15 : memref<!tpu.dma_semaphore, #tpu.memory_space<semaphore_mem>>)
    } else {
    }
    %not3A_1026 = arith.constant true
    %not3A_1027 = arith.xori %and3A_1022, %not3A_1026 : i1
    %convert_element_type3A_1028 = arith.extui %not3A_1027 : i1 to i32
    %cond3A_1029 = arith.constant 0 : i32
    %cond3A_1030 = arith.cmpi ne, %convert_element_type3A_1028, %cond3A_1029 : i32
    scf.if %cond3A_1030 {
      %dma_start3A_2493 = arith.constant 0 : i32
      %dma_start3A_2494 = arith.constant 0 : i32
      %dma_start3A_2495 = tpu.memref_slice %arg3[%add3A_1017, %dma_start3A_2493, %dma_start3A_2494] : memref<8192x32x128xf32, #tpu.memory_space<hbm>> -> memref<4x32x128xf32, #tpu.memory_space<hbm>>
      %dma_start3A_2496 = arith.constant 0 : i32
      %dma_start3A_2497 = arith.constant 0 : i32
      %dma_start3A_2498 = tpu.memref_slice %arg3[%add3A_1017, %dma_start3A_2496, %dma_start3A_2497] : memref<8192x32x128xf32, #tpu.memory_space<hbm>> -> memref<4x32x128xf32, #tpu.memory_space<hbm>>
      tpu.enqueue_dma source(%dma_start3A_2498 : memref<4x32x128xf32, #tpu.memory_space<hbm>>) target(%arg8 : memref<4x32x128xf32, #tpu.memory_space<vmem>>) target_semaphore(%arg15 : memref<!tpu.dma_semaphore, #tpu.memory_space<semaphore_mem>>)
    } else {
    }
    %dma_wait3A_1031 = arith.constant 0 : i32
    %dma_wait3A_1032 = arith.constant 0 : i32
    %dma_wait3A_1033 = arith.constant 0 : i32
    %dma_wait3A_1034 = tpu.memref_slice %arg3[%dma_wait3A_1031, %dma_wait3A_1032, %dma_wait3A_1033] : memref<8192x32x128xf32, #tpu.memory_space<hbm>> -> memref<4x32x128xf32, #tpu.memory_space<hbm>>
    %dma_wait3A_1035 = arith.constant 0 : i32
    %dma_wait3A_1036 = arith.constant 0 : i32
    %dma_wait3A_1037 = arith.constant 0 : i32
    %dma_wait3A_1038 = tpu.memref_slice %arg3[%dma_wait3A_1035, %dma_wait3A_1036, %dma_wait3A_1037] : memref<8192x32x128xf32, #tpu.memory_space<hbm>> -> memref<4x32x128xf32, #tpu.memory_space<hbm>>
    tpu.wait_dma2 semaphore(%arg18 : memref<!tpu.dma_semaphore, #tpu.memory_space<semaphore_mem>>) src(%dma_wait3A_1038 : memref<4x32x128xf32, #tpu.memory_space<hbm>>) dst(%arg11 : memref<4x32x128xf32, #tpu.memory_space<vmem>>)
    %add3A_1039 = arith.constant 100 : i32
    %add3A_1040 = arith.addi %mul3A_2, %add3A_1039 : i32
    %dma_start3A_1041 = arith.constant 0 : i32
    %dma_start3A_1042 = arith.constant 0 : i32
    %dma_start3A_1043 = tpu.memref_slice %arg5[%add3A_1040, %dma_start3A_1041, %dma_start3A_1042] : memref<8192x32x128xf32, #tpu.memory_space<hbm>> -> memref<4x32x128xf32, #tpu.memory_space<hbm>>
    %dma_start3A_1044 = arith.constant 0 : i32
    %dma_start3A_1045 = arith.constant 0 : i32
    %dma_start3A_1046 = tpu.memref_slice %arg5[%add3A_1040, %dma_start3A_1044, %dma_start3A_1045] : memref<8192x32x128xf32, #tpu.memory_space<hbm>> -> memref<4x32x128xf32, #tpu.memory_space<hbm>>
    tpu.enqueue_dma source(%arg11 : memref<4x32x128xf32, #tpu.memory_space<vmem>>) target(%dma_start3A_1046 : memref<4x32x128xf32, #tpu.memory_space<hbm>>) target_semaphore(%arg25 : memref<!tpu.dma_semaphore, #tpu.memory_space<semaphore_mem>>)
    %add3A_1047 = arith.constant 92 : i32
    %add3A_1048 = arith.addi %mul3A_2, %add3A_1047 : i32
    %dma_wait3A_1049 = arith.constant 0 : i32
    %dma_wait3A_1050 = arith.constant 0 : i32
    %dma_wait3A_1051 = tpu.memref_slice %arg5[%add3A_1048, %dma_wait3A_1049, %dma_wait3A_1050] : memref<8192x32x128xf32, #tpu.memory_space<hbm>> -> memref<4x32x128xf32, #tpu.memory_space<hbm>>
    %dma_wait3A_1052 = arith.constant 0 : i32
    %dma_wait3A_1053 = arith.constant 0 : i32
    %dma_wait3A_1054 = tpu.memref_slice %arg5[%add3A_1048, %dma_wait3A_1052, %dma_wait3A_1053] : memref<8192x32x128xf32, #tpu.memory_space<hbm>> -> memref<4x32x128xf32, #tpu.memory_space<hbm>>
    tpu.wait_dma2 semaphore(%arg23 : memref<!tpu.dma_semaphore, #tpu.memory_space<semaphore_mem>>) src(%arg9 : memref<4x32x128xf32, #tpu.memory_space<vmem>>) dst(%dma_wait3A_1054 : memref<4x32x128xf32, #tpu.memory_space<hbm>>)
    %add3A_1055 = arith.constant 120 : i32
    %add3A_1056 = arith.addi %mul3A_2, %add3A_1055 : i32
    %ge3A_1057 = arith.cmpi sge, %add3A_1056, %squeeze3A : i32
    %add3A_1058 = arith.constant 4096 : i32
    %add3A_1059 = arith.addi %squeeze3A, %add3A_1058 : i32
    %lt3A_1060 = arith.cmpi slt, %add3A_1056, %add3A_1059 : i32
    %and3A_1061 = arith.andi %ge3A_1057, %lt3A_1060 : i1
    %convert_element_type3A_1062 = arith.extui %and3A_1061 : i1 to i32
    %cond3A_1063 = arith.constant 0 : i32
    %cond3A_1064 = arith.cmpi ne, %convert_element_type3A_1062, %cond3A_1063 : i32
    scf.if %cond3A_1064 {
      %sub3A = arith.subi %add3A_1056, %squeeze3A : i32
      %dma_start3A_2493 = arith.constant 0 : i32
      %dma_start3A_2494 = arith.constant 0 : i32
      %dma_start3A_2495 = tpu.memref_slice %arg4[%sub3A, %dma_start3A_2493, %dma_start3A_2494] : memref<4096x32x128xf32, #tpu.memory_space<hbm>> -> memref<4x32x128xf32, #tpu.memory_space<hbm>>
      %dma_start3A_2496 = arith.constant 0 : i32
      %dma_start3A_2497 = arith.constant 0 : i32
      %dma_start3A_2498 = tpu.memref_slice %arg4[%sub3A, %dma_start3A_2496, %dma_start3A_2497] : memref<4096x32x128xf32, #tpu.memory_space<hbm>> -> memref<4x32x128xf32, #tpu.memory_space<hbm>>
      tpu.enqueue_dma source(%dma_start3A_2498 : memref<4x32x128xf32, #tpu.memory_space<hbm>>) target(%arg9 : memref<4x32x128xf32, #tpu.memory_space<vmem>>) target_semaphore(%arg16 : memref<!tpu.dma_semaphore, #tpu.memory_space<semaphore_mem>>)
    } else {
    }
    %not3A_1065 = arith.constant true
    %not3A_1066 = arith.xori %and3A_1061, %not3A_1065 : i1
    %convert_element_type3A_1067 = arith.extui %not3A_1066 : i1 to i32
    %cond3A_1068 = arith.constant 0 : i32
    %cond3A_1069 = arith.cmpi ne, %convert_element_type3A_1067, %cond3A_1068 : i32
    scf.if %cond3A_1069 {
      %dma_start3A_2493 = arith.constant 0 : i32
      %dma_start3A_2494 = arith.constant 0 : i32
      %dma_start3A_2495 = tpu.memref_slice %arg3[%add3A_1056, %dma_start3A_2493, %dma_start3A_2494] : memref<8192x32x128xf32, #tpu.memory_space<hbm>> -> memref<4x32x128xf32, #tpu.memory_space<hbm>>
      %dma_start3A_2496 = arith.constant 0 : i32
      %dma_start3A_2497 = arith.constant 0 : i32
      %dma_start3A_2498 = tpu.memref_slice %arg3[%add3A_1056, %dma_start3A_2496, %dma_start3A_2497] : memref<8192x32x128xf32, #tpu.memory_space<hbm>> -> memref<4x32x128xf32, #tpu.memory_space<hbm>>
      tpu.enqueue_dma source(%dma_start3A_2498 : memref<4x32x128xf32, #tpu.memory_space<hbm>>) target(%arg9 : memref<4x32x128xf32, #tpu.memory_space<vmem>>) target_semaphore(%arg16 : memref<!tpu.dma_semaphore, #tpu.memory_space<semaphore_mem>>)
    } else {
    }
    %dma_wait3A_1070 = arith.constant 0 : i32
    %dma_wait3A_1071 = arith.constant 0 : i32
    %dma_wait3A_1072 = arith.constant 0 : i32
    %dma_wait3A_1073 = tpu.memref_slice %arg3[%dma_wait3A_1070, %dma_wait3A_1071, %dma_wait3A_1072] : memref<8192x32x128xf32, #tpu.memory_space<hbm>> -> memref<4x32x128xf32, #tpu.memory_space<hbm>>
    %dma_wait3A_1074 = arith.constant 0 : i32
    %dma_wait3A_1075 = arith.constant 0 : i32
    %dma_wait3A_1076 = arith.constant 0 : i32
    %dma_wait3A_1077 = tpu.memref_slice %arg3[%dma_wait3A_1074, %dma_wait3A_1075, %dma_wait3A_1076] : memref<8192x32x128xf32, #tpu.memory_space<hbm>> -> memref<4x32x128xf32, #tpu.memory_space<hbm>>
    tpu.wait_dma2 semaphore(%arg19 : memref<!tpu.dma_semaphore, #tpu.memory_space<semaphore_mem>>) src(%dma_wait3A_1077 : memref<4x32x128xf32, #tpu.memory_space<hbm>>) dst(%arg12 : memref<4x32x128xf32, #tpu.memory_space<vmem>>)
    %add3A_1078 = arith.constant 104 : i32
    %add3A_1079 = arith.addi %mul3A_2, %add3A_1078 : i32
    %dma_start3A_1080 = arith.constant 0 : i32
    %dma_start3A_1081 = arith.constant 0 : i32
    %dma_start3A_1082 = tpu.memref_slice %arg5[%add3A_1079, %dma_start3A_1080, %dma_start3A_1081] : memref<8192x32x128xf32, #tpu.memory_space<hbm>> -> memref<4x32x128xf32, #tpu.memory_space<hbm>>
    %dma_start3A_1083 = arith.constant 0 : i32
    %dma_start3A_1084 = arith.constant 0 : i32
    %dma_start3A_1085 = tpu.memref_slice %arg5[%add3A_1079, %dma_start3A_1083, %dma_start3A_1084] : memref<8192x32x128xf32, #tpu.memory_space<hbm>> -> memref<4x32x128xf32, #tpu.memory_space<hbm>>
    tpu.enqueue_dma source(%arg12 : memref<4x32x128xf32, #tpu.memory_space<vmem>>) target(%dma_start3A_1085 : memref<4x32x128xf32, #tpu.memory_space<hbm>>) target_semaphore(%arg26 : memref<!tpu.dma_semaphore, #tpu.memory_space<semaphore_mem>>)
    %add3A_1086 = arith.constant 96 : i32
    %add3A_1087 = arith.addi %mul3A_2, %add3A_1086 : i32
    %dma_wait3A_1088 = arith.constant 0 : i32
    %dma_wait3A_1089 = arith.constant 0 : i32
    %dma_wait3A_1090 = tpu.memref_slice %arg5[%add3A_1087, %dma_wait3A_1088, %dma_wait3A_1089] : memref<8192x32x128xf32, #tpu.memory_space<hbm>> -> memref<4x32x128xf32, #tpu.memory_space<hbm>>
    %dma_wait3A_1091 = arith.constant 0 : i32
    %dma_wait3A_1092 = arith.constant 0 : i32
    %dma_wait3A_1093 = tpu.memref_slice %arg5[%add3A_1087, %dma_wait3A_1091, %dma_wait3A_1092] : memref<8192x32x128xf32, #tpu.memory_space<hbm>> -> memref<4x32x128xf32, #tpu.memory_space<hbm>>
    tpu.wait_dma2 semaphore(%arg24 : memref<!tpu.dma_semaphore, #tpu.memory_space<semaphore_mem>>) src(%arg10 : memref<4x32x128xf32, #tpu.memory_space<vmem>>) dst(%dma_wait3A_1093 : memref<4x32x128xf32, #tpu.memory_space<hbm>>)
    %add3A_1094 = arith.constant 124 : i32
    %add3A_1095 = arith.addi %mul3A_2, %add3A_1094 : i32
    %ge3A_1096 = arith.cmpi sge, %add3A_1095, %squeeze3A : i32
    %add3A_1097 = arith.constant 4096 : i32
    %add3A_1098 = arith.addi %squeeze3A, %add3A_1097 : i32
    %lt3A_1099 = arith.cmpi slt, %add3A_1095, %add3A_1098 : i32
    %and3A_1100 = arith.andi %ge3A_1096, %lt3A_1099 : i1
    %convert_element_type3A_1101 = arith.extui %and3A_1100 : i1 to i32
    %cond3A_1102 = arith.constant 0 : i32
    %cond3A_1103 = arith.cmpi ne, %convert_element_type3A_1101, %cond3A_1102 : i32
    scf.if %cond3A_1103 {
      %sub3A = arith.subi %add3A_1095, %squeeze3A : i32
      %dma_start3A_2493 = arith.constant 0 : i32
      %dma_start3A_2494 = arith.constant 0 : i32
      %dma_start3A_2495 = tpu.memref_slice %arg4[%sub3A, %dma_start3A_2493, %dma_start3A_2494] : memref<4096x32x128xf32, #tpu.memory_space<hbm>> -> memref<4x32x128xf32, #tpu.memory_space<hbm>>
      %dma_start3A_2496 = arith.constant 0 : i32
      %dma_start3A_2497 = arith.constant 0 : i32
      %dma_start3A_2498 = tpu.memref_slice %arg4[%sub3A, %dma_start3A_2496, %dma_start3A_2497] : memref<4096x32x128xf32, #tpu.memory_space<hbm>> -> memref<4x32x128xf32, #tpu.memory_space<hbm>>
      tpu.enqueue_dma source(%dma_start3A_2498 : memref<4x32x128xf32, #tpu.memory_space<hbm>>) target(%arg10 : memref<4x32x128xf32, #tpu.memory_space<vmem>>) target_semaphore(%arg17 : memref<!tpu.dma_semaphore, #tpu.memory_space<semaphore_mem>>)
    } else {
    }
    %not3A_1104 = arith.constant true
    %not3A_1105 = arith.xori %and3A_1100, %not3A_1104 : i1
    %convert_element_type3A_1106 = arith.extui %not3A_1105 : i1 to i32
    %cond3A_1107 = arith.constant 0 : i32
    %cond3A_1108 = arith.cmpi ne, %convert_element_type3A_1106, %cond3A_1107 : i32
    scf.if %cond3A_1108 {
      %dma_start3A_2493 = arith.constant 0 : i32
      %dma_start3A_2494 = arith.constant 0 : i32
      %dma_start3A_2495 = tpu.memref_slice %arg3[%add3A_1095, %dma_start3A_2493, %dma_start3A_2494] : memref<8192x32x128xf32, #tpu.memory_space<hbm>> -> memref<4x32x128xf32, #tpu.memory_space<hbm>>
      %dma_start3A_2496 = arith.constant 0 : i32
      %dma_start3A_2497 = arith.constant 0 : i32
      %dma_start3A_2498 = tpu.memref_slice %arg3[%add3A_1095, %dma_start3A_2496, %dma_start3A_2497] : memref<8192x32x128xf32, #tpu.memory_space<hbm>> -> memref<4x32x128xf32, #tpu.memory_space<hbm>>
      tpu.enqueue_dma source(%dma_start3A_2498 : memref<4x32x128xf32, #tpu.memory_space<hbm>>) target(%arg10 : memref<4x32x128xf32, #tpu.memory_space<vmem>>) target_semaphore(%arg17 : memref<!tpu.dma_semaphore, #tpu.memory_space<semaphore_mem>>)
    } else {
    }
    %dma_wait3A_1109 = arith.constant 0 : i32
    %dma_wait3A_1110 = arith.constant 0 : i32
    %dma_wait3A_1111 = arith.constant 0 : i32
    %dma_wait3A_1112 = tpu.memref_slice %arg3[%dma_wait3A_1109, %dma_wait3A_1110, %dma_wait3A_1111] : memref<8192x32x128xf32, #tpu.memory_space<hbm>> -> memref<4x32x128xf32, #tpu.memory_space<hbm>>
    %dma_wait3A_1113 = arith.constant 0 : i32
    %dma_wait3A_1114 = arith.constant 0 : i32
    %dma_wait3A_1115 = arith.constant 0 : i32
    %dma_wait3A_1116 = tpu.memref_slice %arg3[%dma_wait3A_1113, %dma_wait3A_1114, %dma_wait3A_1115] : memref<8192x32x128xf32, #tpu.memory_space<hbm>> -> memref<4x32x128xf32, #tpu.memory_space<hbm>>
    tpu.wait_dma2 semaphore(%arg20 : memref<!tpu.dma_semaphore, #tpu.memory_space<semaphore_mem>>) src(%dma_wait3A_1116 : memref<4x32x128xf32, #tpu.memory_space<hbm>>) dst(%arg13 : memref<4x32x128xf32, #tpu.memory_space<vmem>>)
    %add3A_1117 = arith.constant 108 : i32
    %add3A_1118 = arith.addi %mul3A_2, %add3A_1117 : i32
    %dma_start3A_1119 = arith.constant 0 : i32
    %dma_start3A_1120 = arith.constant 0 : i32
    %dma_start3A_1121 = tpu.memref_slice %arg5[%add3A_1118, %dma_start3A_1119, %dma_start3A_1120] : memref<8192x32x128xf32, #tpu.memory_space<hbm>> -> memref<4x32x128xf32, #tpu.memory_space<hbm>>
    %dma_start3A_1122 = arith.constant 0 : i32
    %dma_start3A_1123 = arith.constant 0 : i32
    %dma_start3A_1124 = tpu.memref_slice %arg5[%add3A_1118, %dma_start3A_1122, %dma_start3A_1123] : memref<8192x32x128xf32, #tpu.memory_space<hbm>> -> memref<4x32x128xf32, #tpu.memory_space<hbm>>
    tpu.enqueue_dma source(%arg13 : memref<4x32x128xf32, #tpu.memory_space<vmem>>) target(%dma_start3A_1124 : memref<4x32x128xf32, #tpu.memory_space<hbm>>) target_semaphore(%arg27 : memref<!tpu.dma_semaphore, #tpu.memory_space<semaphore_mem>>)
    %add3A_1125 = arith.constant 100 : i32
    %add3A_1126 = arith.addi %mul3A_2, %add3A_1125 : i32
    %dma_wait3A_1127 = arith.constant 0 : i32
    %dma_wait3A_1128 = arith.constant 0 : i32
    %dma_wait3A_1129 = tpu.memref_slice %arg5[%add3A_1126, %dma_wait3A_1127, %dma_wait3A_1128] : memref<8192x32x128xf32, #tpu.memory_space<hbm>> -> memref<4x32x128xf32, #tpu.memory_space<hbm>>
    %dma_wait3A_1130 = arith.constant 0 : i32
    %dma_wait3A_1131 = arith.constant 0 : i32
    %dma_wait3A_1132 = tpu.memref_slice %arg5[%add3A_1126, %dma_wait3A_1130, %dma_wait3A_1131] : memref<8192x32x128xf32, #tpu.memory_space<hbm>> -> memref<4x32x128xf32, #tpu.memory_space<hbm>>
    tpu.wait_dma2 semaphore(%arg25 : memref<!tpu.dma_semaphore, #tpu.memory_space<semaphore_mem>>) src(%arg11 : memref<4x32x128xf32, #tpu.memory_space<vmem>>) dst(%dma_wait3A_1132 : memref<4x32x128xf32, #tpu.memory_space<hbm>>)
    %add3A_1133 = arith.constant 128 : i32
    %add3A_1134 = arith.addi %mul3A_2, %add3A_1133 : i32
    %ge3A_1135 = arith.cmpi sge, %add3A_1134, %squeeze3A : i32
    %add3A_1136 = arith.constant 4096 : i32
    %add3A_1137 = arith.addi %squeeze3A, %add3A_1136 : i32
    %lt3A_1138 = arith.cmpi slt, %add3A_1134, %add3A_1137 : i32
    %and3A_1139 = arith.andi %ge3A_1135, %lt3A_1138 : i1
    %convert_element_type3A_1140 = arith.extui %and3A_1139 : i1 to i32
    %cond3A_1141 = arith.constant 0 : i32
    %cond3A_1142 = arith.cmpi ne, %convert_element_type3A_1140, %cond3A_1141 : i32
    scf.if %cond3A_1142 {
      %sub3A = arith.subi %add3A_1134, %squeeze3A : i32
      %dma_start3A_2493 = arith.constant 0 : i32
      %dma_start3A_2494 = arith.constant 0 : i32
      %dma_start3A_2495 = tpu.memref_slice %arg4[%sub3A, %dma_start3A_2493, %dma_start3A_2494] : memref<4096x32x128xf32, #tpu.memory_space<hbm>> -> memref<4x32x128xf32, #tpu.memory_space<hbm>>
      %dma_start3A_2496 = arith.constant 0 : i32
      %dma_start3A_2497 = arith.constant 0 : i32
      %dma_start3A_2498 = tpu.memref_slice %arg4[%sub3A, %dma_start3A_2496, %dma_start3A_2497] : memref<4096x32x128xf32, #tpu.memory_space<hbm>> -> memref<4x32x128xf32, #tpu.memory_space<hbm>>
      tpu.enqueue_dma source(%dma_start3A_2498 : memref<4x32x128xf32, #tpu.memory_space<hbm>>) target(%arg11 : memref<4x32x128xf32, #tpu.memory_space<vmem>>) target_semaphore(%arg18 : memref<!tpu.dma_semaphore, #tpu.memory_space<semaphore_mem>>)
    } else {
    }
    %not3A_1143 = arith.constant true
    %not3A_1144 = arith.xori %and3A_1139, %not3A_1143 : i1
    %convert_element_type3A_1145 = arith.extui %not3A_1144 : i1 to i32
    %cond3A_1146 = arith.constant 0 : i32
    %cond3A_1147 = arith.cmpi ne, %convert_element_type3A_1145, %cond3A_1146 : i32
    scf.if %cond3A_1147 {
      %dma_start3A_2493 = arith.constant 0 : i32
      %dma_start3A_2494 = arith.constant 0 : i32
      %dma_start3A_2495 = tpu.memref_slice %arg3[%add3A_1134, %dma_start3A_2493, %dma_start3A_2494] : memref<8192x32x128xf32, #tpu.memory_space<hbm>> -> memref<4x32x128xf32, #tpu.memory_space<hbm>>
      %dma_start3A_2496 = arith.constant 0 : i32
      %dma_start3A_2497 = arith.constant 0 : i32
      %dma_start3A_2498 = tpu.memref_slice %arg3[%add3A_1134, %dma_start3A_2496, %dma_start3A_2497] : memref<8192x32x128xf32, #tpu.memory_space<hbm>> -> memref<4x32x128xf32, #tpu.memory_space<hbm>>
      tpu.enqueue_dma source(%dma_start3A_2498 : memref<4x32x128xf32, #tpu.memory_space<hbm>>) target(%arg11 : memref<4x32x128xf32, #tpu.memory_space<vmem>>) target_semaphore(%arg18 : memref<!tpu.dma_semaphore, #tpu.memory_space<semaphore_mem>>)
    } else {
    }
    %dma_wait3A_1148 = arith.constant 0 : i32
    %dma_wait3A_1149 = arith.constant 0 : i32
    %dma_wait3A_1150 = arith.constant 0 : i32
    %dma_wait3A_1151 = tpu.memref_slice %arg3[%dma_wait3A_1148, %dma_wait3A_1149, %dma_wait3A_1150] : memref<8192x32x128xf32, #tpu.memory_space<hbm>> -> memref<4x32x128xf32, #tpu.memory_space<hbm>>
    %dma_wait3A_1152 = arith.constant 0 : i32
    %dma_wait3A_1153 = arith.constant 0 : i32
    %dma_wait3A_1154 = arith.constant 0 : i32
    %dma_wait3A_1155 = tpu.memref_slice %arg3[%dma_wait3A_1152, %dma_wait3A_1153, %dma_wait3A_1154] : memref<8192x32x128xf32, #tpu.memory_space<hbm>> -> memref<4x32x128xf32, #tpu.memory_space<hbm>>
    tpu.wait_dma2 semaphore(%arg14 : memref<!tpu.dma_semaphore, #tpu.memory_space<semaphore_mem>>) src(%dma_wait3A_1155 : memref<4x32x128xf32, #tpu.memory_space<hbm>>) dst(%arg7 : memref<4x32x128xf32, #tpu.memory_space<vmem>>)
    %add3A_1156 = arith.constant 112 : i32
    %add3A_1157 = arith.addi %mul3A_2, %add3A_1156 : i32
    %dma_start3A_1158 = arith.constant 0 : i32
    %dma_start3A_1159 = arith.constant 0 : i32
    %dma_start3A_1160 = tpu.memref_slice %arg5[%add3A_1157, %dma_start3A_1158, %dma_start3A_1159] : memref<8192x32x128xf32, #tpu.memory_space<hbm>> -> memref<4x32x128xf32, #tpu.memory_space<hbm>>
    %dma_start3A_1161 = arith.constant 0 : i32
    %dma_start3A_1162 = arith.constant 0 : i32
    %dma_start3A_1163 = tpu.memref_slice %arg5[%add3A_1157, %dma_start3A_1161, %dma_start3A_1162] : memref<8192x32x128xf32, #tpu.memory_space<hbm>> -> memref<4x32x128xf32, #tpu.memory_space<hbm>>
    tpu.enqueue_dma source(%arg7 : memref<4x32x128xf32, #tpu.memory_space<vmem>>) target(%dma_start3A_1163 : memref<4x32x128xf32, #tpu.memory_space<hbm>>) target_semaphore(%arg21 : memref<!tpu.dma_semaphore, #tpu.memory_space<semaphore_mem>>)
    %add3A_1164 = arith.constant 104 : i32
    %add3A_1165 = arith.addi %mul3A_2, %add3A_1164 : i32
    %dma_wait3A_1166 = arith.constant 0 : i32
    %dma_wait3A_1167 = arith.constant 0 : i32
    %dma_wait3A_1168 = tpu.memref_slice %arg5[%add3A_1165, %dma_wait3A_1166, %dma_wait3A_1167] : memref<8192x32x128xf32, #tpu.memory_space<hbm>> -> memref<4x32x128xf32, #tpu.memory_space<hbm>>
    %dma_wait3A_1169 = arith.constant 0 : i32
    %dma_wait3A_1170 = arith.constant 0 : i32
    %dma_wait3A_1171 = tpu.memref_slice %arg5[%add3A_1165, %dma_wait3A_1169, %dma_wait3A_1170] : memref<8192x32x128xf32, #tpu.memory_space<hbm>> -> memref<4x32x128xf32, #tpu.memory_space<hbm>>
    tpu.wait_dma2 semaphore(%arg26 : memref<!tpu.dma_semaphore, #tpu.memory_space<semaphore_mem>>) src(%arg12 : memref<4x32x128xf32, #tpu.memory_space<vmem>>) dst(%dma_wait3A_1171 : memref<4x32x128xf32, #tpu.memory_space<hbm>>)
    %add3A_1172 = arith.constant 132 : i32
    %add3A_1173 = arith.addi %mul3A_2, %add3A_1172 : i32
    %ge3A_1174 = arith.cmpi sge, %add3A_1173, %squeeze3A : i32
    %add3A_1175 = arith.constant 4096 : i32
    %add3A_1176 = arith.addi %squeeze3A, %add3A_1175 : i32
    %lt3A_1177 = arith.cmpi slt, %add3A_1173, %add3A_1176 : i32
    %and3A_1178 = arith.andi %ge3A_1174, %lt3A_1177 : i1
    %convert_element_type3A_1179 = arith.extui %and3A_1178 : i1 to i32
    %cond3A_1180 = arith.constant 0 : i32
    %cond3A_1181 = arith.cmpi ne, %convert_element_type3A_1179, %cond3A_1180 : i32
    scf.if %cond3A_1181 {
      %sub3A = arith.subi %add3A_1173, %squeeze3A : i32
      %dma_start3A_2493 = arith.constant 0 : i32
      %dma_start3A_2494 = arith.constant 0 : i32
      %dma_start3A_2495 = tpu.memref_slice %arg4[%sub3A, %dma_start3A_2493, %dma_start3A_2494] : memref<4096x32x128xf32, #tpu.memory_space<hbm>> -> memref<4x32x128xf32, #tpu.memory_space<hbm>>
      %dma_start3A_2496 = arith.constant 0 : i32
      %dma_start3A_2497 = arith.constant 0 : i32
      %dma_start3A_2498 = tpu.memref_slice %arg4[%sub3A, %dma_start3A_2496, %dma_start3A_2497] : memref<4096x32x128xf32, #tpu.memory_space<hbm>> -> memref<4x32x128xf32, #tpu.memory_space<hbm>>
      tpu.enqueue_dma source(%dma_start3A_2498 : memref<4x32x128xf32, #tpu.memory_space<hbm>>) target(%arg12 : memref<4x32x128xf32, #tpu.memory_space<vmem>>) target_semaphore(%arg19 : memref<!tpu.dma_semaphore, #tpu.memory_space<semaphore_mem>>)
    } else {
    }
    %not3A_1182 = arith.constant true
    %not3A_1183 = arith.xori %and3A_1178, %not3A_1182 : i1
    %convert_element_type3A_1184 = arith.extui %not3A_1183 : i1 to i32
    %cond3A_1185 = arith.constant 0 : i32
    %cond3A_1186 = arith.cmpi ne, %convert_element_type3A_1184, %cond3A_1185 : i32
    scf.if %cond3A_1186 {
      %dma_start3A_2493 = arith.constant 0 : i32
      %dma_start3A_2494 = arith.constant 0 : i32
      %dma_start3A_2495 = tpu.memref_slice %arg3[%add3A_1173, %dma_start3A_2493, %dma_start3A_2494] : memref<8192x32x128xf32, #tpu.memory_space<hbm>> -> memref<4x32x128xf32, #tpu.memory_space<hbm>>
      %dma_start3A_2496 = arith.constant 0 : i32
      %dma_start3A_2497 = arith.constant 0 : i32
      %dma_start3A_2498 = tpu.memref_slice %arg3[%add3A_1173, %dma_start3A_2496, %dma_start3A_2497] : memref<8192x32x128xf32, #tpu.memory_space<hbm>> -> memref<4x32x128xf32, #tpu.memory_space<hbm>>
      tpu.enqueue_dma source(%dma_start3A_2498 : memref<4x32x128xf32, #tpu.memory_space<hbm>>) target(%arg12 : memref<4x32x128xf32, #tpu.memory_space<vmem>>) target_semaphore(%arg19 : memref<!tpu.dma_semaphore, #tpu.memory_space<semaphore_mem>>)
    } else {
    }
    %dma_wait3A_1187 = arith.constant 0 : i32
    %dma_wait3A_1188 = arith.constant 0 : i32
    %dma_wait3A_1189 = arith.constant 0 : i32
    %dma_wait3A_1190 = tpu.memref_slice %arg3[%dma_wait3A_1187, %dma_wait3A_1188, %dma_wait3A_1189] : memref<8192x32x128xf32, #tpu.memory_space<hbm>> -> memref<4x32x128xf32, #tpu.memory_space<hbm>>
    %dma_wait3A_1191 = arith.constant 0 : i32
    %dma_wait3A_1192 = arith.constant 0 : i32
    %dma_wait3A_1193 = arith.constant 0 : i32
    %dma_wait3A_1194 = tpu.memref_slice %arg3[%dma_wait3A_1191, %dma_wait3A_1192, %dma_wait3A_1193] : memref<8192x32x128xf32, #tpu.memory_space<hbm>> -> memref<4x32x128xf32, #tpu.memory_space<hbm>>
    tpu.wait_dma2 semaphore(%arg15 : memref<!tpu.dma_semaphore, #tpu.memory_space<semaphore_mem>>) src(%dma_wait3A_1194 : memref<4x32x128xf32, #tpu.memory_space<hbm>>) dst(%arg8 : memref<4x32x128xf32, #tpu.memory_space<vmem>>)
    %add3A_1195 = arith.constant 116 : i32
    %add3A_1196 = arith.addi %mul3A_2, %add3A_1195 : i32
    %dma_start3A_1197 = arith.constant 0 : i32
    %dma_start3A_1198 = arith.constant 0 : i32
    %dma_start3A_1199 = tpu.memref_slice %arg5[%add3A_1196, %dma_start3A_1197, %dma_start3A_1198] : memref<8192x32x128xf32, #tpu.memory_space<hbm>> -> memref<4x32x128xf32, #tpu.memory_space<hbm>>
    %dma_start3A_1200 = arith.constant 0 : i32
    %dma_start3A_1201 = arith.constant 0 : i32
    %dma_start3A_1202 = tpu.memref_slice %arg5[%add3A_1196, %dma_start3A_1200, %dma_start3A_1201] : memref<8192x32x128xf32, #tpu.memory_space<hbm>> -> memref<4x32x128xf32, #tpu.memory_space<hbm>>
    tpu.enqueue_dma source(%arg8 : memref<4x32x128xf32, #tpu.memory_space<vmem>>) target(%dma_start3A_1202 : memref<4x32x128xf32, #tpu.memory_space<hbm>>) target_semaphore(%arg22 : memref<!tpu.dma_semaphore, #tpu.memory_space<semaphore_mem>>)
    %add3A_1203 = arith.constant 108 : i32
    %add3A_1204 = arith.addi %mul3A_2, %add3A_1203 : i32
    %dma_wait3A_1205 = arith.constant 0 : i32
    %dma_wait3A_1206 = arith.constant 0 : i32
    %dma_wait3A_1207 = tpu.memref_slice %arg5[%add3A_1204, %dma_wait3A_1205, %dma_wait3A_1206] : memref<8192x32x128xf32, #tpu.memory_space<hbm>> -> memref<4x32x128xf32, #tpu.memory_space<hbm>>
    %dma_wait3A_1208 = arith.constant 0 : i32
    %dma_wait3A_1209 = arith.constant 0 : i32
    %dma_wait3A_1210 = tpu.memref_slice %arg5[%add3A_1204, %dma_wait3A_1208, %dma_wait3A_1209] : memref<8192x32x128xf32, #tpu.memory_space<hbm>> -> memref<4x32x128xf32, #tpu.memory_space<hbm>>
    tpu.wait_dma2 semaphore(%arg27 : memref<!tpu.dma_semaphore, #tpu.memory_space<semaphore_mem>>) src(%arg13 : memref<4x32x128xf32, #tpu.memory_space<vmem>>) dst(%dma_wait3A_1210 : memref<4x32x128xf32, #tpu.memory_space<hbm>>)
    %add3A_1211 = arith.constant 136 : i32
    %add3A_1212 = arith.addi %mul3A_2, %add3A_1211 : i32
    %ge3A_1213 = arith.cmpi sge, %add3A_1212, %squeeze3A : i32
    %add3A_1214 = arith.constant 4096 : i32
    %add3A_1215 = arith.addi %squeeze3A, %add3A_1214 : i32
    %lt3A_1216 = arith.cmpi slt, %add3A_1212, %add3A_1215 : i32
    %and3A_1217 = arith.andi %ge3A_1213, %lt3A_1216 : i1
    %convert_element_type3A_1218 = arith.extui %and3A_1217 : i1 to i32
    %cond3A_1219 = arith.constant 0 : i32
    %cond3A_1220 = arith.cmpi ne, %convert_element_type3A_1218, %cond3A_1219 : i32
    scf.if %cond3A_1220 {
      %sub3A = arith.subi %add3A_1212, %squeeze3A : i32
      %dma_start3A_2493 = arith.constant 0 : i32
      %dma_start3A_2494 = arith.constant 0 : i32
      %dma_start3A_2495 = tpu.memref_slice %arg4[%sub3A, %dma_start3A_2493, %dma_start3A_2494] : memref<4096x32x128xf32, #tpu.memory_space<hbm>> -> memref<4x32x128xf32, #tpu.memory_space<hbm>>
      %dma_start3A_2496 = arith.constant 0 : i32
      %dma_start3A_2497 = arith.constant 0 : i32
      %dma_start3A_2498 = tpu.memref_slice %arg4[%sub3A, %dma_start3A_2496, %dma_start3A_2497] : memref<4096x32x128xf32, #tpu.memory_space<hbm>> -> memref<4x32x128xf32, #tpu.memory_space<hbm>>
      tpu.enqueue_dma source(%dma_start3A_2498 : memref<4x32x128xf32, #tpu.memory_space<hbm>>) target(%arg13 : memref<4x32x128xf32, #tpu.memory_space<vmem>>) target_semaphore(%arg20 : memref<!tpu.dma_semaphore, #tpu.memory_space<semaphore_mem>>)
    } else {
    }
    %not3A_1221 = arith.constant true
    %not3A_1222 = arith.xori %and3A_1217, %not3A_1221 : i1
    %convert_element_type3A_1223 = arith.extui %not3A_1222 : i1 to i32
    %cond3A_1224 = arith.constant 0 : i32
    %cond3A_1225 = arith.cmpi ne, %convert_element_type3A_1223, %cond3A_1224 : i32
    scf.if %cond3A_1225 {
      %dma_start3A_2493 = arith.constant 0 : i32
      %dma_start3A_2494 = arith.constant 0 : i32
      %dma_start3A_2495 = tpu.memref_slice %arg3[%add3A_1212, %dma_start3A_2493, %dma_start3A_2494] : memref<8192x32x128xf32, #tpu.memory_space<hbm>> -> memref<4x32x128xf32, #tpu.memory_space<hbm>>
      %dma_start3A_2496 = arith.constant 0 : i32
      %dma_start3A_2497 = arith.constant 0 : i32
      %dma_start3A_2498 = tpu.memref_slice %arg3[%add3A_1212, %dma_start3A_2496, %dma_start3A_2497] : memref<8192x32x128xf32, #tpu.memory_space<hbm>> -> memref<4x32x128xf32, #tpu.memory_space<hbm>>
      tpu.enqueue_dma source(%dma_start3A_2498 : memref<4x32x128xf32, #tpu.memory_space<hbm>>) target(%arg13 : memref<4x32x128xf32, #tpu.memory_space<vmem>>) target_semaphore(%arg20 : memref<!tpu.dma_semaphore, #tpu.memory_space<semaphore_mem>>)
    } else {
    }
    %dma_wait3A_1226 = arith.constant 0 : i32
    %dma_wait3A_1227 = arith.constant 0 : i32
    %dma_wait3A_1228 = arith.constant 0 : i32
    %dma_wait3A_1229 = tpu.memref_slice %arg3[%dma_wait3A_1226, %dma_wait3A_1227, %dma_wait3A_1228] : memref<8192x32x128xf32, #tpu.memory_space<hbm>> -> memref<4x32x128xf32, #tpu.memory_space<hbm>>
    %dma_wait3A_1230 = arith.constant 0 : i32
    %dma_wait3A_1231 = arith.constant 0 : i32
    %dma_wait3A_1232 = arith.constant 0 : i32
    %dma_wait3A_1233 = tpu.memref_slice %arg3[%dma_wait3A_1230, %dma_wait3A_1231, %dma_wait3A_1232] : memref<8192x32x128xf32, #tpu.memory_space<hbm>> -> memref<4x32x128xf32, #tpu.memory_space<hbm>>
    tpu.wait_dma2 semaphore(%arg16 : memref<!tpu.dma_semaphore, #tpu.memory_space<semaphore_mem>>) src(%dma_wait3A_1233 : memref<4x32x128xf32, #tpu.memory_space<hbm>>) dst(%arg9 : memref<4x32x128xf32, #tpu.memory_space<vmem>>)
    %add3A_1234 = arith.constant 120 : i32
    %add3A_1235 = arith.addi %mul3A_2, %add3A_1234 : i32
    %dma_start3A_1236 = arith.constant 0 : i32
    %dma_start3A_1237 = arith.constant 0 : i32
    %dma_start3A_1238 = tpu.memref_slice %arg5[%add3A_1235, %dma_start3A_1236, %dma_start3A_1237] : memref<8192x32x128xf32, #tpu.memory_space<hbm>> -> memref<4x32x128xf32, #tpu.memory_space<hbm>>
    %dma_start3A_1239 = arith.constant 0 : i32
    %dma_start3A_1240 = arith.constant 0 : i32
    %dma_start3A_1241 = tpu.memref_slice %arg5[%add3A_1235, %dma_start3A_1239, %dma_start3A_1240] : memref<8192x32x128xf32, #tpu.memory_space<hbm>> -> memref<4x32x128xf32, #tpu.memory_space<hbm>>
    tpu.enqueue_dma source(%arg9 : memref<4x32x128xf32, #tpu.memory_space<vmem>>) target(%dma_start3A_1241 : memref<4x32x128xf32, #tpu.memory_space<hbm>>) target_semaphore(%arg23 : memref<!tpu.dma_semaphore, #tpu.memory_space<semaphore_mem>>)
    %add3A_1242 = arith.constant 112 : i32
    %add3A_1243 = arith.addi %mul3A_2, %add3A_1242 : i32
    %dma_wait3A_1244 = arith.constant 0 : i32
    %dma_wait3A_1245 = arith.constant 0 : i32
    %dma_wait3A_1246 = tpu.memref_slice %arg5[%add3A_1243, %dma_wait3A_1244, %dma_wait3A_1245] : memref<8192x32x128xf32, #tpu.memory_space<hbm>> -> memref<4x32x128xf32, #tpu.memory_space<hbm>>
    %dma_wait3A_1247 = arith.constant 0 : i32
    %dma_wait3A_1248 = arith.constant 0 : i32
    %dma_wait3A_1249 = tpu.memref_slice %arg5[%add3A_1243, %dma_wait3A_1247, %dma_wait3A_1248] : memref<8192x32x128xf32, #tpu.memory_space<hbm>> -> memref<4x32x128xf32, #tpu.memory_space<hbm>>
    tpu.wait_dma2 semaphore(%arg21 : memref<!tpu.dma_semaphore, #tpu.memory_space<semaphore_mem>>) src(%arg7 : memref<4x32x128xf32, #tpu.memory_space<vmem>>) dst(%dma_wait3A_1249 : memref<4x32x128xf32, #tpu.memory_space<hbm>>)
    %add3A_1250 = arith.constant 140 : i32
    %add3A_1251 = arith.addi %mul3A_2, %add3A_1250 : i32
    %ge3A_1252 = arith.cmpi sge, %add3A_1251, %squeeze3A : i32
    %add3A_1253 = arith.constant 4096 : i32
    %add3A_1254 = arith.addi %squeeze3A, %add3A_1253 : i32
    %lt3A_1255 = arith.cmpi slt, %add3A_1251, %add3A_1254 : i32
    %and3A_1256 = arith.andi %ge3A_1252, %lt3A_1255 : i1
    %convert_element_type3A_1257 = arith.extui %and3A_1256 : i1 to i32
    %cond3A_1258 = arith.constant 0 : i32
    %cond3A_1259 = arith.cmpi ne, %convert_element_type3A_1257, %cond3A_1258 : i32
    scf.if %cond3A_1259 {
      %sub3A = arith.subi %add3A_1251, %squeeze3A : i32
      %dma_start3A_2493 = arith.constant 0 : i32
      %dma_start3A_2494 = arith.constant 0 : i32
      %dma_start3A_2495 = tpu.memref_slice %arg4[%sub3A, %dma_start3A_2493, %dma_start3A_2494] : memref<4096x32x128xf32, #tpu.memory_space<hbm>> -> memref<4x32x128xf32, #tpu.memory_space<hbm>>
      %dma_start3A_2496 = arith.constant 0 : i32
      %dma_start3A_2497 = arith.constant 0 : i32
      %dma_start3A_2498 = tpu.memref_slice %arg4[%sub3A, %dma_start3A_2496, %dma_start3A_2497] : memref<4096x32x128xf32, #tpu.memory_space<hbm>> -> memref<4x32x128xf32, #tpu.memory_space<hbm>>
      tpu.enqueue_dma source(%dma_start3A_2498 : memref<4x32x128xf32, #tpu.memory_space<hbm>>) target(%arg7 : memref<4x32x128xf32, #tpu.memory_space<vmem>>) target_semaphore(%arg14 : memref<!tpu.dma_semaphore, #tpu.memory_space<semaphore_mem>>)
    } else {
    }
    %not3A_1260 = arith.constant true
    %not3A_1261 = arith.xori %and3A_1256, %not3A_1260 : i1
    %convert_element_type3A_1262 = arith.extui %not3A_1261 : i1 to i32
    %cond3A_1263 = arith.constant 0 : i32
    %cond3A_1264 = arith.cmpi ne, %convert_element_type3A_1262, %cond3A_1263 : i32
    scf.if %cond3A_1264 {
      %dma_start3A_2493 = arith.constant 0 : i32
      %dma_start3A_2494 = arith.constant 0 : i32
      %dma_start3A_2495 = tpu.memref_slice %arg3[%add3A_1251, %dma_start3A_2493, %dma_start3A_2494] : memref<8192x32x128xf32, #tpu.memory_space<hbm>> -> memref<4x32x128xf32, #tpu.memory_space<hbm>>
      %dma_start3A_2496 = arith.constant 0 : i32
      %dma_start3A_2497 = arith.constant 0 : i32
      %dma_start3A_2498 = tpu.memref_slice %arg3[%add3A_1251, %dma_start3A_2496, %dma_start3A_2497] : memref<8192x32x128xf32, #tpu.memory_space<hbm>> -> memref<4x32x128xf32, #tpu.memory_space<hbm>>
      tpu.enqueue_dma source(%dma_start3A_2498 : memref<4x32x128xf32, #tpu.memory_space<hbm>>) target(%arg7 : memref<4x32x128xf32, #tpu.memory_space<vmem>>) target_semaphore(%arg14 : memref<!tpu.dma_semaphore, #tpu.memory_space<semaphore_mem>>)
    } else {
    }
    %dma_wait3A_1265 = arith.constant 0 : i32
    %dma_wait3A_1266 = arith.constant 0 : i32
    %dma_wait3A_1267 = arith.constant 0 : i32
    %dma_wait3A_1268 = tpu.memref_slice %arg3[%dma_wait3A_1265, %dma_wait3A_1266, %dma_wait3A_1267] : memref<8192x32x128xf32, #tpu.memory_space<hbm>> -> memref<4x32x128xf32, #tpu.memory_space<hbm>>
    %dma_wait3A_1269 = arith.constant 0 : i32
    %dma_wait3A_1270 = arith.constant 0 : i32
    %dma_wait3A_1271 = arith.constant 0 : i32
    %dma_wait3A_1272 = tpu.memref_slice %arg3[%dma_wait3A_1269, %dma_wait3A_1270, %dma_wait3A_1271] : memref<8192x32x128xf32, #tpu.memory_space<hbm>> -> memref<4x32x128xf32, #tpu.memory_space<hbm>>
    tpu.wait_dma2 semaphore(%arg17 : memref<!tpu.dma_semaphore, #tpu.memory_space<semaphore_mem>>) src(%dma_wait3A_1272 : memref<4x32x128xf32, #tpu.memory_space<hbm>>) dst(%arg10 : memref<4x32x128xf32, #tpu.memory_space<vmem>>)
    %add3A_1273 = arith.constant 124 : i32
    %add3A_1274 = arith.addi %mul3A_2, %add3A_1273 : i32
    %dma_start3A_1275 = arith.constant 0 : i32
    %dma_start3A_1276 = arith.constant 0 : i32
    %dma_start3A_1277 = tpu.memref_slice %arg5[%add3A_1274, %dma_start3A_1275, %dma_start3A_1276] : memref<8192x32x128xf32, #tpu.memory_space<hbm>> -> memref<4x32x128xf32, #tpu.memory_space<hbm>>
    %dma_start3A_1278 = arith.constant 0 : i32
    %dma_start3A_1279 = arith.constant 0 : i32
    %dma_start3A_1280 = tpu.memref_slice %arg5[%add3A_1274, %dma_start3A_1278, %dma_start3A_1279] : memref<8192x32x128xf32, #tpu.memory_space<hbm>> -> memref<4x32x128xf32, #tpu.memory_space<hbm>>
    tpu.enqueue_dma source(%arg10 : memref<4x32x128xf32, #tpu.memory_space<vmem>>) target(%dma_start3A_1280 : memref<4x32x128xf32, #tpu.memory_space<hbm>>) target_semaphore(%arg24 : memref<!tpu.dma_semaphore, #tpu.memory_space<semaphore_mem>>)
    %add3A_1281 = arith.constant 116 : i32
    %add3A_1282 = arith.addi %mul3A_2, %add3A_1281 : i32
    %dma_wait3A_1283 = arith.constant 0 : i32
    %dma_wait3A_1284 = arith.constant 0 : i32
    %dma_wait3A_1285 = tpu.memref_slice %arg5[%add3A_1282, %dma_wait3A_1283, %dma_wait3A_1284] : memref<8192x32x128xf32, #tpu.memory_space<hbm>> -> memref<4x32x128xf32, #tpu.memory_space<hbm>>
    %dma_wait3A_1286 = arith.constant 0 : i32
    %dma_wait3A_1287 = arith.constant 0 : i32
    %dma_wait3A_1288 = tpu.memref_slice %arg5[%add3A_1282, %dma_wait3A_1286, %dma_wait3A_1287] : memref<8192x32x128xf32, #tpu.memory_space<hbm>> -> memref<4x32x128xf32, #tpu.memory_space<hbm>>
    tpu.wait_dma2 semaphore(%arg22 : memref<!tpu.dma_semaphore, #tpu.memory_space<semaphore_mem>>) src(%arg8 : memref<4x32x128xf32, #tpu.memory_space<vmem>>) dst(%dma_wait3A_1288 : memref<4x32x128xf32, #tpu.memory_space<hbm>>)
    %add3A_1289 = arith.constant 144 : i32
    %add3A_1290 = arith.addi %mul3A_2, %add3A_1289 : i32
    %ge3A_1291 = arith.cmpi sge, %add3A_1290, %squeeze3A : i32
    %add3A_1292 = arith.constant 4096 : i32
    %add3A_1293 = arith.addi %squeeze3A, %add3A_1292 : i32
    %lt3A_1294 = arith.cmpi slt, %add3A_1290, %add3A_1293 : i32
    %and3A_1295 = arith.andi %ge3A_1291, %lt3A_1294 : i1
    %convert_element_type3A_1296 = arith.extui %and3A_1295 : i1 to i32
    %cond3A_1297 = arith.constant 0 : i32
    %cond3A_1298 = arith.cmpi ne, %convert_element_type3A_1296, %cond3A_1297 : i32
    scf.if %cond3A_1298 {
      %sub3A = arith.subi %add3A_1290, %squeeze3A : i32
      %dma_start3A_2493 = arith.constant 0 : i32
      %dma_start3A_2494 = arith.constant 0 : i32
      %dma_start3A_2495 = tpu.memref_slice %arg4[%sub3A, %dma_start3A_2493, %dma_start3A_2494] : memref<4096x32x128xf32, #tpu.memory_space<hbm>> -> memref<4x32x128xf32, #tpu.memory_space<hbm>>
      %dma_start3A_2496 = arith.constant 0 : i32
      %dma_start3A_2497 = arith.constant 0 : i32
      %dma_start3A_2498 = tpu.memref_slice %arg4[%sub3A, %dma_start3A_2496, %dma_start3A_2497] : memref<4096x32x128xf32, #tpu.memory_space<hbm>> -> memref<4x32x128xf32, #tpu.memory_space<hbm>>
      tpu.enqueue_dma source(%dma_start3A_2498 : memref<4x32x128xf32, #tpu.memory_space<hbm>>) target(%arg8 : memref<4x32x128xf32, #tpu.memory_space<vmem>>) target_semaphore(%arg15 : memref<!tpu.dma_semaphore, #tpu.memory_space<semaphore_mem>>)
    } else {
    }
    %not3A_1299 = arith.constant true
    %not3A_1300 = arith.xori %and3A_1295, %not3A_1299 : i1
    %convert_element_type3A_1301 = arith.extui %not3A_1300 : i1 to i32
    %cond3A_1302 = arith.constant 0 : i32
    %cond3A_1303 = arith.cmpi ne, %convert_element_type3A_1301, %cond3A_1302 : i32
    scf.if %cond3A_1303 {
      %dma_start3A_2493 = arith.constant 0 : i32
      %dma_start3A_2494 = arith.constant 0 : i32
      %dma_start3A_2495 = tpu.memref_slice %arg3[%add3A_1290, %dma_start3A_2493, %dma_start3A_2494] : memref<8192x32x128xf32, #tpu.memory_space<hbm>> -> memref<4x32x128xf32, #tpu.memory_space<hbm>>
      %dma_start3A_2496 = arith.constant 0 : i32
      %dma_start3A_2497 = arith.constant 0 : i32
      %dma_start3A_2498 = tpu.memref_slice %arg3[%add3A_1290, %dma_start3A_2496, %dma_start3A_2497] : memref<8192x32x128xf32, #tpu.memory_space<hbm>> -> memref<4x32x128xf32, #tpu.memory_space<hbm>>
      tpu.enqueue_dma source(%dma_start3A_2498 : memref<4x32x128xf32, #tpu.memory_space<hbm>>) target(%arg8 : memref<4x32x128xf32, #tpu.memory_space<vmem>>) target_semaphore(%arg15 : memref<!tpu.dma_semaphore, #tpu.memory_space<semaphore_mem>>)
    } else {
    }
    %dma_wait3A_1304 = arith.constant 0 : i32
    %dma_wait3A_1305 = arith.constant 0 : i32
    %dma_wait3A_1306 = arith.constant 0 : i32
    %dma_wait3A_1307 = tpu.memref_slice %arg3[%dma_wait3A_1304, %dma_wait3A_1305, %dma_wait3A_1306] : memref<8192x32x128xf32, #tpu.memory_space<hbm>> -> memref<4x32x128xf32, #tpu.memory_space<hbm>>
    %dma_wait3A_1308 = arith.constant 0 : i32
    %dma_wait3A_1309 = arith.constant 0 : i32
    %dma_wait3A_1310 = arith.constant 0 : i32
    %dma_wait3A_1311 = tpu.memref_slice %arg3[%dma_wait3A_1308, %dma_wait3A_1309, %dma_wait3A_1310] : memref<8192x32x128xf32, #tpu.memory_space<hbm>> -> memref<4x32x128xf32, #tpu.memory_space<hbm>>
    tpu.wait_dma2 semaphore(%arg18 : memref<!tpu.dma_semaphore, #tpu.memory_space<semaphore_mem>>) src(%dma_wait3A_1311 : memref<4x32x128xf32, #tpu.memory_space<hbm>>) dst(%arg11 : memref<4x32x128xf32, #tpu.memory_space<vmem>>)
    %add3A_1312 = arith.constant 128 : i32
    %add3A_1313 = arith.addi %mul3A_2, %add3A_1312 : i32
    %dma_start3A_1314 = arith.constant 0 : i32
    %dma_start3A_1315 = arith.constant 0 : i32
    %dma_start3A_1316 = tpu.memref_slice %arg5[%add3A_1313, %dma_start3A_1314, %dma_start3A_1315] : memref<8192x32x128xf32, #tpu.memory_space<hbm>> -> memref<4x32x128xf32, #tpu.memory_space<hbm>>
    %dma_start3A_1317 = arith.constant 0 : i32
    %dma_start3A_1318 = arith.constant 0 : i32
    %dma_start3A_1319 = tpu.memref_slice %arg5[%add3A_1313, %dma_start3A_1317, %dma_start3A_1318] : memref<8192x32x128xf32, #tpu.memory_space<hbm>> -> memref<4x32x128xf32, #tpu.memory_space<hbm>>
    tpu.enqueue_dma source(%arg11 : memref<4x32x128xf32, #tpu.memory_space<vmem>>) target(%dma_start3A_1319 : memref<4x32x128xf32, #tpu.memory_space<hbm>>) target_semaphore(%arg25 : memref<!tpu.dma_semaphore, #tpu.memory_space<semaphore_mem>>)
    %add3A_1320 = arith.constant 120 : i32
    %add3A_1321 = arith.addi %mul3A_2, %add3A_1320 : i32
    %dma_wait3A_1322 = arith.constant 0 : i32
    %dma_wait3A_1323 = arith.constant 0 : i32
    %dma_wait3A_1324 = tpu.memref_slice %arg5[%add3A_1321, %dma_wait3A_1322, %dma_wait3A_1323] : memref<8192x32x128xf32, #tpu.memory_space<hbm>> -> memref<4x32x128xf32, #tpu.memory_space<hbm>>
    %dma_wait3A_1325 = arith.constant 0 : i32
    %dma_wait3A_1326 = arith.constant 0 : i32
    %dma_wait3A_1327 = tpu.memref_slice %arg5[%add3A_1321, %dma_wait3A_1325, %dma_wait3A_1326] : memref<8192x32x128xf32, #tpu.memory_space<hbm>> -> memref<4x32x128xf32, #tpu.memory_space<hbm>>
    tpu.wait_dma2 semaphore(%arg23 : memref<!tpu.dma_semaphore, #tpu.memory_space<semaphore_mem>>) src(%arg9 : memref<4x32x128xf32, #tpu.memory_space<vmem>>) dst(%dma_wait3A_1327 : memref<4x32x128xf32, #tpu.memory_space<hbm>>)
    %add3A_1328 = arith.constant 148 : i32
    %add3A_1329 = arith.addi %mul3A_2, %add3A_1328 : i32
    %ge3A_1330 = arith.cmpi sge, %add3A_1329, %squeeze3A : i32
    %add3A_1331 = arith.constant 4096 : i32
    %add3A_1332 = arith.addi %squeeze3A, %add3A_1331 : i32
    %lt3A_1333 = arith.cmpi slt, %add3A_1329, %add3A_1332 : i32
    %and3A_1334 = arith.andi %ge3A_1330, %lt3A_1333 : i1
    %convert_element_type3A_1335 = arith.extui %and3A_1334 : i1 to i32
    %cond3A_1336 = arith.constant 0 : i32
    %cond3A_1337 = arith.cmpi ne, %convert_element_type3A_1335, %cond3A_1336 : i32
    scf.if %cond3A_1337 {
      %sub3A = arith.subi %add3A_1329, %squeeze3A : i32
      %dma_start3A_2493 = arith.constant 0 : i32
      %dma_start3A_2494 = arith.constant 0 : i32
      %dma_start3A_2495 = tpu.memref_slice %arg4[%sub3A, %dma_start3A_2493, %dma_start3A_2494] : memref<4096x32x128xf32, #tpu.memory_space<hbm>> -> memref<4x32x128xf32, #tpu.memory_space<hbm>>
      %dma_start3A_2496 = arith.constant 0 : i32
      %dma_start3A_2497 = arith.constant 0 : i32
      %dma_start3A_2498 = tpu.memref_slice %arg4[%sub3A, %dma_start3A_2496, %dma_start3A_2497] : memref<4096x32x128xf32, #tpu.memory_space<hbm>> -> memref<4x32x128xf32, #tpu.memory_space<hbm>>
      tpu.enqueue_dma source(%dma_start3A_2498 : memref<4x32x128xf32, #tpu.memory_space<hbm>>) target(%arg9 : memref<4x32x128xf32, #tpu.memory_space<vmem>>) target_semaphore(%arg16 : memref<!tpu.dma_semaphore, #tpu.memory_space<semaphore_mem>>)
    } else {
    }
    %not3A_1338 = arith.constant true
    %not3A_1339 = arith.xori %and3A_1334, %not3A_1338 : i1
    %convert_element_type3A_1340 = arith.extui %not3A_1339 : i1 to i32
    %cond3A_1341 = arith.constant 0 : i32
    %cond3A_1342 = arith.cmpi ne, %convert_element_type3A_1340, %cond3A_1341 : i32
    scf.if %cond3A_1342 {
      %dma_start3A_2493 = arith.constant 0 : i32
      %dma_start3A_2494 = arith.constant 0 : i32
      %dma_start3A_2495 = tpu.memref_slice %arg3[%add3A_1329, %dma_start3A_2493, %dma_start3A_2494] : memref<8192x32x128xf32, #tpu.memory_space<hbm>> -> memref<4x32x128xf32, #tpu.memory_space<hbm>>
      %dma_start3A_2496 = arith.constant 0 : i32
      %dma_start3A_2497 = arith.constant 0 : i32
      %dma_start3A_2498 = tpu.memref_slice %arg3[%add3A_1329, %dma_start3A_2496, %dma_start3A_2497] : memref<8192x32x128xf32, #tpu.memory_space<hbm>> -> memref<4x32x128xf32, #tpu.memory_space<hbm>>
      tpu.enqueue_dma source(%dma_start3A_2498 : memref<4x32x128xf32, #tpu.memory_space<hbm>>) target(%arg9 : memref<4x32x128xf32, #tpu.memory_space<vmem>>) target_semaphore(%arg16 : memref<!tpu.dma_semaphore, #tpu.memory_space<semaphore_mem>>)
    } else {
    }
    %dma_wait3A_1343 = arith.constant 0 : i32
    %dma_wait3A_1344 = arith.constant 0 : i32
    %dma_wait3A_1345 = arith.constant 0 : i32
    %dma_wait3A_1346 = tpu.memref_slice %arg3[%dma_wait3A_1343, %dma_wait3A_1344, %dma_wait3A_1345] : memref<8192x32x128xf32, #tpu.memory_space<hbm>> -> memref<4x32x128xf32, #tpu.memory_space<hbm>>
    %dma_wait3A_1347 = arith.constant 0 : i32
    %dma_wait3A_1348 = arith.constant 0 : i32
    %dma_wait3A_1349 = arith.constant 0 : i32
    %dma_wait3A_1350 = tpu.memref_slice %arg3[%dma_wait3A_1347, %dma_wait3A_1348, %dma_wait3A_1349] : memref<8192x32x128xf32, #tpu.memory_space<hbm>> -> memref<4x32x128xf32, #tpu.memory_space<hbm>>
    tpu.wait_dma2 semaphore(%arg19 : memref<!tpu.dma_semaphore, #tpu.memory_space<semaphore_mem>>) src(%dma_wait3A_1350 : memref<4x32x128xf32, #tpu.memory_space<hbm>>) dst(%arg12 : memref<4x32x128xf32, #tpu.memory_space<vmem>>)
    %add3A_1351 = arith.constant 132 : i32
    %add3A_1352 = arith.addi %mul3A_2, %add3A_1351 : i32
    %dma_start3A_1353 = arith.constant 0 : i32
    %dma_start3A_1354 = arith.constant 0 : i32
    %dma_start3A_1355 = tpu.memref_slice %arg5[%add3A_1352, %dma_start3A_1353, %dma_start3A_1354] : memref<8192x32x128xf32, #tpu.memory_space<hbm>> -> memref<4x32x128xf32, #tpu.memory_space<hbm>>
    %dma_start3A_1356 = arith.constant 0 : i32
    %dma_start3A_1357 = arith.constant 0 : i32
    %dma_start3A_1358 = tpu.memref_slice %arg5[%add3A_1352, %dma_start3A_1356, %dma_start3A_1357] : memref<8192x32x128xf32, #tpu.memory_space<hbm>> -> memref<4x32x128xf32, #tpu.memory_space<hbm>>
    tpu.enqueue_dma source(%arg12 : memref<4x32x128xf32, #tpu.memory_space<vmem>>) target(%dma_start3A_1358 : memref<4x32x128xf32, #tpu.memory_space<hbm>>) target_semaphore(%arg26 : memref<!tpu.dma_semaphore, #tpu.memory_space<semaphore_mem>>)
    %add3A_1359 = arith.constant 124 : i32
    %add3A_1360 = arith.addi %mul3A_2, %add3A_1359 : i32
    %dma_wait3A_1361 = arith.constant 0 : i32
    %dma_wait3A_1362 = arith.constant 0 : i32
    %dma_wait3A_1363 = tpu.memref_slice %arg5[%add3A_1360, %dma_wait3A_1361, %dma_wait3A_1362] : memref<8192x32x128xf32, #tpu.memory_space<hbm>> -> memref<4x32x128xf32, #tpu.memory_space<hbm>>
    %dma_wait3A_1364 = arith.constant 0 : i32
    %dma_wait3A_1365 = arith.constant 0 : i32
    %dma_wait3A_1366 = tpu.memref_slice %arg5[%add3A_1360, %dma_wait3A_1364, %dma_wait3A_1365] : memref<8192x32x128xf32, #tpu.memory_space<hbm>> -> memref<4x32x128xf32, #tpu.memory_space<hbm>>
    tpu.wait_dma2 semaphore(%arg24 : memref<!tpu.dma_semaphore, #tpu.memory_space<semaphore_mem>>) src(%arg10 : memref<4x32x128xf32, #tpu.memory_space<vmem>>) dst(%dma_wait3A_1366 : memref<4x32x128xf32, #tpu.memory_space<hbm>>)
    %add3A_1367 = arith.constant 152 : i32
    %add3A_1368 = arith.addi %mul3A_2, %add3A_1367 : i32
    %ge3A_1369 = arith.cmpi sge, %add3A_1368, %squeeze3A : i32
    %add3A_1370 = arith.constant 4096 : i32
    %add3A_1371 = arith.addi %squeeze3A, %add3A_1370 : i32
    %lt3A_1372 = arith.cmpi slt, %add3A_1368, %add3A_1371 : i32
    %and3A_1373 = arith.andi %ge3A_1369, %lt3A_1372 : i1
    %convert_element_type3A_1374 = arith.extui %and3A_1373 : i1 to i32
    %cond3A_1375 = arith.constant 0 : i32
    %cond3A_1376 = arith.cmpi ne, %convert_element_type3A_1374, %cond3A_1375 : i32
    scf.if %cond3A_1376 {
      %sub3A = arith.subi %add3A_1368, %squeeze3A : i32
      %dma_start3A_2493 = arith.constant 0 : i32
      %dma_start3A_2494 = arith.constant 0 : i32
      %dma_start3A_2495 = tpu.memref_slice %arg4[%sub3A, %dma_start3A_2493, %dma_start3A_2494] : memref<4096x32x128xf32, #tpu.memory_space<hbm>> -> memref<4x32x128xf32, #tpu.memory_space<hbm>>
      %dma_start3A_2496 = arith.constant 0 : i32
      %dma_start3A_2497 = arith.constant 0 : i32
      %dma_start3A_2498 = tpu.memref_slice %arg4[%sub3A, %dma_start3A_2496, %dma_start3A_2497] : memref<4096x32x128xf32, #tpu.memory_space<hbm>> -> memref<4x32x128xf32, #tpu.memory_space<hbm>>
      tpu.enqueue_dma source(%dma_start3A_2498 : memref<4x32x128xf32, #tpu.memory_space<hbm>>) target(%arg10 : memref<4x32x128xf32, #tpu.memory_space<vmem>>) target_semaphore(%arg17 : memref<!tpu.dma_semaphore, #tpu.memory_space<semaphore_mem>>)
    } else {
    }
    %not3A_1377 = arith.constant true
    %not3A_1378 = arith.xori %and3A_1373, %not3A_1377 : i1
    %convert_element_type3A_1379 = arith.extui %not3A_1378 : i1 to i32
    %cond3A_1380 = arith.constant 0 : i32
    %cond3A_1381 = arith.cmpi ne, %convert_element_type3A_1379, %cond3A_1380 : i32
    scf.if %cond3A_1381 {
      %dma_start3A_2493 = arith.constant 0 : i32
      %dma_start3A_2494 = arith.constant 0 : i32
      %dma_start3A_2495 = tpu.memref_slice %arg3[%add3A_1368, %dma_start3A_2493, %dma_start3A_2494] : memref<8192x32x128xf32, #tpu.memory_space<hbm>> -> memref<4x32x128xf32, #tpu.memory_space<hbm>>
      %dma_start3A_2496 = arith.constant 0 : i32
      %dma_start3A_2497 = arith.constant 0 : i32
      %dma_start3A_2498 = tpu.memref_slice %arg3[%add3A_1368, %dma_start3A_2496, %dma_start3A_2497] : memref<8192x32x128xf32, #tpu.memory_space<hbm>> -> memref<4x32x128xf32, #tpu.memory_space<hbm>>
      tpu.enqueue_dma source(%dma_start3A_2498 : memref<4x32x128xf32, #tpu.memory_space<hbm>>) target(%arg10 : memref<4x32x128xf32, #tpu.memory_space<vmem>>) target_semaphore(%arg17 : memref<!tpu.dma_semaphore, #tpu.memory_space<semaphore_mem>>)
    } else {
    }
    %dma_wait3A_1382 = arith.constant 0 : i32
    %dma_wait3A_1383 = arith.constant 0 : i32
    %dma_wait3A_1384 = arith.constant 0 : i32
    %dma_wait3A_1385 = tpu.memref_slice %arg3[%dma_wait3A_1382, %dma_wait3A_1383, %dma_wait3A_1384] : memref<8192x32x128xf32, #tpu.memory_space<hbm>> -> memref<4x32x128xf32, #tpu.memory_space<hbm>>
    %dma_wait3A_1386 = arith.constant 0 : i32
    %dma_wait3A_1387 = arith.constant 0 : i32
    %dma_wait3A_1388 = arith.constant 0 : i32
    %dma_wait3A_1389 = tpu.memref_slice %arg3[%dma_wait3A_1386, %dma_wait3A_1387, %dma_wait3A_1388] : memref<8192x32x128xf32, #tpu.memory_space<hbm>> -> memref<4x32x128xf32, #tpu.memory_space<hbm>>
    tpu.wait_dma2 semaphore(%arg20 : memref<!tpu.dma_semaphore, #tpu.memory_space<semaphore_mem>>) src(%dma_wait3A_1389 : memref<4x32x128xf32, #tpu.memory_space<hbm>>) dst(%arg13 : memref<4x32x128xf32, #tpu.memory_space<vmem>>)
    %add3A_1390 = arith.constant 136 : i32
    %add3A_1391 = arith.addi %mul3A_2, %add3A_1390 : i32
    %dma_start3A_1392 = arith.constant 0 : i32
    %dma_start3A_1393 = arith.constant 0 : i32
    %dma_start3A_1394 = tpu.memref_slice %arg5[%add3A_1391, %dma_start3A_1392, %dma_start3A_1393] : memref<8192x32x128xf32, #tpu.memory_space<hbm>> -> memref<4x32x128xf32, #tpu.memory_space<hbm>>
    %dma_start3A_1395 = arith.constant 0 : i32
    %dma_start3A_1396 = arith.constant 0 : i32
    %dma_start3A_1397 = tpu.memref_slice %arg5[%add3A_1391, %dma_start3A_1395, %dma_start3A_1396] : memref<8192x32x128xf32, #tpu.memory_space<hbm>> -> memref<4x32x128xf32, #tpu.memory_space<hbm>>
    tpu.enqueue_dma source(%arg13 : memref<4x32x128xf32, #tpu.memory_space<vmem>>) target(%dma_start3A_1397 : memref<4x32x128xf32, #tpu.memory_space<hbm>>) target_semaphore(%arg27 : memref<!tpu.dma_semaphore, #tpu.memory_space<semaphore_mem>>)
    %add3A_1398 = arith.constant 128 : i32
    %add3A_1399 = arith.addi %mul3A_2, %add3A_1398 : i32
    %dma_wait3A_1400 = arith.constant 0 : i32
    %dma_wait3A_1401 = arith.constant 0 : i32
    %dma_wait3A_1402 = tpu.memref_slice %arg5[%add3A_1399, %dma_wait3A_1400, %dma_wait3A_1401] : memref<8192x32x128xf32, #tpu.memory_space<hbm>> -> memref<4x32x128xf32, #tpu.memory_space<hbm>>
    %dma_wait3A_1403 = arith.constant 0 : i32
    %dma_wait3A_1404 = arith.constant 0 : i32
    %dma_wait3A_1405 = tpu.memref_slice %arg5[%add3A_1399, %dma_wait3A_1403, %dma_wait3A_1404] : memref<8192x32x128xf32, #tpu.memory_space<hbm>> -> memref<4x32x128xf32, #tpu.memory_space<hbm>>
    tpu.wait_dma2 semaphore(%arg25 : memref<!tpu.dma_semaphore, #tpu.memory_space<semaphore_mem>>) src(%arg11 : memref<4x32x128xf32, #tpu.memory_space<vmem>>) dst(%dma_wait3A_1405 : memref<4x32x128xf32, #tpu.memory_space<hbm>>)
    %add3A_1406 = arith.constant 156 : i32
    %add3A_1407 = arith.addi %mul3A_2, %add3A_1406 : i32
    %ge3A_1408 = arith.cmpi sge, %add3A_1407, %squeeze3A : i32
    %add3A_1409 = arith.constant 4096 : i32
    %add3A_1410 = arith.addi %squeeze3A, %add3A_1409 : i32
    %lt3A_1411 = arith.cmpi slt, %add3A_1407, %add3A_1410 : i32
    %and3A_1412 = arith.andi %ge3A_1408, %lt3A_1411 : i1
    %convert_element_type3A_1413 = arith.extui %and3A_1412 : i1 to i32
    %cond3A_1414 = arith.constant 0 : i32
    %cond3A_1415 = arith.cmpi ne, %convert_element_type3A_1413, %cond3A_1414 : i32
    scf.if %cond3A_1415 {
      %sub3A = arith.subi %add3A_1407, %squeeze3A : i32
      %dma_start3A_2493 = arith.constant 0 : i32
      %dma_start3A_2494 = arith.constant 0 : i32
      %dma_start3A_2495 = tpu.memref_slice %arg4[%sub3A, %dma_start3A_2493, %dma_start3A_2494] : memref<4096x32x128xf32, #tpu.memory_space<hbm>> -> memref<4x32x128xf32, #tpu.memory_space<hbm>>
      %dma_start3A_2496 = arith.constant 0 : i32
      %dma_start3A_2497 = arith.constant 0 : i32
      %dma_start3A_2498 = tpu.memref_slice %arg4[%sub3A, %dma_start3A_2496, %dma_start3A_2497] : memref<4096x32x128xf32, #tpu.memory_space<hbm>> -> memref<4x32x128xf32, #tpu.memory_space<hbm>>
      tpu.enqueue_dma source(%dma_start3A_2498 : memref<4x32x128xf32, #tpu.memory_space<hbm>>) target(%arg11 : memref<4x32x128xf32, #tpu.memory_space<vmem>>) target_semaphore(%arg18 : memref<!tpu.dma_semaphore, #tpu.memory_space<semaphore_mem>>)
    } else {
    }
    %not3A_1416 = arith.constant true
    %not3A_1417 = arith.xori %and3A_1412, %not3A_1416 : i1
    %convert_element_type3A_1418 = arith.extui %not3A_1417 : i1 to i32
    %cond3A_1419 = arith.constant 0 : i32
    %cond3A_1420 = arith.cmpi ne, %convert_element_type3A_1418, %cond3A_1419 : i32
    scf.if %cond3A_1420 {
      %dma_start3A_2493 = arith.constant 0 : i32
      %dma_start3A_2494 = arith.constant 0 : i32
      %dma_start3A_2495 = tpu.memref_slice %arg3[%add3A_1407, %dma_start3A_2493, %dma_start3A_2494] : memref<8192x32x128xf32, #tpu.memory_space<hbm>> -> memref<4x32x128xf32, #tpu.memory_space<hbm>>
      %dma_start3A_2496 = arith.constant 0 : i32
      %dma_start3A_2497 = arith.constant 0 : i32
      %dma_start3A_2498 = tpu.memref_slice %arg3[%add3A_1407, %dma_start3A_2496, %dma_start3A_2497] : memref<8192x32x128xf32, #tpu.memory_space<hbm>> -> memref<4x32x128xf32, #tpu.memory_space<hbm>>
      tpu.enqueue_dma source(%dma_start3A_2498 : memref<4x32x128xf32, #tpu.memory_space<hbm>>) target(%arg11 : memref<4x32x128xf32, #tpu.memory_space<vmem>>) target_semaphore(%arg18 : memref<!tpu.dma_semaphore, #tpu.memory_space<semaphore_mem>>)
    } else {
    }
    %dma_wait3A_1421 = arith.constant 0 : i32
    %dma_wait3A_1422 = arith.constant 0 : i32
    %dma_wait3A_1423 = arith.constant 0 : i32
    %dma_wait3A_1424 = tpu.memref_slice %arg3[%dma_wait3A_1421, %dma_wait3A_1422, %dma_wait3A_1423] : memref<8192x32x128xf32, #tpu.memory_space<hbm>> -> memref<4x32x128xf32, #tpu.memory_space<hbm>>
    %dma_wait3A_1425 = arith.constant 0 : i32
    %dma_wait3A_1426 = arith.constant 0 : i32
    %dma_wait3A_1427 = arith.constant 0 : i32
    %dma_wait3A_1428 = tpu.memref_slice %arg3[%dma_wait3A_1425, %dma_wait3A_1426, %dma_wait3A_1427] : memref<8192x32x128xf32, #tpu.memory_space<hbm>> -> memref<4x32x128xf32, #tpu.memory_space<hbm>>
    tpu.wait_dma2 semaphore(%arg14 : memref<!tpu.dma_semaphore, #tpu.memory_space<semaphore_mem>>) src(%dma_wait3A_1428 : memref<4x32x128xf32, #tpu.memory_space<hbm>>) dst(%arg7 : memref<4x32x128xf32, #tpu.memory_space<vmem>>)
    %add3A_1429 = arith.constant 140 : i32
    %add3A_1430 = arith.addi %mul3A_2, %add3A_1429 : i32
    %dma_start3A_1431 = arith.constant 0 : i32
    %dma_start3A_1432 = arith.constant 0 : i32
    %dma_start3A_1433 = tpu.memref_slice %arg5[%add3A_1430, %dma_start3A_1431, %dma_start3A_1432] : memref<8192x32x128xf32, #tpu.memory_space<hbm>> -> memref<4x32x128xf32, #tpu.memory_space<hbm>>
    %dma_start3A_1434 = arith.constant 0 : i32
    %dma_start3A_1435 = arith.constant 0 : i32
    %dma_start3A_1436 = tpu.memref_slice %arg5[%add3A_1430, %dma_start3A_1434, %dma_start3A_1435] : memref<8192x32x128xf32, #tpu.memory_space<hbm>> -> memref<4x32x128xf32, #tpu.memory_space<hbm>>
    tpu.enqueue_dma source(%arg7 : memref<4x32x128xf32, #tpu.memory_space<vmem>>) target(%dma_start3A_1436 : memref<4x32x128xf32, #tpu.memory_space<hbm>>) target_semaphore(%arg21 : memref<!tpu.dma_semaphore, #tpu.memory_space<semaphore_mem>>)
    %add3A_1437 = arith.constant 132 : i32
    %add3A_1438 = arith.addi %mul3A_2, %add3A_1437 : i32
    %dma_wait3A_1439 = arith.constant 0 : i32
    %dma_wait3A_1440 = arith.constant 0 : i32
    %dma_wait3A_1441 = tpu.memref_slice %arg5[%add3A_1438, %dma_wait3A_1439, %dma_wait3A_1440] : memref<8192x32x128xf32, #tpu.memory_space<hbm>> -> memref<4x32x128xf32, #tpu.memory_space<hbm>>
    %dma_wait3A_1442 = arith.constant 0 : i32
    %dma_wait3A_1443 = arith.constant 0 : i32
    %dma_wait3A_1444 = tpu.memref_slice %arg5[%add3A_1438, %dma_wait3A_1442, %dma_wait3A_1443] : memref<8192x32x128xf32, #tpu.memory_space<hbm>> -> memref<4x32x128xf32, #tpu.memory_space<hbm>>
    tpu.wait_dma2 semaphore(%arg26 : memref<!tpu.dma_semaphore, #tpu.memory_space<semaphore_mem>>) src(%arg12 : memref<4x32x128xf32, #tpu.memory_space<vmem>>) dst(%dma_wait3A_1444 : memref<4x32x128xf32, #tpu.memory_space<hbm>>)
    %add3A_1445 = arith.constant 160 : i32
    %add3A_1446 = arith.addi %mul3A_2, %add3A_1445 : i32
    %ge3A_1447 = arith.cmpi sge, %add3A_1446, %squeeze3A : i32
    %add3A_1448 = arith.constant 4096 : i32
    %add3A_1449 = arith.addi %squeeze3A, %add3A_1448 : i32
    %lt3A_1450 = arith.cmpi slt, %add3A_1446, %add3A_1449 : i32
    %and3A_1451 = arith.andi %ge3A_1447, %lt3A_1450 : i1
    %convert_element_type3A_1452 = arith.extui %and3A_1451 : i1 to i32
    %cond3A_1453 = arith.constant 0 : i32
    %cond3A_1454 = arith.cmpi ne, %convert_element_type3A_1452, %cond3A_1453 : i32
    scf.if %cond3A_1454 {
      %sub3A = arith.subi %add3A_1446, %squeeze3A : i32
      %dma_start3A_2493 = arith.constant 0 : i32
      %dma_start3A_2494 = arith.constant 0 : i32
      %dma_start3A_2495 = tpu.memref_slice %arg4[%sub3A, %dma_start3A_2493, %dma_start3A_2494] : memref<4096x32x128xf32, #tpu.memory_space<hbm>> -> memref<4x32x128xf32, #tpu.memory_space<hbm>>
      %dma_start3A_2496 = arith.constant 0 : i32
      %dma_start3A_2497 = arith.constant 0 : i32
      %dma_start3A_2498 = tpu.memref_slice %arg4[%sub3A, %dma_start3A_2496, %dma_start3A_2497] : memref<4096x32x128xf32, #tpu.memory_space<hbm>> -> memref<4x32x128xf32, #tpu.memory_space<hbm>>
      tpu.enqueue_dma source(%dma_start3A_2498 : memref<4x32x128xf32, #tpu.memory_space<hbm>>) target(%arg12 : memref<4x32x128xf32, #tpu.memory_space<vmem>>) target_semaphore(%arg19 : memref<!tpu.dma_semaphore, #tpu.memory_space<semaphore_mem>>)
    } else {
    }
    %not3A_1455 = arith.constant true
    %not3A_1456 = arith.xori %and3A_1451, %not3A_1455 : i1
    %convert_element_type3A_1457 = arith.extui %not3A_1456 : i1 to i32
    %cond3A_1458 = arith.constant 0 : i32
    %cond3A_1459 = arith.cmpi ne, %convert_element_type3A_1457, %cond3A_1458 : i32
    scf.if %cond3A_1459 {
      %dma_start3A_2493 = arith.constant 0 : i32
      %dma_start3A_2494 = arith.constant 0 : i32
      %dma_start3A_2495 = tpu.memref_slice %arg3[%add3A_1446, %dma_start3A_2493, %dma_start3A_2494] : memref<8192x32x128xf32, #tpu.memory_space<hbm>> -> memref<4x32x128xf32, #tpu.memory_space<hbm>>
      %dma_start3A_2496 = arith.constant 0 : i32
      %dma_start3A_2497 = arith.constant 0 : i32
      %dma_start3A_2498 = tpu.memref_slice %arg3[%add3A_1446, %dma_start3A_2496, %dma_start3A_2497] : memref<8192x32x128xf32, #tpu.memory_space<hbm>> -> memref<4x32x128xf32, #tpu.memory_space<hbm>>
      tpu.enqueue_dma source(%dma_start3A_2498 : memref<4x32x128xf32, #tpu.memory_space<hbm>>) target(%arg12 : memref<4x32x128xf32, #tpu.memory_space<vmem>>) target_semaphore(%arg19 : memref<!tpu.dma_semaphore, #tpu.memory_space<semaphore_mem>>)
    } else {
    }
    %dma_wait3A_1460 = arith.constant 0 : i32
    %dma_wait3A_1461 = arith.constant 0 : i32
    %dma_wait3A_1462 = arith.constant 0 : i32
    %dma_wait3A_1463 = tpu.memref_slice %arg3[%dma_wait3A_1460, %dma_wait3A_1461, %dma_wait3A_1462] : memref<8192x32x128xf32, #tpu.memory_space<hbm>> -> memref<4x32x128xf32, #tpu.memory_space<hbm>>
    %dma_wait3A_1464 = arith.constant 0 : i32
    %dma_wait3A_1465 = arith.constant 0 : i32
    %dma_wait3A_1466 = arith.constant 0 : i32
    %dma_wait3A_1467 = tpu.memref_slice %arg3[%dma_wait3A_1464, %dma_wait3A_1465, %dma_wait3A_1466] : memref<8192x32x128xf32, #tpu.memory_space<hbm>> -> memref<4x32x128xf32, #tpu.memory_space<hbm>>
    tpu.wait_dma2 semaphore(%arg15 : memref<!tpu.dma_semaphore, #tpu.memory_space<semaphore_mem>>) src(%dma_wait3A_1467 : memref<4x32x128xf32, #tpu.memory_space<hbm>>) dst(%arg8 : memref<4x32x128xf32, #tpu.memory_space<vmem>>)
    %add3A_1468 = arith.constant 144 : i32
    %add3A_1469 = arith.addi %mul3A_2, %add3A_1468 : i32
    %dma_start3A_1470 = arith.constant 0 : i32
    %dma_start3A_1471 = arith.constant 0 : i32
    %dma_start3A_1472 = tpu.memref_slice %arg5[%add3A_1469, %dma_start3A_1470, %dma_start3A_1471] : memref<8192x32x128xf32, #tpu.memory_space<hbm>> -> memref<4x32x128xf32, #tpu.memory_space<hbm>>
    %dma_start3A_1473 = arith.constant 0 : i32
    %dma_start3A_1474 = arith.constant 0 : i32
    %dma_start3A_1475 = tpu.memref_slice %arg5[%add3A_1469, %dma_start3A_1473, %dma_start3A_1474] : memref<8192x32x128xf32, #tpu.memory_space<hbm>> -> memref<4x32x128xf32, #tpu.memory_space<hbm>>
    tpu.enqueue_dma source(%arg8 : memref<4x32x128xf32, #tpu.memory_space<vmem>>) target(%dma_start3A_1475 : memref<4x32x128xf32, #tpu.memory_space<hbm>>) target_semaphore(%arg22 : memref<!tpu.dma_semaphore, #tpu.memory_space<semaphore_mem>>)
    %add3A_1476 = arith.constant 136 : i32
    %add3A_1477 = arith.addi %mul3A_2, %add3A_1476 : i32
    %dma_wait3A_1478 = arith.constant 0 : i32
    %dma_wait3A_1479 = arith.constant 0 : i32
    %dma_wait3A_1480 = tpu.memref_slice %arg5[%add3A_1477, %dma_wait3A_1478, %dma_wait3A_1479] : memref<8192x32x128xf32, #tpu.memory_space<hbm>> -> memref<4x32x128xf32, #tpu.memory_space<hbm>>
    %dma_wait3A_1481 = arith.constant 0 : i32
    %dma_wait3A_1482 = arith.constant 0 : i32
    %dma_wait3A_1483 = tpu.memref_slice %arg5[%add3A_1477, %dma_wait3A_1481, %dma_wait3A_1482] : memref<8192x32x128xf32, #tpu.memory_space<hbm>> -> memref<4x32x128xf32, #tpu.memory_space<hbm>>
    tpu.wait_dma2 semaphore(%arg27 : memref<!tpu.dma_semaphore, #tpu.memory_space<semaphore_mem>>) src(%arg13 : memref<4x32x128xf32, #tpu.memory_space<vmem>>) dst(%dma_wait3A_1483 : memref<4x32x128xf32, #tpu.memory_space<hbm>>)
    %add3A_1484 = arith.constant 164 : i32
    %add3A_1485 = arith.addi %mul3A_2, %add3A_1484 : i32
    %ge3A_1486 = arith.cmpi sge, %add3A_1485, %squeeze3A : i32
    %add3A_1487 = arith.constant 4096 : i32
    %add3A_1488 = arith.addi %squeeze3A, %add3A_1487 : i32
    %lt3A_1489 = arith.cmpi slt, %add3A_1485, %add3A_1488 : i32
    %and3A_1490 = arith.andi %ge3A_1486, %lt3A_1489 : i1
    %convert_element_type3A_1491 = arith.extui %and3A_1490 : i1 to i32
    %cond3A_1492 = arith.constant 0 : i32
    %cond3A_1493 = arith.cmpi ne, %convert_element_type3A_1491, %cond3A_1492 : i32
    scf.if %cond3A_1493 {
      %sub3A = arith.subi %add3A_1485, %squeeze3A : i32
      %dma_start3A_2493 = arith.constant 0 : i32
      %dma_start3A_2494 = arith.constant 0 : i32
      %dma_start3A_2495 = tpu.memref_slice %arg4[%sub3A, %dma_start3A_2493, %dma_start3A_2494] : memref<4096x32x128xf32, #tpu.memory_space<hbm>> -> memref<4x32x128xf32, #tpu.memory_space<hbm>>
      %dma_start3A_2496 = arith.constant 0 : i32
      %dma_start3A_2497 = arith.constant 0 : i32
      %dma_start3A_2498 = tpu.memref_slice %arg4[%sub3A, %dma_start3A_2496, %dma_start3A_2497] : memref<4096x32x128xf32, #tpu.memory_space<hbm>> -> memref<4x32x128xf32, #tpu.memory_space<hbm>>
      tpu.enqueue_dma source(%dma_start3A_2498 : memref<4x32x128xf32, #tpu.memory_space<hbm>>) target(%arg13 : memref<4x32x128xf32, #tpu.memory_space<vmem>>) target_semaphore(%arg20 : memref<!tpu.dma_semaphore, #tpu.memory_space<semaphore_mem>>)
    } else {
    }
    %not3A_1494 = arith.constant true
    %not3A_1495 = arith.xori %and3A_1490, %not3A_1494 : i1
    %convert_element_type3A_1496 = arith.extui %not3A_1495 : i1 to i32
    %cond3A_1497 = arith.constant 0 : i32
    %cond3A_1498 = arith.cmpi ne, %convert_element_type3A_1496, %cond3A_1497 : i32
    scf.if %cond3A_1498 {
      %dma_start3A_2493 = arith.constant 0 : i32
      %dma_start3A_2494 = arith.constant 0 : i32
      %dma_start3A_2495 = tpu.memref_slice %arg3[%add3A_1485, %dma_start3A_2493, %dma_start3A_2494] : memref<8192x32x128xf32, #tpu.memory_space<hbm>> -> memref<4x32x128xf32, #tpu.memory_space<hbm>>
      %dma_start3A_2496 = arith.constant 0 : i32
      %dma_start3A_2497 = arith.constant 0 : i32
      %dma_start3A_2498 = tpu.memref_slice %arg3[%add3A_1485, %dma_start3A_2496, %dma_start3A_2497] : memref<8192x32x128xf32, #tpu.memory_space<hbm>> -> memref<4x32x128xf32, #tpu.memory_space<hbm>>
      tpu.enqueue_dma source(%dma_start3A_2498 : memref<4x32x128xf32, #tpu.memory_space<hbm>>) target(%arg13 : memref<4x32x128xf32, #tpu.memory_space<vmem>>) target_semaphore(%arg20 : memref<!tpu.dma_semaphore, #tpu.memory_space<semaphore_mem>>)
    } else {
    }
    %dma_wait3A_1499 = arith.constant 0 : i32
    %dma_wait3A_1500 = arith.constant 0 : i32
    %dma_wait3A_1501 = arith.constant 0 : i32
    %dma_wait3A_1502 = tpu.memref_slice %arg3[%dma_wait3A_1499, %dma_wait3A_1500, %dma_wait3A_1501] : memref<8192x32x128xf32, #tpu.memory_space<hbm>> -> memref<4x32x128xf32, #tpu.memory_space<hbm>>
    %dma_wait3A_1503 = arith.constant 0 : i32
    %dma_wait3A_1504 = arith.constant 0 : i32
    %dma_wait3A_1505 = arith.constant 0 : i32
    %dma_wait3A_1506 = tpu.memref_slice %arg3[%dma_wait3A_1503, %dma_wait3A_1504, %dma_wait3A_1505] : memref<8192x32x128xf32, #tpu.memory_space<hbm>> -> memref<4x32x128xf32, #tpu.memory_space<hbm>>
    tpu.wait_dma2 semaphore(%arg16 : memref<!tpu.dma_semaphore, #tpu.memory_space<semaphore_mem>>) src(%dma_wait3A_1506 : memref<4x32x128xf32, #tpu.memory_space<hbm>>) dst(%arg9 : memref<4x32x128xf32, #tpu.memory_space<vmem>>)
    %add3A_1507 = arith.constant 148 : i32
    %add3A_1508 = arith.addi %mul3A_2, %add3A_1507 : i32
    %dma_start3A_1509 = arith.constant 0 : i32
    %dma_start3A_1510 = arith.constant 0 : i32
    %dma_start3A_1511 = tpu.memref_slice %arg5[%add3A_1508, %dma_start3A_1509, %dma_start3A_1510] : memref<8192x32x128xf32, #tpu.memory_space<hbm>> -> memref<4x32x128xf32, #tpu.memory_space<hbm>>
    %dma_start3A_1512 = arith.constant 0 : i32
    %dma_start3A_1513 = arith.constant 0 : i32
    %dma_start3A_1514 = tpu.memref_slice %arg5[%add3A_1508, %dma_start3A_1512, %dma_start3A_1513] : memref<8192x32x128xf32, #tpu.memory_space<hbm>> -> memref<4x32x128xf32, #tpu.memory_space<hbm>>
    tpu.enqueue_dma source(%arg9 : memref<4x32x128xf32, #tpu.memory_space<vmem>>) target(%dma_start3A_1514 : memref<4x32x128xf32, #tpu.memory_space<hbm>>) target_semaphore(%arg23 : memref<!tpu.dma_semaphore, #tpu.memory_space<semaphore_mem>>)
    %add3A_1515 = arith.constant 140 : i32
    %add3A_1516 = arith.addi %mul3A_2, %add3A_1515 : i32
    %dma_wait3A_1517 = arith.constant 0 : i32
    %dma_wait3A_1518 = arith.constant 0 : i32
    %dma_wait3A_1519 = tpu.memref_slice %arg5[%add3A_1516, %dma_wait3A_1517, %dma_wait3A_1518] : memref<8192x32x128xf32, #tpu.memory_space<hbm>> -> memref<4x32x128xf32, #tpu.memory_space<hbm>>
    %dma_wait3A_1520 = arith.constant 0 : i32
    %dma_wait3A_1521 = arith.constant 0 : i32
    %dma_wait3A_1522 = tpu.memref_slice %arg5[%add3A_1516, %dma_wait3A_1520, %dma_wait3A_1521] : memref<8192x32x128xf32, #tpu.memory_space<hbm>> -> memref<4x32x128xf32, #tpu.memory_space<hbm>>
    tpu.wait_dma2 semaphore(%arg21 : memref<!tpu.dma_semaphore, #tpu.memory_space<semaphore_mem>>) src(%arg7 : memref<4x32x128xf32, #tpu.memory_space<vmem>>) dst(%dma_wait3A_1522 : memref<4x32x128xf32, #tpu.memory_space<hbm>>)
    %add3A_1523 = arith.constant 168 : i32
    %add3A_1524 = arith.addi %mul3A_2, %add3A_1523 : i32
    %ge3A_1525 = arith.cmpi sge, %add3A_1524, %squeeze3A : i32
    %add3A_1526 = arith.constant 4096 : i32
    %add3A_1527 = arith.addi %squeeze3A, %add3A_1526 : i32
    %lt3A_1528 = arith.cmpi slt, %add3A_1524, %add3A_1527 : i32
    %and3A_1529 = arith.andi %ge3A_1525, %lt3A_1528 : i1
    %convert_element_type3A_1530 = arith.extui %and3A_1529 : i1 to i32
    %cond3A_1531 = arith.constant 0 : i32
    %cond3A_1532 = arith.cmpi ne, %convert_element_type3A_1530, %cond3A_1531 : i32
    scf.if %cond3A_1532 {
      %sub3A = arith.subi %add3A_1524, %squeeze3A : i32
      %dma_start3A_2493 = arith.constant 0 : i32
      %dma_start3A_2494 = arith.constant 0 : i32
      %dma_start3A_2495 = tpu.memref_slice %arg4[%sub3A, %dma_start3A_2493, %dma_start3A_2494] : memref<4096x32x128xf32, #tpu.memory_space<hbm>> -> memref<4x32x128xf32, #tpu.memory_space<hbm>>
      %dma_start3A_2496 = arith.constant 0 : i32
      %dma_start3A_2497 = arith.constant 0 : i32
      %dma_start3A_2498 = tpu.memref_slice %arg4[%sub3A, %dma_start3A_2496, %dma_start3A_2497] : memref<4096x32x128xf32, #tpu.memory_space<hbm>> -> memref<4x32x128xf32, #tpu.memory_space<hbm>>
      tpu.enqueue_dma source(%dma_start3A_2498 : memref<4x32x128xf32, #tpu.memory_space<hbm>>) target(%arg7 : memref<4x32x128xf32, #tpu.memory_space<vmem>>) target_semaphore(%arg14 : memref<!tpu.dma_semaphore, #tpu.memory_space<semaphore_mem>>)
    } else {
    }
    %not3A_1533 = arith.constant true
    %not3A_1534 = arith.xori %and3A_1529, %not3A_1533 : i1
    %convert_element_type3A_1535 = arith.extui %not3A_1534 : i1 to i32
    %cond3A_1536 = arith.constant 0 : i32
    %cond3A_1537 = arith.cmpi ne, %convert_element_type3A_1535, %cond3A_1536 : i32
    scf.if %cond3A_1537 {
      %dma_start3A_2493 = arith.constant 0 : i32
      %dma_start3A_2494 = arith.constant 0 : i32
      %dma_start3A_2495 = tpu.memref_slice %arg3[%add3A_1524, %dma_start3A_2493, %dma_start3A_2494] : memref<8192x32x128xf32, #tpu.memory_space<hbm>> -> memref<4x32x128xf32, #tpu.memory_space<hbm>>
      %dma_start3A_2496 = arith.constant 0 : i32
      %dma_start3A_2497 = arith.constant 0 : i32
      %dma_start3A_2498 = tpu.memref_slice %arg3[%add3A_1524, %dma_start3A_2496, %dma_start3A_2497] : memref<8192x32x128xf32, #tpu.memory_space<hbm>> -> memref<4x32x128xf32, #tpu.memory_space<hbm>>
      tpu.enqueue_dma source(%dma_start3A_2498 : memref<4x32x128xf32, #tpu.memory_space<hbm>>) target(%arg7 : memref<4x32x128xf32, #tpu.memory_space<vmem>>) target_semaphore(%arg14 : memref<!tpu.dma_semaphore, #tpu.memory_space<semaphore_mem>>)
    } else {
    }
    %dma_wait3A_1538 = arith.constant 0 : i32
    %dma_wait3A_1539 = arith.constant 0 : i32
    %dma_wait3A_1540 = arith.constant 0 : i32
    %dma_wait3A_1541 = tpu.memref_slice %arg3[%dma_wait3A_1538, %dma_wait3A_1539, %dma_wait3A_1540] : memref<8192x32x128xf32, #tpu.memory_space<hbm>> -> memref<4x32x128xf32, #tpu.memory_space<hbm>>
    %dma_wait3A_1542 = arith.constant 0 : i32
    %dma_wait3A_1543 = arith.constant 0 : i32
    %dma_wait3A_1544 = arith.constant 0 : i32
    %dma_wait3A_1545 = tpu.memref_slice %arg3[%dma_wait3A_1542, %dma_wait3A_1543, %dma_wait3A_1544] : memref<8192x32x128xf32, #tpu.memory_space<hbm>> -> memref<4x32x128xf32, #tpu.memory_space<hbm>>
    tpu.wait_dma2 semaphore(%arg17 : memref<!tpu.dma_semaphore, #tpu.memory_space<semaphore_mem>>) src(%dma_wait3A_1545 : memref<4x32x128xf32, #tpu.memory_space<hbm>>) dst(%arg10 : memref<4x32x128xf32, #tpu.memory_space<vmem>>)
    %add3A_1546 = arith.constant 152 : i32
    %add3A_1547 = arith.addi %mul3A_2, %add3A_1546 : i32
    %dma_start3A_1548 = arith.constant 0 : i32
    %dma_start3A_1549 = arith.constant 0 : i32
    %dma_start3A_1550 = tpu.memref_slice %arg5[%add3A_1547, %dma_start3A_1548, %dma_start3A_1549] : memref<8192x32x128xf32, #tpu.memory_space<hbm>> -> memref<4x32x128xf32, #tpu.memory_space<hbm>>
    %dma_start3A_1551 = arith.constant 0 : i32
    %dma_start3A_1552 = arith.constant 0 : i32
    %dma_start3A_1553 = tpu.memref_slice %arg5[%add3A_1547, %dma_start3A_1551, %dma_start3A_1552] : memref<8192x32x128xf32, #tpu.memory_space<hbm>> -> memref<4x32x128xf32, #tpu.memory_space<hbm>>
    tpu.enqueue_dma source(%arg10 : memref<4x32x128xf32, #tpu.memory_space<vmem>>) target(%dma_start3A_1553 : memref<4x32x128xf32, #tpu.memory_space<hbm>>) target_semaphore(%arg24 : memref<!tpu.dma_semaphore, #tpu.memory_space<semaphore_mem>>)
    %add3A_1554 = arith.constant 144 : i32
    %add3A_1555 = arith.addi %mul3A_2, %add3A_1554 : i32
    %dma_wait3A_1556 = arith.constant 0 : i32
    %dma_wait3A_1557 = arith.constant 0 : i32
    %dma_wait3A_1558 = tpu.memref_slice %arg5[%add3A_1555, %dma_wait3A_1556, %dma_wait3A_1557] : memref<8192x32x128xf32, #tpu.memory_space<hbm>> -> memref<4x32x128xf32, #tpu.memory_space<hbm>>
    %dma_wait3A_1559 = arith.constant 0 : i32
    %dma_wait3A_1560 = arith.constant 0 : i32
    %dma_wait3A_1561 = tpu.memref_slice %arg5[%add3A_1555, %dma_wait3A_1559, %dma_wait3A_1560] : memref<8192x32x128xf32, #tpu.memory_space<hbm>> -> memref<4x32x128xf32, #tpu.memory_space<hbm>>
    tpu.wait_dma2 semaphore(%arg22 : memref<!tpu.dma_semaphore, #tpu.memory_space<semaphore_mem>>) src(%arg8 : memref<4x32x128xf32, #tpu.memory_space<vmem>>) dst(%dma_wait3A_1561 : memref<4x32x128xf32, #tpu.memory_space<hbm>>)
    %add3A_1562 = arith.constant 172 : i32
    %add3A_1563 = arith.addi %mul3A_2, %add3A_1562 : i32
    %ge3A_1564 = arith.cmpi sge, %add3A_1563, %squeeze3A : i32
    %add3A_1565 = arith.constant 4096 : i32
    %add3A_1566 = arith.addi %squeeze3A, %add3A_1565 : i32
    %lt3A_1567 = arith.cmpi slt, %add3A_1563, %add3A_1566 : i32
    %and3A_1568 = arith.andi %ge3A_1564, %lt3A_1567 : i1
    %convert_element_type3A_1569 = arith.extui %and3A_1568 : i1 to i32
    %cond3A_1570 = arith.constant 0 : i32
    %cond3A_1571 = arith.cmpi ne, %convert_element_type3A_1569, %cond3A_1570 : i32
    scf.if %cond3A_1571 {
      %sub3A = arith.subi %add3A_1563, %squeeze3A : i32
      %dma_start3A_2493 = arith.constant 0 : i32
      %dma_start3A_2494 = arith.constant 0 : i32
      %dma_start3A_2495 = tpu.memref_slice %arg4[%sub3A, %dma_start3A_2493, %dma_start3A_2494] : memref<4096x32x128xf32, #tpu.memory_space<hbm>> -> memref<4x32x128xf32, #tpu.memory_space<hbm>>
      %dma_start3A_2496 = arith.constant 0 : i32
      %dma_start3A_2497 = arith.constant 0 : i32
      %dma_start3A_2498 = tpu.memref_slice %arg4[%sub3A, %dma_start3A_2496, %dma_start3A_2497] : memref<4096x32x128xf32, #tpu.memory_space<hbm>> -> memref<4x32x128xf32, #tpu.memory_space<hbm>>
      tpu.enqueue_dma source(%dma_start3A_2498 : memref<4x32x128xf32, #tpu.memory_space<hbm>>) target(%arg8 : memref<4x32x128xf32, #tpu.memory_space<vmem>>) target_semaphore(%arg15 : memref<!tpu.dma_semaphore, #tpu.memory_space<semaphore_mem>>)
    } else {
    }
    %not3A_1572 = arith.constant true
    %not3A_1573 = arith.xori %and3A_1568, %not3A_1572 : i1
    %convert_element_type3A_1574 = arith.extui %not3A_1573 : i1 to i32
    %cond3A_1575 = arith.constant 0 : i32
    %cond3A_1576 = arith.cmpi ne, %convert_element_type3A_1574, %cond3A_1575 : i32
    scf.if %cond3A_1576 {
      %dma_start3A_2493 = arith.constant 0 : i32
      %dma_start3A_2494 = arith.constant 0 : i32
      %dma_start3A_2495 = tpu.memref_slice %arg3[%add3A_1563, %dma_start3A_2493, %dma_start3A_2494] : memref<8192x32x128xf32, #tpu.memory_space<hbm>> -> memref<4x32x128xf32, #tpu.memory_space<hbm>>
      %dma_start3A_2496 = arith.constant 0 : i32
      %dma_start3A_2497 = arith.constant 0 : i32
      %dma_start3A_2498 = tpu.memref_slice %arg3[%add3A_1563, %dma_start3A_2496, %dma_start3A_2497] : memref<8192x32x128xf32, #tpu.memory_space<hbm>> -> memref<4x32x128xf32, #tpu.memory_space<hbm>>
      tpu.enqueue_dma source(%dma_start3A_2498 : memref<4x32x128xf32, #tpu.memory_space<hbm>>) target(%arg8 : memref<4x32x128xf32, #tpu.memory_space<vmem>>) target_semaphore(%arg15 : memref<!tpu.dma_semaphore, #tpu.memory_space<semaphore_mem>>)
    } else {
    }
    %dma_wait3A_1577 = arith.constant 0 : i32
    %dma_wait3A_1578 = arith.constant 0 : i32
    %dma_wait3A_1579 = arith.constant 0 : i32
    %dma_wait3A_1580 = tpu.memref_slice %arg3[%dma_wait3A_1577, %dma_wait3A_1578, %dma_wait3A_1579] : memref<8192x32x128xf32, #tpu.memory_space<hbm>> -> memref<4x32x128xf32, #tpu.memory_space<hbm>>
    %dma_wait3A_1581 = arith.constant 0 : i32
    %dma_wait3A_1582 = arith.constant 0 : i32
    %dma_wait3A_1583 = arith.constant 0 : i32
    %dma_wait3A_1584 = tpu.memref_slice %arg3[%dma_wait3A_1581, %dma_wait3A_1582, %dma_wait3A_1583] : memref<8192x32x128xf32, #tpu.memory_space<hbm>> -> memref<4x32x128xf32, #tpu.memory_space<hbm>>
    tpu.wait_dma2 semaphore(%arg18 : memref<!tpu.dma_semaphore, #tpu.memory_space<semaphore_mem>>) src(%dma_wait3A_1584 : memref<4x32x128xf32, #tpu.memory_space<hbm>>) dst(%arg11 : memref<4x32x128xf32, #tpu.memory_space<vmem>>)
    %add3A_1585 = arith.constant 156 : i32
    %add3A_1586 = arith.addi %mul3A_2, %add3A_1585 : i32
    %dma_start3A_1587 = arith.constant 0 : i32
    %dma_start3A_1588 = arith.constant 0 : i32
    %dma_start3A_1589 = tpu.memref_slice %arg5[%add3A_1586, %dma_start3A_1587, %dma_start3A_1588] : memref<8192x32x128xf32, #tpu.memory_space<hbm>> -> memref<4x32x128xf32, #tpu.memory_space<hbm>>
    %dma_start3A_1590 = arith.constant 0 : i32
    %dma_start3A_1591 = arith.constant 0 : i32
    %dma_start3A_1592 = tpu.memref_slice %arg5[%add3A_1586, %dma_start3A_1590, %dma_start3A_1591] : memref<8192x32x128xf32, #tpu.memory_space<hbm>> -> memref<4x32x128xf32, #tpu.memory_space<hbm>>
    tpu.enqueue_dma source(%arg11 : memref<4x32x128xf32, #tpu.memory_space<vmem>>) target(%dma_start3A_1592 : memref<4x32x128xf32, #tpu.memory_space<hbm>>) target_semaphore(%arg25 : memref<!tpu.dma_semaphore, #tpu.memory_space<semaphore_mem>>)
    %add3A_1593 = arith.constant 148 : i32
    %add3A_1594 = arith.addi %mul3A_2, %add3A_1593 : i32
    %dma_wait3A_1595 = arith.constant 0 : i32
    %dma_wait3A_1596 = arith.constant 0 : i32
    %dma_wait3A_1597 = tpu.memref_slice %arg5[%add3A_1594, %dma_wait3A_1595, %dma_wait3A_1596] : memref<8192x32x128xf32, #tpu.memory_space<hbm>> -> memref<4x32x128xf32, #tpu.memory_space<hbm>>
    %dma_wait3A_1598 = arith.constant 0 : i32
    %dma_wait3A_1599 = arith.constant 0 : i32
    %dma_wait3A_1600 = tpu.memref_slice %arg5[%add3A_1594, %dma_wait3A_1598, %dma_wait3A_1599] : memref<8192x32x128xf32, #tpu.memory_space<hbm>> -> memref<4x32x128xf32, #tpu.memory_space<hbm>>
    tpu.wait_dma2 semaphore(%arg23 : memref<!tpu.dma_semaphore, #tpu.memory_space<semaphore_mem>>) src(%arg9 : memref<4x32x128xf32, #tpu.memory_space<vmem>>) dst(%dma_wait3A_1600 : memref<4x32x128xf32, #tpu.memory_space<hbm>>)
    %add3A_1601 = arith.constant 176 : i32
    %add3A_1602 = arith.addi %mul3A_2, %add3A_1601 : i32
    %ge3A_1603 = arith.cmpi sge, %add3A_1602, %squeeze3A : i32
    %add3A_1604 = arith.constant 4096 : i32
    %add3A_1605 = arith.addi %squeeze3A, %add3A_1604 : i32
    %lt3A_1606 = arith.cmpi slt, %add3A_1602, %add3A_1605 : i32
    %and3A_1607 = arith.andi %ge3A_1603, %lt3A_1606 : i1
    %convert_element_type3A_1608 = arith.extui %and3A_1607 : i1 to i32
    %cond3A_1609 = arith.constant 0 : i32
    %cond3A_1610 = arith.cmpi ne, %convert_element_type3A_1608, %cond3A_1609 : i32
    scf.if %cond3A_1610 {
      %sub3A = arith.subi %add3A_1602, %squeeze3A : i32
      %dma_start3A_2493 = arith.constant 0 : i32
      %dma_start3A_2494 = arith.constant 0 : i32
      %dma_start3A_2495 = tpu.memref_slice %arg4[%sub3A, %dma_start3A_2493, %dma_start3A_2494] : memref<4096x32x128xf32, #tpu.memory_space<hbm>> -> memref<4x32x128xf32, #tpu.memory_space<hbm>>
      %dma_start3A_2496 = arith.constant 0 : i32
      %dma_start3A_2497 = arith.constant 0 : i32
      %dma_start3A_2498 = tpu.memref_slice %arg4[%sub3A, %dma_start3A_2496, %dma_start3A_2497] : memref<4096x32x128xf32, #tpu.memory_space<hbm>> -> memref<4x32x128xf32, #tpu.memory_space<hbm>>
      tpu.enqueue_dma source(%dma_start3A_2498 : memref<4x32x128xf32, #tpu.memory_space<hbm>>) target(%arg9 : memref<4x32x128xf32, #tpu.memory_space<vmem>>) target_semaphore(%arg16 : memref<!tpu.dma_semaphore, #tpu.memory_space<semaphore_mem>>)
    } else {
    }
    %not3A_1611 = arith.constant true
    %not3A_1612 = arith.xori %and3A_1607, %not3A_1611 : i1
    %convert_element_type3A_1613 = arith.extui %not3A_1612 : i1 to i32
    %cond3A_1614 = arith.constant 0 : i32
    %cond3A_1615 = arith.cmpi ne, %convert_element_type3A_1613, %cond3A_1614 : i32
    scf.if %cond3A_1615 {
      %dma_start3A_2493 = arith.constant 0 : i32
      %dma_start3A_2494 = arith.constant 0 : i32
      %dma_start3A_2495 = tpu.memref_slice %arg3[%add3A_1602, %dma_start3A_2493, %dma_start3A_2494] : memref<8192x32x128xf32, #tpu.memory_space<hbm>> -> memref<4x32x128xf32, #tpu.memory_space<hbm>>
      %dma_start3A_2496 = arith.constant 0 : i32
      %dma_start3A_2497 = arith.constant 0 : i32
      %dma_start3A_2498 = tpu.memref_slice %arg3[%add3A_1602, %dma_start3A_2496, %dma_start3A_2497] : memref<8192x32x128xf32, #tpu.memory_space<hbm>> -> memref<4x32x128xf32, #tpu.memory_space<hbm>>
      tpu.enqueue_dma source(%dma_start3A_2498 : memref<4x32x128xf32, #tpu.memory_space<hbm>>) target(%arg9 : memref<4x32x128xf32, #tpu.memory_space<vmem>>) target_semaphore(%arg16 : memref<!tpu.dma_semaphore, #tpu.memory_space<semaphore_mem>>)
    } else {
    }
    %dma_wait3A_1616 = arith.constant 0 : i32
    %dma_wait3A_1617 = arith.constant 0 : i32
    %dma_wait3A_1618 = arith.constant 0 : i32
    %dma_wait3A_1619 = tpu.memref_slice %arg3[%dma_wait3A_1616, %dma_wait3A_1617, %dma_wait3A_1618] : memref<8192x32x128xf32, #tpu.memory_space<hbm>> -> memref<4x32x128xf32, #tpu.memory_space<hbm>>
    %dma_wait3A_1620 = arith.constant 0 : i32
    %dma_wait3A_1621 = arith.constant 0 : i32
    %dma_wait3A_1622 = arith.constant 0 : i32
    %dma_wait3A_1623 = tpu.memref_slice %arg3[%dma_wait3A_1620, %dma_wait3A_1621, %dma_wait3A_1622] : memref<8192x32x128xf32, #tpu.memory_space<hbm>> -> memref<4x32x128xf32, #tpu.memory_space<hbm>>
    tpu.wait_dma2 semaphore(%arg19 : memref<!tpu.dma_semaphore, #tpu.memory_space<semaphore_mem>>) src(%dma_wait3A_1623 : memref<4x32x128xf32, #tpu.memory_space<hbm>>) dst(%arg12 : memref<4x32x128xf32, #tpu.memory_space<vmem>>)
    %add3A_1624 = arith.constant 160 : i32
    %add3A_1625 = arith.addi %mul3A_2, %add3A_1624 : i32
    %dma_start3A_1626 = arith.constant 0 : i32
    %dma_start3A_1627 = arith.constant 0 : i32
    %dma_start3A_1628 = tpu.memref_slice %arg5[%add3A_1625, %dma_start3A_1626, %dma_start3A_1627] : memref<8192x32x128xf32, #tpu.memory_space<hbm>> -> memref<4x32x128xf32, #tpu.memory_space<hbm>>
    %dma_start3A_1629 = arith.constant 0 : i32
    %dma_start3A_1630 = arith.constant 0 : i32
    %dma_start3A_1631 = tpu.memref_slice %arg5[%add3A_1625, %dma_start3A_1629, %dma_start3A_1630] : memref<8192x32x128xf32, #tpu.memory_space<hbm>> -> memref<4x32x128xf32, #tpu.memory_space<hbm>>
    tpu.enqueue_dma source(%arg12 : memref<4x32x128xf32, #tpu.memory_space<vmem>>) target(%dma_start3A_1631 : memref<4x32x128xf32, #tpu.memory_space<hbm>>) target_semaphore(%arg26 : memref<!tpu.dma_semaphore, #tpu.memory_space<semaphore_mem>>)
    %add3A_1632 = arith.constant 152 : i32
    %add3A_1633 = arith.addi %mul3A_2, %add3A_1632 : i32
    %dma_wait3A_1634 = arith.constant 0 : i32
    %dma_wait3A_1635 = arith.constant 0 : i32
    %dma_wait3A_1636 = tpu.memref_slice %arg5[%add3A_1633, %dma_wait3A_1634, %dma_wait3A_1635] : memref<8192x32x128xf32, #tpu.memory_space<hbm>> -> memref<4x32x128xf32, #tpu.memory_space<hbm>>
    %dma_wait3A_1637 = arith.constant 0 : i32
    %dma_wait3A_1638 = arith.constant 0 : i32
    %dma_wait3A_1639 = tpu.memref_slice %arg5[%add3A_1633, %dma_wait3A_1637, %dma_wait3A_1638] : memref<8192x32x128xf32, #tpu.memory_space<hbm>> -> memref<4x32x128xf32, #tpu.memory_space<hbm>>
    tpu.wait_dma2 semaphore(%arg24 : memref<!tpu.dma_semaphore, #tpu.memory_space<semaphore_mem>>) src(%arg10 : memref<4x32x128xf32, #tpu.memory_space<vmem>>) dst(%dma_wait3A_1639 : memref<4x32x128xf32, #tpu.memory_space<hbm>>)
    %add3A_1640 = arith.constant 180 : i32
    %add3A_1641 = arith.addi %mul3A_2, %add3A_1640 : i32
    %ge3A_1642 = arith.cmpi sge, %add3A_1641, %squeeze3A : i32
    %add3A_1643 = arith.constant 4096 : i32
    %add3A_1644 = arith.addi %squeeze3A, %add3A_1643 : i32
    %lt3A_1645 = arith.cmpi slt, %add3A_1641, %add3A_1644 : i32
    %and3A_1646 = arith.andi %ge3A_1642, %lt3A_1645 : i1
    %convert_element_type3A_1647 = arith.extui %and3A_1646 : i1 to i32
    %cond3A_1648 = arith.constant 0 : i32
    %cond3A_1649 = arith.cmpi ne, %convert_element_type3A_1647, %cond3A_1648 : i32
    scf.if %cond3A_1649 {
      %sub3A = arith.subi %add3A_1641, %squeeze3A : i32
      %dma_start3A_2493 = arith.constant 0 : i32
      %dma_start3A_2494 = arith.constant 0 : i32
      %dma_start3A_2495 = tpu.memref_slice %arg4[%sub3A, %dma_start3A_2493, %dma_start3A_2494] : memref<4096x32x128xf32, #tpu.memory_space<hbm>> -> memref<4x32x128xf32, #tpu.memory_space<hbm>>
      %dma_start3A_2496 = arith.constant 0 : i32
      %dma_start3A_2497 = arith.constant 0 : i32
      %dma_start3A_2498 = tpu.memref_slice %arg4[%sub3A, %dma_start3A_2496, %dma_start3A_2497] : memref<4096x32x128xf32, #tpu.memory_space<hbm>> -> memref<4x32x128xf32, #tpu.memory_space<hbm>>
      tpu.enqueue_dma source(%dma_start3A_2498 : memref<4x32x128xf32, #tpu.memory_space<hbm>>) target(%arg10 : memref<4x32x128xf32, #tpu.memory_space<vmem>>) target_semaphore(%arg17 : memref<!tpu.dma_semaphore, #tpu.memory_space<semaphore_mem>>)
    } else {
    }
    %not3A_1650 = arith.constant true
    %not3A_1651 = arith.xori %and3A_1646, %not3A_1650 : i1
    %convert_element_type3A_1652 = arith.extui %not3A_1651 : i1 to i32
    %cond3A_1653 = arith.constant 0 : i32
    %cond3A_1654 = arith.cmpi ne, %convert_element_type3A_1652, %cond3A_1653 : i32
    scf.if %cond3A_1654 {
      %dma_start3A_2493 = arith.constant 0 : i32
      %dma_start3A_2494 = arith.constant 0 : i32
      %dma_start3A_2495 = tpu.memref_slice %arg3[%add3A_1641, %dma_start3A_2493, %dma_start3A_2494] : memref<8192x32x128xf32, #tpu.memory_space<hbm>> -> memref<4x32x128xf32, #tpu.memory_space<hbm>>
      %dma_start3A_2496 = arith.constant 0 : i32
      %dma_start3A_2497 = arith.constant 0 : i32
      %dma_start3A_2498 = tpu.memref_slice %arg3[%add3A_1641, %dma_start3A_2496, %dma_start3A_2497] : memref<8192x32x128xf32, #tpu.memory_space<hbm>> -> memref<4x32x128xf32, #tpu.memory_space<hbm>>
      tpu.enqueue_dma source(%dma_start3A_2498 : memref<4x32x128xf32, #tpu.memory_space<hbm>>) target(%arg10 : memref<4x32x128xf32, #tpu.memory_space<vmem>>) target_semaphore(%arg17 : memref<!tpu.dma_semaphore, #tpu.memory_space<semaphore_mem>>)
    } else {
    }
    %dma_wait3A_1655 = arith.constant 0 : i32
    %dma_wait3A_1656 = arith.constant 0 : i32
    %dma_wait3A_1657 = arith.constant 0 : i32
    %dma_wait3A_1658 = tpu.memref_slice %arg3[%dma_wait3A_1655, %dma_wait3A_1656, %dma_wait3A_1657] : memref<8192x32x128xf32, #tpu.memory_space<hbm>> -> memref<4x32x128xf32, #tpu.memory_space<hbm>>
    %dma_wait3A_1659 = arith.constant 0 : i32
    %dma_wait3A_1660 = arith.constant 0 : i32
    %dma_wait3A_1661 = arith.constant 0 : i32
    %dma_wait3A_1662 = tpu.memref_slice %arg3[%dma_wait3A_1659, %dma_wait3A_1660, %dma_wait3A_1661] : memref<8192x32x128xf32, #tpu.memory_space<hbm>> -> memref<4x32x128xf32, #tpu.memory_space<hbm>>
    tpu.wait_dma2 semaphore(%arg20 : memref<!tpu.dma_semaphore, #tpu.memory_space<semaphore_mem>>) src(%dma_wait3A_1662 : memref<4x32x128xf32, #tpu.memory_space<hbm>>) dst(%arg13 : memref<4x32x128xf32, #tpu.memory_space<vmem>>)
    %add3A_1663 = arith.constant 164 : i32
    %add3A_1664 = arith.addi %mul3A_2, %add3A_1663 : i32
    %dma_start3A_1665 = arith.constant 0 : i32
    %dma_start3A_1666 = arith.constant 0 : i32
    %dma_start3A_1667 = tpu.memref_slice %arg5[%add3A_1664, %dma_start3A_1665, %dma_start3A_1666] : memref<8192x32x128xf32, #tpu.memory_space<hbm>> -> memref<4x32x128xf32, #tpu.memory_space<hbm>>
    %dma_start3A_1668 = arith.constant 0 : i32
    %dma_start3A_1669 = arith.constant 0 : i32
    %dma_start3A_1670 = tpu.memref_slice %arg5[%add3A_1664, %dma_start3A_1668, %dma_start3A_1669] : memref<8192x32x128xf32, #tpu.memory_space<hbm>> -> memref<4x32x128xf32, #tpu.memory_space<hbm>>
    tpu.enqueue_dma source(%arg13 : memref<4x32x128xf32, #tpu.memory_space<vmem>>) target(%dma_start3A_1670 : memref<4x32x128xf32, #tpu.memory_space<hbm>>) target_semaphore(%arg27 : memref<!tpu.dma_semaphore, #tpu.memory_space<semaphore_mem>>)
    %add3A_1671 = arith.constant 156 : i32
    %add3A_1672 = arith.addi %mul3A_2, %add3A_1671 : i32
    %dma_wait3A_1673 = arith.constant 0 : i32
    %dma_wait3A_1674 = arith.constant 0 : i32
    %dma_wait3A_1675 = tpu.memref_slice %arg5[%add3A_1672, %dma_wait3A_1673, %dma_wait3A_1674] : memref<8192x32x128xf32, #tpu.memory_space<hbm>> -> memref<4x32x128xf32, #tpu.memory_space<hbm>>
    %dma_wait3A_1676 = arith.constant 0 : i32
    %dma_wait3A_1677 = arith.constant 0 : i32
    %dma_wait3A_1678 = tpu.memref_slice %arg5[%add3A_1672, %dma_wait3A_1676, %dma_wait3A_1677] : memref<8192x32x128xf32, #tpu.memory_space<hbm>> -> memref<4x32x128xf32, #tpu.memory_space<hbm>>
    tpu.wait_dma2 semaphore(%arg25 : memref<!tpu.dma_semaphore, #tpu.memory_space<semaphore_mem>>) src(%arg11 : memref<4x32x128xf32, #tpu.memory_space<vmem>>) dst(%dma_wait3A_1678 : memref<4x32x128xf32, #tpu.memory_space<hbm>>)
    %add3A_1679 = arith.constant 184 : i32
    %add3A_1680 = arith.addi %mul3A_2, %add3A_1679 : i32
    %ge3A_1681 = arith.cmpi sge, %add3A_1680, %squeeze3A : i32
    %add3A_1682 = arith.constant 4096 : i32
    %add3A_1683 = arith.addi %squeeze3A, %add3A_1682 : i32
    %lt3A_1684 = arith.cmpi slt, %add3A_1680, %add3A_1683 : i32
    %and3A_1685 = arith.andi %ge3A_1681, %lt3A_1684 : i1
    %convert_element_type3A_1686 = arith.extui %and3A_1685 : i1 to i32
    %cond3A_1687 = arith.constant 0 : i32
    %cond3A_1688 = arith.cmpi ne, %convert_element_type3A_1686, %cond3A_1687 : i32
    scf.if %cond3A_1688 {
      %sub3A = arith.subi %add3A_1680, %squeeze3A : i32
      %dma_start3A_2493 = arith.constant 0 : i32
      %dma_start3A_2494 = arith.constant 0 : i32
      %dma_start3A_2495 = tpu.memref_slice %arg4[%sub3A, %dma_start3A_2493, %dma_start3A_2494] : memref<4096x32x128xf32, #tpu.memory_space<hbm>> -> memref<4x32x128xf32, #tpu.memory_space<hbm>>
      %dma_start3A_2496 = arith.constant 0 : i32
      %dma_start3A_2497 = arith.constant 0 : i32
      %dma_start3A_2498 = tpu.memref_slice %arg4[%sub3A, %dma_start3A_2496, %dma_start3A_2497] : memref<4096x32x128xf32, #tpu.memory_space<hbm>> -> memref<4x32x128xf32, #tpu.memory_space<hbm>>
      tpu.enqueue_dma source(%dma_start3A_2498 : memref<4x32x128xf32, #tpu.memory_space<hbm>>) target(%arg11 : memref<4x32x128xf32, #tpu.memory_space<vmem>>) target_semaphore(%arg18 : memref<!tpu.dma_semaphore, #tpu.memory_space<semaphore_mem>>)
    } else {
    }
    %not3A_1689 = arith.constant true
    %not3A_1690 = arith.xori %and3A_1685, %not3A_1689 : i1
    %convert_element_type3A_1691 = arith.extui %not3A_1690 : i1 to i32
    %cond3A_1692 = arith.constant 0 : i32
    %cond3A_1693 = arith.cmpi ne, %convert_element_type3A_1691, %cond3A_1692 : i32
    scf.if %cond3A_1693 {
      %dma_start3A_2493 = arith.constant 0 : i32
      %dma_start3A_2494 = arith.constant 0 : i32
      %dma_start3A_2495 = tpu.memref_slice %arg3[%add3A_1680, %dma_start3A_2493, %dma_start3A_2494] : memref<8192x32x128xf32, #tpu.memory_space<hbm>> -> memref<4x32x128xf32, #tpu.memory_space<hbm>>
      %dma_start3A_2496 = arith.constant 0 : i32
      %dma_start3A_2497 = arith.constant 0 : i32
      %dma_start3A_2498 = tpu.memref_slice %arg3[%add3A_1680, %dma_start3A_2496, %dma_start3A_2497] : memref<8192x32x128xf32, #tpu.memory_space<hbm>> -> memref<4x32x128xf32, #tpu.memory_space<hbm>>
      tpu.enqueue_dma source(%dma_start3A_2498 : memref<4x32x128xf32, #tpu.memory_space<hbm>>) target(%arg11 : memref<4x32x128xf32, #tpu.memory_space<vmem>>) target_semaphore(%arg18 : memref<!tpu.dma_semaphore, #tpu.memory_space<semaphore_mem>>)
    } else {
    }
    %dma_wait3A_1694 = arith.constant 0 : i32
    %dma_wait3A_1695 = arith.constant 0 : i32
    %dma_wait3A_1696 = arith.constant 0 : i32
    %dma_wait3A_1697 = tpu.memref_slice %arg3[%dma_wait3A_1694, %dma_wait3A_1695, %dma_wait3A_1696] : memref<8192x32x128xf32, #tpu.memory_space<hbm>> -> memref<4x32x128xf32, #tpu.memory_space<hbm>>
    %dma_wait3A_1698 = arith.constant 0 : i32
    %dma_wait3A_1699 = arith.constant 0 : i32
    %dma_wait3A_1700 = arith.constant 0 : i32
    %dma_wait3A_1701 = tpu.memref_slice %arg3[%dma_wait3A_1698, %dma_wait3A_1699, %dma_wait3A_1700] : memref<8192x32x128xf32, #tpu.memory_space<hbm>> -> memref<4x32x128xf32, #tpu.memory_space<hbm>>
    tpu.wait_dma2 semaphore(%arg14 : memref<!tpu.dma_semaphore, #tpu.memory_space<semaphore_mem>>) src(%dma_wait3A_1701 : memref<4x32x128xf32, #tpu.memory_space<hbm>>) dst(%arg7 : memref<4x32x128xf32, #tpu.memory_space<vmem>>)
    %add3A_1702 = arith.constant 168 : i32
    %add3A_1703 = arith.addi %mul3A_2, %add3A_1702 : i32
    %dma_start3A_1704 = arith.constant 0 : i32
    %dma_start3A_1705 = arith.constant 0 : i32
    %dma_start3A_1706 = tpu.memref_slice %arg5[%add3A_1703, %dma_start3A_1704, %dma_start3A_1705] : memref<8192x32x128xf32, #tpu.memory_space<hbm>> -> memref<4x32x128xf32, #tpu.memory_space<hbm>>
    %dma_start3A_1707 = arith.constant 0 : i32
    %dma_start3A_1708 = arith.constant 0 : i32
    %dma_start3A_1709 = tpu.memref_slice %arg5[%add3A_1703, %dma_start3A_1707, %dma_start3A_1708] : memref<8192x32x128xf32, #tpu.memory_space<hbm>> -> memref<4x32x128xf32, #tpu.memory_space<hbm>>
    tpu.enqueue_dma source(%arg7 : memref<4x32x128xf32, #tpu.memory_space<vmem>>) target(%dma_start3A_1709 : memref<4x32x128xf32, #tpu.memory_space<hbm>>) target_semaphore(%arg21 : memref<!tpu.dma_semaphore, #tpu.memory_space<semaphore_mem>>)
    %add3A_1710 = arith.constant 160 : i32
    %add3A_1711 = arith.addi %mul3A_2, %add3A_1710 : i32
    %dma_wait3A_1712 = arith.constant 0 : i32
    %dma_wait3A_1713 = arith.constant 0 : i32
    %dma_wait3A_1714 = tpu.memref_slice %arg5[%add3A_1711, %dma_wait3A_1712, %dma_wait3A_1713] : memref<8192x32x128xf32, #tpu.memory_space<hbm>> -> memref<4x32x128xf32, #tpu.memory_space<hbm>>
    %dma_wait3A_1715 = arith.constant 0 : i32
    %dma_wait3A_1716 = arith.constant 0 : i32
    %dma_wait3A_1717 = tpu.memref_slice %arg5[%add3A_1711, %dma_wait3A_1715, %dma_wait3A_1716] : memref<8192x32x128xf32, #tpu.memory_space<hbm>> -> memref<4x32x128xf32, #tpu.memory_space<hbm>>
    tpu.wait_dma2 semaphore(%arg26 : memref<!tpu.dma_semaphore, #tpu.memory_space<semaphore_mem>>) src(%arg12 : memref<4x32x128xf32, #tpu.memory_space<vmem>>) dst(%dma_wait3A_1717 : memref<4x32x128xf32, #tpu.memory_space<hbm>>)
    %add3A_1718 = arith.constant 188 : i32
    %add3A_1719 = arith.addi %mul3A_2, %add3A_1718 : i32
    %ge3A_1720 = arith.cmpi sge, %add3A_1719, %squeeze3A : i32
    %add3A_1721 = arith.constant 4096 : i32
    %add3A_1722 = arith.addi %squeeze3A, %add3A_1721 : i32
    %lt3A_1723 = arith.cmpi slt, %add3A_1719, %add3A_1722 : i32
    %and3A_1724 = arith.andi %ge3A_1720, %lt3A_1723 : i1
    %convert_element_type3A_1725 = arith.extui %and3A_1724 : i1 to i32
    %cond3A_1726 = arith.constant 0 : i32
    %cond3A_1727 = arith.cmpi ne, %convert_element_type3A_1725, %cond3A_1726 : i32
    scf.if %cond3A_1727 {
      %sub3A = arith.subi %add3A_1719, %squeeze3A : i32
      %dma_start3A_2493 = arith.constant 0 : i32
      %dma_start3A_2494 = arith.constant 0 : i32
      %dma_start3A_2495 = tpu.memref_slice %arg4[%sub3A, %dma_start3A_2493, %dma_start3A_2494] : memref<4096x32x128xf32, #tpu.memory_space<hbm>> -> memref<4x32x128xf32, #tpu.memory_space<hbm>>
      %dma_start3A_2496 = arith.constant 0 : i32
      %dma_start3A_2497 = arith.constant 0 : i32
      %dma_start3A_2498 = tpu.memref_slice %arg4[%sub3A, %dma_start3A_2496, %dma_start3A_2497] : memref<4096x32x128xf32, #tpu.memory_space<hbm>> -> memref<4x32x128xf32, #tpu.memory_space<hbm>>
      tpu.enqueue_dma source(%dma_start3A_2498 : memref<4x32x128xf32, #tpu.memory_space<hbm>>) target(%arg12 : memref<4x32x128xf32, #tpu.memory_space<vmem>>) target_semaphore(%arg19 : memref<!tpu.dma_semaphore, #tpu.memory_space<semaphore_mem>>)
    } else {
    }
    %not3A_1728 = arith.constant true
    %not3A_1729 = arith.xori %and3A_1724, %not3A_1728 : i1
    %convert_element_type3A_1730 = arith.extui %not3A_1729 : i1 to i32
    %cond3A_1731 = arith.constant 0 : i32
    %cond3A_1732 = arith.cmpi ne, %convert_element_type3A_1730, %cond3A_1731 : i32
    scf.if %cond3A_1732 {
      %dma_start3A_2493 = arith.constant 0 : i32
      %dma_start3A_2494 = arith.constant 0 : i32
      %dma_start3A_2495 = tpu.memref_slice %arg3[%add3A_1719, %dma_start3A_2493, %dma_start3A_2494] : memref<8192x32x128xf32, #tpu.memory_space<hbm>> -> memref<4x32x128xf32, #tpu.memory_space<hbm>>
      %dma_start3A_2496 = arith.constant 0 : i32
      %dma_start3A_2497 = arith.constant 0 : i32
      %dma_start3A_2498 = tpu.memref_slice %arg3[%add3A_1719, %dma_start3A_2496, %dma_start3A_2497] : memref<8192x32x128xf32, #tpu.memory_space<hbm>> -> memref<4x32x128xf32, #tpu.memory_space<hbm>>
      tpu.enqueue_dma source(%dma_start3A_2498 : memref<4x32x128xf32, #tpu.memory_space<hbm>>) target(%arg12 : memref<4x32x128xf32, #tpu.memory_space<vmem>>) target_semaphore(%arg19 : memref<!tpu.dma_semaphore, #tpu.memory_space<semaphore_mem>>)
    } else {
    }
    %dma_wait3A_1733 = arith.constant 0 : i32
    %dma_wait3A_1734 = arith.constant 0 : i32
    %dma_wait3A_1735 = arith.constant 0 : i32
    %dma_wait3A_1736 = tpu.memref_slice %arg3[%dma_wait3A_1733, %dma_wait3A_1734, %dma_wait3A_1735] : memref<8192x32x128xf32, #tpu.memory_space<hbm>> -> memref<4x32x128xf32, #tpu.memory_space<hbm>>
    %dma_wait3A_1737 = arith.constant 0 : i32
    %dma_wait3A_1738 = arith.constant 0 : i32
    %dma_wait3A_1739 = arith.constant 0 : i32
    %dma_wait3A_1740 = tpu.memref_slice %arg3[%dma_wait3A_1737, %dma_wait3A_1738, %dma_wait3A_1739] : memref<8192x32x128xf32, #tpu.memory_space<hbm>> -> memref<4x32x128xf32, #tpu.memory_space<hbm>>
    tpu.wait_dma2 semaphore(%arg15 : memref<!tpu.dma_semaphore, #tpu.memory_space<semaphore_mem>>) src(%dma_wait3A_1740 : memref<4x32x128xf32, #tpu.memory_space<hbm>>) dst(%arg8 : memref<4x32x128xf32, #tpu.memory_space<vmem>>)
    %add3A_1741 = arith.constant 172 : i32
    %add3A_1742 = arith.addi %mul3A_2, %add3A_1741 : i32
    %dma_start3A_1743 = arith.constant 0 : i32
    %dma_start3A_1744 = arith.constant 0 : i32
    %dma_start3A_1745 = tpu.memref_slice %arg5[%add3A_1742, %dma_start3A_1743, %dma_start3A_1744] : memref<8192x32x128xf32, #tpu.memory_space<hbm>> -> memref<4x32x128xf32, #tpu.memory_space<hbm>>
    %dma_start3A_1746 = arith.constant 0 : i32
    %dma_start3A_1747 = arith.constant 0 : i32
    %dma_start3A_1748 = tpu.memref_slice %arg5[%add3A_1742, %dma_start3A_1746, %dma_start3A_1747] : memref<8192x32x128xf32, #tpu.memory_space<hbm>> -> memref<4x32x128xf32, #tpu.memory_space<hbm>>
    tpu.enqueue_dma source(%arg8 : memref<4x32x128xf32, #tpu.memory_space<vmem>>) target(%dma_start3A_1748 : memref<4x32x128xf32, #tpu.memory_space<hbm>>) target_semaphore(%arg22 : memref<!tpu.dma_semaphore, #tpu.memory_space<semaphore_mem>>)
    %add3A_1749 = arith.constant 164 : i32
    %add3A_1750 = arith.addi %mul3A_2, %add3A_1749 : i32
    %dma_wait3A_1751 = arith.constant 0 : i32
    %dma_wait3A_1752 = arith.constant 0 : i32
    %dma_wait3A_1753 = tpu.memref_slice %arg5[%add3A_1750, %dma_wait3A_1751, %dma_wait3A_1752] : memref<8192x32x128xf32, #tpu.memory_space<hbm>> -> memref<4x32x128xf32, #tpu.memory_space<hbm>>
    %dma_wait3A_1754 = arith.constant 0 : i32
    %dma_wait3A_1755 = arith.constant 0 : i32
    %dma_wait3A_1756 = tpu.memref_slice %arg5[%add3A_1750, %dma_wait3A_1754, %dma_wait3A_1755] : memref<8192x32x128xf32, #tpu.memory_space<hbm>> -> memref<4x32x128xf32, #tpu.memory_space<hbm>>
    tpu.wait_dma2 semaphore(%arg27 : memref<!tpu.dma_semaphore, #tpu.memory_space<semaphore_mem>>) src(%arg13 : memref<4x32x128xf32, #tpu.memory_space<vmem>>) dst(%dma_wait3A_1756 : memref<4x32x128xf32, #tpu.memory_space<hbm>>)
    %add3A_1757 = arith.constant 192 : i32
    %add3A_1758 = arith.addi %mul3A_2, %add3A_1757 : i32
    %ge3A_1759 = arith.cmpi sge, %add3A_1758, %squeeze3A : i32
    %add3A_1760 = arith.constant 4096 : i32
    %add3A_1761 = arith.addi %squeeze3A, %add3A_1760 : i32
    %lt3A_1762 = arith.cmpi slt, %add3A_1758, %add3A_1761 : i32
    %and3A_1763 = arith.andi %ge3A_1759, %lt3A_1762 : i1
    %convert_element_type3A_1764 = arith.extui %and3A_1763 : i1 to i32
    %cond3A_1765 = arith.constant 0 : i32
    %cond3A_1766 = arith.cmpi ne, %convert_element_type3A_1764, %cond3A_1765 : i32
    scf.if %cond3A_1766 {
      %sub3A = arith.subi %add3A_1758, %squeeze3A : i32
      %dma_start3A_2493 = arith.constant 0 : i32
      %dma_start3A_2494 = arith.constant 0 : i32
      %dma_start3A_2495 = tpu.memref_slice %arg4[%sub3A, %dma_start3A_2493, %dma_start3A_2494] : memref<4096x32x128xf32, #tpu.memory_space<hbm>> -> memref<4x32x128xf32, #tpu.memory_space<hbm>>
      %dma_start3A_2496 = arith.constant 0 : i32
      %dma_start3A_2497 = arith.constant 0 : i32
      %dma_start3A_2498 = tpu.memref_slice %arg4[%sub3A, %dma_start3A_2496, %dma_start3A_2497] : memref<4096x32x128xf32, #tpu.memory_space<hbm>> -> memref<4x32x128xf32, #tpu.memory_space<hbm>>
      tpu.enqueue_dma source(%dma_start3A_2498 : memref<4x32x128xf32, #tpu.memory_space<hbm>>) target(%arg13 : memref<4x32x128xf32, #tpu.memory_space<vmem>>) target_semaphore(%arg20 : memref<!tpu.dma_semaphore, #tpu.memory_space<semaphore_mem>>)
    } else {
    }
    %not3A_1767 = arith.constant true
    %not3A_1768 = arith.xori %and3A_1763, %not3A_1767 : i1
    %convert_element_type3A_1769 = arith.extui %not3A_1768 : i1 to i32
    %cond3A_1770 = arith.constant 0 : i32
    %cond3A_1771 = arith.cmpi ne, %convert_element_type3A_1769, %cond3A_1770 : i32
    scf.if %cond3A_1771 {
      %dma_start3A_2493 = arith.constant 0 : i32
      %dma_start3A_2494 = arith.constant 0 : i32
      %dma_start3A_2495 = tpu.memref_slice %arg3[%add3A_1758, %dma_start3A_2493, %dma_start3A_2494] : memref<8192x32x128xf32, #tpu.memory_space<hbm>> -> memref<4x32x128xf32, #tpu.memory_space<hbm>>
      %dma_start3A_2496 = arith.constant 0 : i32
      %dma_start3A_2497 = arith.constant 0 : i32
      %dma_start3A_2498 = tpu.memref_slice %arg3[%add3A_1758, %dma_start3A_2496, %dma_start3A_2497] : memref<8192x32x128xf32, #tpu.memory_space<hbm>> -> memref<4x32x128xf32, #tpu.memory_space<hbm>>
      tpu.enqueue_dma source(%dma_start3A_2498 : memref<4x32x128xf32, #tpu.memory_space<hbm>>) target(%arg13 : memref<4x32x128xf32, #tpu.memory_space<vmem>>) target_semaphore(%arg20 : memref<!tpu.dma_semaphore, #tpu.memory_space<semaphore_mem>>)
    } else {
    }
    %dma_wait3A_1772 = arith.constant 0 : i32
    %dma_wait3A_1773 = arith.constant 0 : i32
    %dma_wait3A_1774 = arith.constant 0 : i32
    %dma_wait3A_1775 = tpu.memref_slice %arg3[%dma_wait3A_1772, %dma_wait3A_1773, %dma_wait3A_1774] : memref<8192x32x128xf32, #tpu.memory_space<hbm>> -> memref<4x32x128xf32, #tpu.memory_space<hbm>>
    %dma_wait3A_1776 = arith.constant 0 : i32
    %dma_wait3A_1777 = arith.constant 0 : i32
    %dma_wait3A_1778 = arith.constant 0 : i32
    %dma_wait3A_1779 = tpu.memref_slice %arg3[%dma_wait3A_1776, %dma_wait3A_1777, %dma_wait3A_1778] : memref<8192x32x128xf32, #tpu.memory_space<hbm>> -> memref<4x32x128xf32, #tpu.memory_space<hbm>>
    tpu.wait_dma2 semaphore(%arg16 : memref<!tpu.dma_semaphore, #tpu.memory_space<semaphore_mem>>) src(%dma_wait3A_1779 : memref<4x32x128xf32, #tpu.memory_space<hbm>>) dst(%arg9 : memref<4x32x128xf32, #tpu.memory_space<vmem>>)
    %add3A_1780 = arith.constant 176 : i32
    %add3A_1781 = arith.addi %mul3A_2, %add3A_1780 : i32
    %dma_start3A_1782 = arith.constant 0 : i32
    %dma_start3A_1783 = arith.constant 0 : i32
    %dma_start3A_1784 = tpu.memref_slice %arg5[%add3A_1781, %dma_start3A_1782, %dma_start3A_1783] : memref<8192x32x128xf32, #tpu.memory_space<hbm>> -> memref<4x32x128xf32, #tpu.memory_space<hbm>>
    %dma_start3A_1785 = arith.constant 0 : i32
    %dma_start3A_1786 = arith.constant 0 : i32
    %dma_start3A_1787 = tpu.memref_slice %arg5[%add3A_1781, %dma_start3A_1785, %dma_start3A_1786] : memref<8192x32x128xf32, #tpu.memory_space<hbm>> -> memref<4x32x128xf32, #tpu.memory_space<hbm>>
    tpu.enqueue_dma source(%arg9 : memref<4x32x128xf32, #tpu.memory_space<vmem>>) target(%dma_start3A_1787 : memref<4x32x128xf32, #tpu.memory_space<hbm>>) target_semaphore(%arg23 : memref<!tpu.dma_semaphore, #tpu.memory_space<semaphore_mem>>)
    %add3A_1788 = arith.constant 168 : i32
    %add3A_1789 = arith.addi %mul3A_2, %add3A_1788 : i32
    %dma_wait3A_1790 = arith.constant 0 : i32
    %dma_wait3A_1791 = arith.constant 0 : i32
    %dma_wait3A_1792 = tpu.memref_slice %arg5[%add3A_1789, %dma_wait3A_1790, %dma_wait3A_1791] : memref<8192x32x128xf32, #tpu.memory_space<hbm>> -> memref<4x32x128xf32, #tpu.memory_space<hbm>>
    %dma_wait3A_1793 = arith.constant 0 : i32
    %dma_wait3A_1794 = arith.constant 0 : i32
    %dma_wait3A_1795 = tpu.memref_slice %arg5[%add3A_1789, %dma_wait3A_1793, %dma_wait3A_1794] : memref<8192x32x128xf32, #tpu.memory_space<hbm>> -> memref<4x32x128xf32, #tpu.memory_space<hbm>>
    tpu.wait_dma2 semaphore(%arg21 : memref<!tpu.dma_semaphore, #tpu.memory_space<semaphore_mem>>) src(%arg7 : memref<4x32x128xf32, #tpu.memory_space<vmem>>) dst(%dma_wait3A_1795 : memref<4x32x128xf32, #tpu.memory_space<hbm>>)
    %add3A_1796 = arith.constant 196 : i32
    %add3A_1797 = arith.addi %mul3A_2, %add3A_1796 : i32
    %ge3A_1798 = arith.cmpi sge, %add3A_1797, %squeeze3A : i32
    %add3A_1799 = arith.constant 4096 : i32
    %add3A_1800 = arith.addi %squeeze3A, %add3A_1799 : i32
    %lt3A_1801 = arith.cmpi slt, %add3A_1797, %add3A_1800 : i32
    %and3A_1802 = arith.andi %ge3A_1798, %lt3A_1801 : i1
    %convert_element_type3A_1803 = arith.extui %and3A_1802 : i1 to i32
    %cond3A_1804 = arith.constant 0 : i32
    %cond3A_1805 = arith.cmpi ne, %convert_element_type3A_1803, %cond3A_1804 : i32
    scf.if %cond3A_1805 {
      %sub3A = arith.subi %add3A_1797, %squeeze3A : i32
      %dma_start3A_2493 = arith.constant 0 : i32
      %dma_start3A_2494 = arith.constant 0 : i32
      %dma_start3A_2495 = tpu.memref_slice %arg4[%sub3A, %dma_start3A_2493, %dma_start3A_2494] : memref<4096x32x128xf32, #tpu.memory_space<hbm>> -> memref<4x32x128xf32, #tpu.memory_space<hbm>>
      %dma_start3A_2496 = arith.constant 0 : i32
      %dma_start3A_2497 = arith.constant 0 : i32
      %dma_start3A_2498 = tpu.memref_slice %arg4[%sub3A, %dma_start3A_2496, %dma_start3A_2497] : memref<4096x32x128xf32, #tpu.memory_space<hbm>> -> memref<4x32x128xf32, #tpu.memory_space<hbm>>
      tpu.enqueue_dma source(%dma_start3A_2498 : memref<4x32x128xf32, #tpu.memory_space<hbm>>) target(%arg7 : memref<4x32x128xf32, #tpu.memory_space<vmem>>) target_semaphore(%arg14 : memref<!tpu.dma_semaphore, #tpu.memory_space<semaphore_mem>>)
    } else {
    }
    %not3A_1806 = arith.constant true
    %not3A_1807 = arith.xori %and3A_1802, %not3A_1806 : i1
    %convert_element_type3A_1808 = arith.extui %not3A_1807 : i1 to i32
    %cond3A_1809 = arith.constant 0 : i32
    %cond3A_1810 = arith.cmpi ne, %convert_element_type3A_1808, %cond3A_1809 : i32
    scf.if %cond3A_1810 {
      %dma_start3A_2493 = arith.constant 0 : i32
      %dma_start3A_2494 = arith.constant 0 : i32
      %dma_start3A_2495 = tpu.memref_slice %arg3[%add3A_1797, %dma_start3A_2493, %dma_start3A_2494] : memref<8192x32x128xf32, #tpu.memory_space<hbm>> -> memref<4x32x128xf32, #tpu.memory_space<hbm>>
      %dma_start3A_2496 = arith.constant 0 : i32
      %dma_start3A_2497 = arith.constant 0 : i32
      %dma_start3A_2498 = tpu.memref_slice %arg3[%add3A_1797, %dma_start3A_2496, %dma_start3A_2497] : memref<8192x32x128xf32, #tpu.memory_space<hbm>> -> memref<4x32x128xf32, #tpu.memory_space<hbm>>
      tpu.enqueue_dma source(%dma_start3A_2498 : memref<4x32x128xf32, #tpu.memory_space<hbm>>) target(%arg7 : memref<4x32x128xf32, #tpu.memory_space<vmem>>) target_semaphore(%arg14 : memref<!tpu.dma_semaphore, #tpu.memory_space<semaphore_mem>>)
    } else {
    }
    %dma_wait3A_1811 = arith.constant 0 : i32
    %dma_wait3A_1812 = arith.constant 0 : i32
    %dma_wait3A_1813 = arith.constant 0 : i32
    %dma_wait3A_1814 = tpu.memref_slice %arg3[%dma_wait3A_1811, %dma_wait3A_1812, %dma_wait3A_1813] : memref<8192x32x128xf32, #tpu.memory_space<hbm>> -> memref<4x32x128xf32, #tpu.memory_space<hbm>>
    %dma_wait3A_1815 = arith.constant 0 : i32
    %dma_wait3A_1816 = arith.constant 0 : i32
    %dma_wait3A_1817 = arith.constant 0 : i32
    %dma_wait3A_1818 = tpu.memref_slice %arg3[%dma_wait3A_1815, %dma_wait3A_1816, %dma_wait3A_1817] : memref<8192x32x128xf32, #tpu.memory_space<hbm>> -> memref<4x32x128xf32, #tpu.memory_space<hbm>>
    tpu.wait_dma2 semaphore(%arg17 : memref<!tpu.dma_semaphore, #tpu.memory_space<semaphore_mem>>) src(%dma_wait3A_1818 : memref<4x32x128xf32, #tpu.memory_space<hbm>>) dst(%arg10 : memref<4x32x128xf32, #tpu.memory_space<vmem>>)
    %add3A_1819 = arith.constant 180 : i32
    %add3A_1820 = arith.addi %mul3A_2, %add3A_1819 : i32
    %dma_start3A_1821 = arith.constant 0 : i32
    %dma_start3A_1822 = arith.constant 0 : i32
    %dma_start3A_1823 = tpu.memref_slice %arg5[%add3A_1820, %dma_start3A_1821, %dma_start3A_1822] : memref<8192x32x128xf32, #tpu.memory_space<hbm>> -> memref<4x32x128xf32, #tpu.memory_space<hbm>>
    %dma_start3A_1824 = arith.constant 0 : i32
    %dma_start3A_1825 = arith.constant 0 : i32
    %dma_start3A_1826 = tpu.memref_slice %arg5[%add3A_1820, %dma_start3A_1824, %dma_start3A_1825] : memref<8192x32x128xf32, #tpu.memory_space<hbm>> -> memref<4x32x128xf32, #tpu.memory_space<hbm>>
    tpu.enqueue_dma source(%arg10 : memref<4x32x128xf32, #tpu.memory_space<vmem>>) target(%dma_start3A_1826 : memref<4x32x128xf32, #tpu.memory_space<hbm>>) target_semaphore(%arg24 : memref<!tpu.dma_semaphore, #tpu.memory_space<semaphore_mem>>)
    %add3A_1827 = arith.constant 172 : i32
    %add3A_1828 = arith.addi %mul3A_2, %add3A_1827 : i32
    %dma_wait3A_1829 = arith.constant 0 : i32
    %dma_wait3A_1830 = arith.constant 0 : i32
    %dma_wait3A_1831 = tpu.memref_slice %arg5[%add3A_1828, %dma_wait3A_1829, %dma_wait3A_1830] : memref<8192x32x128xf32, #tpu.memory_space<hbm>> -> memref<4x32x128xf32, #tpu.memory_space<hbm>>
    %dma_wait3A_1832 = arith.constant 0 : i32
    %dma_wait3A_1833 = arith.constant 0 : i32
    %dma_wait3A_1834 = tpu.memref_slice %arg5[%add3A_1828, %dma_wait3A_1832, %dma_wait3A_1833] : memref<8192x32x128xf32, #tpu.memory_space<hbm>> -> memref<4x32x128xf32, #tpu.memory_space<hbm>>
    tpu.wait_dma2 semaphore(%arg22 : memref<!tpu.dma_semaphore, #tpu.memory_space<semaphore_mem>>) src(%arg8 : memref<4x32x128xf32, #tpu.memory_space<vmem>>) dst(%dma_wait3A_1834 : memref<4x32x128xf32, #tpu.memory_space<hbm>>)
    %add3A_1835 = arith.constant 200 : i32
    %add3A_1836 = arith.addi %mul3A_2, %add3A_1835 : i32
    %ge3A_1837 = arith.cmpi sge, %add3A_1836, %squeeze3A : i32
    %add3A_1838 = arith.constant 4096 : i32
    %add3A_1839 = arith.addi %squeeze3A, %add3A_1838 : i32
    %lt3A_1840 = arith.cmpi slt, %add3A_1836, %add3A_1839 : i32
    %and3A_1841 = arith.andi %ge3A_1837, %lt3A_1840 : i1
    %convert_element_type3A_1842 = arith.extui %and3A_1841 : i1 to i32
    %cond3A_1843 = arith.constant 0 : i32
    %cond3A_1844 = arith.cmpi ne, %convert_element_type3A_1842, %cond3A_1843 : i32
    scf.if %cond3A_1844 {
      %sub3A = arith.subi %add3A_1836, %squeeze3A : i32
      %dma_start3A_2493 = arith.constant 0 : i32
      %dma_start3A_2494 = arith.constant 0 : i32
      %dma_start3A_2495 = tpu.memref_slice %arg4[%sub3A, %dma_start3A_2493, %dma_start3A_2494] : memref<4096x32x128xf32, #tpu.memory_space<hbm>> -> memref<4x32x128xf32, #tpu.memory_space<hbm>>
      %dma_start3A_2496 = arith.constant 0 : i32
      %dma_start3A_2497 = arith.constant 0 : i32
      %dma_start3A_2498 = tpu.memref_slice %arg4[%sub3A, %dma_start3A_2496, %dma_start3A_2497] : memref<4096x32x128xf32, #tpu.memory_space<hbm>> -> memref<4x32x128xf32, #tpu.memory_space<hbm>>
      tpu.enqueue_dma source(%dma_start3A_2498 : memref<4x32x128xf32, #tpu.memory_space<hbm>>) target(%arg8 : memref<4x32x128xf32, #tpu.memory_space<vmem>>) target_semaphore(%arg15 : memref<!tpu.dma_semaphore, #tpu.memory_space<semaphore_mem>>)
    } else {
    }
    %not3A_1845 = arith.constant true
    %not3A_1846 = arith.xori %and3A_1841, %not3A_1845 : i1
    %convert_element_type3A_1847 = arith.extui %not3A_1846 : i1 to i32
    %cond3A_1848 = arith.constant 0 : i32
    %cond3A_1849 = arith.cmpi ne, %convert_element_type3A_1847, %cond3A_1848 : i32
    scf.if %cond3A_1849 {
      %dma_start3A_2493 = arith.constant 0 : i32
      %dma_start3A_2494 = arith.constant 0 : i32
      %dma_start3A_2495 = tpu.memref_slice %arg3[%add3A_1836, %dma_start3A_2493, %dma_start3A_2494] : memref<8192x32x128xf32, #tpu.memory_space<hbm>> -> memref<4x32x128xf32, #tpu.memory_space<hbm>>
      %dma_start3A_2496 = arith.constant 0 : i32
      %dma_start3A_2497 = arith.constant 0 : i32
      %dma_start3A_2498 = tpu.memref_slice %arg3[%add3A_1836, %dma_start3A_2496, %dma_start3A_2497] : memref<8192x32x128xf32, #tpu.memory_space<hbm>> -> memref<4x32x128xf32, #tpu.memory_space<hbm>>
      tpu.enqueue_dma source(%dma_start3A_2498 : memref<4x32x128xf32, #tpu.memory_space<hbm>>) target(%arg8 : memref<4x32x128xf32, #tpu.memory_space<vmem>>) target_semaphore(%arg15 : memref<!tpu.dma_semaphore, #tpu.memory_space<semaphore_mem>>)
    } else {
    }
    %dma_wait3A_1850 = arith.constant 0 : i32
    %dma_wait3A_1851 = arith.constant 0 : i32
    %dma_wait3A_1852 = arith.constant 0 : i32
    %dma_wait3A_1853 = tpu.memref_slice %arg3[%dma_wait3A_1850, %dma_wait3A_1851, %dma_wait3A_1852] : memref<8192x32x128xf32, #tpu.memory_space<hbm>> -> memref<4x32x128xf32, #tpu.memory_space<hbm>>
    %dma_wait3A_1854 = arith.constant 0 : i32
    %dma_wait3A_1855 = arith.constant 0 : i32
    %dma_wait3A_1856 = arith.constant 0 : i32
    %dma_wait3A_1857 = tpu.memref_slice %arg3[%dma_wait3A_1854, %dma_wait3A_1855, %dma_wait3A_1856] : memref<8192x32x128xf32, #tpu.memory_space<hbm>> -> memref<4x32x128xf32, #tpu.memory_space<hbm>>
    tpu.wait_dma2 semaphore(%arg18 : memref<!tpu.dma_semaphore, #tpu.memory_space<semaphore_mem>>) src(%dma_wait3A_1857 : memref<4x32x128xf32, #tpu.memory_space<hbm>>) dst(%arg11 : memref<4x32x128xf32, #tpu.memory_space<vmem>>)
    %add3A_1858 = arith.constant 184 : i32
    %add3A_1859 = arith.addi %mul3A_2, %add3A_1858 : i32
    %dma_start3A_1860 = arith.constant 0 : i32
    %dma_start3A_1861 = arith.constant 0 : i32
    %dma_start3A_1862 = tpu.memref_slice %arg5[%add3A_1859, %dma_start3A_1860, %dma_start3A_1861] : memref<8192x32x128xf32, #tpu.memory_space<hbm>> -> memref<4x32x128xf32, #tpu.memory_space<hbm>>
    %dma_start3A_1863 = arith.constant 0 : i32
    %dma_start3A_1864 = arith.constant 0 : i32
    %dma_start3A_1865 = tpu.memref_slice %arg5[%add3A_1859, %dma_start3A_1863, %dma_start3A_1864] : memref<8192x32x128xf32, #tpu.memory_space<hbm>> -> memref<4x32x128xf32, #tpu.memory_space<hbm>>
    tpu.enqueue_dma source(%arg11 : memref<4x32x128xf32, #tpu.memory_space<vmem>>) target(%dma_start3A_1865 : memref<4x32x128xf32, #tpu.memory_space<hbm>>) target_semaphore(%arg25 : memref<!tpu.dma_semaphore, #tpu.memory_space<semaphore_mem>>)
    %add3A_1866 = arith.constant 176 : i32
    %add3A_1867 = arith.addi %mul3A_2, %add3A_1866 : i32
    %dma_wait3A_1868 = arith.constant 0 : i32
    %dma_wait3A_1869 = arith.constant 0 : i32
    %dma_wait3A_1870 = tpu.memref_slice %arg5[%add3A_1867, %dma_wait3A_1868, %dma_wait3A_1869] : memref<8192x32x128xf32, #tpu.memory_space<hbm>> -> memref<4x32x128xf32, #tpu.memory_space<hbm>>
    %dma_wait3A_1871 = arith.constant 0 : i32
    %dma_wait3A_1872 = arith.constant 0 : i32
    %dma_wait3A_1873 = tpu.memref_slice %arg5[%add3A_1867, %dma_wait3A_1871, %dma_wait3A_1872] : memref<8192x32x128xf32, #tpu.memory_space<hbm>> -> memref<4x32x128xf32, #tpu.memory_space<hbm>>
    tpu.wait_dma2 semaphore(%arg23 : memref<!tpu.dma_semaphore, #tpu.memory_space<semaphore_mem>>) src(%arg9 : memref<4x32x128xf32, #tpu.memory_space<vmem>>) dst(%dma_wait3A_1873 : memref<4x32x128xf32, #tpu.memory_space<hbm>>)
    %add3A_1874 = arith.constant 204 : i32
    %add3A_1875 = arith.addi %mul3A_2, %add3A_1874 : i32
    %ge3A_1876 = arith.cmpi sge, %add3A_1875, %squeeze3A : i32
    %add3A_1877 = arith.constant 4096 : i32
    %add3A_1878 = arith.addi %squeeze3A, %add3A_1877 : i32
    %lt3A_1879 = arith.cmpi slt, %add3A_1875, %add3A_1878 : i32
    %and3A_1880 = arith.andi %ge3A_1876, %lt3A_1879 : i1
    %convert_element_type3A_1881 = arith.extui %and3A_1880 : i1 to i32
    %cond3A_1882 = arith.constant 0 : i32
    %cond3A_1883 = arith.cmpi ne, %convert_element_type3A_1881, %cond3A_1882 : i32
    scf.if %cond3A_1883 {
      %sub3A = arith.subi %add3A_1875, %squeeze3A : i32
      %dma_start3A_2493 = arith.constant 0 : i32
      %dma_start3A_2494 = arith.constant 0 : i32
      %dma_start3A_2495 = tpu.memref_slice %arg4[%sub3A, %dma_start3A_2493, %dma_start3A_2494] : memref<4096x32x128xf32, #tpu.memory_space<hbm>> -> memref<4x32x128xf32, #tpu.memory_space<hbm>>
      %dma_start3A_2496 = arith.constant 0 : i32
      %dma_start3A_2497 = arith.constant 0 : i32
      %dma_start3A_2498 = tpu.memref_slice %arg4[%sub3A, %dma_start3A_2496, %dma_start3A_2497] : memref<4096x32x128xf32, #tpu.memory_space<hbm>> -> memref<4x32x128xf32, #tpu.memory_space<hbm>>
      tpu.enqueue_dma source(%dma_start3A_2498 : memref<4x32x128xf32, #tpu.memory_space<hbm>>) target(%arg9 : memref<4x32x128xf32, #tpu.memory_space<vmem>>) target_semaphore(%arg16 : memref<!tpu.dma_semaphore, #tpu.memory_space<semaphore_mem>>)
    } else {
    }
    %not3A_1884 = arith.constant true
    %not3A_1885 = arith.xori %and3A_1880, %not3A_1884 : i1
    %convert_element_type3A_1886 = arith.extui %not3A_1885 : i1 to i32
    %cond3A_1887 = arith.constant 0 : i32
    %cond3A_1888 = arith.cmpi ne, %convert_element_type3A_1886, %cond3A_1887 : i32
    scf.if %cond3A_1888 {
      %dma_start3A_2493 = arith.constant 0 : i32
      %dma_start3A_2494 = arith.constant 0 : i32
      %dma_start3A_2495 = tpu.memref_slice %arg3[%add3A_1875, %dma_start3A_2493, %dma_start3A_2494] : memref<8192x32x128xf32, #tpu.memory_space<hbm>> -> memref<4x32x128xf32, #tpu.memory_space<hbm>>
      %dma_start3A_2496 = arith.constant 0 : i32
      %dma_start3A_2497 = arith.constant 0 : i32
      %dma_start3A_2498 = tpu.memref_slice %arg3[%add3A_1875, %dma_start3A_2496, %dma_start3A_2497] : memref<8192x32x128xf32, #tpu.memory_space<hbm>> -> memref<4x32x128xf32, #tpu.memory_space<hbm>>
      tpu.enqueue_dma source(%dma_start3A_2498 : memref<4x32x128xf32, #tpu.memory_space<hbm>>) target(%arg9 : memref<4x32x128xf32, #tpu.memory_space<vmem>>) target_semaphore(%arg16 : memref<!tpu.dma_semaphore, #tpu.memory_space<semaphore_mem>>)
    } else {
    }
    %dma_wait3A_1889 = arith.constant 0 : i32
    %dma_wait3A_1890 = arith.constant 0 : i32
    %dma_wait3A_1891 = arith.constant 0 : i32
    %dma_wait3A_1892 = tpu.memref_slice %arg3[%dma_wait3A_1889, %dma_wait3A_1890, %dma_wait3A_1891] : memref<8192x32x128xf32, #tpu.memory_space<hbm>> -> memref<4x32x128xf32, #tpu.memory_space<hbm>>
    %dma_wait3A_1893 = arith.constant 0 : i32
    %dma_wait3A_1894 = arith.constant 0 : i32
    %dma_wait3A_1895 = arith.constant 0 : i32
    %dma_wait3A_1896 = tpu.memref_slice %arg3[%dma_wait3A_1893, %dma_wait3A_1894, %dma_wait3A_1895] : memref<8192x32x128xf32, #tpu.memory_space<hbm>> -> memref<4x32x128xf32, #tpu.memory_space<hbm>>
    tpu.wait_dma2 semaphore(%arg19 : memref<!tpu.dma_semaphore, #tpu.memory_space<semaphore_mem>>) src(%dma_wait3A_1896 : memref<4x32x128xf32, #tpu.memory_space<hbm>>) dst(%arg12 : memref<4x32x128xf32, #tpu.memory_space<vmem>>)
    %add3A_1897 = arith.constant 188 : i32
    %add3A_1898 = arith.addi %mul3A_2, %add3A_1897 : i32
    %dma_start3A_1899 = arith.constant 0 : i32
    %dma_start3A_1900 = arith.constant 0 : i32
    %dma_start3A_1901 = tpu.memref_slice %arg5[%add3A_1898, %dma_start3A_1899, %dma_start3A_1900] : memref<8192x32x128xf32, #tpu.memory_space<hbm>> -> memref<4x32x128xf32, #tpu.memory_space<hbm>>
    %dma_start3A_1902 = arith.constant 0 : i32
    %dma_start3A_1903 = arith.constant 0 : i32
    %dma_start3A_1904 = tpu.memref_slice %arg5[%add3A_1898, %dma_start3A_1902, %dma_start3A_1903] : memref<8192x32x128xf32, #tpu.memory_space<hbm>> -> memref<4x32x128xf32, #tpu.memory_space<hbm>>
    tpu.enqueue_dma source(%arg12 : memref<4x32x128xf32, #tpu.memory_space<vmem>>) target(%dma_start3A_1904 : memref<4x32x128xf32, #tpu.memory_space<hbm>>) target_semaphore(%arg26 : memref<!tpu.dma_semaphore, #tpu.memory_space<semaphore_mem>>)
    %add3A_1905 = arith.constant 180 : i32
    %add3A_1906 = arith.addi %mul3A_2, %add3A_1905 : i32
    %dma_wait3A_1907 = arith.constant 0 : i32
    %dma_wait3A_1908 = arith.constant 0 : i32
    %dma_wait3A_1909 = tpu.memref_slice %arg5[%add3A_1906, %dma_wait3A_1907, %dma_wait3A_1908] : memref<8192x32x128xf32, #tpu.memory_space<hbm>> -> memref<4x32x128xf32, #tpu.memory_space<hbm>>
    %dma_wait3A_1910 = arith.constant 0 : i32
    %dma_wait3A_1911 = arith.constant 0 : i32
    %dma_wait3A_1912 = tpu.memref_slice %arg5[%add3A_1906, %dma_wait3A_1910, %dma_wait3A_1911] : memref<8192x32x128xf32, #tpu.memory_space<hbm>> -> memref<4x32x128xf32, #tpu.memory_space<hbm>>
    tpu.wait_dma2 semaphore(%arg24 : memref<!tpu.dma_semaphore, #tpu.memory_space<semaphore_mem>>) src(%arg10 : memref<4x32x128xf32, #tpu.memory_space<vmem>>) dst(%dma_wait3A_1912 : memref<4x32x128xf32, #tpu.memory_space<hbm>>)
    %add3A_1913 = arith.constant 208 : i32
    %add3A_1914 = arith.addi %mul3A_2, %add3A_1913 : i32
    %ge3A_1915 = arith.cmpi sge, %add3A_1914, %squeeze3A : i32
    %add3A_1916 = arith.constant 4096 : i32
    %add3A_1917 = arith.addi %squeeze3A, %add3A_1916 : i32
    %lt3A_1918 = arith.cmpi slt, %add3A_1914, %add3A_1917 : i32
    %and3A_1919 = arith.andi %ge3A_1915, %lt3A_1918 : i1
    %convert_element_type3A_1920 = arith.extui %and3A_1919 : i1 to i32
    %cond3A_1921 = arith.constant 0 : i32
    %cond3A_1922 = arith.cmpi ne, %convert_element_type3A_1920, %cond3A_1921 : i32
    scf.if %cond3A_1922 {
      %sub3A = arith.subi %add3A_1914, %squeeze3A : i32
      %dma_start3A_2493 = arith.constant 0 : i32
      %dma_start3A_2494 = arith.constant 0 : i32
      %dma_start3A_2495 = tpu.memref_slice %arg4[%sub3A, %dma_start3A_2493, %dma_start3A_2494] : memref<4096x32x128xf32, #tpu.memory_space<hbm>> -> memref<4x32x128xf32, #tpu.memory_space<hbm>>
      %dma_start3A_2496 = arith.constant 0 : i32
      %dma_start3A_2497 = arith.constant 0 : i32
      %dma_start3A_2498 = tpu.memref_slice %arg4[%sub3A, %dma_start3A_2496, %dma_start3A_2497] : memref<4096x32x128xf32, #tpu.memory_space<hbm>> -> memref<4x32x128xf32, #tpu.memory_space<hbm>>
      tpu.enqueue_dma source(%dma_start3A_2498 : memref<4x32x128xf32, #tpu.memory_space<hbm>>) target(%arg10 : memref<4x32x128xf32, #tpu.memory_space<vmem>>) target_semaphore(%arg17 : memref<!tpu.dma_semaphore, #tpu.memory_space<semaphore_mem>>)
    } else {
    }
    %not3A_1923 = arith.constant true
    %not3A_1924 = arith.xori %and3A_1919, %not3A_1923 : i1
    %convert_element_type3A_1925 = arith.extui %not3A_1924 : i1 to i32
    %cond3A_1926 = arith.constant 0 : i32
    %cond3A_1927 = arith.cmpi ne, %convert_element_type3A_1925, %cond3A_1926 : i32
    scf.if %cond3A_1927 {
      %dma_start3A_2493 = arith.constant 0 : i32
      %dma_start3A_2494 = arith.constant 0 : i32
      %dma_start3A_2495 = tpu.memref_slice %arg3[%add3A_1914, %dma_start3A_2493, %dma_start3A_2494] : memref<8192x32x128xf32, #tpu.memory_space<hbm>> -> memref<4x32x128xf32, #tpu.memory_space<hbm>>
      %dma_start3A_2496 = arith.constant 0 : i32
      %dma_start3A_2497 = arith.constant 0 : i32
      %dma_start3A_2498 = tpu.memref_slice %arg3[%add3A_1914, %dma_start3A_2496, %dma_start3A_2497] : memref<8192x32x128xf32, #tpu.memory_space<hbm>> -> memref<4x32x128xf32, #tpu.memory_space<hbm>>
      tpu.enqueue_dma source(%dma_start3A_2498 : memref<4x32x128xf32, #tpu.memory_space<hbm>>) target(%arg10 : memref<4x32x128xf32, #tpu.memory_space<vmem>>) target_semaphore(%arg17 : memref<!tpu.dma_semaphore, #tpu.memory_space<semaphore_mem>>)
    } else {
    }
    %dma_wait3A_1928 = arith.constant 0 : i32
    %dma_wait3A_1929 = arith.constant 0 : i32
    %dma_wait3A_1930 = arith.constant 0 : i32
    %dma_wait3A_1931 = tpu.memref_slice %arg3[%dma_wait3A_1928, %dma_wait3A_1929, %dma_wait3A_1930] : memref<8192x32x128xf32, #tpu.memory_space<hbm>> -> memref<4x32x128xf32, #tpu.memory_space<hbm>>
    %dma_wait3A_1932 = arith.constant 0 : i32
    %dma_wait3A_1933 = arith.constant 0 : i32
    %dma_wait3A_1934 = arith.constant 0 : i32
    %dma_wait3A_1935 = tpu.memref_slice %arg3[%dma_wait3A_1932, %dma_wait3A_1933, %dma_wait3A_1934] : memref<8192x32x128xf32, #tpu.memory_space<hbm>> -> memref<4x32x128xf32, #tpu.memory_space<hbm>>
    tpu.wait_dma2 semaphore(%arg20 : memref<!tpu.dma_semaphore, #tpu.memory_space<semaphore_mem>>) src(%dma_wait3A_1935 : memref<4x32x128xf32, #tpu.memory_space<hbm>>) dst(%arg13 : memref<4x32x128xf32, #tpu.memory_space<vmem>>)
    %add3A_1936 = arith.constant 192 : i32
    %add3A_1937 = arith.addi %mul3A_2, %add3A_1936 : i32
    %dma_start3A_1938 = arith.constant 0 : i32
    %dma_start3A_1939 = arith.constant 0 : i32
    %dma_start3A_1940 = tpu.memref_slice %arg5[%add3A_1937, %dma_start3A_1938, %dma_start3A_1939] : memref<8192x32x128xf32, #tpu.memory_space<hbm>> -> memref<4x32x128xf32, #tpu.memory_space<hbm>>
    %dma_start3A_1941 = arith.constant 0 : i32
    %dma_start3A_1942 = arith.constant 0 : i32
    %dma_start3A_1943 = tpu.memref_slice %arg5[%add3A_1937, %dma_start3A_1941, %dma_start3A_1942] : memref<8192x32x128xf32, #tpu.memory_space<hbm>> -> memref<4x32x128xf32, #tpu.memory_space<hbm>>
    tpu.enqueue_dma source(%arg13 : memref<4x32x128xf32, #tpu.memory_space<vmem>>) target(%dma_start3A_1943 : memref<4x32x128xf32, #tpu.memory_space<hbm>>) target_semaphore(%arg27 : memref<!tpu.dma_semaphore, #tpu.memory_space<semaphore_mem>>)
    %add3A_1944 = arith.constant 184 : i32
    %add3A_1945 = arith.addi %mul3A_2, %add3A_1944 : i32
    %dma_wait3A_1946 = arith.constant 0 : i32
    %dma_wait3A_1947 = arith.constant 0 : i32
    %dma_wait3A_1948 = tpu.memref_slice %arg5[%add3A_1945, %dma_wait3A_1946, %dma_wait3A_1947] : memref<8192x32x128xf32, #tpu.memory_space<hbm>> -> memref<4x32x128xf32, #tpu.memory_space<hbm>>
    %dma_wait3A_1949 = arith.constant 0 : i32
    %dma_wait3A_1950 = arith.constant 0 : i32
    %dma_wait3A_1951 = tpu.memref_slice %arg5[%add3A_1945, %dma_wait3A_1949, %dma_wait3A_1950] : memref<8192x32x128xf32, #tpu.memory_space<hbm>> -> memref<4x32x128xf32, #tpu.memory_space<hbm>>
    tpu.wait_dma2 semaphore(%arg25 : memref<!tpu.dma_semaphore, #tpu.memory_space<semaphore_mem>>) src(%arg11 : memref<4x32x128xf32, #tpu.memory_space<vmem>>) dst(%dma_wait3A_1951 : memref<4x32x128xf32, #tpu.memory_space<hbm>>)
    %add3A_1952 = arith.constant 212 : i32
    %add3A_1953 = arith.addi %mul3A_2, %add3A_1952 : i32
    %ge3A_1954 = arith.cmpi sge, %add3A_1953, %squeeze3A : i32
    %add3A_1955 = arith.constant 4096 : i32
    %add3A_1956 = arith.addi %squeeze3A, %add3A_1955 : i32
    %lt3A_1957 = arith.cmpi slt, %add3A_1953, %add3A_1956 : i32
    %and3A_1958 = arith.andi %ge3A_1954, %lt3A_1957 : i1
    %convert_element_type3A_1959 = arith.extui %and3A_1958 : i1 to i32
    %cond3A_1960 = arith.constant 0 : i32
    %cond3A_1961 = arith.cmpi ne, %convert_element_type3A_1959, %cond3A_1960 : i32
    scf.if %cond3A_1961 {
      %sub3A = arith.subi %add3A_1953, %squeeze3A : i32
      %dma_start3A_2493 = arith.constant 0 : i32
      %dma_start3A_2494 = arith.constant 0 : i32
      %dma_start3A_2495 = tpu.memref_slice %arg4[%sub3A, %dma_start3A_2493, %dma_start3A_2494] : memref<4096x32x128xf32, #tpu.memory_space<hbm>> -> memref<4x32x128xf32, #tpu.memory_space<hbm>>
      %dma_start3A_2496 = arith.constant 0 : i32
      %dma_start3A_2497 = arith.constant 0 : i32
      %dma_start3A_2498 = tpu.memref_slice %arg4[%sub3A, %dma_start3A_2496, %dma_start3A_2497] : memref<4096x32x128xf32, #tpu.memory_space<hbm>> -> memref<4x32x128xf32, #tpu.memory_space<hbm>>
      tpu.enqueue_dma source(%dma_start3A_2498 : memref<4x32x128xf32, #tpu.memory_space<hbm>>) target(%arg11 : memref<4x32x128xf32, #tpu.memory_space<vmem>>) target_semaphore(%arg18 : memref<!tpu.dma_semaphore, #tpu.memory_space<semaphore_mem>>)
    } else {
    }
    %not3A_1962 = arith.constant true
    %not3A_1963 = arith.xori %and3A_1958, %not3A_1962 : i1
    %convert_element_type3A_1964 = arith.extui %not3A_1963 : i1 to i32
    %cond3A_1965 = arith.constant 0 : i32
    %cond3A_1966 = arith.cmpi ne, %convert_element_type3A_1964, %cond3A_1965 : i32
    scf.if %cond3A_1966 {
      %dma_start3A_2493 = arith.constant 0 : i32
      %dma_start3A_2494 = arith.constant 0 : i32
      %dma_start3A_2495 = tpu.memref_slice %arg3[%add3A_1953, %dma_start3A_2493, %dma_start3A_2494] : memref<8192x32x128xf32, #tpu.memory_space<hbm>> -> memref<4x32x128xf32, #tpu.memory_space<hbm>>
      %dma_start3A_2496 = arith.constant 0 : i32
      %dma_start3A_2497 = arith.constant 0 : i32
      %dma_start3A_2498 = tpu.memref_slice %arg3[%add3A_1953, %dma_start3A_2496, %dma_start3A_2497] : memref<8192x32x128xf32, #tpu.memory_space<hbm>> -> memref<4x32x128xf32, #tpu.memory_space<hbm>>
      tpu.enqueue_dma source(%dma_start3A_2498 : memref<4x32x128xf32, #tpu.memory_space<hbm>>) target(%arg11 : memref<4x32x128xf32, #tpu.memory_space<vmem>>) target_semaphore(%arg18 : memref<!tpu.dma_semaphore, #tpu.memory_space<semaphore_mem>>)
    } else {
    }
    %dma_wait3A_1967 = arith.constant 0 : i32
    %dma_wait3A_1968 = arith.constant 0 : i32
    %dma_wait3A_1969 = arith.constant 0 : i32
    %dma_wait3A_1970 = tpu.memref_slice %arg3[%dma_wait3A_1967, %dma_wait3A_1968, %dma_wait3A_1969] : memref<8192x32x128xf32, #tpu.memory_space<hbm>> -> memref<4x32x128xf32, #tpu.memory_space<hbm>>
    %dma_wait3A_1971 = arith.constant 0 : i32
    %dma_wait3A_1972 = arith.constant 0 : i32
    %dma_wait3A_1973 = arith.constant 0 : i32
    %dma_wait3A_1974 = tpu.memref_slice %arg3[%dma_wait3A_1971, %dma_wait3A_1972, %dma_wait3A_1973] : memref<8192x32x128xf32, #tpu.memory_space<hbm>> -> memref<4x32x128xf32, #tpu.memory_space<hbm>>
    tpu.wait_dma2 semaphore(%arg14 : memref<!tpu.dma_semaphore, #tpu.memory_space<semaphore_mem>>) src(%dma_wait3A_1974 : memref<4x32x128xf32, #tpu.memory_space<hbm>>) dst(%arg7 : memref<4x32x128xf32, #tpu.memory_space<vmem>>)
    %add3A_1975 = arith.constant 196 : i32
    %add3A_1976 = arith.addi %mul3A_2, %add3A_1975 : i32
    %dma_start3A_1977 = arith.constant 0 : i32
    %dma_start3A_1978 = arith.constant 0 : i32
    %dma_start3A_1979 = tpu.memref_slice %arg5[%add3A_1976, %dma_start3A_1977, %dma_start3A_1978] : memref<8192x32x128xf32, #tpu.memory_space<hbm>> -> memref<4x32x128xf32, #tpu.memory_space<hbm>>
    %dma_start3A_1980 = arith.constant 0 : i32
    %dma_start3A_1981 = arith.constant 0 : i32
    %dma_start3A_1982 = tpu.memref_slice %arg5[%add3A_1976, %dma_start3A_1980, %dma_start3A_1981] : memref<8192x32x128xf32, #tpu.memory_space<hbm>> -> memref<4x32x128xf32, #tpu.memory_space<hbm>>
    tpu.enqueue_dma source(%arg7 : memref<4x32x128xf32, #tpu.memory_space<vmem>>) target(%dma_start3A_1982 : memref<4x32x128xf32, #tpu.memory_space<hbm>>) target_semaphore(%arg21 : memref<!tpu.dma_semaphore, #tpu.memory_space<semaphore_mem>>)
    %add3A_1983 = arith.constant 188 : i32
    %add3A_1984 = arith.addi %mul3A_2, %add3A_1983 : i32
    %dma_wait3A_1985 = arith.constant 0 : i32
    %dma_wait3A_1986 = arith.constant 0 : i32
    %dma_wait3A_1987 = tpu.memref_slice %arg5[%add3A_1984, %dma_wait3A_1985, %dma_wait3A_1986] : memref<8192x32x128xf32, #tpu.memory_space<hbm>> -> memref<4x32x128xf32, #tpu.memory_space<hbm>>
    %dma_wait3A_1988 = arith.constant 0 : i32
    %dma_wait3A_1989 = arith.constant 0 : i32
    %dma_wait3A_1990 = tpu.memref_slice %arg5[%add3A_1984, %dma_wait3A_1988, %dma_wait3A_1989] : memref<8192x32x128xf32, #tpu.memory_space<hbm>> -> memref<4x32x128xf32, #tpu.memory_space<hbm>>
    tpu.wait_dma2 semaphore(%arg26 : memref<!tpu.dma_semaphore, #tpu.memory_space<semaphore_mem>>) src(%arg12 : memref<4x32x128xf32, #tpu.memory_space<vmem>>) dst(%dma_wait3A_1990 : memref<4x32x128xf32, #tpu.memory_space<hbm>>)
    %add3A_1991 = arith.constant 216 : i32
    %add3A_1992 = arith.addi %mul3A_2, %add3A_1991 : i32
    %ge3A_1993 = arith.cmpi sge, %add3A_1992, %squeeze3A : i32
    %add3A_1994 = arith.constant 4096 : i32
    %add3A_1995 = arith.addi %squeeze3A, %add3A_1994 : i32
    %lt3A_1996 = arith.cmpi slt, %add3A_1992, %add3A_1995 : i32
    %and3A_1997 = arith.andi %ge3A_1993, %lt3A_1996 : i1
    %convert_element_type3A_1998 = arith.extui %and3A_1997 : i1 to i32
    %cond3A_1999 = arith.constant 0 : i32
    %cond3A_2000 = arith.cmpi ne, %convert_element_type3A_1998, %cond3A_1999 : i32
    scf.if %cond3A_2000 {
      %sub3A = arith.subi %add3A_1992, %squeeze3A : i32
      %dma_start3A_2493 = arith.constant 0 : i32
      %dma_start3A_2494 = arith.constant 0 : i32
      %dma_start3A_2495 = tpu.memref_slice %arg4[%sub3A, %dma_start3A_2493, %dma_start3A_2494] : memref<4096x32x128xf32, #tpu.memory_space<hbm>> -> memref<4x32x128xf32, #tpu.memory_space<hbm>>
      %dma_start3A_2496 = arith.constant 0 : i32
      %dma_start3A_2497 = arith.constant 0 : i32
      %dma_start3A_2498 = tpu.memref_slice %arg4[%sub3A, %dma_start3A_2496, %dma_start3A_2497] : memref<4096x32x128xf32, #tpu.memory_space<hbm>> -> memref<4x32x128xf32, #tpu.memory_space<hbm>>
      tpu.enqueue_dma source(%dma_start3A_2498 : memref<4x32x128xf32, #tpu.memory_space<hbm>>) target(%arg12 : memref<4x32x128xf32, #tpu.memory_space<vmem>>) target_semaphore(%arg19 : memref<!tpu.dma_semaphore, #tpu.memory_space<semaphore_mem>>)
    } else {
    }
    %not3A_2001 = arith.constant true
    %not3A_2002 = arith.xori %and3A_1997, %not3A_2001 : i1
    %convert_element_type3A_2003 = arith.extui %not3A_2002 : i1 to i32
    %cond3A_2004 = arith.constant 0 : i32
    %cond3A_2005 = arith.cmpi ne, %convert_element_type3A_2003, %cond3A_2004 : i32
    scf.if %cond3A_2005 {
      %dma_start3A_2493 = arith.constant 0 : i32
      %dma_start3A_2494 = arith.constant 0 : i32
      %dma_start3A_2495 = tpu.memref_slice %arg3[%add3A_1992, %dma_start3A_2493, %dma_start3A_2494] : memref<8192x32x128xf32, #tpu.memory_space<hbm>> -> memref<4x32x128xf32, #tpu.memory_space<hbm>>
      %dma_start3A_2496 = arith.constant 0 : i32
      %dma_start3A_2497 = arith.constant 0 : i32
      %dma_start3A_2498 = tpu.memref_slice %arg3[%add3A_1992, %dma_start3A_2496, %dma_start3A_2497] : memref<8192x32x128xf32, #tpu.memory_space<hbm>> -> memref<4x32x128xf32, #tpu.memory_space<hbm>>
      tpu.enqueue_dma source(%dma_start3A_2498 : memref<4x32x128xf32, #tpu.memory_space<hbm>>) target(%arg12 : memref<4x32x128xf32, #tpu.memory_space<vmem>>) target_semaphore(%arg19 : memref<!tpu.dma_semaphore, #tpu.memory_space<semaphore_mem>>)
    } else {
    }
    %dma_wait3A_2006 = arith.constant 0 : i32
    %dma_wait3A_2007 = arith.constant 0 : i32
    %dma_wait3A_2008 = arith.constant 0 : i32
    %dma_wait3A_2009 = tpu.memref_slice %arg3[%dma_wait3A_2006, %dma_wait3A_2007, %dma_wait3A_2008] : memref<8192x32x128xf32, #tpu.memory_space<hbm>> -> memref<4x32x128xf32, #tpu.memory_space<hbm>>
    %dma_wait3A_2010 = arith.constant 0 : i32
    %dma_wait3A_2011 = arith.constant 0 : i32
    %dma_wait3A_2012 = arith.constant 0 : i32
    %dma_wait3A_2013 = tpu.memref_slice %arg3[%dma_wait3A_2010, %dma_wait3A_2011, %dma_wait3A_2012] : memref<8192x32x128xf32, #tpu.memory_space<hbm>> -> memref<4x32x128xf32, #tpu.memory_space<hbm>>
    tpu.wait_dma2 semaphore(%arg15 : memref<!tpu.dma_semaphore, #tpu.memory_space<semaphore_mem>>) src(%dma_wait3A_2013 : memref<4x32x128xf32, #tpu.memory_space<hbm>>) dst(%arg8 : memref<4x32x128xf32, #tpu.memory_space<vmem>>)
    %add3A_2014 = arith.constant 200 : i32
    %add3A_2015 = arith.addi %mul3A_2, %add3A_2014 : i32
    %dma_start3A_2016 = arith.constant 0 : i32
    %dma_start3A_2017 = arith.constant 0 : i32
    %dma_start3A_2018 = tpu.memref_slice %arg5[%add3A_2015, %dma_start3A_2016, %dma_start3A_2017] : memref<8192x32x128xf32, #tpu.memory_space<hbm>> -> memref<4x32x128xf32, #tpu.memory_space<hbm>>
    %dma_start3A_2019 = arith.constant 0 : i32
    %dma_start3A_2020 = arith.constant 0 : i32
    %dma_start3A_2021 = tpu.memref_slice %arg5[%add3A_2015, %dma_start3A_2019, %dma_start3A_2020] : memref<8192x32x128xf32, #tpu.memory_space<hbm>> -> memref<4x32x128xf32, #tpu.memory_space<hbm>>
    tpu.enqueue_dma source(%arg8 : memref<4x32x128xf32, #tpu.memory_space<vmem>>) target(%dma_start3A_2021 : memref<4x32x128xf32, #tpu.memory_space<hbm>>) target_semaphore(%arg22 : memref<!tpu.dma_semaphore, #tpu.memory_space<semaphore_mem>>)
    %add3A_2022 = arith.constant 192 : i32
    %add3A_2023 = arith.addi %mul3A_2, %add3A_2022 : i32
    %dma_wait3A_2024 = arith.constant 0 : i32
    %dma_wait3A_2025 = arith.constant 0 : i32
    %dma_wait3A_2026 = tpu.memref_slice %arg5[%add3A_2023, %dma_wait3A_2024, %dma_wait3A_2025] : memref<8192x32x128xf32, #tpu.memory_space<hbm>> -> memref<4x32x128xf32, #tpu.memory_space<hbm>>
    %dma_wait3A_2027 = arith.constant 0 : i32
    %dma_wait3A_2028 = arith.constant 0 : i32
    %dma_wait3A_2029 = tpu.memref_slice %arg5[%add3A_2023, %dma_wait3A_2027, %dma_wait3A_2028] : memref<8192x32x128xf32, #tpu.memory_space<hbm>> -> memref<4x32x128xf32, #tpu.memory_space<hbm>>
    tpu.wait_dma2 semaphore(%arg27 : memref<!tpu.dma_semaphore, #tpu.memory_space<semaphore_mem>>) src(%arg13 : memref<4x32x128xf32, #tpu.memory_space<vmem>>) dst(%dma_wait3A_2029 : memref<4x32x128xf32, #tpu.memory_space<hbm>>)
    %add3A_2030 = arith.constant 220 : i32
    %add3A_2031 = arith.addi %mul3A_2, %add3A_2030 : i32
    %ge3A_2032 = arith.cmpi sge, %add3A_2031, %squeeze3A : i32
    %add3A_2033 = arith.constant 4096 : i32
    %add3A_2034 = arith.addi %squeeze3A, %add3A_2033 : i32
    %lt3A_2035 = arith.cmpi slt, %add3A_2031, %add3A_2034 : i32
    %and3A_2036 = arith.andi %ge3A_2032, %lt3A_2035 : i1
    %convert_element_type3A_2037 = arith.extui %and3A_2036 : i1 to i32
    %cond3A_2038 = arith.constant 0 : i32
    %cond3A_2039 = arith.cmpi ne, %convert_element_type3A_2037, %cond3A_2038 : i32
    scf.if %cond3A_2039 {
      %sub3A = arith.subi %add3A_2031, %squeeze3A : i32
      %dma_start3A_2493 = arith.constant 0 : i32
      %dma_start3A_2494 = arith.constant 0 : i32
      %dma_start3A_2495 = tpu.memref_slice %arg4[%sub3A, %dma_start3A_2493, %dma_start3A_2494] : memref<4096x32x128xf32, #tpu.memory_space<hbm>> -> memref<4x32x128xf32, #tpu.memory_space<hbm>>
      %dma_start3A_2496 = arith.constant 0 : i32
      %dma_start3A_2497 = arith.constant 0 : i32
      %dma_start3A_2498 = tpu.memref_slice %arg4[%sub3A, %dma_start3A_2496, %dma_start3A_2497] : memref<4096x32x128xf32, #tpu.memory_space<hbm>> -> memref<4x32x128xf32, #tpu.memory_space<hbm>>
      tpu.enqueue_dma source(%dma_start3A_2498 : memref<4x32x128xf32, #tpu.memory_space<hbm>>) target(%arg13 : memref<4x32x128xf32, #tpu.memory_space<vmem>>) target_semaphore(%arg20 : memref<!tpu.dma_semaphore, #tpu.memory_space<semaphore_mem>>)
    } else {
    }
    %not3A_2040 = arith.constant true
    %not3A_2041 = arith.xori %and3A_2036, %not3A_2040 : i1
    %convert_element_type3A_2042 = arith.extui %not3A_2041 : i1 to i32
    %cond3A_2043 = arith.constant 0 : i32
    %cond3A_2044 = arith.cmpi ne, %convert_element_type3A_2042, %cond3A_2043 : i32
    scf.if %cond3A_2044 {
      %dma_start3A_2493 = arith.constant 0 : i32
      %dma_start3A_2494 = arith.constant 0 : i32
      %dma_start3A_2495 = tpu.memref_slice %arg3[%add3A_2031, %dma_start3A_2493, %dma_start3A_2494] : memref<8192x32x128xf32, #tpu.memory_space<hbm>> -> memref<4x32x128xf32, #tpu.memory_space<hbm>>
      %dma_start3A_2496 = arith.constant 0 : i32
      %dma_start3A_2497 = arith.constant 0 : i32
      %dma_start3A_2498 = tpu.memref_slice %arg3[%add3A_2031, %dma_start3A_2496, %dma_start3A_2497] : memref<8192x32x128xf32, #tpu.memory_space<hbm>> -> memref<4x32x128xf32, #tpu.memory_space<hbm>>
      tpu.enqueue_dma source(%dma_start3A_2498 : memref<4x32x128xf32, #tpu.memory_space<hbm>>) target(%arg13 : memref<4x32x128xf32, #tpu.memory_space<vmem>>) target_semaphore(%arg20 : memref<!tpu.dma_semaphore, #tpu.memory_space<semaphore_mem>>)
    } else {
    }
    %dma_wait3A_2045 = arith.constant 0 : i32
    %dma_wait3A_2046 = arith.constant 0 : i32
    %dma_wait3A_2047 = arith.constant 0 : i32
    %dma_wait3A_2048 = tpu.memref_slice %arg3[%dma_wait3A_2045, %dma_wait3A_2046, %dma_wait3A_2047] : memref<8192x32x128xf32, #tpu.memory_space<hbm>> -> memref<4x32x128xf32, #tpu.memory_space<hbm>>
    %dma_wait3A_2049 = arith.constant 0 : i32
    %dma_wait3A_2050 = arith.constant 0 : i32
    %dma_wait3A_2051 = arith.constant 0 : i32
    %dma_wait3A_2052 = tpu.memref_slice %arg3[%dma_wait3A_2049, %dma_wait3A_2050, %dma_wait3A_2051] : memref<8192x32x128xf32, #tpu.memory_space<hbm>> -> memref<4x32x128xf32, #tpu.memory_space<hbm>>
    tpu.wait_dma2 semaphore(%arg16 : memref<!tpu.dma_semaphore, #tpu.memory_space<semaphore_mem>>) src(%dma_wait3A_2052 : memref<4x32x128xf32, #tpu.memory_space<hbm>>) dst(%arg9 : memref<4x32x128xf32, #tpu.memory_space<vmem>>)
    %add3A_2053 = arith.constant 204 : i32
    %add3A_2054 = arith.addi %mul3A_2, %add3A_2053 : i32
    %dma_start3A_2055 = arith.constant 0 : i32
    %dma_start3A_2056 = arith.constant 0 : i32
    %dma_start3A_2057 = tpu.memref_slice %arg5[%add3A_2054, %dma_start3A_2055, %dma_start3A_2056] : memref<8192x32x128xf32, #tpu.memory_space<hbm>> -> memref<4x32x128xf32, #tpu.memory_space<hbm>>
    %dma_start3A_2058 = arith.constant 0 : i32
    %dma_start3A_2059 = arith.constant 0 : i32
    %dma_start3A_2060 = tpu.memref_slice %arg5[%add3A_2054, %dma_start3A_2058, %dma_start3A_2059] : memref<8192x32x128xf32, #tpu.memory_space<hbm>> -> memref<4x32x128xf32, #tpu.memory_space<hbm>>
    tpu.enqueue_dma source(%arg9 : memref<4x32x128xf32, #tpu.memory_space<vmem>>) target(%dma_start3A_2060 : memref<4x32x128xf32, #tpu.memory_space<hbm>>) target_semaphore(%arg23 : memref<!tpu.dma_semaphore, #tpu.memory_space<semaphore_mem>>)
    %add3A_2061 = arith.constant 196 : i32
    %add3A_2062 = arith.addi %mul3A_2, %add3A_2061 : i32
    %dma_wait3A_2063 = arith.constant 0 : i32
    %dma_wait3A_2064 = arith.constant 0 : i32
    %dma_wait3A_2065 = tpu.memref_slice %arg5[%add3A_2062, %dma_wait3A_2063, %dma_wait3A_2064] : memref<8192x32x128xf32, #tpu.memory_space<hbm>> -> memref<4x32x128xf32, #tpu.memory_space<hbm>>
    %dma_wait3A_2066 = arith.constant 0 : i32
    %dma_wait3A_2067 = arith.constant 0 : i32
    %dma_wait3A_2068 = tpu.memref_slice %arg5[%add3A_2062, %dma_wait3A_2066, %dma_wait3A_2067] : memref<8192x32x128xf32, #tpu.memory_space<hbm>> -> memref<4x32x128xf32, #tpu.memory_space<hbm>>
    tpu.wait_dma2 semaphore(%arg21 : memref<!tpu.dma_semaphore, #tpu.memory_space<semaphore_mem>>) src(%arg7 : memref<4x32x128xf32, #tpu.memory_space<vmem>>) dst(%dma_wait3A_2068 : memref<4x32x128xf32, #tpu.memory_space<hbm>>)
    %add3A_2069 = arith.constant 224 : i32
    %add3A_2070 = arith.addi %mul3A_2, %add3A_2069 : i32
    %ge3A_2071 = arith.cmpi sge, %add3A_2070, %squeeze3A : i32
    %add3A_2072 = arith.constant 4096 : i32
    %add3A_2073 = arith.addi %squeeze3A, %add3A_2072 : i32
    %lt3A_2074 = arith.cmpi slt, %add3A_2070, %add3A_2073 : i32
    %and3A_2075 = arith.andi %ge3A_2071, %lt3A_2074 : i1
    %convert_element_type3A_2076 = arith.extui %and3A_2075 : i1 to i32
    %cond3A_2077 = arith.constant 0 : i32
    %cond3A_2078 = arith.cmpi ne, %convert_element_type3A_2076, %cond3A_2077 : i32
    scf.if %cond3A_2078 {
      %sub3A = arith.subi %add3A_2070, %squeeze3A : i32
      %dma_start3A_2493 = arith.constant 0 : i32
      %dma_start3A_2494 = arith.constant 0 : i32
      %dma_start3A_2495 = tpu.memref_slice %arg4[%sub3A, %dma_start3A_2493, %dma_start3A_2494] : memref<4096x32x128xf32, #tpu.memory_space<hbm>> -> memref<4x32x128xf32, #tpu.memory_space<hbm>>
      %dma_start3A_2496 = arith.constant 0 : i32
      %dma_start3A_2497 = arith.constant 0 : i32
      %dma_start3A_2498 = tpu.memref_slice %arg4[%sub3A, %dma_start3A_2496, %dma_start3A_2497] : memref<4096x32x128xf32, #tpu.memory_space<hbm>> -> memref<4x32x128xf32, #tpu.memory_space<hbm>>
      tpu.enqueue_dma source(%dma_start3A_2498 : memref<4x32x128xf32, #tpu.memory_space<hbm>>) target(%arg7 : memref<4x32x128xf32, #tpu.memory_space<vmem>>) target_semaphore(%arg14 : memref<!tpu.dma_semaphore, #tpu.memory_space<semaphore_mem>>)
    } else {
    }
    %not3A_2079 = arith.constant true
    %not3A_2080 = arith.xori %and3A_2075, %not3A_2079 : i1
    %convert_element_type3A_2081 = arith.extui %not3A_2080 : i1 to i32
    %cond3A_2082 = arith.constant 0 : i32
    %cond3A_2083 = arith.cmpi ne, %convert_element_type3A_2081, %cond3A_2082 : i32
    scf.if %cond3A_2083 {
      %dma_start3A_2493 = arith.constant 0 : i32
      %dma_start3A_2494 = arith.constant 0 : i32
      %dma_start3A_2495 = tpu.memref_slice %arg3[%add3A_2070, %dma_start3A_2493, %dma_start3A_2494] : memref<8192x32x128xf32, #tpu.memory_space<hbm>> -> memref<4x32x128xf32, #tpu.memory_space<hbm>>
      %dma_start3A_2496 = arith.constant 0 : i32
      %dma_start3A_2497 = arith.constant 0 : i32
      %dma_start3A_2498 = tpu.memref_slice %arg3[%add3A_2070, %dma_start3A_2496, %dma_start3A_2497] : memref<8192x32x128xf32, #tpu.memory_space<hbm>> -> memref<4x32x128xf32, #tpu.memory_space<hbm>>
      tpu.enqueue_dma source(%dma_start3A_2498 : memref<4x32x128xf32, #tpu.memory_space<hbm>>) target(%arg7 : memref<4x32x128xf32, #tpu.memory_space<vmem>>) target_semaphore(%arg14 : memref<!tpu.dma_semaphore, #tpu.memory_space<semaphore_mem>>)
    } else {
    }
    %dma_wait3A_2084 = arith.constant 0 : i32
    %dma_wait3A_2085 = arith.constant 0 : i32
    %dma_wait3A_2086 = arith.constant 0 : i32
    %dma_wait3A_2087 = tpu.memref_slice %arg3[%dma_wait3A_2084, %dma_wait3A_2085, %dma_wait3A_2086] : memref<8192x32x128xf32, #tpu.memory_space<hbm>> -> memref<4x32x128xf32, #tpu.memory_space<hbm>>
    %dma_wait3A_2088 = arith.constant 0 : i32
    %dma_wait3A_2089 = arith.constant 0 : i32
    %dma_wait3A_2090 = arith.constant 0 : i32
    %dma_wait3A_2091 = tpu.memref_slice %arg3[%dma_wait3A_2088, %dma_wait3A_2089, %dma_wait3A_2090] : memref<8192x32x128xf32, #tpu.memory_space<hbm>> -> memref<4x32x128xf32, #tpu.memory_space<hbm>>
    tpu.wait_dma2 semaphore(%arg17 : memref<!tpu.dma_semaphore, #tpu.memory_space<semaphore_mem>>) src(%dma_wait3A_2091 : memref<4x32x128xf32, #tpu.memory_space<hbm>>) dst(%arg10 : memref<4x32x128xf32, #tpu.memory_space<vmem>>)
    %add3A_2092 = arith.constant 208 : i32
    %add3A_2093 = arith.addi %mul3A_2, %add3A_2092 : i32
    %dma_start3A_2094 = arith.constant 0 : i32
    %dma_start3A_2095 = arith.constant 0 : i32
    %dma_start3A_2096 = tpu.memref_slice %arg5[%add3A_2093, %dma_start3A_2094, %dma_start3A_2095] : memref<8192x32x128xf32, #tpu.memory_space<hbm>> -> memref<4x32x128xf32, #tpu.memory_space<hbm>>
    %dma_start3A_2097 = arith.constant 0 : i32
    %dma_start3A_2098 = arith.constant 0 : i32
    %dma_start3A_2099 = tpu.memref_slice %arg5[%add3A_2093, %dma_start3A_2097, %dma_start3A_2098] : memref<8192x32x128xf32, #tpu.memory_space<hbm>> -> memref<4x32x128xf32, #tpu.memory_space<hbm>>
    tpu.enqueue_dma source(%arg10 : memref<4x32x128xf32, #tpu.memory_space<vmem>>) target(%dma_start3A_2099 : memref<4x32x128xf32, #tpu.memory_space<hbm>>) target_semaphore(%arg24 : memref<!tpu.dma_semaphore, #tpu.memory_space<semaphore_mem>>)
    %add3A_2100 = arith.constant 200 : i32
    %add3A_2101 = arith.addi %mul3A_2, %add3A_2100 : i32
    %dma_wait3A_2102 = arith.constant 0 : i32
    %dma_wait3A_2103 = arith.constant 0 : i32
    %dma_wait3A_2104 = tpu.memref_slice %arg5[%add3A_2101, %dma_wait3A_2102, %dma_wait3A_2103] : memref<8192x32x128xf32, #tpu.memory_space<hbm>> -> memref<4x32x128xf32, #tpu.memory_space<hbm>>
    %dma_wait3A_2105 = arith.constant 0 : i32
    %dma_wait3A_2106 = arith.constant 0 : i32
    %dma_wait3A_2107 = tpu.memref_slice %arg5[%add3A_2101, %dma_wait3A_2105, %dma_wait3A_2106] : memref<8192x32x128xf32, #tpu.memory_space<hbm>> -> memref<4x32x128xf32, #tpu.memory_space<hbm>>
    tpu.wait_dma2 semaphore(%arg22 : memref<!tpu.dma_semaphore, #tpu.memory_space<semaphore_mem>>) src(%arg8 : memref<4x32x128xf32, #tpu.memory_space<vmem>>) dst(%dma_wait3A_2107 : memref<4x32x128xf32, #tpu.memory_space<hbm>>)
    %add3A_2108 = arith.constant 228 : i32
    %add3A_2109 = arith.addi %mul3A_2, %add3A_2108 : i32
    %ge3A_2110 = arith.cmpi sge, %add3A_2109, %squeeze3A : i32
    %add3A_2111 = arith.constant 4096 : i32
    %add3A_2112 = arith.addi %squeeze3A, %add3A_2111 : i32
    %lt3A_2113 = arith.cmpi slt, %add3A_2109, %add3A_2112 : i32
    %and3A_2114 = arith.andi %ge3A_2110, %lt3A_2113 : i1
    %convert_element_type3A_2115 = arith.extui %and3A_2114 : i1 to i32
    %cond3A_2116 = arith.constant 0 : i32
    %cond3A_2117 = arith.cmpi ne, %convert_element_type3A_2115, %cond3A_2116 : i32
    scf.if %cond3A_2117 {
      %sub3A = arith.subi %add3A_2109, %squeeze3A : i32
      %dma_start3A_2493 = arith.constant 0 : i32
      %dma_start3A_2494 = arith.constant 0 : i32
      %dma_start3A_2495 = tpu.memref_slice %arg4[%sub3A, %dma_start3A_2493, %dma_start3A_2494] : memref<4096x32x128xf32, #tpu.memory_space<hbm>> -> memref<4x32x128xf32, #tpu.memory_space<hbm>>
      %dma_start3A_2496 = arith.constant 0 : i32
      %dma_start3A_2497 = arith.constant 0 : i32
      %dma_start3A_2498 = tpu.memref_slice %arg4[%sub3A, %dma_start3A_2496, %dma_start3A_2497] : memref<4096x32x128xf32, #tpu.memory_space<hbm>> -> memref<4x32x128xf32, #tpu.memory_space<hbm>>
      tpu.enqueue_dma source(%dma_start3A_2498 : memref<4x32x128xf32, #tpu.memory_space<hbm>>) target(%arg8 : memref<4x32x128xf32, #tpu.memory_space<vmem>>) target_semaphore(%arg15 : memref<!tpu.dma_semaphore, #tpu.memory_space<semaphore_mem>>)
    } else {
    }
    %not3A_2118 = arith.constant true
    %not3A_2119 = arith.xori %and3A_2114, %not3A_2118 : i1
    %convert_element_type3A_2120 = arith.extui %not3A_2119 : i1 to i32
    %cond3A_2121 = arith.constant 0 : i32
    %cond3A_2122 = arith.cmpi ne, %convert_element_type3A_2120, %cond3A_2121 : i32
    scf.if %cond3A_2122 {
      %dma_start3A_2493 = arith.constant 0 : i32
      %dma_start3A_2494 = arith.constant 0 : i32
      %dma_start3A_2495 = tpu.memref_slice %arg3[%add3A_2109, %dma_start3A_2493, %dma_start3A_2494] : memref<8192x32x128xf32, #tpu.memory_space<hbm>> -> memref<4x32x128xf32, #tpu.memory_space<hbm>>
      %dma_start3A_2496 = arith.constant 0 : i32
      %dma_start3A_2497 = arith.constant 0 : i32
      %dma_start3A_2498 = tpu.memref_slice %arg3[%add3A_2109, %dma_start3A_2496, %dma_start3A_2497] : memref<8192x32x128xf32, #tpu.memory_space<hbm>> -> memref<4x32x128xf32, #tpu.memory_space<hbm>>
      tpu.enqueue_dma source(%dma_start3A_2498 : memref<4x32x128xf32, #tpu.memory_space<hbm>>) target(%arg8 : memref<4x32x128xf32, #tpu.memory_space<vmem>>) target_semaphore(%arg15 : memref<!tpu.dma_semaphore, #tpu.memory_space<semaphore_mem>>)
    } else {
    }
    %dma_wait3A_2123 = arith.constant 0 : i32
    %dma_wait3A_2124 = arith.constant 0 : i32
    %dma_wait3A_2125 = arith.constant 0 : i32
    %dma_wait3A_2126 = tpu.memref_slice %arg3[%dma_wait3A_2123, %dma_wait3A_2124, %dma_wait3A_2125] : memref<8192x32x128xf32, #tpu.memory_space<hbm>> -> memref<4x32x128xf32, #tpu.memory_space<hbm>>
    %dma_wait3A_2127 = arith.constant 0 : i32
    %dma_wait3A_2128 = arith.constant 0 : i32
    %dma_wait3A_2129 = arith.constant 0 : i32
    %dma_wait3A_2130 = tpu.memref_slice %arg3[%dma_wait3A_2127, %dma_wait3A_2128, %dma_wait3A_2129] : memref<8192x32x128xf32, #tpu.memory_space<hbm>> -> memref<4x32x128xf32, #tpu.memory_space<hbm>>
    tpu.wait_dma2 semaphore(%arg18 : memref<!tpu.dma_semaphore, #tpu.memory_space<semaphore_mem>>) src(%dma_wait3A_2130 : memref<4x32x128xf32, #tpu.memory_space<hbm>>) dst(%arg11 : memref<4x32x128xf32, #tpu.memory_space<vmem>>)
    %add3A_2131 = arith.constant 212 : i32
    %add3A_2132 = arith.addi %mul3A_2, %add3A_2131 : i32
    %dma_start3A_2133 = arith.constant 0 : i32
    %dma_start3A_2134 = arith.constant 0 : i32
    %dma_start3A_2135 = tpu.memref_slice %arg5[%add3A_2132, %dma_start3A_2133, %dma_start3A_2134] : memref<8192x32x128xf32, #tpu.memory_space<hbm>> -> memref<4x32x128xf32, #tpu.memory_space<hbm>>
    %dma_start3A_2136 = arith.constant 0 : i32
    %dma_start3A_2137 = arith.constant 0 : i32
    %dma_start3A_2138 = tpu.memref_slice %arg5[%add3A_2132, %dma_start3A_2136, %dma_start3A_2137] : memref<8192x32x128xf32, #tpu.memory_space<hbm>> -> memref<4x32x128xf32, #tpu.memory_space<hbm>>
    tpu.enqueue_dma source(%arg11 : memref<4x32x128xf32, #tpu.memory_space<vmem>>) target(%dma_start3A_2138 : memref<4x32x128xf32, #tpu.memory_space<hbm>>) target_semaphore(%arg25 : memref<!tpu.dma_semaphore, #tpu.memory_space<semaphore_mem>>)
    %add3A_2139 = arith.constant 204 : i32
    %add3A_2140 = arith.addi %mul3A_2, %add3A_2139 : i32
    %dma_wait3A_2141 = arith.constant 0 : i32
    %dma_wait3A_2142 = arith.constant 0 : i32
    %dma_wait3A_2143 = tpu.memref_slice %arg5[%add3A_2140, %dma_wait3A_2141, %dma_wait3A_2142] : memref<8192x32x128xf32, #tpu.memory_space<hbm>> -> memref<4x32x128xf32, #tpu.memory_space<hbm>>
    %dma_wait3A_2144 = arith.constant 0 : i32
    %dma_wait3A_2145 = arith.constant 0 : i32
    %dma_wait3A_2146 = tpu.memref_slice %arg5[%add3A_2140, %dma_wait3A_2144, %dma_wait3A_2145] : memref<8192x32x128xf32, #tpu.memory_space<hbm>> -> memref<4x32x128xf32, #tpu.memory_space<hbm>>
    tpu.wait_dma2 semaphore(%arg23 : memref<!tpu.dma_semaphore, #tpu.memory_space<semaphore_mem>>) src(%arg9 : memref<4x32x128xf32, #tpu.memory_space<vmem>>) dst(%dma_wait3A_2146 : memref<4x32x128xf32, #tpu.memory_space<hbm>>)
    %add3A_2147 = arith.constant 232 : i32
    %add3A_2148 = arith.addi %mul3A_2, %add3A_2147 : i32
    %ge3A_2149 = arith.cmpi sge, %add3A_2148, %squeeze3A : i32
    %add3A_2150 = arith.constant 4096 : i32
    %add3A_2151 = arith.addi %squeeze3A, %add3A_2150 : i32
    %lt3A_2152 = arith.cmpi slt, %add3A_2148, %add3A_2151 : i32
    %and3A_2153 = arith.andi %ge3A_2149, %lt3A_2152 : i1
    %convert_element_type3A_2154 = arith.extui %and3A_2153 : i1 to i32
    %cond3A_2155 = arith.constant 0 : i32
    %cond3A_2156 = arith.cmpi ne, %convert_element_type3A_2154, %cond3A_2155 : i32
    scf.if %cond3A_2156 {
      %sub3A = arith.subi %add3A_2148, %squeeze3A : i32
      %dma_start3A_2493 = arith.constant 0 : i32
      %dma_start3A_2494 = arith.constant 0 : i32
      %dma_start3A_2495 = tpu.memref_slice %arg4[%sub3A, %dma_start3A_2493, %dma_start3A_2494] : memref<4096x32x128xf32, #tpu.memory_space<hbm>> -> memref<4x32x128xf32, #tpu.memory_space<hbm>>
      %dma_start3A_2496 = arith.constant 0 : i32
      %dma_start3A_2497 = arith.constant 0 : i32
      %dma_start3A_2498 = tpu.memref_slice %arg4[%sub3A, %dma_start3A_2496, %dma_start3A_2497] : memref<4096x32x128xf32, #tpu.memory_space<hbm>> -> memref<4x32x128xf32, #tpu.memory_space<hbm>>
      tpu.enqueue_dma source(%dma_start3A_2498 : memref<4x32x128xf32, #tpu.memory_space<hbm>>) target(%arg9 : memref<4x32x128xf32, #tpu.memory_space<vmem>>) target_semaphore(%arg16 : memref<!tpu.dma_semaphore, #tpu.memory_space<semaphore_mem>>)
    } else {
    }
    %not3A_2157 = arith.constant true
    %not3A_2158 = arith.xori %and3A_2153, %not3A_2157 : i1
    %convert_element_type3A_2159 = arith.extui %not3A_2158 : i1 to i32
    %cond3A_2160 = arith.constant 0 : i32
    %cond3A_2161 = arith.cmpi ne, %convert_element_type3A_2159, %cond3A_2160 : i32
    scf.if %cond3A_2161 {
      %dma_start3A_2493 = arith.constant 0 : i32
      %dma_start3A_2494 = arith.constant 0 : i32
      %dma_start3A_2495 = tpu.memref_slice %arg3[%add3A_2148, %dma_start3A_2493, %dma_start3A_2494] : memref<8192x32x128xf32, #tpu.memory_space<hbm>> -> memref<4x32x128xf32, #tpu.memory_space<hbm>>
      %dma_start3A_2496 = arith.constant 0 : i32
      %dma_start3A_2497 = arith.constant 0 : i32
      %dma_start3A_2498 = tpu.memref_slice %arg3[%add3A_2148, %dma_start3A_2496, %dma_start3A_2497] : memref<8192x32x128xf32, #tpu.memory_space<hbm>> -> memref<4x32x128xf32, #tpu.memory_space<hbm>>
      tpu.enqueue_dma source(%dma_start3A_2498 : memref<4x32x128xf32, #tpu.memory_space<hbm>>) target(%arg9 : memref<4x32x128xf32, #tpu.memory_space<vmem>>) target_semaphore(%arg16 : memref<!tpu.dma_semaphore, #tpu.memory_space<semaphore_mem>>)
    } else {
    }
    %dma_wait3A_2162 = arith.constant 0 : i32
    %dma_wait3A_2163 = arith.constant 0 : i32
    %dma_wait3A_2164 = arith.constant 0 : i32
    %dma_wait3A_2165 = tpu.memref_slice %arg3[%dma_wait3A_2162, %dma_wait3A_2163, %dma_wait3A_2164] : memref<8192x32x128xf32, #tpu.memory_space<hbm>> -> memref<4x32x128xf32, #tpu.memory_space<hbm>>
    %dma_wait3A_2166 = arith.constant 0 : i32
    %dma_wait3A_2167 = arith.constant 0 : i32
    %dma_wait3A_2168 = arith.constant 0 : i32
    %dma_wait3A_2169 = tpu.memref_slice %arg3[%dma_wait3A_2166, %dma_wait3A_2167, %dma_wait3A_2168] : memref<8192x32x128xf32, #tpu.memory_space<hbm>> -> memref<4x32x128xf32, #tpu.memory_space<hbm>>
    tpu.wait_dma2 semaphore(%arg19 : memref<!tpu.dma_semaphore, #tpu.memory_space<semaphore_mem>>) src(%dma_wait3A_2169 : memref<4x32x128xf32, #tpu.memory_space<hbm>>) dst(%arg12 : memref<4x32x128xf32, #tpu.memory_space<vmem>>)
    %add3A_2170 = arith.constant 216 : i32
    %add3A_2171 = arith.addi %mul3A_2, %add3A_2170 : i32
    %dma_start3A_2172 = arith.constant 0 : i32
    %dma_start3A_2173 = arith.constant 0 : i32
    %dma_start3A_2174 = tpu.memref_slice %arg5[%add3A_2171, %dma_start3A_2172, %dma_start3A_2173] : memref<8192x32x128xf32, #tpu.memory_space<hbm>> -> memref<4x32x128xf32, #tpu.memory_space<hbm>>
    %dma_start3A_2175 = arith.constant 0 : i32
    %dma_start3A_2176 = arith.constant 0 : i32
    %dma_start3A_2177 = tpu.memref_slice %arg5[%add3A_2171, %dma_start3A_2175, %dma_start3A_2176] : memref<8192x32x128xf32, #tpu.memory_space<hbm>> -> memref<4x32x128xf32, #tpu.memory_space<hbm>>
    tpu.enqueue_dma source(%arg12 : memref<4x32x128xf32, #tpu.memory_space<vmem>>) target(%dma_start3A_2177 : memref<4x32x128xf32, #tpu.memory_space<hbm>>) target_semaphore(%arg26 : memref<!tpu.dma_semaphore, #tpu.memory_space<semaphore_mem>>)
    %add3A_2178 = arith.constant 208 : i32
    %add3A_2179 = arith.addi %mul3A_2, %add3A_2178 : i32
    %dma_wait3A_2180 = arith.constant 0 : i32
    %dma_wait3A_2181 = arith.constant 0 : i32
    %dma_wait3A_2182 = tpu.memref_slice %arg5[%add3A_2179, %dma_wait3A_2180, %dma_wait3A_2181] : memref<8192x32x128xf32, #tpu.memory_space<hbm>> -> memref<4x32x128xf32, #tpu.memory_space<hbm>>
    %dma_wait3A_2183 = arith.constant 0 : i32
    %dma_wait3A_2184 = arith.constant 0 : i32
    %dma_wait3A_2185 = tpu.memref_slice %arg5[%add3A_2179, %dma_wait3A_2183, %dma_wait3A_2184] : memref<8192x32x128xf32, #tpu.memory_space<hbm>> -> memref<4x32x128xf32, #tpu.memory_space<hbm>>
    tpu.wait_dma2 semaphore(%arg24 : memref<!tpu.dma_semaphore, #tpu.memory_space<semaphore_mem>>) src(%arg10 : memref<4x32x128xf32, #tpu.memory_space<vmem>>) dst(%dma_wait3A_2185 : memref<4x32x128xf32, #tpu.memory_space<hbm>>)
    %add3A_2186 = arith.constant 236 : i32
    %add3A_2187 = arith.addi %mul3A_2, %add3A_2186 : i32
    %ge3A_2188 = arith.cmpi sge, %add3A_2187, %squeeze3A : i32
    %add3A_2189 = arith.constant 4096 : i32
    %add3A_2190 = arith.addi %squeeze3A, %add3A_2189 : i32
    %lt3A_2191 = arith.cmpi slt, %add3A_2187, %add3A_2190 : i32
    %and3A_2192 = arith.andi %ge3A_2188, %lt3A_2191 : i1
    %convert_element_type3A_2193 = arith.extui %and3A_2192 : i1 to i32
    %cond3A_2194 = arith.constant 0 : i32
    %cond3A_2195 = arith.cmpi ne, %convert_element_type3A_2193, %cond3A_2194 : i32
    scf.if %cond3A_2195 {
      %sub3A = arith.subi %add3A_2187, %squeeze3A : i32
      %dma_start3A_2493 = arith.constant 0 : i32
      %dma_start3A_2494 = arith.constant 0 : i32
      %dma_start3A_2495 = tpu.memref_slice %arg4[%sub3A, %dma_start3A_2493, %dma_start3A_2494] : memref<4096x32x128xf32, #tpu.memory_space<hbm>> -> memref<4x32x128xf32, #tpu.memory_space<hbm>>
      %dma_start3A_2496 = arith.constant 0 : i32
      %dma_start3A_2497 = arith.constant 0 : i32
      %dma_start3A_2498 = tpu.memref_slice %arg4[%sub3A, %dma_start3A_2496, %dma_start3A_2497] : memref<4096x32x128xf32, #tpu.memory_space<hbm>> -> memref<4x32x128xf32, #tpu.memory_space<hbm>>
      tpu.enqueue_dma source(%dma_start3A_2498 : memref<4x32x128xf32, #tpu.memory_space<hbm>>) target(%arg10 : memref<4x32x128xf32, #tpu.memory_space<vmem>>) target_semaphore(%arg17 : memref<!tpu.dma_semaphore, #tpu.memory_space<semaphore_mem>>)
    } else {
    }
    %not3A_2196 = arith.constant true
    %not3A_2197 = arith.xori %and3A_2192, %not3A_2196 : i1
    %convert_element_type3A_2198 = arith.extui %not3A_2197 : i1 to i32
    %cond3A_2199 = arith.constant 0 : i32
    %cond3A_2200 = arith.cmpi ne, %convert_element_type3A_2198, %cond3A_2199 : i32
    scf.if %cond3A_2200 {
      %dma_start3A_2493 = arith.constant 0 : i32
      %dma_start3A_2494 = arith.constant 0 : i32
      %dma_start3A_2495 = tpu.memref_slice %arg3[%add3A_2187, %dma_start3A_2493, %dma_start3A_2494] : memref<8192x32x128xf32, #tpu.memory_space<hbm>> -> memref<4x32x128xf32, #tpu.memory_space<hbm>>
      %dma_start3A_2496 = arith.constant 0 : i32
      %dma_start3A_2497 = arith.constant 0 : i32
      %dma_start3A_2498 = tpu.memref_slice %arg3[%add3A_2187, %dma_start3A_2496, %dma_start3A_2497] : memref<8192x32x128xf32, #tpu.memory_space<hbm>> -> memref<4x32x128xf32, #tpu.memory_space<hbm>>
      tpu.enqueue_dma source(%dma_start3A_2498 : memref<4x32x128xf32, #tpu.memory_space<hbm>>) target(%arg10 : memref<4x32x128xf32, #tpu.memory_space<vmem>>) target_semaphore(%arg17 : memref<!tpu.dma_semaphore, #tpu.memory_space<semaphore_mem>>)
    } else {
    }
    %dma_wait3A_2201 = arith.constant 0 : i32
    %dma_wait3A_2202 = arith.constant 0 : i32
    %dma_wait3A_2203 = arith.constant 0 : i32
    %dma_wait3A_2204 = tpu.memref_slice %arg3[%dma_wait3A_2201, %dma_wait3A_2202, %dma_wait3A_2203] : memref<8192x32x128xf32, #tpu.memory_space<hbm>> -> memref<4x32x128xf32, #tpu.memory_space<hbm>>
    %dma_wait3A_2205 = arith.constant 0 : i32
    %dma_wait3A_2206 = arith.constant 0 : i32
    %dma_wait3A_2207 = arith.constant 0 : i32
    %dma_wait3A_2208 = tpu.memref_slice %arg3[%dma_wait3A_2205, %dma_wait3A_2206, %dma_wait3A_2207] : memref<8192x32x128xf32, #tpu.memory_space<hbm>> -> memref<4x32x128xf32, #tpu.memory_space<hbm>>
    tpu.wait_dma2 semaphore(%arg20 : memref<!tpu.dma_semaphore, #tpu.memory_space<semaphore_mem>>) src(%dma_wait3A_2208 : memref<4x32x128xf32, #tpu.memory_space<hbm>>) dst(%arg13 : memref<4x32x128xf32, #tpu.memory_space<vmem>>)
    %add3A_2209 = arith.constant 220 : i32
    %add3A_2210 = arith.addi %mul3A_2, %add3A_2209 : i32
    %dma_start3A_2211 = arith.constant 0 : i32
    %dma_start3A_2212 = arith.constant 0 : i32
    %dma_start3A_2213 = tpu.memref_slice %arg5[%add3A_2210, %dma_start3A_2211, %dma_start3A_2212] : memref<8192x32x128xf32, #tpu.memory_space<hbm>> -> memref<4x32x128xf32, #tpu.memory_space<hbm>>
    %dma_start3A_2214 = arith.constant 0 : i32
    %dma_start3A_2215 = arith.constant 0 : i32
    %dma_start3A_2216 = tpu.memref_slice %arg5[%add3A_2210, %dma_start3A_2214, %dma_start3A_2215] : memref<8192x32x128xf32, #tpu.memory_space<hbm>> -> memref<4x32x128xf32, #tpu.memory_space<hbm>>
    tpu.enqueue_dma source(%arg13 : memref<4x32x128xf32, #tpu.memory_space<vmem>>) target(%dma_start3A_2216 : memref<4x32x128xf32, #tpu.memory_space<hbm>>) target_semaphore(%arg27 : memref<!tpu.dma_semaphore, #tpu.memory_space<semaphore_mem>>)
    %add3A_2217 = arith.constant 212 : i32
    %add3A_2218 = arith.addi %mul3A_2, %add3A_2217 : i32
    %dma_wait3A_2219 = arith.constant 0 : i32
    %dma_wait3A_2220 = arith.constant 0 : i32
    %dma_wait3A_2221 = tpu.memref_slice %arg5[%add3A_2218, %dma_wait3A_2219, %dma_wait3A_2220] : memref<8192x32x128xf32, #tpu.memory_space<hbm>> -> memref<4x32x128xf32, #tpu.memory_space<hbm>>
    %dma_wait3A_2222 = arith.constant 0 : i32
    %dma_wait3A_2223 = arith.constant 0 : i32
    %dma_wait3A_2224 = tpu.memref_slice %arg5[%add3A_2218, %dma_wait3A_2222, %dma_wait3A_2223] : memref<8192x32x128xf32, #tpu.memory_space<hbm>> -> memref<4x32x128xf32, #tpu.memory_space<hbm>>
    tpu.wait_dma2 semaphore(%arg25 : memref<!tpu.dma_semaphore, #tpu.memory_space<semaphore_mem>>) src(%arg11 : memref<4x32x128xf32, #tpu.memory_space<vmem>>) dst(%dma_wait3A_2224 : memref<4x32x128xf32, #tpu.memory_space<hbm>>)
    %add3A_2225 = arith.constant 240 : i32
    %add3A_2226 = arith.addi %mul3A_2, %add3A_2225 : i32
    %ge3A_2227 = arith.cmpi sge, %add3A_2226, %squeeze3A : i32
    %add3A_2228 = arith.constant 4096 : i32
    %add3A_2229 = arith.addi %squeeze3A, %add3A_2228 : i32
    %lt3A_2230 = arith.cmpi slt, %add3A_2226, %add3A_2229 : i32
    %and3A_2231 = arith.andi %ge3A_2227, %lt3A_2230 : i1
    %convert_element_type3A_2232 = arith.extui %and3A_2231 : i1 to i32
    %cond3A_2233 = arith.constant 0 : i32
    %cond3A_2234 = arith.cmpi ne, %convert_element_type3A_2232, %cond3A_2233 : i32
    scf.if %cond3A_2234 {
      %sub3A = arith.subi %add3A_2226, %squeeze3A : i32
      %dma_start3A_2493 = arith.constant 0 : i32
      %dma_start3A_2494 = arith.constant 0 : i32
      %dma_start3A_2495 = tpu.memref_slice %arg4[%sub3A, %dma_start3A_2493, %dma_start3A_2494] : memref<4096x32x128xf32, #tpu.memory_space<hbm>> -> memref<4x32x128xf32, #tpu.memory_space<hbm>>
      %dma_start3A_2496 = arith.constant 0 : i32
      %dma_start3A_2497 = arith.constant 0 : i32
      %dma_start3A_2498 = tpu.memref_slice %arg4[%sub3A, %dma_start3A_2496, %dma_start3A_2497] : memref<4096x32x128xf32, #tpu.memory_space<hbm>> -> memref<4x32x128xf32, #tpu.memory_space<hbm>>
      tpu.enqueue_dma source(%dma_start3A_2498 : memref<4x32x128xf32, #tpu.memory_space<hbm>>) target(%arg11 : memref<4x32x128xf32, #tpu.memory_space<vmem>>) target_semaphore(%arg18 : memref<!tpu.dma_semaphore, #tpu.memory_space<semaphore_mem>>)
    } else {
    }
    %not3A_2235 = arith.constant true
    %not3A_2236 = arith.xori %and3A_2231, %not3A_2235 : i1
    %convert_element_type3A_2237 = arith.extui %not3A_2236 : i1 to i32
    %cond3A_2238 = arith.constant 0 : i32
    %cond3A_2239 = arith.cmpi ne, %convert_element_type3A_2237, %cond3A_2238 : i32
    scf.if %cond3A_2239 {
      %dma_start3A_2493 = arith.constant 0 : i32
      %dma_start3A_2494 = arith.constant 0 : i32
      %dma_start3A_2495 = tpu.memref_slice %arg3[%add3A_2226, %dma_start3A_2493, %dma_start3A_2494] : memref<8192x32x128xf32, #tpu.memory_space<hbm>> -> memref<4x32x128xf32, #tpu.memory_space<hbm>>
      %dma_start3A_2496 = arith.constant 0 : i32
      %dma_start3A_2497 = arith.constant 0 : i32
      %dma_start3A_2498 = tpu.memref_slice %arg3[%add3A_2226, %dma_start3A_2496, %dma_start3A_2497] : memref<8192x32x128xf32, #tpu.memory_space<hbm>> -> memref<4x32x128xf32, #tpu.memory_space<hbm>>
      tpu.enqueue_dma source(%dma_start3A_2498 : memref<4x32x128xf32, #tpu.memory_space<hbm>>) target(%arg11 : memref<4x32x128xf32, #tpu.memory_space<vmem>>) target_semaphore(%arg18 : memref<!tpu.dma_semaphore, #tpu.memory_space<semaphore_mem>>)
    } else {
    }
    %dma_wait3A_2240 = arith.constant 0 : i32
    %dma_wait3A_2241 = arith.constant 0 : i32
    %dma_wait3A_2242 = arith.constant 0 : i32
    %dma_wait3A_2243 = tpu.memref_slice %arg3[%dma_wait3A_2240, %dma_wait3A_2241, %dma_wait3A_2242] : memref<8192x32x128xf32, #tpu.memory_space<hbm>> -> memref<4x32x128xf32, #tpu.memory_space<hbm>>
    %dma_wait3A_2244 = arith.constant 0 : i32
    %dma_wait3A_2245 = arith.constant 0 : i32
    %dma_wait3A_2246 = arith.constant 0 : i32
    %dma_wait3A_2247 = tpu.memref_slice %arg3[%dma_wait3A_2244, %dma_wait3A_2245, %dma_wait3A_2246] : memref<8192x32x128xf32, #tpu.memory_space<hbm>> -> memref<4x32x128xf32, #tpu.memory_space<hbm>>
    tpu.wait_dma2 semaphore(%arg14 : memref<!tpu.dma_semaphore, #tpu.memory_space<semaphore_mem>>) src(%dma_wait3A_2247 : memref<4x32x128xf32, #tpu.memory_space<hbm>>) dst(%arg7 : memref<4x32x128xf32, #tpu.memory_space<vmem>>)
    %add3A_2248 = arith.constant 224 : i32
    %add3A_2249 = arith.addi %mul3A_2, %add3A_2248 : i32
    %dma_start3A_2250 = arith.constant 0 : i32
    %dma_start3A_2251 = arith.constant 0 : i32
    %dma_start3A_2252 = tpu.memref_slice %arg5[%add3A_2249, %dma_start3A_2250, %dma_start3A_2251] : memref<8192x32x128xf32, #tpu.memory_space<hbm>> -> memref<4x32x128xf32, #tpu.memory_space<hbm>>
    %dma_start3A_2253 = arith.constant 0 : i32
    %dma_start3A_2254 = arith.constant 0 : i32
    %dma_start3A_2255 = tpu.memref_slice %arg5[%add3A_2249, %dma_start3A_2253, %dma_start3A_2254] : memref<8192x32x128xf32, #tpu.memory_space<hbm>> -> memref<4x32x128xf32, #tpu.memory_space<hbm>>
    tpu.enqueue_dma source(%arg7 : memref<4x32x128xf32, #tpu.memory_space<vmem>>) target(%dma_start3A_2255 : memref<4x32x128xf32, #tpu.memory_space<hbm>>) target_semaphore(%arg21 : memref<!tpu.dma_semaphore, #tpu.memory_space<semaphore_mem>>)
    %add3A_2256 = arith.constant 216 : i32
    %add3A_2257 = arith.addi %mul3A_2, %add3A_2256 : i32
    %dma_wait3A_2258 = arith.constant 0 : i32
    %dma_wait3A_2259 = arith.constant 0 : i32
    %dma_wait3A_2260 = tpu.memref_slice %arg5[%add3A_2257, %dma_wait3A_2258, %dma_wait3A_2259] : memref<8192x32x128xf32, #tpu.memory_space<hbm>> -> memref<4x32x128xf32, #tpu.memory_space<hbm>>
    %dma_wait3A_2261 = arith.constant 0 : i32
    %dma_wait3A_2262 = arith.constant 0 : i32
    %dma_wait3A_2263 = tpu.memref_slice %arg5[%add3A_2257, %dma_wait3A_2261, %dma_wait3A_2262] : memref<8192x32x128xf32, #tpu.memory_space<hbm>> -> memref<4x32x128xf32, #tpu.memory_space<hbm>>
    tpu.wait_dma2 semaphore(%arg26 : memref<!tpu.dma_semaphore, #tpu.memory_space<semaphore_mem>>) src(%arg12 : memref<4x32x128xf32, #tpu.memory_space<vmem>>) dst(%dma_wait3A_2263 : memref<4x32x128xf32, #tpu.memory_space<hbm>>)
    %add3A_2264 = arith.constant 244 : i32
    %add3A_2265 = arith.addi %mul3A_2, %add3A_2264 : i32
    %ge3A_2266 = arith.cmpi sge, %add3A_2265, %squeeze3A : i32
    %add3A_2267 = arith.constant 4096 : i32
    %add3A_2268 = arith.addi %squeeze3A, %add3A_2267 : i32
    %lt3A_2269 = arith.cmpi slt, %add3A_2265, %add3A_2268 : i32
    %and3A_2270 = arith.andi %ge3A_2266, %lt3A_2269 : i1
    %convert_element_type3A_2271 = arith.extui %and3A_2270 : i1 to i32
    %cond3A_2272 = arith.constant 0 : i32
    %cond3A_2273 = arith.cmpi ne, %convert_element_type3A_2271, %cond3A_2272 : i32
    scf.if %cond3A_2273 {
      %sub3A = arith.subi %add3A_2265, %squeeze3A : i32
      %dma_start3A_2493 = arith.constant 0 : i32
      %dma_start3A_2494 = arith.constant 0 : i32
      %dma_start3A_2495 = tpu.memref_slice %arg4[%sub3A, %dma_start3A_2493, %dma_start3A_2494] : memref<4096x32x128xf32, #tpu.memory_space<hbm>> -> memref<4x32x128xf32, #tpu.memory_space<hbm>>
      %dma_start3A_2496 = arith.constant 0 : i32
      %dma_start3A_2497 = arith.constant 0 : i32
      %dma_start3A_2498 = tpu.memref_slice %arg4[%sub3A, %dma_start3A_2496, %dma_start3A_2497] : memref<4096x32x128xf32, #tpu.memory_space<hbm>> -> memref<4x32x128xf32, #tpu.memory_space<hbm>>
      tpu.enqueue_dma source(%dma_start3A_2498 : memref<4x32x128xf32, #tpu.memory_space<hbm>>) target(%arg12 : memref<4x32x128xf32, #tpu.memory_space<vmem>>) target_semaphore(%arg19 : memref<!tpu.dma_semaphore, #tpu.memory_space<semaphore_mem>>)
    } else {
    }
    %not3A_2274 = arith.constant true
    %not3A_2275 = arith.xori %and3A_2270, %not3A_2274 : i1
    %convert_element_type3A_2276 = arith.extui %not3A_2275 : i1 to i32
    %cond3A_2277 = arith.constant 0 : i32
    %cond3A_2278 = arith.cmpi ne, %convert_element_type3A_2276, %cond3A_2277 : i32
    scf.if %cond3A_2278 {
      %dma_start3A_2493 = arith.constant 0 : i32
      %dma_start3A_2494 = arith.constant 0 : i32
      %dma_start3A_2495 = tpu.memref_slice %arg3[%add3A_2265, %dma_start3A_2493, %dma_start3A_2494] : memref<8192x32x128xf32, #tpu.memory_space<hbm>> -> memref<4x32x128xf32, #tpu.memory_space<hbm>>
      %dma_start3A_2496 = arith.constant 0 : i32
      %dma_start3A_2497 = arith.constant 0 : i32
      %dma_start3A_2498 = tpu.memref_slice %arg3[%add3A_2265, %dma_start3A_2496, %dma_start3A_2497] : memref<8192x32x128xf32, #tpu.memory_space<hbm>> -> memref<4x32x128xf32, #tpu.memory_space<hbm>>
      tpu.enqueue_dma source(%dma_start3A_2498 : memref<4x32x128xf32, #tpu.memory_space<hbm>>) target(%arg12 : memref<4x32x128xf32, #tpu.memory_space<vmem>>) target_semaphore(%arg19 : memref<!tpu.dma_semaphore, #tpu.memory_space<semaphore_mem>>)
    } else {
    }
    %dma_wait3A_2279 = arith.constant 0 : i32
    %dma_wait3A_2280 = arith.constant 0 : i32
    %dma_wait3A_2281 = arith.constant 0 : i32
    %dma_wait3A_2282 = tpu.memref_slice %arg3[%dma_wait3A_2279, %dma_wait3A_2280, %dma_wait3A_2281] : memref<8192x32x128xf32, #tpu.memory_space<hbm>> -> memref<4x32x128xf32, #tpu.memory_space<hbm>>
    %dma_wait3A_2283 = arith.constant 0 : i32
    %dma_wait3A_2284 = arith.constant 0 : i32
    %dma_wait3A_2285 = arith.constant 0 : i32
    %dma_wait3A_2286 = tpu.memref_slice %arg3[%dma_wait3A_2283, %dma_wait3A_2284, %dma_wait3A_2285] : memref<8192x32x128xf32, #tpu.memory_space<hbm>> -> memref<4x32x128xf32, #tpu.memory_space<hbm>>
    tpu.wait_dma2 semaphore(%arg15 : memref<!tpu.dma_semaphore, #tpu.memory_space<semaphore_mem>>) src(%dma_wait3A_2286 : memref<4x32x128xf32, #tpu.memory_space<hbm>>) dst(%arg8 : memref<4x32x128xf32, #tpu.memory_space<vmem>>)
    %add3A_2287 = arith.constant 228 : i32
    %add3A_2288 = arith.addi %mul3A_2, %add3A_2287 : i32
    %dma_start3A_2289 = arith.constant 0 : i32
    %dma_start3A_2290 = arith.constant 0 : i32
    %dma_start3A_2291 = tpu.memref_slice %arg5[%add3A_2288, %dma_start3A_2289, %dma_start3A_2290] : memref<8192x32x128xf32, #tpu.memory_space<hbm>> -> memref<4x32x128xf32, #tpu.memory_space<hbm>>
    %dma_start3A_2292 = arith.constant 0 : i32
    %dma_start3A_2293 = arith.constant 0 : i32
    %dma_start3A_2294 = tpu.memref_slice %arg5[%add3A_2288, %dma_start3A_2292, %dma_start3A_2293] : memref<8192x32x128xf32, #tpu.memory_space<hbm>> -> memref<4x32x128xf32, #tpu.memory_space<hbm>>
    tpu.enqueue_dma source(%arg8 : memref<4x32x128xf32, #tpu.memory_space<vmem>>) target(%dma_start3A_2294 : memref<4x32x128xf32, #tpu.memory_space<hbm>>) target_semaphore(%arg22 : memref<!tpu.dma_semaphore, #tpu.memory_space<semaphore_mem>>)
    %add3A_2295 = arith.constant 220 : i32
    %add3A_2296 = arith.addi %mul3A_2, %add3A_2295 : i32
    %dma_wait3A_2297 = arith.constant 0 : i32
    %dma_wait3A_2298 = arith.constant 0 : i32
    %dma_wait3A_2299 = tpu.memref_slice %arg5[%add3A_2296, %dma_wait3A_2297, %dma_wait3A_2298] : memref<8192x32x128xf32, #tpu.memory_space<hbm>> -> memref<4x32x128xf32, #tpu.memory_space<hbm>>
    %dma_wait3A_2300 = arith.constant 0 : i32
    %dma_wait3A_2301 = arith.constant 0 : i32
    %dma_wait3A_2302 = tpu.memref_slice %arg5[%add3A_2296, %dma_wait3A_2300, %dma_wait3A_2301] : memref<8192x32x128xf32, #tpu.memory_space<hbm>> -> memref<4x32x128xf32, #tpu.memory_space<hbm>>
    tpu.wait_dma2 semaphore(%arg27 : memref<!tpu.dma_semaphore, #tpu.memory_space<semaphore_mem>>) src(%arg13 : memref<4x32x128xf32, #tpu.memory_space<vmem>>) dst(%dma_wait3A_2302 : memref<4x32x128xf32, #tpu.memory_space<hbm>>)
    %add3A_2303 = arith.constant 248 : i32
    %add3A_2304 = arith.addi %mul3A_2, %add3A_2303 : i32
    %ge3A_2305 = arith.cmpi sge, %add3A_2304, %squeeze3A : i32
    %add3A_2306 = arith.constant 4096 : i32
    %add3A_2307 = arith.addi %squeeze3A, %add3A_2306 : i32
    %lt3A_2308 = arith.cmpi slt, %add3A_2304, %add3A_2307 : i32
    %and3A_2309 = arith.andi %ge3A_2305, %lt3A_2308 : i1
    %convert_element_type3A_2310 = arith.extui %and3A_2309 : i1 to i32
    %cond3A_2311 = arith.constant 0 : i32
    %cond3A_2312 = arith.cmpi ne, %convert_element_type3A_2310, %cond3A_2311 : i32
    scf.if %cond3A_2312 {
      %sub3A = arith.subi %add3A_2304, %squeeze3A : i32
      %dma_start3A_2493 = arith.constant 0 : i32
      %dma_start3A_2494 = arith.constant 0 : i32
      %dma_start3A_2495 = tpu.memref_slice %arg4[%sub3A, %dma_start3A_2493, %dma_start3A_2494] : memref<4096x32x128xf32, #tpu.memory_space<hbm>> -> memref<4x32x128xf32, #tpu.memory_space<hbm>>
      %dma_start3A_2496 = arith.constant 0 : i32
      %dma_start3A_2497 = arith.constant 0 : i32
      %dma_start3A_2498 = tpu.memref_slice %arg4[%sub3A, %dma_start3A_2496, %dma_start3A_2497] : memref<4096x32x128xf32, #tpu.memory_space<hbm>> -> memref<4x32x128xf32, #tpu.memory_space<hbm>>
      tpu.enqueue_dma source(%dma_start3A_2498 : memref<4x32x128xf32, #tpu.memory_space<hbm>>) target(%arg13 : memref<4x32x128xf32, #tpu.memory_space<vmem>>) target_semaphore(%arg20 : memref<!tpu.dma_semaphore, #tpu.memory_space<semaphore_mem>>)
    } else {
    }
    %not3A_2313 = arith.constant true
    %not3A_2314 = arith.xori %and3A_2309, %not3A_2313 : i1
    %convert_element_type3A_2315 = arith.extui %not3A_2314 : i1 to i32
    %cond3A_2316 = arith.constant 0 : i32
    %cond3A_2317 = arith.cmpi ne, %convert_element_type3A_2315, %cond3A_2316 : i32
    scf.if %cond3A_2317 {
      %dma_start3A_2493 = arith.constant 0 : i32
      %dma_start3A_2494 = arith.constant 0 : i32
      %dma_start3A_2495 = tpu.memref_slice %arg3[%add3A_2304, %dma_start3A_2493, %dma_start3A_2494] : memref<8192x32x128xf32, #tpu.memory_space<hbm>> -> memref<4x32x128xf32, #tpu.memory_space<hbm>>
      %dma_start3A_2496 = arith.constant 0 : i32
      %dma_start3A_2497 = arith.constant 0 : i32
      %dma_start3A_2498 = tpu.memref_slice %arg3[%add3A_2304, %dma_start3A_2496, %dma_start3A_2497] : memref<8192x32x128xf32, #tpu.memory_space<hbm>> -> memref<4x32x128xf32, #tpu.memory_space<hbm>>
      tpu.enqueue_dma source(%dma_start3A_2498 : memref<4x32x128xf32, #tpu.memory_space<hbm>>) target(%arg13 : memref<4x32x128xf32, #tpu.memory_space<vmem>>) target_semaphore(%arg20 : memref<!tpu.dma_semaphore, #tpu.memory_space<semaphore_mem>>)
    } else {
    }
    %dma_wait3A_2318 = arith.constant 0 : i32
    %dma_wait3A_2319 = arith.constant 0 : i32
    %dma_wait3A_2320 = arith.constant 0 : i32
    %dma_wait3A_2321 = tpu.memref_slice %arg3[%dma_wait3A_2318, %dma_wait3A_2319, %dma_wait3A_2320] : memref<8192x32x128xf32, #tpu.memory_space<hbm>> -> memref<4x32x128xf32, #tpu.memory_space<hbm>>
    %dma_wait3A_2322 = arith.constant 0 : i32
    %dma_wait3A_2323 = arith.constant 0 : i32
    %dma_wait3A_2324 = arith.constant 0 : i32
    %dma_wait3A_2325 = tpu.memref_slice %arg3[%dma_wait3A_2322, %dma_wait3A_2323, %dma_wait3A_2324] : memref<8192x32x128xf32, #tpu.memory_space<hbm>> -> memref<4x32x128xf32, #tpu.memory_space<hbm>>
    tpu.wait_dma2 semaphore(%arg16 : memref<!tpu.dma_semaphore, #tpu.memory_space<semaphore_mem>>) src(%dma_wait3A_2325 : memref<4x32x128xf32, #tpu.memory_space<hbm>>) dst(%arg9 : memref<4x32x128xf32, #tpu.memory_space<vmem>>)
    %add3A_2326 = arith.constant 232 : i32
    %add3A_2327 = arith.addi %mul3A_2, %add3A_2326 : i32
    %dma_start3A_2328 = arith.constant 0 : i32
    %dma_start3A_2329 = arith.constant 0 : i32
    %dma_start3A_2330 = tpu.memref_slice %arg5[%add3A_2327, %dma_start3A_2328, %dma_start3A_2329] : memref<8192x32x128xf32, #tpu.memory_space<hbm>> -> memref<4x32x128xf32, #tpu.memory_space<hbm>>
    %dma_start3A_2331 = arith.constant 0 : i32
    %dma_start3A_2332 = arith.constant 0 : i32
    %dma_start3A_2333 = tpu.memref_slice %arg5[%add3A_2327, %dma_start3A_2331, %dma_start3A_2332] : memref<8192x32x128xf32, #tpu.memory_space<hbm>> -> memref<4x32x128xf32, #tpu.memory_space<hbm>>
    tpu.enqueue_dma source(%arg9 : memref<4x32x128xf32, #tpu.memory_space<vmem>>) target(%dma_start3A_2333 : memref<4x32x128xf32, #tpu.memory_space<hbm>>) target_semaphore(%arg23 : memref<!tpu.dma_semaphore, #tpu.memory_space<semaphore_mem>>)
    %add3A_2334 = arith.constant 224 : i32
    %add3A_2335 = arith.addi %mul3A_2, %add3A_2334 : i32
    %dma_wait3A_2336 = arith.constant 0 : i32
    %dma_wait3A_2337 = arith.constant 0 : i32
    %dma_wait3A_2338 = tpu.memref_slice %arg5[%add3A_2335, %dma_wait3A_2336, %dma_wait3A_2337] : memref<8192x32x128xf32, #tpu.memory_space<hbm>> -> memref<4x32x128xf32, #tpu.memory_space<hbm>>
    %dma_wait3A_2339 = arith.constant 0 : i32
    %dma_wait3A_2340 = arith.constant 0 : i32
    %dma_wait3A_2341 = tpu.memref_slice %arg5[%add3A_2335, %dma_wait3A_2339, %dma_wait3A_2340] : memref<8192x32x128xf32, #tpu.memory_space<hbm>> -> memref<4x32x128xf32, #tpu.memory_space<hbm>>
    tpu.wait_dma2 semaphore(%arg21 : memref<!tpu.dma_semaphore, #tpu.memory_space<semaphore_mem>>) src(%arg7 : memref<4x32x128xf32, #tpu.memory_space<vmem>>) dst(%dma_wait3A_2341 : memref<4x32x128xf32, #tpu.memory_space<hbm>>)
    %add3A_2342 = arith.constant 252 : i32
    %add3A_2343 = arith.addi %mul3A_2, %add3A_2342 : i32
    %ge3A_2344 = arith.cmpi sge, %add3A_2343, %squeeze3A : i32
    %add3A_2345 = arith.constant 4096 : i32
    %add3A_2346 = arith.addi %squeeze3A, %add3A_2345 : i32
    %lt3A_2347 = arith.cmpi slt, %add3A_2343, %add3A_2346 : i32
    %and3A_2348 = arith.andi %ge3A_2344, %lt3A_2347 : i1
    %convert_element_type3A_2349 = arith.extui %and3A_2348 : i1 to i32
    %cond3A_2350 = arith.constant 0 : i32
    %cond3A_2351 = arith.cmpi ne, %convert_element_type3A_2349, %cond3A_2350 : i32
    scf.if %cond3A_2351 {
      %sub3A = arith.subi %add3A_2343, %squeeze3A : i32
      %dma_start3A_2493 = arith.constant 0 : i32
      %dma_start3A_2494 = arith.constant 0 : i32
      %dma_start3A_2495 = tpu.memref_slice %arg4[%sub3A, %dma_start3A_2493, %dma_start3A_2494] : memref<4096x32x128xf32, #tpu.memory_space<hbm>> -> memref<4x32x128xf32, #tpu.memory_space<hbm>>
      %dma_start3A_2496 = arith.constant 0 : i32
      %dma_start3A_2497 = arith.constant 0 : i32
      %dma_start3A_2498 = tpu.memref_slice %arg4[%sub3A, %dma_start3A_2496, %dma_start3A_2497] : memref<4096x32x128xf32, #tpu.memory_space<hbm>> -> memref<4x32x128xf32, #tpu.memory_space<hbm>>
      tpu.enqueue_dma source(%dma_start3A_2498 : memref<4x32x128xf32, #tpu.memory_space<hbm>>) target(%arg7 : memref<4x32x128xf32, #tpu.memory_space<vmem>>) target_semaphore(%arg14 : memref<!tpu.dma_semaphore, #tpu.memory_space<semaphore_mem>>)
    } else {
    }
    %not3A_2352 = arith.constant true
    %not3A_2353 = arith.xori %and3A_2348, %not3A_2352 : i1
    %convert_element_type3A_2354 = arith.extui %not3A_2353 : i1 to i32
    %cond3A_2355 = arith.constant 0 : i32
    %cond3A_2356 = arith.cmpi ne, %convert_element_type3A_2354, %cond3A_2355 : i32
    scf.if %cond3A_2356 {
      %dma_start3A_2493 = arith.constant 0 : i32
      %dma_start3A_2494 = arith.constant 0 : i32
      %dma_start3A_2495 = tpu.memref_slice %arg3[%add3A_2343, %dma_start3A_2493, %dma_start3A_2494] : memref<8192x32x128xf32, #tpu.memory_space<hbm>> -> memref<4x32x128xf32, #tpu.memory_space<hbm>>
      %dma_start3A_2496 = arith.constant 0 : i32
      %dma_start3A_2497 = arith.constant 0 : i32
      %dma_start3A_2498 = tpu.memref_slice %arg3[%add3A_2343, %dma_start3A_2496, %dma_start3A_2497] : memref<8192x32x128xf32, #tpu.memory_space<hbm>> -> memref<4x32x128xf32, #tpu.memory_space<hbm>>
      tpu.enqueue_dma source(%dma_start3A_2498 : memref<4x32x128xf32, #tpu.memory_space<hbm>>) target(%arg7 : memref<4x32x128xf32, #tpu.memory_space<vmem>>) target_semaphore(%arg14 : memref<!tpu.dma_semaphore, #tpu.memory_space<semaphore_mem>>)
    } else {
    }
    %dma_wait3A_2357 = arith.constant 0 : i32
    %dma_wait3A_2358 = arith.constant 0 : i32
    %dma_wait3A_2359 = arith.constant 0 : i32
    %dma_wait3A_2360 = tpu.memref_slice %arg3[%dma_wait3A_2357, %dma_wait3A_2358, %dma_wait3A_2359] : memref<8192x32x128xf32, #tpu.memory_space<hbm>> -> memref<4x32x128xf32, #tpu.memory_space<hbm>>
    %dma_wait3A_2361 = arith.constant 0 : i32
    %dma_wait3A_2362 = arith.constant 0 : i32
    %dma_wait3A_2363 = arith.constant 0 : i32
    %dma_wait3A_2364 = tpu.memref_slice %arg3[%dma_wait3A_2361, %dma_wait3A_2362, %dma_wait3A_2363] : memref<8192x32x128xf32, #tpu.memory_space<hbm>> -> memref<4x32x128xf32, #tpu.memory_space<hbm>>
    tpu.wait_dma2 semaphore(%arg17 : memref<!tpu.dma_semaphore, #tpu.memory_space<semaphore_mem>>) src(%dma_wait3A_2364 : memref<4x32x128xf32, #tpu.memory_space<hbm>>) dst(%arg10 : memref<4x32x128xf32, #tpu.memory_space<vmem>>)
    %add3A_2365 = arith.constant 236 : i32
    %add3A_2366 = arith.addi %mul3A_2, %add3A_2365 : i32
    %dma_start3A_2367 = arith.constant 0 : i32
    %dma_start3A_2368 = arith.constant 0 : i32
    %dma_start3A_2369 = tpu.memref_slice %arg5[%add3A_2366, %dma_start3A_2367, %dma_start3A_2368] : memref<8192x32x128xf32, #tpu.memory_space<hbm>> -> memref<4x32x128xf32, #tpu.memory_space<hbm>>
    %dma_start3A_2370 = arith.constant 0 : i32
    %dma_start3A_2371 = arith.constant 0 : i32
    %dma_start3A_2372 = tpu.memref_slice %arg5[%add3A_2366, %dma_start3A_2370, %dma_start3A_2371] : memref<8192x32x128xf32, #tpu.memory_space<hbm>> -> memref<4x32x128xf32, #tpu.memory_space<hbm>>
    tpu.enqueue_dma source(%arg10 : memref<4x32x128xf32, #tpu.memory_space<vmem>>) target(%dma_start3A_2372 : memref<4x32x128xf32, #tpu.memory_space<hbm>>) target_semaphore(%arg24 : memref<!tpu.dma_semaphore, #tpu.memory_space<semaphore_mem>>)
    %dma_wait3A_2373 = arith.constant 0 : i32
    %dma_wait3A_2374 = arith.constant 0 : i32
    %dma_wait3A_2375 = arith.constant 0 : i32
    %dma_wait3A_2376 = tpu.memref_slice %arg3[%dma_wait3A_2373, %dma_wait3A_2374, %dma_wait3A_2375] : memref<8192x32x128xf32, #tpu.memory_space<hbm>> -> memref<4x32x128xf32, #tpu.memory_space<hbm>>
    %dma_wait3A_2377 = arith.constant 0 : i32
    %dma_wait3A_2378 = arith.constant 0 : i32
    %dma_wait3A_2379 = arith.constant 0 : i32
    %dma_wait3A_2380 = tpu.memref_slice %arg3[%dma_wait3A_2377, %dma_wait3A_2378, %dma_wait3A_2379] : memref<8192x32x128xf32, #tpu.memory_space<hbm>> -> memref<4x32x128xf32, #tpu.memory_space<hbm>>
    tpu.wait_dma2 semaphore(%arg18 : memref<!tpu.dma_semaphore, #tpu.memory_space<semaphore_mem>>) src(%dma_wait3A_2380 : memref<4x32x128xf32, #tpu.memory_space<hbm>>) dst(%arg11 : memref<4x32x128xf32, #tpu.memory_space<vmem>>)
    %add3A_2381 = arith.constant 240 : i32
    %add3A_2382 = arith.addi %mul3A_2, %add3A_2381 : i32
    %dma_start3A_2383 = arith.constant 0 : i32
    %dma_start3A_2384 = arith.constant 0 : i32
    %dma_start3A_2385 = tpu.memref_slice %arg5[%add3A_2382, %dma_start3A_2383, %dma_start3A_2384] : memref<8192x32x128xf32, #tpu.memory_space<hbm>> -> memref<4x32x128xf32, #tpu.memory_space<hbm>>
    %dma_start3A_2386 = arith.constant 0 : i32
    %dma_start3A_2387 = arith.constant 0 : i32
    %dma_start3A_2388 = tpu.memref_slice %arg5[%add3A_2382, %dma_start3A_2386, %dma_start3A_2387] : memref<8192x32x128xf32, #tpu.memory_space<hbm>> -> memref<4x32x128xf32, #tpu.memory_space<hbm>>
    tpu.enqueue_dma source(%arg11 : memref<4x32x128xf32, #tpu.memory_space<vmem>>) target(%dma_start3A_2388 : memref<4x32x128xf32, #tpu.memory_space<hbm>>) target_semaphore(%arg25 : memref<!tpu.dma_semaphore, #tpu.memory_space<semaphore_mem>>)
    %dma_wait3A_2389 = arith.constant 0 : i32
    %dma_wait3A_2390 = arith.constant 0 : i32
    %dma_wait3A_2391 = arith.constant 0 : i32
    %dma_wait3A_2392 = tpu.memref_slice %arg3[%dma_wait3A_2389, %dma_wait3A_2390, %dma_wait3A_2391] : memref<8192x32x128xf32, #tpu.memory_space<hbm>> -> memref<4x32x128xf32, #tpu.memory_space<hbm>>
    %dma_wait3A_2393 = arith.constant 0 : i32
    %dma_wait3A_2394 = arith.constant 0 : i32
    %dma_wait3A_2395 = arith.constant 0 : i32
    %dma_wait3A_2396 = tpu.memref_slice %arg3[%dma_wait3A_2393, %dma_wait3A_2394, %dma_wait3A_2395] : memref<8192x32x128xf32, #tpu.memory_space<hbm>> -> memref<4x32x128xf32, #tpu.memory_space<hbm>>
    tpu.wait_dma2 semaphore(%arg19 : memref<!tpu.dma_semaphore, #tpu.memory_space<semaphore_mem>>) src(%dma_wait3A_2396 : memref<4x32x128xf32, #tpu.memory_space<hbm>>) dst(%arg12 : memref<4x32x128xf32, #tpu.memory_space<vmem>>)
    %add3A_2397 = arith.constant 244 : i32
    %add3A_2398 = arith.addi %mul3A_2, %add3A_2397 : i32
    %dma_start3A_2399 = arith.constant 0 : i32
    %dma_start3A_2400 = arith.constant 0 : i32
    %dma_start3A_2401 = tpu.memref_slice %arg5[%add3A_2398, %dma_start3A_2399, %dma_start3A_2400] : memref<8192x32x128xf32, #tpu.memory_space<hbm>> -> memref<4x32x128xf32, #tpu.memory_space<hbm>>
    %dma_start3A_2402 = arith.constant 0 : i32
    %dma_start3A_2403 = arith.constant 0 : i32
    %dma_start3A_2404 = tpu.memref_slice %arg5[%add3A_2398, %dma_start3A_2402, %dma_start3A_2403] : memref<8192x32x128xf32, #tpu.memory_space<hbm>> -> memref<4x32x128xf32, #tpu.memory_space<hbm>>
    tpu.enqueue_dma source(%arg12 : memref<4x32x128xf32, #tpu.memory_space<vmem>>) target(%dma_start3A_2404 : memref<4x32x128xf32, #tpu.memory_space<hbm>>) target_semaphore(%arg26 : memref<!tpu.dma_semaphore, #tpu.memory_space<semaphore_mem>>)
    %dma_wait3A_2405 = arith.constant 0 : i32
    %dma_wait3A_2406 = arith.constant 0 : i32
    %dma_wait3A_2407 = arith.constant 0 : i32
    %dma_wait3A_2408 = tpu.memref_slice %arg3[%dma_wait3A_2405, %dma_wait3A_2406, %dma_wait3A_2407] : memref<8192x32x128xf32, #tpu.memory_space<hbm>> -> memref<4x32x128xf32, #tpu.memory_space<hbm>>
    %dma_wait3A_2409 = arith.constant 0 : i32
    %dma_wait3A_2410 = arith.constant 0 : i32
    %dma_wait3A_2411 = arith.constant 0 : i32
    %dma_wait3A_2412 = tpu.memref_slice %arg3[%dma_wait3A_2409, %dma_wait3A_2410, %dma_wait3A_2411] : memref<8192x32x128xf32, #tpu.memory_space<hbm>> -> memref<4x32x128xf32, #tpu.memory_space<hbm>>
    tpu.wait_dma2 semaphore(%arg20 : memref<!tpu.dma_semaphore, #tpu.memory_space<semaphore_mem>>) src(%dma_wait3A_2412 : memref<4x32x128xf32, #tpu.memory_space<hbm>>) dst(%arg13 : memref<4x32x128xf32, #tpu.memory_space<vmem>>)
    %add3A_2413 = arith.constant 248 : i32
    %add3A_2414 = arith.addi %mul3A_2, %add3A_2413 : i32
    %dma_start3A_2415 = arith.constant 0 : i32
    %dma_start3A_2416 = arith.constant 0 : i32
    %dma_start3A_2417 = tpu.memref_slice %arg5[%add3A_2414, %dma_start3A_2415, %dma_start3A_2416] : memref<8192x32x128xf32, #tpu.memory_space<hbm>> -> memref<4x32x128xf32, #tpu.memory_space<hbm>>
    %dma_start3A_2418 = arith.constant 0 : i32
    %dma_start3A_2419 = arith.constant 0 : i32
    %dma_start3A_2420 = tpu.memref_slice %arg5[%add3A_2414, %dma_start3A_2418, %dma_start3A_2419] : memref<8192x32x128xf32, #tpu.memory_space<hbm>> -> memref<4x32x128xf32, #tpu.memory_space<hbm>>
    tpu.enqueue_dma source(%arg13 : memref<4x32x128xf32, #tpu.memory_space<vmem>>) target(%dma_start3A_2420 : memref<4x32x128xf32, #tpu.memory_space<hbm>>) target_semaphore(%arg27 : memref<!tpu.dma_semaphore, #tpu.memory_space<semaphore_mem>>)
    %dma_wait3A_2421 = arith.constant 0 : i32
    %dma_wait3A_2422 = arith.constant 0 : i32
    %dma_wait3A_2423 = arith.constant 0 : i32
    %dma_wait3A_2424 = tpu.memref_slice %arg3[%dma_wait3A_2421, %dma_wait3A_2422, %dma_wait3A_2423] : memref<8192x32x128xf32, #tpu.memory_space<hbm>> -> memref<4x32x128xf32, #tpu.memory_space<hbm>>
    %dma_wait3A_2425 = arith.constant 0 : i32
    %dma_wait3A_2426 = arith.constant 0 : i32
    %dma_wait3A_2427 = arith.constant 0 : i32
    %dma_wait3A_2428 = tpu.memref_slice %arg3[%dma_wait3A_2425, %dma_wait3A_2426, %dma_wait3A_2427] : memref<8192x32x128xf32, #tpu.memory_space<hbm>> -> memref<4x32x128xf32, #tpu.memory_space<hbm>>
    tpu.wait_dma2 semaphore(%arg14 : memref<!tpu.dma_semaphore, #tpu.memory_space<semaphore_mem>>) src(%dma_wait3A_2428 : memref<4x32x128xf32, #tpu.memory_space<hbm>>) dst(%arg7 : memref<4x32x128xf32, #tpu.memory_space<vmem>>)
    %add3A_2429 = arith.constant 252 : i32
    %add3A_2430 = arith.addi %mul3A_2, %add3A_2429 : i32
    %dma_start3A_2431 = arith.constant 0 : i32
    %dma_start3A_2432 = arith.constant 0 : i32
    %dma_start3A_2433 = tpu.memref_slice %arg5[%add3A_2430, %dma_start3A_2431, %dma_start3A_2432] : memref<8192x32x128xf32, #tpu.memory_space<hbm>> -> memref<4x32x128xf32, #tpu.memory_space<hbm>>
    %dma_start3A_2434 = arith.constant 0 : i32
    %dma_start3A_2435 = arith.constant 0 : i32
    %dma_start3A_2436 = tpu.memref_slice %arg5[%add3A_2430, %dma_start3A_2434, %dma_start3A_2435] : memref<8192x32x128xf32, #tpu.memory_space<hbm>> -> memref<4x32x128xf32, #tpu.memory_space<hbm>>
    tpu.enqueue_dma source(%arg7 : memref<4x32x128xf32, #tpu.memory_space<vmem>>) target(%dma_start3A_2436 : memref<4x32x128xf32, #tpu.memory_space<hbm>>) target_semaphore(%arg21 : memref<!tpu.dma_semaphore, #tpu.memory_space<semaphore_mem>>)
    %add3A_2437 = arith.constant 228 : i32
    %add3A_2438 = arith.addi %mul3A_2, %add3A_2437 : i32
    %dma_wait3A_2439 = arith.constant 0 : i32
    %dma_wait3A_2440 = arith.constant 0 : i32
    %dma_wait3A_2441 = tpu.memref_slice %arg5[%add3A_2438, %dma_wait3A_2439, %dma_wait3A_2440] : memref<8192x32x128xf32, #tpu.memory_space<hbm>> -> memref<4x32x128xf32, #tpu.memory_space<hbm>>
    %dma_wait3A_2442 = arith.constant 0 : i32
    %dma_wait3A_2443 = arith.constant 0 : i32
    %dma_wait3A_2444 = tpu.memref_slice %arg5[%add3A_2438, %dma_wait3A_2442, %dma_wait3A_2443] : memref<8192x32x128xf32, #tpu.memory_space<hbm>> -> memref<4x32x128xf32, #tpu.memory_space<hbm>>
    tpu.wait_dma2 semaphore(%arg22 : memref<!tpu.dma_semaphore, #tpu.memory_space<semaphore_mem>>) src(%arg8 : memref<4x32x128xf32, #tpu.memory_space<vmem>>) dst(%dma_wait3A_2444 : memref<4x32x128xf32, #tpu.memory_space<hbm>>)
    %add3A_2445 = arith.constant 232 : i32
    %add3A_2446 = arith.addi %mul3A_2, %add3A_2445 : i32
    %dma_wait3A_2447 = arith.constant 0 : i32
    %dma_wait3A_2448 = arith.constant 0 : i32
    %dma_wait3A_2449 = tpu.memref_slice %arg5[%add3A_2446, %dma_wait3A_2447, %dma_wait3A_2448] : memref<8192x32x128xf32, #tpu.memory_space<hbm>> -> memref<4x32x128xf32, #tpu.memory_space<hbm>>
    %dma_wait3A_2450 = arith.constant 0 : i32
    %dma_wait3A_2451 = arith.constant 0 : i32
    %dma_wait3A_2452 = tpu.memref_slice %arg5[%add3A_2446, %dma_wait3A_2450, %dma_wait3A_2451] : memref<8192x32x128xf32, #tpu.memory_space<hbm>> -> memref<4x32x128xf32, #tpu.memory_space<hbm>>
    tpu.wait_dma2 semaphore(%arg23 : memref<!tpu.dma_semaphore, #tpu.memory_space<semaphore_mem>>) src(%arg9 : memref<4x32x128xf32, #tpu.memory_space<vmem>>) dst(%dma_wait3A_2452 : memref<4x32x128xf32, #tpu.memory_space<hbm>>)
    %add3A_2453 = arith.constant 236 : i32
    %add3A_2454 = arith.addi %mul3A_2, %add3A_2453 : i32
    %dma_wait3A_2455 = arith.constant 0 : i32
    %dma_wait3A_2456 = arith.constant 0 : i32
    %dma_wait3A_2457 = tpu.memref_slice %arg5[%add3A_2454, %dma_wait3A_2455, %dma_wait3A_2456] : memref<8192x32x128xf32, #tpu.memory_space<hbm>> -> memref<4x32x128xf32, #tpu.memory_space<hbm>>
    %dma_wait3A_2458 = arith.constant 0 : i32
    %dma_wait3A_2459 = arith.constant 0 : i32
    %dma_wait3A_2460 = tpu.memref_slice %arg5[%add3A_2454, %dma_wait3A_2458, %dma_wait3A_2459] : memref<8192x32x128xf32, #tpu.memory_space<hbm>> -> memref<4x32x128xf32, #tpu.memory_space<hbm>>
    tpu.wait_dma2 semaphore(%arg24 : memref<!tpu.dma_semaphore, #tpu.memory_space<semaphore_mem>>) src(%arg10 : memref<4x32x128xf32, #tpu.memory_space<vmem>>) dst(%dma_wait3A_2460 : memref<4x32x128xf32, #tpu.memory_space<hbm>>)
    %add3A_2461 = arith.constant 240 : i32
    %add3A_2462 = arith.addi %mul3A_2, %add3A_2461 : i32
    %dma_wait3A_2463 = arith.constant 0 : i32
    %dma_wait3A_2464 = arith.constant 0 : i32
    %dma_wait3A_2465 = tpu.memref_slice %arg5[%add3A_2462, %dma_wait3A_2463, %dma_wait3A_2464] : memref<8192x32x128xf32, #tpu.memory_space<hbm>> -> memref<4x32x128xf32, #tpu.memory_space<hbm>>
    %dma_wait3A_2466 = arith.constant 0 : i32
    %dma_wait3A_2467 = arith.constant 0 : i32
    %dma_wait3A_2468 = tpu.memref_slice %arg5[%add3A_2462, %dma_wait3A_2466, %dma_wait3A_2467] : memref<8192x32x128xf32, #tpu.memory_space<hbm>> -> memref<4x32x128xf32, #tpu.memory_space<hbm>>
    tpu.wait_dma2 semaphore(%arg25 : memref<!tpu.dma_semaphore, #tpu.memory_space<semaphore_mem>>) src(%arg11 : memref<4x32x128xf32, #tpu.memory_space<vmem>>) dst(%dma_wait3A_2468 : memref<4x32x128xf32, #tpu.memory_space<hbm>>)
    %add3A_2469 = arith.constant 244 : i32
    %add3A_2470 = arith.addi %mul3A_2, %add3A_2469 : i32
    %dma_wait3A_2471 = arith.constant 0 : i32
    %dma_wait3A_2472 = arith.constant 0 : i32
    %dma_wait3A_2473 = tpu.memref_slice %arg5[%add3A_2470, %dma_wait3A_2471, %dma_wait3A_2472] : memref<8192x32x128xf32, #tpu.memory_space<hbm>> -> memref<4x32x128xf32, #tpu.memory_space<hbm>>
    %dma_wait3A_2474 = arith.constant 0 : i32
    %dma_wait3A_2475 = arith.constant 0 : i32
    %dma_wait3A_2476 = tpu.memref_slice %arg5[%add3A_2470, %dma_wait3A_2474, %dma_wait3A_2475] : memref<8192x32x128xf32, #tpu.memory_space<hbm>> -> memref<4x32x128xf32, #tpu.memory_space<hbm>>
    tpu.wait_dma2 semaphore(%arg26 : memref<!tpu.dma_semaphore, #tpu.memory_space<semaphore_mem>>) src(%arg12 : memref<4x32x128xf32, #tpu.memory_space<vmem>>) dst(%dma_wait3A_2476 : memref<4x32x128xf32, #tpu.memory_space<hbm>>)
    %add3A_2477 = arith.constant 248 : i32
    %add3A_2478 = arith.addi %mul3A_2, %add3A_2477 : i32
    %dma_wait3A_2479 = arith.constant 0 : i32
    %dma_wait3A_2480 = arith.constant 0 : i32
    %dma_wait3A_2481 = tpu.memref_slice %arg5[%add3A_2478, %dma_wait3A_2479, %dma_wait3A_2480] : memref<8192x32x128xf32, #tpu.memory_space<hbm>> -> memref<4x32x128xf32, #tpu.memory_space<hbm>>
    %dma_wait3A_2482 = arith.constant 0 : i32
    %dma_wait3A_2483 = arith.constant 0 : i32
    %dma_wait3A_2484 = tpu.memref_slice %arg5[%add3A_2478, %dma_wait3A_2482, %dma_wait3A_2483] : memref<8192x32x128xf32, #tpu.memory_space<hbm>> -> memref<4x32x128xf32, #tpu.memory_space<hbm>>
    tpu.wait_dma2 semaphore(%arg27 : memref<!tpu.dma_semaphore, #tpu.memory_space<semaphore_mem>>) src(%arg13 : memref<4x32x128xf32, #tpu.memory_space<vmem>>) dst(%dma_wait3A_2484 : memref<4x32x128xf32, #tpu.memory_space<hbm>>)
    %add3A_2485 = arith.constant 252 : i32
    %add3A_2486 = arith.addi %mul3A_2, %add3A_2485 : i32
    %dma_wait3A_2487 = arith.constant 0 : i32
    %dma_wait3A_2488 = arith.constant 0 : i32
    %dma_wait3A_2489 = tpu.memref_slice %arg5[%add3A_2486, %dma_wait3A_2487, %dma_wait3A_2488] : memref<8192x32x128xf32, #tpu.memory_space<hbm>> -> memref<4x32x128xf32, #tpu.memory_space<hbm>>
    %dma_wait3A_2490 = arith.constant 0 : i32
    %dma_wait3A_2491 = arith.constant 0 : i32
    %dma_wait3A_2492 = tpu.memref_slice %arg5[%add3A_2486, %dma_wait3A_2490, %dma_wait3A_2491] : memref<8192x32x128xf32, #tpu.memory_space<hbm>> -> memref<4x32x128xf32, #tpu.memory_space<hbm>>
    tpu.wait_dma2 semaphore(%arg21 : memref<!tpu.dma_semaphore, #tpu.memory_space<semaphore_mem>>) src(%arg7 : memref<4x32x128xf32, #tpu.memory_space<vmem>>) dst(%dma_wait3A_2492 : memref<4x32x128xf32, #tpu.memory_space<hbm>>)
    return
  }
}

module attributes {stable_mosaic.version = 14 : i64} {
  func.func @body(%arg0: i32, %arg1: memref<1xi32, #tpu.memory_space<smem>>, %arg2: memref<128x32x128xf32, #tpu.memory_space<vmem>>, %arg3: memref<128x32x128xf32, #tpu.memory_space<vmem>>, %arg4: memref<128x32x128xf32, #tpu.memory_space<vmem>>) attributes {dimension_semantics = [#tpu.dimension_semantics<arbitrary>], iteration_bounds = array<i64: 64>, scalar_prefetch = 1 : i64, scratch_operands = 0 : i64, tpu.core_type = #tpu.core_type<tc>, window_params = [{transform_indices = @transform_0, window_bounds = array<i64: 128, 32, 128>}, {transform_indices = @transform_1, window_bounds = array<i64: 128, 32, 128>}, {transform_indices = @transform_2, window_bounds = array<i64: 128, 32, 128>}]} {
    %get3A = arith.constant 0 : index
    %get3A_0 = memref.load %arg1[%get3A] : memref<1xi32, #tpu.memory_space<smem>>
    %ge3A = arith.cmpi sge, %arg0, %get3A_0 : i32
    %add3A = arith.constant 32 : i32
    %add3A_1 = arith.addi %get3A_0, %add3A : i32
    %lt3A = arith.cmpi slt, %arg0, %add3A_1 : i32
    %and3A = arith.andi %ge3A, %lt3A : i1
    %convert_element_type3A = arith.extui %and3A : i1 to i32
    %cond3A = arith.constant 0 : i32
    %cond3A_2 = arith.cmpi ne, %convert_element_type3A, %cond3A : i32
    scf.if %cond3A_2 {
      %get3A_7 = arith.constant 0 : index
      %get3A_8 = arith.constant 0 : index
      %get3A_9 = arith.constant 0 : index
      %get3A_10 = vector.load %arg3[%get3A_7, %get3A_8, %get3A_9] : memref<128x32x128xf32, #tpu.memory_space<vmem>>, vector<128x32x128xf32>
      %swap3A = arith.constant 0 : index
      %swap3A_11 = arith.constant 0 : index
      %swap3A_12 = arith.constant 0 : index
      %swap3A_13 = vector.load %arg4[%swap3A, %swap3A_11, %swap3A_12] : memref<128x32x128xf32, #tpu.memory_space<vmem>>, vector<128x32x128xf32>
      tpu.vector_store %arg4[%swap3A, %swap3A_11, %swap3A_12], %get3A_10 {strides = array<i32>} : memref<128x32x128xf32, #tpu.memory_space<vmem>>, vector<128x32x128xf32>,
    } else {
    }
    %not3A = arith.constant true
    %not3A_3 = arith.xori %and3A, %not3A : i1
    %convert_element_type3A_4 = arith.extui %not3A_3 : i1 to i32
    %cond3A_5 = arith.constant 0 : i32
    %cond3A_6 = arith.cmpi ne, %convert_element_type3A_4, %cond3A_5 : i32
    scf.if %cond3A_6 {
      %get3A_7 = arith.constant 0 : index
      %get3A_8 = arith.constant 0 : index
      %get3A_9 = arith.constant 0 : index
      %get3A_10 = vector.load %arg2[%get3A_7, %get3A_8, %get3A_9] : memref<128x32x128xf32, #tpu.memory_space<vmem>>, vector<128x32x128xf32>
      %swap3A = arith.constant 0 : index
      %swap3A_11 = arith.constant 0 : index
      %swap3A_12 = arith.constant 0 : index
      %swap3A_13 = vector.load %arg4[%swap3A, %swap3A_11, %swap3A_12] : memref<128x32x128xf32, #tpu.memory_space<vmem>>, vector<128x32x128xf32>
      tpu.vector_store %arg4[%swap3A, %swap3A_11, %swap3A_12], %get3A_10 {strides = array<i32>} : memref<128x32x128xf32, #tpu.memory_space<vmem>>, vector<128x32x128xf32>,
    } else {
    }
    return
  }
  func.func @transform_0(%arg0: i32, %arg1: memref<1xi32, #tpu.memory_space<smem>>) -> (i32, i32, i32) {
    %get3A = arith.constant 0 : index
    %get3A_0 = memref.load %arg1[%get3A] : memref<1xi32, #tpu.memory_space<smem>>
    %ge3A = arith.cmpi sge, %arg0, %get3A_0 : i32
    %add3A = arith.constant 32 : i32
    %add3A_1 = arith.addi %get3A_0, %add3A : i32
    %lt3A = arith.cmpi slt, %arg0, %add3A_1 : i32
    %and3A = arith.andi %ge3A, %lt3A : i1
    %sub3A = arith.constant 1 : i32
    %sub3A_2 = arith.subi %get3A_0, %sub3A : i32
    %max3A = arith.constant 0 : i32
    %max3A_3 = arith.maxsi %sub3A_2, %max3A : i32
    %select_n3A = arith.select %and3A, %max3A_3, %arg0 : i32
    %c0_i32 = arith.constant 0 : i32
    %c0_i32_4 = arith.constant 0 : i32
    %c0_i32_5 = arith.constant 0 : i32
    return %select_n3A, %c0_i32, %c0_i32_4 : i32, i32, i32
  }
  func.func @transform_1(%arg0: i32, %arg1: memref<1xi32, #tpu.memory_space<smem>>) -> (i32, i32, i32) {
    %get3A = arith.constant 0 : index
    %get3A_0 = memref.load %arg1[%get3A] : memref<1xi32, #tpu.memory_space<smem>>
    %sub3A = arith.subi %arg0, %get3A_0 : i32
    %jit3A = arith.constant 0 : i32
    %jit3A_1 = arith.constant 31 : i32
    %max3A = arith.maxsi %jit3A, %sub3A : i32
    %min3A = arith.minsi %jit3A_1, %max3A : i32
    %c0_i32 = arith.constant 0 : i32
    %c0_i32_2 = arith.constant 0 : i32
    %c0_i32_3 = arith.constant 0 : i32
    return %min3A, %c0_i32, %c0_i32_2 : i32, i32, i32
  }
  func.func @transform_2(%arg0: i32, %arg1: memref<1xi32, #tpu.memory_space<smem>>) -> (i32, i32, i32) {
    %c0_i32 = arith.constant 0 : i32
    %c0_i32_0 = arith.constant 0 : i32
    %c0_i32_1 = arith.constant 0 : i32
    return %arg0, %c0_i32, %c0_i32_0 : i32, i32, i32
  }
}

</mosaic_0001>

<sc_bundles>
// kernel: kernel.4.cloned.1.call-start
scs
__scs_entry_jumppad:
0x0: {  	(pc) =	sbr.rel $0x88, $3  }
0x1: {  	(tag) =	ssettag $0x0;
	lr =	simm.s32 $0x1  }
0x2: {  	[smem:$0x3F9C] =	sst lr;
	_ =	strace $0xD0000000  }
0x3: {  	_ = 	snop  }
0x4: {  	_ = 	snop  }
0x5: {  	_ = 	snop  }
0x6: {  	_ = 	snop  }
0x7: {  	_ = 	snop  }
__scs_overlays_trampoline_lowered:
0x8: {  	[smem:$0x3FAB] =	sst s0  }
0x9: {  	[smem:$0x3FAC] =	sst s1  }
0xa: {  	[smem:$0x3FAD] =	sst s2  }
0xb: {  	[smem:$0x3FAE] =	sst s3  }
0xc: {  	[smem:$0x3FAF] =	sst s4  }
0xd: {  	[smem:$0x3FB0] =	sst s5  }
0xe: {  	[smem:$0x3FB1] =	sst s6  }
0xf: {  	[smem:$0x3FB2] =	sst s7  }
0x10: {  	[smem:$0x3FB3] =	sst s8  }
0x11: {  	[smem:$0x3FB4] =	sst s9;
	s0 =	simm.s32 @!p0 $0x0  }
0x12: {  	s1 =	sld [smem:$0x3F9A];
	s0 =	simm.s32 @p0 $0x1  }
0x13: {  	[smem:$0x3FB5] =	sst s0;
	s0 =	simm.s32 @!p1 $0x0  }
0x14: {  	s2 =	sld [smem:$0x3F99];
	s0 =	simm.s32 @p1 $0x1  }
0x15: {  	[smem:$0x3FB6] =	sst s0;
	s0 =	simm.s32 @!p2 $0x0  }
0x16: {  	s3 =	sld [smem:$0x3FDB];
	s0 =	simm.s32 @p2 $0x1  }
0x17: {  	s4 =	simm.s32 $0x1BF5;
	[smem:$0x3FB8] =	sst s0  }
0x18: {  	s0 =	sld [smem:$0x3F9B];
	_ =	swait.ge [sflag:s4], $0x0  }
0x19: {  	s7 =	sld [smem:$0x3F9C]  }
0x1a: {  	s8 =	sadd.s32 $0xFFFFE003, lr  }
0x1b: {  	s9 =	sadd.s32 $0xFFFFFEF7, lr;
	s5 =	simm.s32 $0xFFFFFFFF;
	p2 =	slt.u32 s8, $0xFFFFF086  }
0x1c: {  	p1 =	slt.u32 s9, $0xF7A;
	s5 =	simm.s32 @!p2 $0x0  }
0x1d: {  	s5 =	simm.s32 @p1 $0x1;
	p0 =	seq.s32 s7, s2  }
0x1e: {  	s7 =	smul.u32 @!p0 $0xF7A, s2;
	p2 =	seq.s32 @!p0 s5, $0x0  }
0x1f: {  	s9 =	smul.u32 $0xF7A, s1;
	s8 =	simm.s32 @!p0 $0x1BF5;
	p2 =	por !p2, p0  }
0x20: {  	[sflag:s8] =	ssyncset.s32 @!p0 $0xFFFFF086;
	s6 =	sadd.s32 @!p0 s3, s7;
	s7 =	simm.s32 @!p0 $0x108  }
0x21: {  	s3 =	sadd.s32 s3, s9;
	s6 =	sadd.s32 @!p0 $0x88, s6;
	s7 =	simm.s32 @p2 $0x1082  }
0x22: {  	[simem:s7], [sflag:s8] =	dma.local @!p0 [hbm:s6], $0xF7A  }
0x23: {  	s9 =	sor.u32 $0xD0000000, s2;
	s6 =	simm.s32 $0x108;
	_ =	swait.ge @!p0 [sflag:s8], $0x0  }
0x24: {  	s3 =	sadd.s32 $0x88, s3;
	s6 =	simm.s32 @!p1 $0x1082;
	[sflag:s4] =	ssyncset.s32 $0xFFFFF086  }
0x25: {  	[simem:s6], [sflag:s4] =	dma.local [hbm:s3], $0xF7A  }
0x26: {  	[smem:$0x3F9C] =	sst s1;
	(tag) =	ssettag s2;
	_ =	strace s9  }
0x27: {  	s1 =	sld [smem:$0x3FAC]  }
0x28: {  	s2 =	sld [smem:$0x3FAD]  }
0x29: {  	s4 =	sld [smem:$0x3FAF]  }
0x2a: {  	p0 =	seq.s32 s5, $0x0;
	s5 =	sld [smem:$0x3FB0]  }
0x2b: {  	s6 =	sld [smem:$0x3FB1]  }
0x2c: {  	s7 =	sld [smem:$0x3FB2]  }
0x2d: {  	s3 =	simm.s32 $0x108;
	s8 =	sld [smem:$0x3FB3]  }
0x2e: {  	s3 =	simm.s32 @!p0 $0x1082;
	s9 =	sld [smem:$0x3FB4]  }
0x2f: {  	lr =	sadd.s32 s0, s3;
	s0 =	sld [smem:$0x3FAB]  }
0x30: {  	s3 =	sld [smem:$0x3FAE]  }
0x31: {  	[smem:$0x3FB7] =	sst s10  }
0x32: {  	s10 =	sld [smem:$0x3FB5];
	_ =	sdelay $0x3  }
0x33: {  	p0 =	seq.s32 s10, $0x1;
	s10 =	sld [smem:$0x3FB7];
	_ =	sdelay $0x3  }
0x34: {  	[smem:$0x3FB7] =	sst s10  }
0x35: {  	s10 =	sld [smem:$0x3FB6];
	_ =	sdelay $0x3  }
0x36: {  	p1 =	seq.s32 s10, $0x1;
	s10 =	sld [smem:$0x3FB7];
	_ =	sdelay $0x3  }
0x37: {  	[smem:$0x3FB7] =	sst s10  }
0x38: {  	s10 =	sld [smem:$0x3FB8]  }
0x39: {  	_ = 	snop;
	(pc) =	sbr.ind lr, $3  }
0x3a: {  	_ = 	snop  }
0x3b: {  	_ = 	snop  }
0x3c: {  	p2 =	seq.s32 s10, $0x1;
	s10 =	sld [smem:$0x3FB7]  }
0x3d: {  	_ =	shalt  }
0x3e: {  	_ =	shalt  }
0x3f: {  	_ =	shalt  }
0x40: {  	_ =	shalt  }
0x41: {  	_ =	shalt  }
0x42: {  	_ =	shalt  }
0x43: {  	_ =	shalt  }
0x44: {  	_ =	shalt  }
0x45: {  	_ =	shalt  }
0x46: {  	_ =	shalt  }
0x47: {  	_ =	shalt  }
0x48: {  	_ =	shalt  }
0x49: {  	_ =	shalt  }
0x4a: {  	_ =	shalt  }
0x4b: {  	_ =	shalt  }
0x4c: {  	_ =	shalt  }
0x4d: {  	_ =	shalt  }
0x4e: {  	_ =	shalt  }
0x4f: {  	_ =	shalt  }
0x50: {  	_ =	shalt  }
0x51: {  	_ =	shalt  }
0x52: {  	_ =	shalt  }
0x53: {  	_ =	shalt  }
0x54: {  	_ =	shalt  }
0x55: {  	_ =	shalt  }
0x56: {  	_ =	shalt  }
0x57: {  	_ =	shalt  }
0x58: {  	_ =	shalt  }
0x59: {  	_ =	shalt  }
0x5a: {  	_ =	shalt  }
0x5b: {  	_ =	shalt  }
0x5c: {  	_ =	shalt  }
0x5d: {  	_ =	shalt  }
0x5e: {  	_ =	shalt  }
0x5f: {  	_ =	shalt  }
0x60: {  	_ =	shalt  }
0x61: {  	_ =	shalt  }
0x62: {  	_ =	shalt  }
0x63: {  	_ =	shalt  }
0x64: {  	_ =	shalt  }
0x65: {  	_ =	shalt  }
0x66: {  	_ =	shalt  }
0x67: {  	_ =	shalt  }
0x68: {  	_ =	shalt  }
0x69: {  	_ =	shalt  }
0x6a: {  	_ =	shalt  }
0x6b: {  	_ =	shalt  }
0x6c: {  	_ =	shalt  }
0x6d: {  	_ =	shalt  }
0x6e: {  	_ =	shalt  }
0x6f: {  	_ =	shalt  }
0x70: {  	_ =	shalt  }
0x71: {  	_ =	shalt  }
0x72: {  	_ =	shalt  }
0x73: {  	_ =	shalt  }
0x74: {  	_ =	shalt  }
0x75: {  	_ =	shalt  }
0x76: {  	_ =	shalt  }
0x77: {  	_ =	shalt  }
0x78: {  	_ =	shalt  }
0x79: {  	_ =	shalt  }
0x7a: {  	_ =	shalt  }
0x7b: {  	_ =	shalt  }
0x7c: {  	_ =	shalt  }
0x7d: {  	_ =	shalt  }
0x7e: {  	_ =	shalt  }
0x7f: {  	_ =	shalt  }
0x80: {  	_ =	shalt  }
0x81: {  	_ =	shalt  }
0x82: {  	_ =	shalt  }
0x83: {  	_ =	shalt  }
0x84: {  	_ =	shalt  }
0x85: {  	_ =	shalt  }
0x86: {  	_ =	shalt  }
0x87: {  	_ =	shalt  }
.Lfunc_end0:
.L_simem_size_0:
called_computation_lowered:
.L_overlay_start_0:
0x88: {  	s2 =	sld [smem:$0x3FD9]  }
0x89: {  	s3 =	sld [smem:$0x3FFE];
	_ =	sdelay $0x1  }
0x8a: {  	s1 =	srdreg.scid  }
0x8b: {  	s0 =	sand.u32 $0x1, s1  }
0x8c: {  	s14 =	sshll.u32 s0, $0xA;
	s2 =	sadd.s32 s3, s2  }
0x8d: {  	s2 =	sadd.s32 s2, s14  }
0x8e: {  	[smem:$0x3FC3] =	sst s2  }
0x8f: {  	_ = 	snop  }
0x90: {  	s2 =	sld [smem:$0x3FD0];
	_ =	sdelay $0x1  }
0x91: {  	s15 =	sld [smem:$0x3FC8]  }
0x92: {  	s5 =	simm.s32 $0xA;
	s6 =	simm.s32 $0x10;
	s4 =	sld [smem:$0x3FC6]  }
0x93: {  	[smem:s6], [sflag:s5] =	dma.local [hbm:s2], $0x1  }
0x94: {  	_ =	swait.eq [sflag:s5], $0x1  }
0x95: {  	[sflag:s5] =	ssyncset.done $0x0  }
0x96: {  	[sflag:s5] =	ssyncadd.s32 $0xFFFFFFFF  }
0x97: {  	s16 =	sld [smem:$0x12];
	(tm) =	ssettm $0x1  }
0x98: {  	s17 =	sld [smem:$0x3FFB];
	_ =	sdelay $0x3  }
0x99: {  	_ =	strace s17  }
0x9a: {  	s5 =	sld [smem:$0x3FFC];
	_ =	sdelay $0x3  }
0x9b: {  	_ =	strace s5  }
0x9c: {  	s5 =	sld [smem:$0x3FFD];
	_ =	sdelay $0x3  }
0x9d: {  	_ =	strace s5  }
0x9e: {  	_ =	strace $0x8FFFFFFF  }
0x9f: {  	s18 =	sld [smem:$0x3FDB];
	_ =	sdelay $0x1  }
0xa0: {  	s19 =	simm.s32 $_scs_section_size  }
0xa1: {  	s7 =	simm.s32 $_size__tile_overlayer_lowered;
	s8 =	simm.s32 $_tile_overlayer_lowered  }
0xa2: {  	s22 =	simm.s32 $0x1BFF;
	s21 =	sshll.u32 s8, $0x1;
	s5 =	sadd.s32 s19, s18  }
0xa3: {  	s9 =	simm.s32 $0x0;
	s20 =	sshll.u32 s7, $0x1;
	s7 =	sadd.s32 s21, s5  }
0xa4: {  	[timem:s9], [sflag:s22] =	dma.local [hbm:s7], s20  }
0xa5: {  	_ =	swait.ge [sflag:s22], s20  }
0xa6: {  	s6 =	ssub.s32 $0x0, s20;
	[sflag:s22] =	ssyncset.done $0x0  }
0xa7: {  	[sflag:s22] =	ssyncadd.s32 s6;
	_ =	sdelay $0x1  }
0xa8: {  	s23 =	simm.s32 $0x1B8B  }
0xa9: {  	_ =	swait.ge [sflag:s23], $0x1  }
0xaa: {  	[sflag:s23] =	ssyncset.done $0x0  }
0xab: {  	s25 =	simm.s32 $0x1B8E;
	s24 =	sld [smem:$0x3FFE];
	[sflag:s23] =	ssyncadd.s32 $0xFFFFFFFF  }
0xac: {  	s26 =	simm.s32 $execute0_lowered;
	[smem:$0x3FD2] =	sst s25  }
0xad: {  	s7 =	sshll.u32 s26, $0x1;
	_ =	strace $0x80000046;
	[dreg:$0x1] =	wrdreg $0xFFFFFFFF  }
0xae: {  	s28 =	simm.s32 $_size_execute0_lowered;
	s5 =	sadd.s32 s5, s7;
	[dreg:$0x0] =	wrdreg $0x0  }
0xaf: {  	s7 =	sshll.u32 s28, $0x1;
	[dreg:$0x2] =	wrdreg s5  }
0xb0: {  	[dreg:$0x3] =	wrdreg s7  }
0xb1: {  	[dreg:$0x4] =	wrdreg $0xC0  }
0xb2: {  	_ =	task [dreg:s9], $0x5FFFF  }
0xb3: {  	[dreg:$0x1] =	wrdreg $0xFFFFFFFF  }
0xb4: {  	[dreg:$0x0] =	wrdreg $0x60  }
0xb5: {  	[dreg:$0x2] =	wrdreg s24  }
0xb6: {  	[dreg:$0x3] =	wrdreg s15  }
0xb7: {  	[dreg:$0x4] =	wrdreg s4  }
0xb8: {  	[dreg:$0x5] =	wrdreg s16  }
0xb9: {  	[dreg:$0x6] =	wrdreg $0x9  }
0xba: {  	_ =	task.clear_ibuf [dreg:s9], $0x7FFFF;
	_ =	strace $0x90000046  }
0xbb: {  	s29 =	simm.s32 $0x9;
	_ =	strace $0x80000048  }
0xbc: {  	_ =	swait.ge [sflag:s29], $0x1  }
0xbd: {  	[sflag:s29] =	ssyncadd.s32 $0xFFFFFFFF  }
0xbe: {  	_ =	strace $0x90000048  }
0xbf: {  	_ =	sfence  }
0xc0: {  	s30 =	sld [smem:$0x0];
	_ =	sdelay $0x2  }
0xc1: {  	s31 =	sshll.u32 s1, $0xD;
	s1 =	sshrl.u32 s1, $0x2  }
0xc2: {  	s3 =	sand.u32 $0x4000, s31;
	s1 =	sadd.s32 s1, s30  }
0xc3: {  	s0 =	sor.u32 s3, s0;
	s1 =	sshll.u32 s1, $0x11  }
0xc4: {  	s0 =	sor.u32 s1, s0  }
0xc5: {  	s0 =	sadd.s32 $0x8F2B, s0  }
0xc6: {  	[sflag:s0] =	ssyncadd.remote.s32 $0x1  }
0xc7: {  	_ =	sfence.sel $0xFFFF  }
0xc8: {  	[dreg:$0x0] =	wrdreg $0xFFFFFFFF;
	(pc) =	sbr.abs _section_cstart, $3  }
0xc9: {  	[dreg:$0x1] =	wrdreg $0xFFFFFFFF  }
0xca: {  	_ =	task.clear_ibuf [dreg:s9], $0x2FFFF;
	_ =	strace $0x9FFFFFFF  }
0xcb: {  	(tm) =	ssettm $0x7FFFFFFF  }
tec
execute0_lowered:
.L_overlay_start_1:
0x0: {  	(tag) =	ssettag $0x1  }
0x1: {  	s4 =	rddreg [dreg:$0x0]  }
0x2: {  	s0 =	rddreg [dreg:$0x1]  }
0x3: {  	s1 =	rddreg [dreg:$0x2]  }
0x4: {  	s2 =	rddreg [dreg:$0x3];
	s3 =	simm.s32 $0x0;
	s5 =	srdreg.scid  }
0x5: {  	s6 =	stileid.u32;
	[smem:$0x7FF] =	sst s3;
	s25 =	sand.u32 $0x1, s5  }
0x6: {  	s4 =	sadd.s32 $0x400, s4;
	s10 =	sshll.u32 s6, $0x9;
	s11 =	sshll.u32 s25, $0x8  }
0x7: {  	_ =	strace $0x80000047;
	[dreg:$0x5] =	wrdreg s4;
	s4 =	sor.u32 s11, s10  }
0x8: {  	s8 =	sshll.u32 s4, $0x9  }
0x9: {  	s6 =	sor.u32 $0x8, s4;
	[smem:$0x794] =	sst s8  }
0xa: {  	s12 =	sor.u32 $0xC, s4;
	[smem:$0x733] =	sst s6  }
0xb: {  	s13 =	sor.u32 $0x10, s4;
	[smem:$0x734] =	sst s12  }
0xc: {  	s15 =	sor.u32 $0x14, s4;
	[smem:$0x735] =	sst s13  }
0xd: {  	s17 =	sor.u32 $0x18, s4;
	[smem:$0x736] =	sst s15  }
0xe: {  	s20 =	sor.u32 $0x1C, s4;
	[smem:$0x737] =	sst s17  }
0xf: {  	s5 =	sor.u32 $0x4, s4;
	s24 =	sor.u32 $0x20, s4;
	[smem:$0x738] =	sst s20  }
0x10: {  	s7 =	sshll.u32 s5, $0x9;
	[smem:$0x739] =	sst s24  }
0x11: {  	s10 =	sshll.u32 s6, $0x9;
	[smem:$0x796] =	sst s7  }
0x12: {  	s11 =	sshll.u32 s12, $0x9;
	[smem:$0x798] =	sst s10  }
0x13: {  	s12 =	sshll.u32 s13, $0x9;
	[smem:$0x79A] =	sst s11  }
0x14: {  	s14 =	sadd.s32 s2, s8;
	[smem:$0x79C] =	sst s12  }
0x15: {  	s13 =	sshll.u32 s15, $0x9;
	[dreg:$0x6] =	wrdreg s14  }
0x16: {  	s18 =	sshll.u32 s17, $0x9;
	[smem:$0x79E] =	sst s13  }
0x17: {  	s22 =	sshll.u32 s20, $0x9;
	[smem:$0x7A0] =	sst s18  }
0x18: {  	s8 =	sshll.u32 s24, $0x9;
	[smem:$0x7A2] =	sst s22  }
0x19: {  	s16 =	sadd.s32 s2, s7;
	[smem:$0x7A4] =	sst s8  }
0x1a: {  	s19 =	sadd.s32 s2, s10;
	[dreg:$0x7] =	wrdreg s16  }
0x1b: {  	s21 =	sadd.s32 s2, s11;
	[dreg:$0x8] =	wrdreg s19  }
0x1c: {  	s23 =	sadd.s32 s2, s12;
	[dreg:$0x9] =	wrdreg s21  }
0x1d: {  	s26 =	sadd.s32 s2, s13;
	[dreg:$0xa] =	wrdreg s23  }
0x1e: {  	s9 =	sadd.s32 s2, s18;
	[dreg:$0xb] =	wrdreg s26  }
0x1f: {  	s13 =	sadd.s32 s2, s22;
	[dreg:$0xc] =	wrdreg s9  }
0x20: {  	s12 =	sor.u32 $0x24, s4;
	[dreg:$0xd] =	wrdreg s13  }
0x21: {  	s15 =	sadd.s32 s2, s8;
	[smem:$0x73A] =	sst s12  }
0x22: {  	s10 =	sor.u32 $0x38, s4;
	[dreg:$0xe] =	wrdreg s15  }
0x23: {  	s14 =	sshll.u32 s12, $0x9;
	[smem:$0x73F] =	sst s10  }
0x24: {  	s16 =	sor.u32 $0x28, s4;
	[smem:$0x7A6] =	sst s14  }
0x25: {  	s19 =	sor.u32 $0x2C, s4;
	[smem:$0x73B] =	sst s16  }
0x26: {  	s21 =	sor.u32 $0x30, s4;
	[smem:$0x73C] =	sst s19  }
0x27: {  	s26 =	sor.u32 $0x34, s4;
	[smem:$0x73D] =	sst s21  }
0x28: {  	s11 =	sshll.u32 s10, $0x9;
	[smem:$0x73E] =	sst s26  }
0x29: {  	s12 =	sor.u32 $0x3C, s4;
	[smem:$0x7B0] =	sst s11  }
0x2a: {  	s10 =	sor.u32 $0x50, s4;
	[smem:$0x740] =	sst s12  }
0x2b: {  	s17 =	sadd.s32 s2, s14;
	[smem:$0x745] =	sst s10  }
0x2c: {  	s18 =	sshll.u32 s16, $0x9;
	[dreg:$0xf] =	wrdreg s17  }
0x2d: {  	s20 =	sshll.u32 s19, $0x9;
	[smem:$0x7A8] =	sst s18  }
0x2e: {  	s23 =	sshll.u32 s21, $0x9;
	[smem:$0x7AA] =	sst s20  }
0x2f: {  	s9 =	sshll.u32 s26, $0x9;
	[smem:$0x7AC] =	sst s23  }
0x30: {  	s14 =	sshll.u32 s12, $0x9;
	[smem:$0x7AE] =	sst s9  }
0x31: {  	s15 =	sadd.s32 s2, s11;
	[smem:$0x7B2] =	sst s14  }
0x32: {  	s16 =	sor.u32 $0x40, s4;
	[dreg:$0x14] =	wrdreg s15  }
0x33: {  	s19 =	sor.u32 $0x44, s4;
	[smem:$0x741] =	sst s16  }
0x34: {  	s21 =	sor.u32 $0x48, s4;
	[smem:$0x742] =	sst s19  }
0x35: {  	s26 =	sor.u32 $0x4C, s4;
	[smem:$0x743] =	sst s21  }
0x36: {  	s11 =	sshll.u32 s10, $0x9;
	[smem:$0x744] =	sst s26  }
0x37: {  	s12 =	sor.u32 $0x54, s4;
	[smem:$0x7BC] =	sst s11  }
0x38: {  	s10 =	sor.u32 $0x68, s4;
	[smem:$0x746] =	sst s12  }
0x39: {  	s22 =	sadd.s32 s2, s18;
	[smem:$0x74B] =	sst s10  }
0x3a: {  	s24 =	sadd.s32 s2, s20;
	[dreg:$0x10] =	wrdreg s22  }
0x3b: {  	s8 =	sadd.s32 s2, s23;
	[dreg:$0x11] =	wrdreg s24  }
0x3c: {  	s13 =	sadd.s32 s2, s9;
	[dreg:$0x12] =	wrdreg s8  }
0x3d: {  	s17 =	sadd.s32 s2, s14;
	[dreg:$0x13] =	wrdreg s13  }
0x3e: {  	s18 =	sshll.u32 s16, $0x9;
	[dreg:$0x15] =	wrdreg s17  }
0x3f: {  	s20 =	sshll.u32 s19, $0x9;
	[smem:$0x7B4] =	sst s18  }
0x40: {  	s23 =	sshll.u32 s21, $0x9;
	[smem:$0x7B6] =	sst s20  }
0x41: {  	s9 =	sshll.u32 s26, $0x9;
	[smem:$0x7B8] =	sst s23  }
0x42: {  	s14 =	sshll.u32 s12, $0x9;
	[smem:$0x7BA] =	sst s9  }
0x43: {  	s15 =	sadd.s32 s2, s11;
	[smem:$0x7BE] =	sst s14  }
0x44: {  	s16 =	sor.u32 $0x58, s4;
	[dreg:$0x1a] =	wrdreg s15  }
0x45: {  	s19 =	sor.u32 $0x5C, s4;
	[smem:$0x747] =	sst s16  }
0x46: {  	s21 =	sor.u32 $0x60, s4;
	[smem:$0x748] =	sst s19  }
0x47: {  	s26 =	sor.u32 $0x64, s4;
	[smem:$0x749] =	sst s21  }
0x48: {  	s11 =	sshll.u32 s10, $0x9;
	[smem:$0x74A] =	sst s26  }
0x49: {  	s12 =	sor.u32 $0x6C, s4;
	[smem:$0x7C8] =	sst s11  }
0x4a: {  	s22 =	sadd.s32 s2, s18;
	[smem:$0x74C] =	sst s12  }
0x4b: {  	s24 =	sadd.s32 s2, s20;
	[dreg:$0x16] =	wrdreg s22  }
0x4c: {  	s8 =	sadd.s32 s2, s23;
	[dreg:$0x17] =	wrdreg s24  }
0x4d: {  	s13 =	sadd.s32 s2, s9;
	[dreg:$0x18] =	wrdreg s8  }
0x4e: {  	s17 =	sadd.s32 s2, s14;
	[dreg:$0x19] =	wrdreg s13  }
0x4f: {  	s18 =	sshll.u32 s16, $0x9;
	[dreg:$0x1b] =	wrdreg s17  }
0x50: {  	s20 =	sshll.u32 s19, $0x9;
	[smem:$0x7C0] =	sst s18  }
0x51: {  	s23 =	sshll.u32 s21, $0x9;
	[smem:$0x7C2] =	sst s20  }
0x52: {  	s9 =	sshll.u32 s26, $0x9;
	[smem:$0x7C4] =	sst s23  }
0x53: {  	s14 =	sshll.u32 s12, $0x9;
	[smem:$0x7C6] =	sst s9  }
0x54: {  	s15 =	sadd.s32 s2, s11;
	[smem:$0x7CA] =	sst s14  }
0x55: {  	s16 =	sor.u32 $0x70, s4;
	[smem:$0x74D] =	sst s15  }
0x56: {  	s19 =	sor.u32 $0x74, s4;
	[smem:$0x74F] =	sst s16  }
0x57: {  	s21 =	sor.u32 $0x78, s4;
	[smem:$0x750] =	sst s19  }
0x58: {  	s26 =	sor.u32 $0x7C, s4;
	[smem:$0x752] =	sst s21  }
0x59: {  	s11 =	sor.u32 $0x84, s4;
	[smem:$0x755] =	sst s26  }
0x5a: {  	s22 =	sadd.s32 s2, s18;
	[smem:$0x758] =	sst s11  }
0x5b: {  	s24 =	sadd.s32 s2, s20;
	[dreg:$0x1c] =	wrdreg s22  }
0x5c: {  	s8 =	sadd.s32 s2, s23;
	[dreg:$0x1d] =	wrdreg s24  }
0x5d: {  	s13 =	sadd.s32 s2, s9;
	[dreg:$0x1e] =	wrdreg s8  }
0x5e: {  	s17 =	sadd.s32 s2, s14;
	[dreg:$0x1f] =	wrdreg s13  }
0x5f: {  	s18 =	sshll.u32 s16, $0x9;
	[smem:$0x74E] =	sst s17  }
0x60: {  	s20 =	sshll.u32 s19, $0x9;
	[smem:$0x7CC] =	sst s18  }
0x61: {  	s23 =	sshll.u32 s21, $0x9;
	[smem:$0x7CE] =	sst s20  }
0x62: {  	s9 =	sor.u32 $0x80, s4;
	[smem:$0x7D0] =	sst s23  }
0x63: {  	s15 =	sor.u32 $0x88, s4;
	[smem:$0x756] =	sst s9  }
0x64: {  	s22 =	sadd.s32 s2, s18;
	[smem:$0x75B] =	sst s15  }
0x65: {  	s24 =	sadd.s32 s2, s20;
	[smem:$0x751] =	sst s22  }
0x66: {  	s7 =	sadd.s32 s2, s23;
	[smem:$0x753] =	sst s24  }
0x67: {  	s8 =	sshll.u32 s26, $0x9;
	[smem:$0x754] =	sst s7  }
0x68: {  	s10 =	sshll.u32 s9, $0x9;
	[smem:$0x7D2] =	sst s8  }
0x69: {  	s13 =	sshll.u32 s11, $0x9;
	[smem:$0x7D4] =	sst s10  }
0x6a: {  	s17 =	sshll.u32 s15, $0x9;
	[smem:$0x7D6] =	sst s13  }
0x6b: {  	s18 =	sor.u32 $0x8C, s4;
	[smem:$0x7D8] =	sst s17  }
0x6c: {  	s20 =	sor.u32 $0x90, s4;
	[smem:$0x75C] =	sst s18  }
0x6d: {  	s12 =	sadd.s32 s2, s8;
	[smem:$0x75E] =	sst s20  }
0x6e: {  	s14 =	sadd.s32 s2, s10;
	[smem:$0x757] =	sst s12  }
0x6f: {  	s16 =	sadd.s32 s2, s13;
	[smem:$0x759] =	sst s14  }
0x70: {  	s19 =	sshll.u32 s18, $0x9;
	[smem:$0x75A] =	sst s16  }
0x71: {  	s21 =	sadd.s32 s2, s17;
	[smem:$0x7DA] =	sst s19  }
0x72: {  	s22 =	sshll.u32 s20, $0x9;
	[smem:$0x75D] =	sst s21  }
0x73: {  	s24 =	sor.u32 $0x94, s4;
	[smem:$0x7DC] =	sst s22  }
0x74: {  	s7 =	sor.u32 $0x98, s4;
	[smem:$0x761] =	sst s24  }
0x75: {  	s10 =	sor.u32 $0x9C, s4;
	[smem:$0x762] =	sst s7  }
0x76: {  	s17 =	sor.u32 $0xA4, s4;
	[smem:$0x764] =	sst s10  }
0x77: {  	s18 =	sor.u32 $0xA8, s4;
	[smem:$0x768] =	sst s17  }
0x78: {  	s23 =	sadd.s32 s2, s19;
	[smem:$0x76A] =	sst s18  }
0x79: {  	s26 =	sadd.s32 s2, s22;
	[smem:$0x75F] =	sst s23  }
0x7a: {  	s6 =	sshll.u32 s24, $0x9;
	[smem:$0x760] =	sst s26  }
0x7b: {  	s9 =	sshll.u32 s7, $0x9;
	[smem:$0x7DE] =	sst s6  }
0x7c: {  	s12 =	sshll.u32 s10, $0x9;
	[smem:$0x7E0] =	sst s9  }
0x7d: {  	s14 =	sor.u32 $0xA0, s4;
	[smem:$0x7E2] =	sst s12  }
0x7e: {  	s21 =	sor.u32 $0xAC, s4;
	[smem:$0x767] =	sst s14  }
0x7f: {  	s24 =	sor.u32 $0xB4, s4;
	[smem:$0x76D] =	sst s21  }
0x80: {  	s10 =	sor.u32 $0xB8, s4;
	[smem:$0x770] =	sst s24  }
0x81: {  	s8 =	sshll.u32 s18, $0x9;
	s18 =	sor.u32 $0xC8, s4;
	[smem:$0x773] =	sst s10  }
0x82: {  	s11 =	sadd.s32 s2, s6;
	[smem:$0x77A] =	sst s18  }
0x83: {  	s13 =	sadd.s32 s2, s9;
	[smem:$0x763] =	sst s11  }
0x84: {  	s15 =	sadd.s32 s2, s12;
	[smem:$0x765] =	sst s13  }
0x85: {  	s16 =	sshll.u32 s14, $0x9;
	[smem:$0x766] =	sst s15  }
0x86: {  	s22 =	sadd.s32 s2, s8;
	[smem:$0x7E4] =	sst s16  }
0x87: {  	s23 =	sor.u32 $0xB0, s4;
	[smem:$0x76C] =	sst s22  }
0x88: {  	s12 =	sor.u32 $0xBC, s4;
	[smem:$0x76E] =	sst s23  }
0x89: {  	s9 =	sshll.u32 s17, $0x9;
	s19 =	sadd.s32 s2, s16;
	[smem:$0x774] =	sst s12  }
0x8a: {  	s30 =	sshll.u32 s21, $0x9;
	s20 =	sadd.s32 s2, s9;
	[smem:$0x769] =	sst s19  }
0x8b: {  	s28 =	sshll.u32 s24, $0x9;
	s26 =	sadd.s32 s2, s30;
	[smem:$0x76B] =	sst s20  }
0x8c: {  	s11 =	sadd.s32 s2, s28;
	[smem:$0x76F] =	sst s26  }
0x8d: {  	s13 =	sor.u32 $0xC0, s4;
	[smem:$0x772] =	sst s11  }
0x8e: {  	s21 =	sshll.u32 s18, $0x9;
	s16 =	sor.u32 $0xC4, s4;
	[smem:$0x776] =	sst s13  }
0x8f: {  	s29 =	sshll.u32 s23, $0x9;
	s6 =	sadd.s32 s2, s21;
	[smem:$0x779] =	sst s16  }
0x90: {  	s24 =	sshll.u32 s12, $0x9;
	s12 =	sor.u32 $0xD8, s4;
	[smem:$0x77D] =	sst s6  }
0x91: {  	s7 =	sadd.s32 s2, s29;
	[smem:$0x782] =	sst s12  }
0x92: {  	s15 =	sadd.s32 s2, s24;
	[smem:$0x771] =	sst s7  }
0x93: {  	s19 =	sor.u32 $0xCC, s4;
	[smem:$0x777] =	sst s15  }
0x94: {  	s26 =	sshll.u32 s10, $0x9;
	s11 =	sor.u32 $0xD4, s4;
	[smem:$0x77C] =	sst s19  }
0x95: {  	s23 =	sshll.u32 s13, $0x9;
	s14 =	sadd.s32 s2, s26;
	[smem:$0x780] =	sst s11  }
0x96: {  	s22 =	sshll.u32 s16, $0x9;
	s17 =	sadd.s32 s2, s23;
	[smem:$0x775] =	sst s14  }
0x97: {  	s20 =	sadd.s32 s2, s22;
	[smem:$0x778] =	sst s17  }
0x98: {  	s7 =	sor.u32 $0xD0, s4;
	[smem:$0x77B] =	sst s20  }
0x99: {  	s18 =	sshll.u32 s11, $0x9;
	s15 =	sor.u32 $0xDC, s4;
	[smem:$0x77F] =	sst s7  }
0x9a: {  	s20 =	sshll.u32 s19, $0x9;
	s14 =	sadd.s32 s2, s18;
	[smem:$0x785] =	sst s15  }
0x9b: {  	s19 =	sshll.u32 s7, $0x9;
	s7 =	sor.u32 $0xE4, s4;
	[smem:$0x783] =	sst s14  }
0x9c: {  	s17 =	sshll.u32 s12, $0x9;
	s12 =	sor.u32 $0xE8, s4;
	[smem:$0x788] =	sst s7  }
0x9d: {  	s10 =	sadd.s32 s2, s20;
	[smem:$0x78B] =	sst s12  }
0x9e: {  	s13 =	sadd.s32 s2, s19;
	[smem:$0x77E] =	sst s10  }
0x9f: {  	s6 =	sor.u32 $0xE0, s4;
	s16 =	sadd.s32 s2, s17;
	[smem:$0x781] =	sst s13  }
0xa0: {  	s14 =	sshll.u32 s7, $0x9;
	s7 =	sor.u32 $0xEC, s4;
	[smem:$0x784] =	sst s16  }
0xa1: {  	s16 =	sshll.u32 s15, $0x9;
	s13 =	sadd.s32 s2, s14;
	[smem:$0x78C] =	sst s7  }
0xa2: {  	s15 =	sshll.u32 s6, $0x9;
	s10 =	sadd.s32 s2, s16;
	[smem:$0x78A] =	sst s13  }
0xa3: {  	s11 =	sadd.s32 s2, s15;
	s13 =	sshll.u32 s12, $0x9;
	[smem:$0x787] =	sst s10  }
0xa4: {  	[smem:$0x789] =	sst s11;
	s12 =	sadd.s32 s2, s13  }
0xa5: {  	s11 =	sshll.u32 s7, $0x9;
	s10 =	sor.u32 $0xF0, s4;
	[smem:$0x78D] =	sst s12  }
0xa6: {  	[smem:$0x78E] =	sst s10;
	s7 =	sadd.s32 s2, s11  }
0xa7: {  	s12 =	sshll.u32 s10, $0x9;
	s10 =	sor.u32 $0xF4, s4;
	[smem:$0x78F] =	sst s7  }
0xa8: {  	s7 =	sadd.s32 s2, s12;
	[smem:$0x791] =	sst s10  }
0xa9: {  	[smem:$0x790] =	sst s7;
	s7 =	sshll.u32 s10, $0x9;
	s10 =	sor.u32 $0xF8, s4  }
0xaa: {  	[smem:$0x786] =	sst s6;
	s6 =	sshll.u32 s10, $0x9  }
0xab: {  	[smem:$0x732] =	sst s5;
	s5 =	sadd.s32 s2, s6  }
0xac: {  	[smem:$0x793] =	sst s5  }
0xad: {  	s5 =	sld [smem:$0x794];
	_ =	sdelay $0x2  }
0xae: {  	s5 =	sadd.s32 s0, s5  }
0xaf: {  	[smem:$0x795] =	sst s5  }
0xb0: {  	s5 =	sld [smem:$0x796];
	_ =	sdelay $0x2  }
0xb1: {  	s5 =	sadd.s32 s0, s5  }
0xb2: {  	[smem:$0x797] =	sst s5  }
0xb3: {  	s5 =	sld [smem:$0x798];
	_ =	sdelay $0x2  }
0xb4: {  	s5 =	sadd.s32 s0, s5  }
0xb5: {  	[smem:$0x799] =	sst s5  }
0xb6: {  	s5 =	sld [smem:$0x79A];
	_ =	sdelay $0x2  }
0xb7: {  	s5 =	sadd.s32 s0, s5  }
0xb8: {  	[smem:$0x79B] =	sst s5  }
0xb9: {  	s5 =	sld [smem:$0x79C];
	_ =	sdelay $0x2  }
0xba: {  	s5 =	sadd.s32 s0, s5  }
0xbb: {  	[smem:$0x79D] =	sst s5  }
0xbc: {  	s5 =	sld [smem:$0x79E];
	_ =	sdelay $0x2  }
0xbd: {  	s5 =	sadd.s32 s0, s5  }
0xbe: {  	[smem:$0x79F] =	sst s5  }
0xbf: {  	s5 =	sld [smem:$0x7A0];
	_ =	sdelay $0x2  }
0xc0: {  	s5 =	sadd.s32 s0, s5  }
0xc1: {  	[smem:$0x7A1] =	sst s5  }
0xc2: {  	s5 =	sld [smem:$0x7A2];
	_ =	sdelay $0x2  }
0xc3: {  	s5 =	sadd.s32 s0, s5  }
0xc4: {  	[smem:$0x7A3] =	sst s5  }
0xc5: {  	s5 =	sld [smem:$0x7A4];
	_ =	sdelay $0x2  }
0xc6: {  	s5 =	sadd.s32 s0, s5  }
0xc7: {  	[smem:$0x7A5] =	sst s5  }
0xc8: {  	s5 =	sld [smem:$0x7A6];
	_ =	sdelay $0x2  }
0xc9: {  	s5 =	sadd.s32 s0, s5  }
0xca: {  	[smem:$0x7A7] =	sst s5  }
0xcb: {  	s5 =	sld [smem:$0x7A8];
	_ =	sdelay $0x2  }
0xcc: {  	s5 =	sadd.s32 s0, s5  }
0xcd: {  	[smem:$0x7A9] =	sst s5  }
0xce: {  	s5 =	sld [smem:$0x7AA];
	_ =	sdelay $0x2  }
0xcf: {  	s5 =	sadd.s32 s0, s5  }
0xd0: {  	[smem:$0x7AB] =	sst s5  }
0xd1: {  	s5 =	sld [smem:$0x7AC];
	_ =	sdelay $0x2  }
0xd2: {  	s5 =	sadd.s32 s0, s5  }
0xd3: {  	[smem:$0x7AD] =	sst s5  }
0xd4: {  	s5 =	sld [smem:$0x7AE];
	_ =	sdelay $0x2  }
0xd5: {  	s5 =	sadd.s32 s0, s5  }
0xd6: {  	[smem:$0x7AF] =	sst s5  }
0xd7: {  	s5 =	sld [smem:$0x7B0];
	_ =	sdelay $0x2  }
0xd8: {  	s5 =	sadd.s32 s0, s5  }
0xd9: {  	[smem:$0x7B1] =	sst s5  }
0xda: {  	s5 =	sld [smem:$0x7B2];
	_ =	sdelay $0x2  }
0xdb: {  	s5 =	sadd.s32 s0, s5  }
0xdc: {  	[smem:$0x7B3] =	sst s5  }
0xdd: {  	s5 =	sld [smem:$0x7B4];
	_ =	sdelay $0x2  }
0xde: {  	s5 =	sadd.s32 s0, s5  }
0xdf: {  	[smem:$0x7B5] =	sst s5  }
0xe0: {  	s5 =	sld [smem:$0x7B6];
	_ =	sdelay $0x2  }
0xe1: {  	s5 =	sadd.s32 s0, s5  }
0xe2: {  	[smem:$0x7B7] =	sst s5  }
0xe3: {  	s5 =	sld [smem:$0x7B8];
	_ =	sdelay $0x2  }
0xe4: {  	s5 =	sadd.s32 s0, s5  }
0xe5: {  	[smem:$0x7B9] =	sst s5  }
0xe6: {  	s5 =	sld [smem:$0x7BA];
	_ =	sdelay $0x2  }
0xe7: {  	s5 =	sadd.s32 s0, s5  }
0xe8: {  	[smem:$0x7BB] =	sst s5  }
0xe9: {  	s5 =	sld [smem:$0x7BC];
	_ =	sdelay $0x2  }
0xea: {  	s5 =	sadd.s32 s0, s5  }
0xeb: {  	[smem:$0x7BD] =	sst s5  }
0xec: {  	s5 =	sld [smem:$0x7BE];
	_ =	sdelay $0x2  }
0xed: {  	s5 =	sadd.s32 s0, s5  }
0xee: {  	[smem:$0x7BF] =	sst s5  }
0xef: {  	s5 =	sld [smem:$0x7C0];
	_ =	sdelay $0x2  }
0xf0: {  	s5 =	sadd.s32 s0, s5  }
0xf1: {  	[smem:$0x7C1] =	sst s5  }
0xf2: {  	s5 =	sld [smem:$0x7C2];
	_ =	sdelay $0x2  }
0xf3: {  	s5 =	sadd.s32 s0, s5  }
0xf4: {  	[smem:$0x7C3] =	sst s5  }
0xf5: {  	s5 =	sld [smem:$0x7C4];
	_ =	sdelay $0x2  }
0xf6: {  	s5 =	sadd.s32 s0, s5  }
0xf7: {  	[smem:$0x7C5] =	sst s5  }
0xf8: {  	s5 =	sld [smem:$0x7C6];
	_ =	sdelay $0x2  }
0xf9: {  	s5 =	sadd.s32 s0, s5  }
0xfa: {  	[smem:$0x7C7] =	sst s5  }
0xfb: {  	s5 =	sld [smem:$0x7C8];
	_ =	sdelay $0x2  }
0xfc: {  	s5 =	sadd.s32 s0, s5  }
0xfd: {  	[smem:$0x7C9] =	sst s5  }
0xfe: {  	s5 =	sld [smem:$0x7CA];
	_ =	sdelay $0x2  }
0xff: {  	s5 =	sadd.s32 s0, s5  }
0x100: {  	[smem:$0x7CB] =	sst s5  }
0x101: {  	s5 =	sld [smem:$0x7CC];
	_ =	sdelay $0x2  }
0x102: {  	s5 =	sadd.s32 s0, s5  }
0x103: {  	[smem:$0x7CD] =	sst s5  }
0x104: {  	s5 =	sld [smem:$0x7CE];
	_ =	sdelay $0x2  }
0x105: {  	s5 =	sadd.s32 s0, s5  }
0x106: {  	[smem:$0x7CF] =	sst s5  }
0x107: {  	s5 =	sld [smem:$0x7D0];
	_ =	sdelay $0x2  }
0x108: {  	s5 =	sadd.s32 s0, s5  }
0x109: {  	[smem:$0x7D1] =	sst s5  }
0x10a: {  	s5 =	sld [smem:$0x7D2];
	_ =	sdelay $0x2  }
0x10b: {  	s5 =	sadd.s32 s0, s5  }
0x10c: {  	[smem:$0x7D3] =	sst s5  }
0x10d: {  	s5 =	sld [smem:$0x7D4]  }
0x10e: {  	s8 =	sadd.s32 s0, s8  }
0x10f: {  	s9 =	sadd.s32 s0, s9;
	[smem:$0x7E7] =	sst s8  }
0x110: {  	[smem:$0x7E6] =	sst s9;
	s5 =	sadd.s32 s0, s5  }
0x111: {  	[smem:$0x7D5] =	sst s5  }
0x112: {  	s9 =	sadd.s32 s0, s30;
	s5 =	sld [smem:$0x7D6]  }
0x113: {  	s8 =	sadd.s32 s0, s29;
	[smem:$0x7E8] =	sst s9  }
0x114: {  	[smem:$0x7E9] =	sst s8;
	s9 =	sadd.s32 s0, s28  }
0x115: {  	[smem:$0x7EA] =	sst s9;
	s5 =	sadd.s32 s0, s5  }
0x116: {  	[smem:$0x7D7] =	sst s5  }
0x117: {  	s26 =	sadd.s32 s0, s26;
	s5 =	sld [smem:$0x7D8]  }
0x118: {  	s8 =	sadd.s32 s0, s24;
	[smem:$0x7EB] =	sst s26  }
0x119: {  	s22 =	sadd.s32 s0, s22;
	[smem:$0x7EC] =	sst s8  }
0x11a: {  	[smem:$0x7EE] =	sst s22;
	s5 =	sadd.s32 s0, s5  }
0x11b: {  	[smem:$0x7D9] =	sst s5  }
0x11c: {  	s9 =	sadd.s32 s0, s23;
	s5 =	sld [smem:$0x7DA]  }
0x11d: {  	s23 =	sadd.s32 s0, s21;
	[smem:$0x7ED] =	sst s9  }
0x11e: {  	s8 =	sadd.s32 s0, s18;
	[smem:$0x7EF] =	sst s23  }
0x11f: {  	[smem:$0x7F2] =	sst s8;
	s5 =	sadd.s32 s0, s5  }
0x120: {  	[smem:$0x7DB] =	sst s5  }
0x121: {  	s24 =	sadd.s32 s0, s20;
	s5 =	sld [smem:$0x7DC]  }
0x122: {  	s26 =	sadd.s32 s0, s19;
	[smem:$0x7F0] =	sst s24  }
0x123: {  	s9 =	sadd.s32 s0, s17;
	[smem:$0x7F1] =	sst s26  }
0x124: {  	[smem:$0x7F3] =	sst s9;
	s5 =	sadd.s32 s0, s5  }
0x125: {  	[smem:$0x7DD] =	sst s5  }
0x126: {  	s19 =	sadd.s32 s0, s14;
	s5 =	sld [smem:$0x7DE]  }
0x127: {  	s17 =	sadd.s32 s0, s16;
	[smem:$0x7F6] =	sst s19  }
0x128: {  	s25 =	ssub.s32 $0x2, s25;
	s18 =	sadd.s32 s0, s15;
	[smem:$0x7F4] =	sst s17  }
0x129: {  	s29 =	simm.s32 $0x6;
	[smem:$0x7F5] =	sst s18;
	s5 =	sadd.s32 s0, s5  }
0x12a: {  	s30 =	simm.s32 $0xB;
	s28 =	simm.s32 $0xA;
	[smem:$0x7DF] =	sst s5  }
0x12b: {  	s14 =	simm.s32 $0x4080;
	s20 =	sadd.s32 s0, s13;
	s5 =	sld [smem:$0x7E0]  }
0x12c: {  	s15 =	simm.s32 $0x8080;
	[smem:$0x7F7] =	sst s20;
	s21 =	sadd.s32 s0, s11  }
0x12d: {  	s16 =	simm.s32 $0xC080;
	[smem:$0x7F8] =	sst s21;
	s22 =	sadd.s32 s0, s12  }
0x12e: {  	s11 =	sor.u32 $0xFC, s4;
	[smem:$0x7F9] =	sst s22;
	s5 =	sadd.s32 s0, s5  }
0x12f: {  	s19 =	simm.s32 $0x14080;
	s24 =	sshll.u32 s11, $0x9;
	[smem:$0x7E1] =	sst s5  }
0x130: {  	s13 =	simm.s32 $0x80;
	s26 =	sadd.s32 s2, s24;
	s5 =	sld [smem:$0x7E2]  }
0x131: {  	s17 =	simm.s32 $0x10080;
	s31 =	sadd.s32 s2, s7;
	[smem:$0x7FD] =	sst s26  }
0x132: {  	s18 =	simm.s32 $0x1;
	s23 =	sadd.s32 s0, s7;
	[smem:$0x792] =	sst s31  }
0x133: {  	s20 =	simm.s32 $0x2;
	[smem:$0x7FA] =	sst s23;
	s5 =	sadd.s32 s0, s5  }
0x134: {  	s21 =	simm.s32 $0x18080;
	s22 =	simm.s32 $0x3;
	[smem:$0x7E3] =	sst s5  }
0x135: {  	s26 =	simm.s32 $0x5;
	s31 =	sshrl.u32 s25, $0x1;
	s5 =	sld [smem:$0x7E4]  }
0x136: {  	s6 =	sadd.s32 s0, s6;
	s23 =	simm.s32 $0x8;
	s2 =	simm.s32 $0xD  }
0x137: {  	s25 =	ssub.s32 s25, s31;
	[smem:$0x7FB] =	sst s6;
	s31 =	simm.s32 $0x7  }
0x138: {  	s12 =	smax.u32 s25, $0x1;
	s25 =	simm.s32 $0x9;
	s5 =	sadd.s32 s0, s5  }
0x139: {  	s0 =	sadd.s32 s0, s24;
	s24 =	simm.s32 $0x4;
	[smem:$0x7E5] =	sst s5  }
0x13a: {  	[smem:$0x7FC] =	sst s0;
	s0 =	simm.s32 $0xC;
	s5 =	simm.s32 $0xE  }
.LBB2_1:
0x13b: {  	s6 =	rddreg [dreg:$0x5];
	s8 =	simm.s32 $0xF  }
0x13c: {  	[tilespmem:s3], [sflag:$0xF] =	stream.linear.gather [hbm4b:s6+s3], $0x80, $0x38;
	[tilespmem:$0x1C080] =	vst v63  }
0x13d: {  	_ =	swait.ge [sflag:s8], $0x80  }
0x13e: {  	[sflag:s8] =	ssyncset.done $0x0  }
0x13f: {  	[sflag:s8] =	ssyncadd.s32 $0xFFFFFF80  }
0x140: {  	v0 =	vld [tilespmem:$0x0];
	_ =	sdelay $0x4  }
0x141: {  	(v2sf) =	vpush v0, $0x0;
	_ =	sdelay $0xe  }
0x142: {  	s6 =	spop (v2sf)  }
0x143: {  	s7 =	ssub.s32 s4, s6  }
0x144: {  	s9 =	sld [smem:$0x795];
	s8 =	sshll.u32 s7, $0x9  }
0x145: {  	s7 =	sadd.s32 $0x1000, s6;
	s8 =	sand.u32 $0x1FFFFE00, s8  }
0x146: {  	p0 =	sge.s32 s4, s7;
	s8 =	sadd.s32 s1, s8  }
0x147: {  	p1 =	slt.s32 s4, s6;
	s8 =	smov.u32 @p0 s9  }
0x148: {  	s8 =	smov.u32 @p1 s9;
	s9 =	sld [smem:$0x732];
	_ =	sdelay $0x1  }
0x149: {  	[tilespmem:s13], [sflag:$0x1] =	stream.linear.gather [hbm4b:s8+s3], $0x4000, $0x38;
	[tilespmem:$0x1C080] =	vst v63  }
0x14a: {  	s8 =	ssub.s32 s9, s6;
	p0 =	sge.s32 s9, s7  }
0x14b: {  	p1 =	slt.s32 s9, s6;
	s9 =	sld [smem:$0x797];
	s8 =	sshll.u32 s8, $0x9  }
0x14c: {  	s8 =	sand.u32 $0x1FFFFE00, s8  }
0x14d: {  	s8 =	sadd.s32 s1, s8  }
0x14e: {  	s8 =	smov.u32 @p0 s9  }
0x14f: {  	s8 =	smov.u32 @p1 s9;
	s9 =	sld [smem:$0x733];
	_ =	sdelay $0x1  }
0x150: {  	[tilespmem:s14], [sflag:$0x2] =	stream.linear.gather [hbm4b:s8+s3], $0x4000, $0x38;
	[tilespmem:$0x1C080] =	vst v63  }
0x151: {  	s8 =	ssub.s32 s9, s6;
	p0 =	sge.s32 s9, s7  }
0x152: {  	p1 =	slt.s32 s9, s6;
	s9 =	sld [smem:$0x799];
	s8 =	sshll.u32 s8, $0x9  }
0x153: {  	s8 =	sand.u32 $0x1FFFFE00, s8  }
0x154: {  	s8 =	sadd.s32 s1, s8  }
0x155: {  	s8 =	smov.u32 @p0 s9  }
0x156: {  	s8 =	smov.u32 @p1 s9;
	s9 =	sld [smem:$0x734];
	_ =	sdelay $0x1  }
0x157: {  	[tilespmem:s15], [sflag:$0x3] =	stream.linear.gather [hbm4b:s8+s3], $0x4000, $0x38;
	[tilespmem:$0x1C080] =	vst v63  }
0x158: {  	s8 =	ssub.s32 s9, s6;
	p0 =	sge.s32 s9, s7  }
0x159: {  	p1 =	slt.s32 s9, s6;
	s9 =	sld [smem:$0x79B];
	s8 =	sshll.u32 s8, $0x9  }
0x15a: {  	s8 =	sand.u32 $0x1FFFFE00, s8  }
0x15b: {  	s8 =	sadd.s32 s1, s8  }
0x15c: {  	s8 =	smov.u32 @p0 s9  }
0x15d: {  	s8 =	smov.u32 @p1 s9;
	s9 =	sld [smem:$0x735];
	_ =	sdelay $0x1  }
0x15e: {  	[tilespmem:s16], [sflag:$0x4] =	stream.linear.gather [hbm4b:s8+s3], $0x4000, $0x38;
	[tilespmem:$0x1C080] =	vst v63  }
0x15f: {  	s8 =	ssub.s32 s9, s6;
	p0 =	sge.s32 s9, s7  }
0x160: {  	p1 =	slt.s32 s9, s6;
	s9 =	sld [smem:$0x79D];
	s8 =	sshll.u32 s8, $0x9  }
0x161: {  	s8 =	sand.u32 $0x1FFFFE00, s8  }
0x162: {  	s8 =	sadd.s32 s1, s8  }
0x163: {  	s8 =	smov.u32 @p0 s9  }
0x164: {  	s8 =	smov.u32 @p1 s9  }
0x165: {  	[tilespmem:s17], [sflag:$0x5] =	stream.linear.gather [hbm4b:s8+s3], $0x4000, $0x38;
	[tilespmem:$0x1C080] =	vst v63  }
0x166: {  	_ =	swait.ge [sflag:s18], $0x4000  }
0x167: {  	[sflag:s18] =	ssyncset.done $0x0  }
0x168: {  	s9 =	rddreg [dreg:$0x6];
	[sflag:s18] =	ssyncadd.s32 $0xFFFFC000  }
0x169: {  	[hbm4b:s9+s3] =	stream.linear.scatter [tilespmem:s13], [sflag:$0x8], $0x4000, $0x38;
	[tilespmem:$0x1C080] =	vst v63  }
0x16a: {  	s9 =	sld [smem:$0x736];
	_ =	sdelay $0x2  }
0x16b: {  	s8 =	ssub.s32 s9, s6;
	p0 =	sge.s32 s9, s7  }
0x16c: {  	p1 =	slt.s32 s9, s6;
	s9 =	sld [smem:$0x79F];
	s8 =	sshll.u32 s8, $0x9  }
0x16d: {  	s8 =	sand.u32 $0x1FFFFE00, s8  }
0x16e: {  	s8 =	sadd.s32 s1, s8  }
0x16f: {  	s8 =	smov.u32 @p0 s9  }
0x170: {  	s8 =	smov.u32 @p1 s9  }
0x171: {  	[tilespmem:s19], [sflag:$0x6] =	stream.linear.gather [hbm4b:s8+s3], $0x4000, $0x38;
	[tilespmem:$0x1C080] =	vst v63  }
0x172: {  	_ =	swait.ge [sflag:s20], $0x4000  }
0x173: {  	[sflag:s20] =	ssyncset.done $0x0  }
0x174: {  	s9 =	rddreg [dreg:$0x7];
	[sflag:s20] =	ssyncadd.s32 $0xFFFFC000  }
0x175: {  	[hbm4b:s9+s3] =	stream.linear.scatter [tilespmem:s14], [sflag:$0x9], $0x4000, $0x38;
	[tilespmem:$0x1C080] =	vst v63  }
0x176: {  	s9 =	sld [smem:$0x737];
	_ =	sdelay $0x2  }
0x177: {  	s8 =	ssub.s32 s9, s6;
	p0 =	sge.s32 s9, s7  }
0x178: {  	p1 =	slt.s32 s9, s6;
	s9 =	sld [smem:$0x7A1];
	s8 =	sshll.u32 s8, $0x9  }
0x179: {  	s8 =	sand.u32 $0x1FFFFE00, s8  }
0x17a: {  	s8 =	sadd.s32 s1, s8  }
0x17b: {  	s8 =	smov.u32 @p0 s9  }
0x17c: {  	s8 =	smov.u32 @p1 s9  }
0x17d: {  	[tilespmem:s21], [sflag:$0x7] =	stream.linear.gather [hbm4b:s8+s3], $0x4000, $0x38;
	[tilespmem:$0x1C080] =	vst v63  }
0x17e: {  	_ =	swait.ge [sflag:s22], $0x4000  }
0x17f: {  	[sflag:s22] =	ssyncset.done $0x0  }
0x180: {  	s9 =	rddreg [dreg:$0x8];
	[sflag:s22] =	ssyncadd.s32 $0xFFFFC000  }
0x181: {  	[hbm4b:s9+s3] =	stream.linear.scatter [tilespmem:s15], [sflag:$0xA], $0x4000, $0x38;
	[tilespmem:$0x1C080] =	vst v63  }
0x182: {  	s9 =	sld [smem:$0x738];
	_ =	sdelay $0x2  }
0x183: {  	_ =	swait.ge [sflag:s23], $0x4000;
	s8 =	ssub.s32 s9, s6;
	p0 =	sge.s32 s9, s7  }
0x184: {  	p1 =	slt.s32 s9, s6;
	s9 =	sld [smem:$0x7A3];
	s8 =	sshll.u32 s8, $0x9  }
0x185: {  	s8 =	sand.u32 $0x1FFFFE00, s8  }
0x186: {  	s8 =	sadd.s32 s1, s8  }
0x187: {  	[sflag:s23] =	ssyncset.done $0x0;
	s8 =	smov.u32 @p0 s9  }
0x188: {  	[sflag:s23] =	ssyncadd.s32 $0xFFFFC000;
	s8 =	smov.u32 @p1 s9  }
0x189: {  	[tilespmem:s13], [sflag:$0x1] =	stream.linear.gather [hbm4b:s8+s3], $0x4000, $0x38;
	[tilespmem:$0x1C080] =	vst v63  }
0x18a: {  	_ =	swait.ge [sflag:s24], $0x4000  }
0x18b: {  	[sflag:s24] =	ssyncset.done $0x0  }
0x18c: {  	s9 =	rddreg [dreg:$0x9];
	[sflag:s24] =	ssyncadd.s32 $0xFFFFC000  }
0x18d: {  	[hbm4b:s9+s3] =	stream.linear.scatter [tilespmem:s16], [sflag:$0xB], $0x4000, $0x38;
	[tilespmem:$0x1C080] =	vst v63  }
0x18e: {  	s9 =	sld [smem:$0x739];
	_ =	sdelay $0x2  }
0x18f: {  	_ =	swait.ge [sflag:s25], $0x4000;
	s8 =	ssub.s32 s9, s6;
	p0 =	sge.s32 s9, s7  }
0x190: {  	p1 =	slt.s32 s9, s6;
	s9 =	sld [smem:$0x7A5];
	s8 =	sshll.u32 s8, $0x9  }
0x191: {  	s8 =	sand.u32 $0x1FFFFE00, s8  }
0x192: {  	s8 =	sadd.s32 s1, s8  }
0x193: {  	[sflag:s25] =	ssyncset.done $0x0;
	s8 =	smov.u32 @p0 s9  }
0x194: {  	[sflag:s25] =	ssyncadd.s32 $0xFFFFC000;
	s8 =	smov.u32 @p1 s9  }
0x195: {  	[tilespmem:s14], [sflag:$0x2] =	stream.linear.gather [hbm4b:s8+s3], $0x4000, $0x38;
	[tilespmem:$0x1C080] =	vst v63  }
0x196: {  	_ =	swait.ge [sflag:s26], $0x4000  }
0x197: {  	[sflag:s26] =	ssyncset.done $0x0  }
0x198: {  	s9 =	rddreg [dreg:$0xa];
	[sflag:s26] =	ssyncadd.s32 $0xFFFFC000  }
0x199: {  	[hbm4b:s9+s3] =	stream.linear.scatter [tilespmem:s17], [sflag:$0xC], $0x4000, $0x38;
	[tilespmem:$0x1C080] =	vst v63  }
0x19a: {  	s9 =	sld [smem:$0x73A];
	_ =	sdelay $0x2  }
0x19b: {  	_ =	swait.ge [sflag:s28], $0x4000;
	s8 =	ssub.s32 s9, s6;
	p0 =	sge.s32 s9, s7  }
0x19c: {  	p1 =	slt.s32 s9, s6;
	s9 =	sld [smem:$0x7A7];
	s8 =	sshll.u32 s8, $0x9  }
0x19d: {  	s8 =	sand.u32 $0x1FFFFE00, s8  }
0x19e: {  	s8 =	sadd.s32 s1, s8  }
0x19f: {  	[sflag:s28] =	ssyncset.done $0x0;
	s8 =	smov.u32 @p0 s9  }
0x1a0: {  	[sflag:s28] =	ssyncadd.s32 $0xFFFFC000;
	s8 =	smov.u32 @p1 s9  }
0x1a1: {  	[tilespmem:s15], [sflag:$0x3] =	stream.linear.gather [hbm4b:s8+s3], $0x4000, $0x38;
	[tilespmem:$0x1C080] =	vst v63  }
0x1a2: {  	_ =	swait.ge [sflag:s29], $0x4000  }
0x1a3: {  	[sflag:s29] =	ssyncset.done $0x0  }
0x1a4: {  	s9 =	rddreg [dreg:$0xb];
	[sflag:s29] =	ssyncadd.s32 $0xFFFFC000  }
0x1a5: {  	[hbm4b:s9+s3] =	stream.linear.scatter [tilespmem:s19], [sflag:$0xD], $0x4000, $0x38;
	[tilespmem:$0x1C080] =	vst v63  }
0x1a6: {  	s9 =	sld [smem:$0x73B];
	_ =	sdelay $0x2  }
0x1a7: {  	_ =	swait.ge [sflag:s30], $0x4000;
	s8 =	ssub.s32 s9, s6;
	p0 =	sge.s32 s9, s7  }
0x1a8: {  	p1 =	slt.s32 s9, s6;
	s9 =	sld [smem:$0x7A9];
	s8 =	sshll.u32 s8, $0x9  }
0x1a9: {  	s8 =	sand.u32 $0x1FFFFE00, s8  }
0x1aa: {  	s8 =	sadd.s32 s1, s8  }
0x1ab: {  	[sflag:s30] =	ssyncset.done $0x0;
	s8 =	smov.u32 @p0 s9  }
0x1ac: {  	[sflag:s30] =	ssyncadd.s32 $0xFFFFC000;
	s8 =	smov.u32 @p1 s9  }
0x1ad: {  	[tilespmem:s16], [sflag:$0x4] =	stream.linear.gather [hbm4b:s8+s3], $0x4000, $0x38;
	[tilespmem:$0x1C080] =	vst v63  }
0x1ae: {  	_ =	swait.ge [sflag:s31], $0x4000  }
0x1af: {  	[sflag:s31] =	ssyncset.done $0x0  }
0x1b0: {  	s9 =	rddreg [dreg:$0xc];
	[sflag:s31] =	ssyncadd.s32 $0xFFFFC000  }
0x1b1: {  	[hbm4b:s9+s3] =	stream.linear.scatter [tilespmem:s21], [sflag:$0xE], $0x4000, $0x38;
	[tilespmem:$0x1C080] =	vst v63  }
0x1b2: {  	s9 =	sld [smem:$0x73C];
	_ =	sdelay $0x2  }
0x1b3: {  	_ =	swait.ge [sflag:s0], $0x4000;
	s8 =	ssub.s32 s9, s6;
	p0 =	sge.s32 s9, s7  }
0x1b4: {  	p1 =	slt.s32 s9, s6;
	s9 =	sld [smem:$0x7AB];
	s8 =	sshll.u32 s8, $0x9  }
0x1b5: {  	s8 =	sand.u32 $0x1FFFFE00, s8  }
0x1b6: {  	s8 =	sadd.s32 s1, s8  }
0x1b7: {  	[sflag:s0] =	ssyncset.done $0x0;
	s8 =	smov.u32 @p0 s9  }
0x1b8: {  	[sflag:s0] =	ssyncadd.s32 $0xFFFFC000;
	s8 =	smov.u32 @p1 s9  }
0x1b9: {  	[tilespmem:s17], [sflag:$0x5] =	stream.linear.gather [hbm4b:s8+s3], $0x4000, $0x38;
	[tilespmem:$0x1C080] =	vst v63  }
0x1ba: {  	_ =	swait.ge [sflag:s18], $0x4000  }
0x1bb: {  	s9 =	rddreg [dreg:$0xd];
	[sflag:s18] =	ssyncset.done $0x0  }
0x1bc: {  	[sflag:s18] =	ssyncadd.s32 $0xFFFFC000  }
0x1bd: {  	[hbm4b:s9+s3] =	stream.linear.scatter [tilespmem:s13], [sflag:$0x8], $0x4000, $0x38;
	[tilespmem:$0x1C080] =	vst v63  }
0x1be: {  	s9 =	sld [smem:$0x73D];
	_ =	sdelay $0x2  }
0x1bf: {  	_ =	swait.ge [sflag:s2], $0x4000;
	s8 =	ssub.s32 s9, s6;
	p0 =	sge.s32 s9, s7  }
0x1c0: {  	p1 =	slt.s32 s9, s6;
	s9 =	sld [smem:$0x7AD];
	s8 =	sshll.u32 s8, $0x9  }
0x1c1: {  	s8 =	sand.u32 $0x1FFFFE00, s8  }
0x1c2: {  	s8 =	sadd.s32 s1, s8  }
0x1c3: {  	[sflag:s2] =	ssyncset.done $0x0;
	s8 =	smov.u32 @p0 s9  }
0x1c4: {  	[sflag:s2] =	ssyncadd.s32 $0xFFFFC000;
	s8 =	smov.u32 @p1 s9  }
0x1c5: {  	[tilespmem:s19], [sflag:$0x6] =	stream.linear.gather [hbm4b:s8+s3], $0x4000, $0x38;
	[tilespmem:$0x1C080] =	vst v63  }
0x1c6: {  	_ =	swait.ge [sflag:s20], $0x4000  }
0x1c7: {  	[sflag:s20] =	ssyncset.done $0x0  }
0x1c8: {  	s9 =	rddreg [dreg:$0xe];
	[sflag:s20] =	ssyncadd.s32 $0xFFFFC000  }
0x1c9: {  	[hbm4b:s9+s3] =	stream.linear.scatter [tilespmem:s14], [sflag:$0x9], $0x4000, $0x38;
	[tilespmem:$0x1C080] =	vst v63  }
0x1ca: {  	s9 =	sld [smem:$0x73E];
	_ =	sdelay $0x2  }
0x1cb: {  	_ =	swait.ge [sflag:s5], $0x4000;
	s8 =	ssub.s32 s9, s6;
	p0 =	sge.s32 s9, s7  }
0x1cc: {  	p1 =	slt.s32 s9, s6;
	s9 =	sld [smem:$0x7AF];
	s8 =	sshll.u32 s8, $0x9  }
0x1cd: {  	s8 =	sand.u32 $0x1FFFFE00, s8  }
0x1ce: {  	s8 =	sadd.s32 s1, s8  }
0x1cf: {  	[sflag:s5] =	ssyncset.done $0x0;
	s8 =	smov.u32 @p0 s9  }
0x1d0: {  	[sflag:s5] =	ssyncadd.s32 $0xFFFFC000;
	s8 =	smov.u32 @p1 s9  }
0x1d1: {  	[tilespmem:s21], [sflag:$0x7] =	stream.linear.gather [hbm4b:s8+s3], $0x4000, $0x38;
	[tilespmem:$0x1C080] =	vst v63  }
0x1d2: {  	_ =	swait.ge [sflag:s22], $0x4000  }
0x1d3: {  	[sflag:s22] =	ssyncset.done $0x0  }
0x1d4: {  	s9 =	rddreg [dreg:$0xf];
	[sflag:s22] =	ssyncadd.s32 $0xFFFFC000  }
0x1d5: {  	[hbm4b:s9+s3] =	stream.linear.scatter [tilespmem:s15], [sflag:$0xA], $0x4000, $0x38;
	[tilespmem:$0x1C080] =	vst v63  }
0x1d6: {  	s9 =	sld [smem:$0x73F];
	_ =	sdelay $0x2  }
0x1d7: {  	_ =	swait.ge [sflag:s23], $0x4000;
	s8 =	ssub.s32 s9, s6;
	p0 =	sge.s32 s9, s7  }
0x1d8: {  	p1 =	slt.s32 s9, s6;
	s9 =	sld [smem:$0x7B1];
	s8 =	sshll.u32 s8, $0x9  }
0x1d9: {  	s8 =	sand.u32 $0x1FFFFE00, s8  }
0x1da: {  	s8 =	sadd.s32 s1, s8  }
0x1db: {  	[sflag:s23] =	ssyncset.done $0x0;
	s8 =	smov.u32 @p0 s9  }
0x1dc: {  	[sflag:s23] =	ssyncadd.s32 $0xFFFFC000;
	s8 =	smov.u32 @p1 s9  }
0x1dd: {  	[tilespmem:s13], [sflag:$0x1] =	stream.linear.gather [hbm4b:s8+s3], $0x4000, $0x38;
	[tilespmem:$0x1C080] =	vst v63  }
0x1de: {  	_ =	swait.ge [sflag:s24], $0x4000  }
0x1df: {  	[sflag:s24] =	ssyncset.done $0x0  }
0x1e0: {  	s9 =	rddreg [dreg:$0x10];
	[sflag:s24] =	ssyncadd.s32 $0xFFFFC000  }
0x1e1: {  	[hbm4b:s9+s3] =	stream.linear.scatter [tilespmem:s16], [sflag:$0xB], $0x4000, $0x38;
	[tilespmem:$0x1C080] =	vst v63  }
0x1e2: {  	s9 =	sld [smem:$0x740];
	_ =	sdelay $0x2  }
0x1e3: {  	_ =	swait.ge [sflag:s25], $0x4000;
	s8 =	ssub.s32 s9, s6;
	p0 =	sge.s32 s9, s7  }
0x1e4: {  	p1 =	slt.s32 s9, s6;
	s9 =	sld [smem:$0x7B3];
	s8 =	sshll.u32 s8, $0x9  }
0x1e5: {  	s8 =	sand.u32 $0x1FFFFE00, s8  }
0x1e6: {  	s8 =	sadd.s32 s1, s8  }
0x1e7: {  	[sflag:s25] =	ssyncset.done $0x0;
	s8 =	smov.u32 @p0 s9  }
0x1e8: {  	[sflag:s25] =	ssyncadd.s32 $0xFFFFC000;
	s8 =	smov.u32 @p1 s9  }
0x1e9: {  	[tilespmem:s14], [sflag:$0x2] =	stream.linear.gather [hbm4b:s8+s3], $0x4000, $0x38;
	[tilespmem:$0x1C080] =	vst v63  }
0x1ea: {  	_ =	swait.ge [sflag:s26], $0x4000  }
0x1eb: {  	[sflag:s26] =	ssyncset.done $0x0  }
0x1ec: {  	s9 =	rddreg [dreg:$0x11];
	[sflag:s26] =	ssyncadd.s32 $0xFFFFC000  }
0x1ed: {  	[hbm4b:s9+s3] =	stream.linear.scatter [tilespmem:s17], [sflag:$0xC], $0x4000, $0x38;
	[tilespmem:$0x1C080] =	vst v63  }
0x1ee: {  	s9 =	sld [smem:$0x741];
	_ =	sdelay $0x2  }
0x1ef: {  	_ =	swait.ge [sflag:s28], $0x4000;
	s8 =	ssub.s32 s9, s6;
	p0 =	sge.s32 s9, s7  }
0x1f0: {  	p1 =	slt.s32 s9, s6;
	s9 =	sld [smem:$0x7B5];
	s8 =	sshll.u32 s8, $0x9  }
0x1f1: {  	s8 =	sand.u32 $0x1FFFFE00, s8  }
0x1f2: {  	s8 =	sadd.s32 s1, s8  }
0x1f3: {  	[sflag:s28] =	ssyncset.done $0x0;
	s8 =	smov.u32 @p0 s9  }
0x1f4: {  	[sflag:s28] =	ssyncadd.s32 $0xFFFFC000;
	s8 =	smov.u32 @p1 s9  }
0x1f5: {  	[tilespmem:s15], [sflag:$0x3] =	stream.linear.gather [hbm4b:s8+s3], $0x4000, $0x38;
	[tilespmem:$0x1C080] =	vst v63  }
0x1f6: {  	_ =	swait.ge [sflag:s29], $0x4000  }
0x1f7: {  	[sflag:s29] =	ssyncset.done $0x0  }
0x1f8: {  	s9 =	rddreg [dreg:$0x12];
	[sflag:s29] =	ssyncadd.s32 $0xFFFFC000  }
0x1f9: {  	[hbm4b:s9+s3] =	stream.linear.scatter [tilespmem:s19], [sflag:$0xD], $0x4000, $0x38;
	[tilespmem:$0x1C080] =	vst v63  }
0x1fa: {  	s9 =	sld [smem:$0x742];
	_ =	sdelay $0x2  }
0x1fb: {  	_ =	swait.ge [sflag:s30], $0x4000;
	s8 =	ssub.s32 s9, s6;
	p0 =	sge.s32 s9, s7  }
0x1fc: {  	p1 =	slt.s32 s9, s6;
	s9 =	sld [smem:$0x7B7];
	s8 =	sshll.u32 s8, $0x9  }
0x1fd: {  	s8 =	sand.u32 $0x1FFFFE00, s8  }
0x1fe: {  	s8 =	sadd.s32 s1, s8  }
0x1ff: {  	[sflag:s30] =	ssyncset.done $0x0;
	s8 =	smov.u32 @p0 s9  }
0x200: {  	[sflag:s30] =	ssyncadd.s32 $0xFFFFC000;
	s8 =	smov.u32 @p1 s9  }
0x201: {  	[tilespmem:s16], [sflag:$0x4] =	stream.linear.gather [hbm4b:s8+s3], $0x4000, $0x38;
	[tilespmem:$0x1C080] =	vst v63  }
0x202: {  	_ =	swait.ge [sflag:s31], $0x4000  }
0x203: {  	[sflag:s31] =	ssyncset.done $0x0  }
0x204: {  	s9 =	rddreg [dreg:$0x13];
	[sflag:s31] =	ssyncadd.s32 $0xFFFFC000  }
0x205: {  	[hbm4b:s9+s3] =	stream.linear.scatter [tilespmem:s21], [sflag:$0xE], $0x4000, $0x38;
	[tilespmem:$0x1C080] =	vst v63  }
0x206: {  	s9 =	sld [smem:$0x743];
	_ =	sdelay $0x2  }
0x207: {  	_ =	swait.ge [sflag:s0], $0x4000;
	s8 =	ssub.s32 s9, s6;
	p0 =	sge.s32 s9, s7  }
0x208: {  	p1 =	slt.s32 s9, s6;
	s9 =	sld [smem:$0x7B9];
	s8 =	sshll.u32 s8, $0x9  }
0x209: {  	s8 =	sand.u32 $0x1FFFFE00, s8  }
0x20a: {  	s8 =	sadd.s32 s1, s8  }
0x20b: {  	[sflag:s0] =	ssyncset.done $0x0;
	s8 =	smov.u32 @p0 s9  }
0x20c: {  	[sflag:s0] =	ssyncadd.s32 $0xFFFFC000;
	s8 =	smov.u32 @p1 s9  }
0x20d: {  	[tilespmem:s17], [sflag:$0x5] =	stream.linear.gather [hbm4b:s8+s3], $0x4000, $0x38;
	[tilespmem:$0x1C080] =	vst v63  }
0x20e: {  	_ =	swait.ge [sflag:s18], $0x4000  }
0x20f: {  	[sflag:s18] =	ssyncset.done $0x0  }
0x210: {  	s9 =	rddreg [dreg:$0x14];
	[sflag:s18] =	ssyncadd.s32 $0xFFFFC000  }
0x211: {  	[hbm4b:s9+s3] =	stream.linear.scatter [tilespmem:s13], [sflag:$0x8], $0x4000, $0x38;
	[tilespmem:$0x1C080] =	vst v63  }
0x212: {  	s9 =	sld [smem:$0x744];
	_ =	sdelay $0x2  }
0x213: {  	_ =	swait.ge [sflag:s2], $0x4000;
	s8 =	ssub.s32 s9, s6;
	p0 =	sge.s32 s9, s7  }
0x214: {  	p1 =	slt.s32 s9, s6;
	s9 =	sld [smem:$0x7BB];
	s8 =	sshll.u32 s8, $0x9  }
0x215: {  	s8 =	sand.u32 $0x1FFFFE00, s8  }
0x216: {  	s8 =	sadd.s32 s1, s8  }
0x217: {  	[sflag:s2] =	ssyncset.done $0x0;
	s8 =	smov.u32 @p0 s9  }
0x218: {  	[sflag:s2] =	ssyncadd.s32 $0xFFFFC000;
	s8 =	smov.u32 @p1 s9  }
0x219: {  	[tilespmem:s19], [sflag:$0x6] =	stream.linear.gather [hbm4b:s8+s3], $0x4000, $0x38;
	[tilespmem:$0x1C080] =	vst v63  }
0x21a: {  	_ =	swait.ge [sflag:s20], $0x4000  }
0x21b: {  	[sflag:s20] =	ssyncset.done $0x0  }
0x21c: {  	s9 =	rddreg [dreg:$0x15];
	[sflag:s20] =	ssyncadd.s32 $0xFFFFC000  }
0x21d: {  	[hbm4b:s9+s3] =	stream.linear.scatter [tilespmem:s14], [sflag:$0x9], $0x4000, $0x38;
	[tilespmem:$0x1C080] =	vst v63  }
0x21e: {  	s9 =	sld [smem:$0x745];
	_ =	sdelay $0x2  }
0x21f: {  	_ =	swait.ge [sflag:s5], $0x4000;
	s8 =	ssub.s32 s9, s6;
	p0 =	sge.s32 s9, s7  }
0x220: {  	p1 =	slt.s32 s9, s6;
	s9 =	sld [smem:$0x7BD];
	s8 =	sshll.u32 s8, $0x9  }
0x221: {  	s8 =	sand.u32 $0x1FFFFE00, s8  }
0x222: {  	s8 =	sadd.s32 s1, s8  }
0x223: {  	[sflag:s5] =	ssyncset.done $0x0;
	s8 =	smov.u32 @p0 s9  }
0x224: {  	[sflag:s5] =	ssyncadd.s32 $0xFFFFC000;
	s8 =	smov.u32 @p1 s9  }
0x225: {  	[tilespmem:s21], [sflag:$0x7] =	stream.linear.gather [hbm4b:s8+s3], $0x4000, $0x38;
	[tilespmem:$0x1C080] =	vst v63  }
0x226: {  	_ =	swait.ge [sflag:s22], $0x4000  }
0x227: {  	[sflag:s22] =	ssyncset.done $0x0  }
0x228: {  	s9 =	rddreg [dreg:$0x16];
	[sflag:s22] =	ssyncadd.s32 $0xFFFFC000  }
0x229: {  	[hbm4b:s9+s3] =	stream.linear.scatter [tilespmem:s15], [sflag:$0xA], $0x4000, $0x38;
	[tilespmem:$0x1C080] =	vst v63  }
0x22a: {  	s9 =	sld [smem:$0x746];
	_ =	sdelay $0x2  }
0x22b: {  	_ =	swait.ge [sflag:s23], $0x4000;
	s8 =	ssub.s32 s9, s6;
	p0 =	sge.s32 s9, s7  }
0x22c: {  	p1 =	slt.s32 s9, s6;
	s9 =	sld [smem:$0x7BF];
	s8 =	sshll.u32 s8, $0x9  }
0x22d: {  	s8 =	sand.u32 $0x1FFFFE00, s8  }
0x22e: {  	s8 =	sadd.s32 s1, s8  }
0x22f: {  	[sflag:s23] =	ssyncset.done $0x0;
	s8 =	smov.u32 @p0 s9  }
0x230: {  	[sflag:s23] =	ssyncadd.s32 $0xFFFFC000;
	s8 =	smov.u32 @p1 s9  }
0x231: {  	[tilespmem:s13], [sflag:$0x1] =	stream.linear.gather [hbm4b:s8+s3], $0x4000, $0x38;
	[tilespmem:$0x1C080] =	vst v63  }
0x232: {  	_ =	swait.ge [sflag:s24], $0x4000  }
0x233: {  	[sflag:s24] =	ssyncset.done $0x0  }
0x234: {  	s9 =	rddreg [dreg:$0x17];
	[sflag:s24] =	ssyncadd.s32 $0xFFFFC000  }
0x235: {  	[hbm4b:s9+s3] =	stream.linear.scatter [tilespmem:s16], [sflag:$0xB], $0x4000, $0x38;
	[tilespmem:$0x1C080] =	vst v63  }
0x236: {  	s9 =	sld [smem:$0x747];
	_ =	sdelay $0x2  }
0x237: {  	_ =	swait.ge [sflag:s25], $0x4000;
	s8 =	ssub.s32 s9, s6;
	p0 =	sge.s32 s9, s7  }
0x238: {  	p1 =	slt.s32 s9, s6;
	s9 =	sld [smem:$0x7C1];
	s8 =	sshll.u32 s8, $0x9  }
0x239: {  	s8 =	sand.u32 $0x1FFFFE00, s8  }
0x23a: {  	s8 =	sadd.s32 s1, s8  }
0x23b: {  	[sflag:s25] =	ssyncset.done $0x0;
	s8 =	smov.u32 @p0 s9  }
0x23c: {  	[sflag:s25] =	ssyncadd.s32 $0xFFFFC000;
	s8 =	smov.u32 @p1 s9  }
0x23d: {  	[tilespmem:s14], [sflag:$0x2] =	stream.linear.gather [hbm4b:s8+s3], $0x4000, $0x38;
	[tilespmem:$0x1C080] =	vst v63  }
0x23e: {  	_ =	swait.ge [sflag:s26], $0x4000  }
0x23f: {  	[sflag:s26] =	ssyncset.done $0x0  }
0x240: {  	s9 =	rddreg [dreg:$0x18];
	[sflag:s26] =	ssyncadd.s32 $0xFFFFC000  }
0x241: {  	[hbm4b:s9+s3] =	stream.linear.scatter [tilespmem:s17], [sflag:$0xC], $0x4000, $0x38;
	[tilespmem:$0x1C080] =	vst v63  }
0x242: {  	s9 =	sld [smem:$0x748];
	_ =	sdelay $0x2  }
0x243: {  	_ =	swait.ge [sflag:s28], $0x4000;
	s8 =	ssub.s32 s9, s6;
	p0 =	sge.s32 s9, s7  }
0x244: {  	p1 =	slt.s32 s9, s6;
	s9 =	sld [smem:$0x7C3];
	s8 =	sshll.u32 s8, $0x9  }
0x245: {  	s8 =	sand.u32 $0x1FFFFE00, s8  }
0x246: {  	s8 =	sadd.s32 s1, s8  }
0x247: {  	[sflag:s28] =	ssyncset.done $0x0;
	s8 =	smov.u32 @p0 s9  }
0x248: {  	[sflag:s28] =	ssyncadd.s32 $0xFFFFC000;
	s8 =	smov.u32 @p1 s9  }
0x249: {  	[tilespmem:s15], [sflag:$0x3] =	stream.linear.gather [hbm4b:s8+s3], $0x4000, $0x38;
	[tilespmem:$0x1C080] =	vst v63  }
0x24a: {  	_ =	swait.ge [sflag:s29], $0x4000  }
0x24b: {  	[sflag:s29] =	ssyncset.done $0x0  }
0x24c: {  	s9 =	rddreg [dreg:$0x19];
	[sflag:s29] =	ssyncadd.s32 $0xFFFFC000  }
0x24d: {  	[hbm4b:s9+s3] =	stream.linear.scatter [tilespmem:s19], [sflag:$0xD], $0x4000, $0x38;
	[tilespmem:$0x1C080] =	vst v63  }
0x24e: {  	s9 =	sld [smem:$0x749];
	_ =	sdelay $0x2  }
0x24f: {  	_ =	swait.ge [sflag:s30], $0x4000;
	s8 =	ssub.s32 s9, s6;
	p0 =	sge.s32 s9, s7  }
0x250: {  	p1 =	slt.s32 s9, s6;
	s9 =	sld [smem:$0x7C5];
	s8 =	sshll.u32 s8, $0x9  }
0x251: {  	s8 =	sand.u32 $0x1FFFFE00, s8  }
0x252: {  	s8 =	sadd.s32 s1, s8  }
0x253: {  	[sflag:s30] =	ssyncset.done $0x0;
	s8 =	smov.u32 @p0 s9  }
0x254: {  	[sflag:s30] =	ssyncadd.s32 $0xFFFFC000;
	s8 =	smov.u32 @p1 s9  }
0x255: {  	[tilespmem:s16], [sflag:$0x4] =	stream.linear.gather [hbm4b:s8+s3], $0x4000, $0x38;
	[tilespmem:$0x1C080] =	vst v63  }
0x256: {  	_ =	swait.ge [sflag:s31], $0x4000  }
0x257: {  	[sflag:s31] =	ssyncset.done $0x0  }
0x258: {  	s9 =	rddreg [dreg:$0x1a];
	[sflag:s31] =	ssyncadd.s32 $0xFFFFC000  }
0x259: {  	[hbm4b:s9+s3] =	stream.linear.scatter [tilespmem:s21], [sflag:$0xE], $0x4000, $0x38;
	[tilespmem:$0x1C080] =	vst v63  }
0x25a: {  	s9 =	sld [smem:$0x74A];
	_ =	sdelay $0x2  }
0x25b: {  	_ =	swait.ge [sflag:s0], $0x4000;
	s8 =	ssub.s32 s9, s6;
	p0 =	sge.s32 s9, s7  }
0x25c: {  	p1 =	slt.s32 s9, s6;
	s9 =	sld [smem:$0x7C7];
	s8 =	sshll.u32 s8, $0x9  }
0x25d: {  	s8 =	sand.u32 $0x1FFFFE00, s8  }
0x25e: {  	s8 =	sadd.s32 s1, s8  }
0x25f: {  	[sflag:s0] =	ssyncset.done $0x0;
	s8 =	smov.u32 @p0 s9  }
0x260: {  	[sflag:s0] =	ssyncadd.s32 $0xFFFFC000;
	s8 =	smov.u32 @p1 s9  }
0x261: {  	[tilespmem:s17], [sflag:$0x5] =	stream.linear.gather [hbm4b:s8+s3], $0x4000, $0x38;
	[tilespmem:$0x1C080] =	vst v63  }
0x262: {  	_ =	swait.ge [sflag:s18], $0x4000  }
0x263: {  	[sflag:s18] =	ssyncset.done $0x0  }
0x264: {  	s9 =	rddreg [dreg:$0x1b];
	[sflag:s18] =	ssyncadd.s32 $0xFFFFC000  }
0x265: {  	[hbm4b:s9+s3] =	stream.linear.scatter [tilespmem:s13], [sflag:$0x8], $0x4000, $0x38;
	[tilespmem:$0x1C080] =	vst v63  }
0x266: {  	s9 =	sld [smem:$0x74B];
	_ =	sdelay $0x2  }
0x267: {  	_ =	swait.ge [sflag:s2], $0x4000;
	s8 =	ssub.s32 s9, s6;
	p0 =	sge.s32 s9, s7  }
0x268: {  	p1 =	slt.s32 s9, s6;
	s9 =	sld [smem:$0x7C9];
	s8 =	sshll.u32 s8, $0x9  }
0x269: {  	s8 =	sand.u32 $0x1FFFFE00, s8  }
0x26a: {  	s8 =	sadd.s32 s1, s8  }
0x26b: {  	[sflag:s2] =	ssyncset.done $0x0;
	s8 =	smov.u32 @p0 s9  }
0x26c: {  	[sflag:s2] =	ssyncadd.s32 $0xFFFFC000;
	s8 =	smov.u32 @p1 s9  }
0x26d: {  	[tilespmem:s19], [sflag:$0x6] =	stream.linear.gather [hbm4b:s8+s3], $0x4000, $0x38;
	[tilespmem:$0x1C080] =	vst v63  }
0x26e: {  	_ =	swait.ge [sflag:s20], $0x4000  }
0x26f: {  	[sflag:s20] =	ssyncset.done $0x0  }
0x270: {  	s9 =	rddreg [dreg:$0x1c];
	[sflag:s20] =	ssyncadd.s32 $0xFFFFC000  }
0x271: {  	[hbm4b:s9+s3] =	stream.linear.scatter [tilespmem:s14], [sflag:$0x9], $0x4000, $0x38;
	[tilespmem:$0x1C080] =	vst v63  }
0x272: {  	s9 =	sld [smem:$0x74C];
	_ =	sdelay $0x2  }
0x273: {  	_ =	swait.ge [sflag:s5], $0x4000;
	s8 =	ssub.s32 s9, s6;
	p0 =	sge.s32 s9, s7  }
0x274: {  	p1 =	slt.s32 s9, s6;
	s9 =	sld [smem:$0x7CB];
	s8 =	sshll.u32 s8, $0x9  }
0x275: {  	s8 =	sand.u32 $0x1FFFFE00, s8  }
0x276: {  	s8 =	sadd.s32 s1, s8  }
0x277: {  	[sflag:s5] =	ssyncset.done $0x0;
	s8 =	smov.u32 @p0 s9  }
0x278: {  	[sflag:s5] =	ssyncadd.s32 $0xFFFFC000;
	s8 =	smov.u32 @p1 s9  }
0x279: {  	[tilespmem:s21], [sflag:$0x7] =	stream.linear.gather [hbm4b:s8+s3], $0x4000, $0x38;
	[tilespmem:$0x1C080] =	vst v63  }
0x27a: {  	_ =	swait.ge [sflag:s22], $0x4000  }
0x27b: {  	[sflag:s22] =	ssyncset.done $0x0  }
0x27c: {  	s9 =	rddreg [dreg:$0x1d];
	[sflag:s22] =	ssyncadd.s32 $0xFFFFC000  }
0x27d: {  	[hbm4b:s9+s3] =	stream.linear.scatter [tilespmem:s15], [sflag:$0xA], $0x4000, $0x38;
	[tilespmem:$0x1C080] =	vst v63  }
0x27e: {  	s9 =	sld [smem:$0x74F];
	_ =	sdelay $0x2  }
0x27f: {  	_ =	swait.ge [sflag:s23], $0x4000;
	s8 =	ssub.s32 s9, s6;
	p0 =	sge.s32 s9, s7  }
0x280: {  	p1 =	slt.s32 s9, s6;
	s9 =	sld [smem:$0x7CD];
	s8 =	sshll.u32 s8, $0x9  }
0x281: {  	s8 =	sand.u32 $0x1FFFFE00, s8  }
0x282: {  	s8 =	sadd.s32 s1, s8  }
0x283: {  	[sflag:s23] =	ssyncset.done $0x0;
	s8 =	smov.u32 @p0 s9  }
0x284: {  	[sflag:s23] =	ssyncadd.s32 $0xFFFFC000;
	s8 =	smov.u32 @p1 s9  }
0x285: {  	[tilespmem:s13], [sflag:$0x1] =	stream.linear.gather [hbm4b:s8+s3], $0x4000, $0x38;
	[tilespmem:$0x1C080] =	vst v63  }
0x286: {  	_ =	swait.ge [sflag:s24], $0x4000  }
0x287: {  	[sflag:s24] =	ssyncset.done $0x0  }
0x288: {  	s9 =	rddreg [dreg:$0x1e];
	[sflag:s24] =	ssyncadd.s32 $0xFFFFC000  }
0x289: {  	[hbm4b:s9+s3] =	stream.linear.scatter [tilespmem:s16], [sflag:$0xB], $0x4000, $0x38;
	[tilespmem:$0x1C080] =	vst v63  }
0x28a: {  	s9 =	sld [smem:$0x750];
	_ =	sdelay $0x2  }
0x28b: {  	_ =	swait.ge [sflag:s25], $0x4000;
	s8 =	ssub.s32 s9, s6;
	p0 =	sge.s32 s9, s7  }
0x28c: {  	p1 =	slt.s32 s9, s6;
	s9 =	sld [smem:$0x7CF];
	s8 =	sshll.u32 s8, $0x9  }
0x28d: {  	s8 =	sand.u32 $0x1FFFFE00, s8  }
0x28e: {  	s8 =	sadd.s32 s1, s8  }
0x28f: {  	[sflag:s25] =	ssyncset.done $0x0;
	s8 =	smov.u32 @p0 s9  }
0x290: {  	[sflag:s25] =	ssyncadd.s32 $0xFFFFC000;
	s8 =	smov.u32 @p1 s9  }
0x291: {  	[tilespmem:s14], [sflag:$0x2] =	stream.linear.gather [hbm4b:s8+s3], $0x4000, $0x38;
	[tilespmem:$0x1C080] =	vst v63  }
0x292: {  	_ =	swait.ge [sflag:s26], $0x4000  }
0x293: {  	[sflag:s26] =	ssyncset.done $0x0  }
0x294: {  	s9 =	rddreg [dreg:$0x1f];
	[sflag:s26] =	ssyncadd.s32 $0xFFFFC000  }
0x295: {  	[hbm4b:s9+s3] =	stream.linear.scatter [tilespmem:s17], [sflag:$0xC], $0x4000, $0x38;
	[tilespmem:$0x1C080] =	vst v63  }
0x296: {  	s9 =	sld [smem:$0x752];
	_ =	sdelay $0x2  }
0x297: {  	_ =	swait.ge [sflag:s28], $0x4000;
	s8 =	ssub.s32 s9, s6;
	p0 =	sge.s32 s9, s7  }
0x298: {  	p1 =	slt.s32 s9, s6;
	s9 =	sld [smem:$0x7D1];
	s8 =	sshll.u32 s8, $0x9  }
0x299: {  	s8 =	sand.u32 $0x1FFFFE00, s8  }
0x29a: {  	s8 =	sadd.s32 s1, s8  }
0x29b: {  	[sflag:s28] =	ssyncset.done $0x0;
	s8 =	smov.u32 @p0 s9  }
0x29c: {  	[sflag:s28] =	ssyncadd.s32 $0xFFFFC000;
	s8 =	smov.u32 @p1 s9  }
0x29d: {  	[tilespmem:s15], [sflag:$0x3] =	stream.linear.gather [hbm4b:s8+s3], $0x4000, $0x38;
	[tilespmem:$0x1C080] =	vst v63  }
0x29e: {  	_ =	swait.ge [sflag:s29], $0x4000  }
0x29f: {  	s9 =	sld [smem:$0x74D]  }
0x2a0: {  	[sflag:s29] =	ssyncset.done $0x0  }
0x2a1: {  	[sflag:s29] =	ssyncadd.s32 $0xFFFFC000  }
0x2a2: {  	[hbm4b:s9+s3] =	stream.linear.scatter [tilespmem:s19], [sflag:$0xD], $0x4000, $0x38;
	[tilespmem:$0x1C080] =	vst v63  }
0x2a3: {  	s9 =	sld [smem:$0x755];
	_ =	sdelay $0x2  }
0x2a4: {  	_ =	swait.ge [sflag:s30], $0x4000;
	s8 =	ssub.s32 s9, s6;
	p0 =	sge.s32 s9, s7  }
0x2a5: {  	p1 =	slt.s32 s9, s6;
	s9 =	sld [smem:$0x7D3];
	s8 =	sshll.u32 s8, $0x9  }
0x2a6: {  	s8 =	sand.u32 $0x1FFFFE00, s8  }
0x2a7: {  	s8 =	sadd.s32 s1, s8  }
0x2a8: {  	[sflag:s30] =	ssyncset.done $0x0;
	s8 =	smov.u32 @p0 s9  }
0x2a9: {  	[sflag:s30] =	ssyncadd.s32 $0xFFFFC000;
	s8 =	smov.u32 @p1 s9  }
0x2aa: {  	[tilespmem:s16], [sflag:$0x4] =	stream.linear.gather [hbm4b:s8+s3], $0x4000, $0x38;
	[tilespmem:$0x1C080] =	vst v63  }
0x2ab: {  	_ =	swait.ge [sflag:s31], $0x4000  }
0x2ac: {  	s9 =	sld [smem:$0x74E]  }
0x2ad: {  	[sflag:s31] =	ssyncset.done $0x0  }
0x2ae: {  	[sflag:s31] =	ssyncadd.s32 $0xFFFFC000  }
0x2af: {  	[hbm4b:s9+s3] =	stream.linear.scatter [tilespmem:s21], [sflag:$0xE], $0x4000, $0x38;
	[tilespmem:$0x1C080] =	vst v63  }
0x2b0: {  	s9 =	sld [smem:$0x756];
	_ =	sdelay $0x2  }
0x2b1: {  	_ =	swait.ge [sflag:s0], $0x4000;
	s8 =	ssub.s32 s9, s6;
	p0 =	sge.s32 s9, s7  }
0x2b2: {  	p1 =	slt.s32 s9, s6;
	s9 =	sld [smem:$0x7D5];
	s8 =	sshll.u32 s8, $0x9  }
0x2b3: {  	s8 =	sand.u32 $0x1FFFFE00, s8  }
0x2b4: {  	s8 =	sadd.s32 s1, s8  }
0x2b5: {  	[sflag:s0] =	ssyncset.done $0x0;
	s8 =	smov.u32 @p0 s9  }
0x2b6: {  	[sflag:s0] =	ssyncadd.s32 $0xFFFFC000;
	s8 =	smov.u32 @p1 s9  }
0x2b7: {  	[tilespmem:s17], [sflag:$0x5] =	stream.linear.gather [hbm4b:s8+s3], $0x4000, $0x38;
	[tilespmem:$0x1C080] =	vst v63  }
0x2b8: {  	_ =	swait.ge [sflag:s18], $0x4000  }
0x2b9: {  	s9 =	sld [smem:$0x751]  }
0x2ba: {  	[sflag:s18] =	ssyncset.done $0x0  }
0x2bb: {  	[sflag:s18] =	ssyncadd.s32 $0xFFFFC000  }
0x2bc: {  	[hbm4b:s9+s3] =	stream.linear.scatter [tilespmem:s13], [sflag:$0x8], $0x4000, $0x38;
	[tilespmem:$0x1C080] =	vst v63  }
0x2bd: {  	s9 =	sld [smem:$0x758];
	_ =	sdelay $0x2  }
0x2be: {  	_ =	swait.ge [sflag:s2], $0x4000;
	s8 =	ssub.s32 s9, s6;
	p0 =	sge.s32 s9, s7  }
0x2bf: {  	p1 =	slt.s32 s9, s6;
	s9 =	sld [smem:$0x7D7];
	s8 =	sshll.u32 s8, $0x9  }
0x2c0: {  	s8 =	sand.u32 $0x1FFFFE00, s8  }
0x2c1: {  	s8 =	sadd.s32 s1, s8  }
0x2c2: {  	[sflag:s2] =	ssyncset.done $0x0;
	s8 =	smov.u32 @p0 s9  }
0x2c3: {  	[sflag:s2] =	ssyncadd.s32 $0xFFFFC000;
	s8 =	smov.u32 @p1 s9  }
0x2c4: {  	[tilespmem:s19], [sflag:$0x6] =	stream.linear.gather [hbm4b:s8+s3], $0x4000, $0x38;
	[tilespmem:$0x1C080] =	vst v63  }
0x2c5: {  	_ =	swait.ge [sflag:s20], $0x4000  }
0x2c6: {  	s9 =	sld [smem:$0x753]  }
0x2c7: {  	[sflag:s20] =	ssyncset.done $0x0  }
0x2c8: {  	[sflag:s20] =	ssyncadd.s32 $0xFFFFC000  }
0x2c9: {  	[hbm4b:s9+s3] =	stream.linear.scatter [tilespmem:s14], [sflag:$0x9], $0x4000, $0x38;
	[tilespmem:$0x1C080] =	vst v63  }
0x2ca: {  	s9 =	sld [smem:$0x75B];
	_ =	sdelay $0x2  }
0x2cb: {  	_ =	swait.ge [sflag:s5], $0x4000;
	s8 =	ssub.s32 s9, s6;
	p0 =	sge.s32 s9, s7  }
0x2cc: {  	p1 =	slt.s32 s9, s6;
	s9 =	sld [smem:$0x7D9];
	s8 =	sshll.u32 s8, $0x9  }
0x2cd: {  	s8 =	sand.u32 $0x1FFFFE00, s8  }
0x2ce: {  	s8 =	sadd.s32 s1, s8  }
0x2cf: {  	[sflag:s5] =	ssyncset.done $0x0;
	s8 =	smov.u32 @p0 s9  }
0x2d0: {  	[sflag:s5] =	ssyncadd.s32 $0xFFFFC000;
	s8 =	smov.u32 @p1 s9  }
0x2d1: {  	[tilespmem:s21], [sflag:$0x7] =	stream.linear.gather [hbm4b:s8+s3], $0x4000, $0x38;
	[tilespmem:$0x1C080] =	vst v63  }
0x2d2: {  	_ =	swait.ge [sflag:s22], $0x4000  }
0x2d3: {  	s9 =	sld [smem:$0x754]  }
0x2d4: {  	[sflag:s22] =	ssyncset.done $0x0  }
0x2d5: {  	[sflag:s22] =	ssyncadd.s32 $0xFFFFC000  }
0x2d6: {  	[hbm4b:s9+s3] =	stream.linear.scatter [tilespmem:s15], [sflag:$0xA], $0x4000, $0x38;
	[tilespmem:$0x1C080] =	vst v63  }
0x2d7: {  	s9 =	sld [smem:$0x75C];
	_ =	sdelay $0x2  }
0x2d8: {  	_ =	swait.ge [sflag:s23], $0x4000;
	s8 =	ssub.s32 s9, s6;
	p0 =	sge.s32 s9, s7  }
0x2d9: {  	p1 =	slt.s32 s9, s6;
	s9 =	sld [smem:$0x7DB];
	s8 =	sshll.u32 s8, $0x9  }
0x2da: {  	s8 =	sand.u32 $0x1FFFFE00, s8  }
0x2db: {  	s8 =	sadd.s32 s1, s8  }
0x2dc: {  	[sflag:s23] =	ssyncset.done $0x0;
	s8 =	smov.u32 @p0 s9  }
0x2dd: {  	[sflag:s23] =	ssyncadd.s32 $0xFFFFC000;
	s8 =	smov.u32 @p1 s9  }
0x2de: {  	[tilespmem:s13], [sflag:$0x1] =	stream.linear.gather [hbm4b:s8+s3], $0x4000, $0x38;
	[tilespmem:$0x1C080] =	vst v63  }
0x2df: {  	_ =	swait.ge [sflag:s24], $0x4000  }
0x2e0: {  	s9 =	sld [smem:$0x757]  }
0x2e1: {  	[sflag:s24] =	ssyncset.done $0x0  }
0x2e2: {  	[sflag:s24] =	ssyncadd.s32 $0xFFFFC000  }
0x2e3: {  	[hbm4b:s9+s3] =	stream.linear.scatter [tilespmem:s16], [sflag:$0xB], $0x4000, $0x38;
	[tilespmem:$0x1C080] =	vst v63  }
0x2e4: {  	s9 =	sld [smem:$0x75E];
	_ =	sdelay $0x2  }
0x2e5: {  	_ =	swait.ge [sflag:s25], $0x4000;
	s8 =	ssub.s32 s9, s6;
	p0 =	sge.s32 s9, s7  }
0x2e6: {  	p1 =	slt.s32 s9, s6;
	s9 =	sld [smem:$0x7DD];
	s8 =	sshll.u32 s8, $0x9  }
0x2e7: {  	s8 =	sand.u32 $0x1FFFFE00, s8  }
0x2e8: {  	s8 =	sadd.s32 s1, s8  }
0x2e9: {  	[sflag:s25] =	ssyncset.done $0x0;
	s8 =	smov.u32 @p0 s9  }
0x2ea: {  	[sflag:s25] =	ssyncadd.s32 $0xFFFFC000;
	s8 =	smov.u32 @p1 s9  }
0x2eb: {  	[tilespmem:s14], [sflag:$0x2] =	stream.linear.gather [hbm4b:s8+s3], $0x4000, $0x38;
	[tilespmem:$0x1C080] =	vst v63  }
0x2ec: {  	_ =	swait.ge [sflag:s26], $0x4000  }
0x2ed: {  	s9 =	sld [smem:$0x759]  }
0x2ee: {  	[sflag:s26] =	ssyncset.done $0x0  }
0x2ef: {  	[sflag:s26] =	ssyncadd.s32 $0xFFFFC000  }
0x2f0: {  	[hbm4b:s9+s3] =	stream.linear.scatter [tilespmem:s17], [sflag:$0xC], $0x4000, $0x38;
	[tilespmem:$0x1C080] =	vst v63  }
0x2f1: {  	s9 =	sld [smem:$0x761];
	_ =	sdelay $0x2  }
0x2f2: {  	_ =	swait.ge [sflag:s28], $0x4000;
	s8 =	ssub.s32 s9, s6;
	p0 =	sge.s32 s9, s7  }
0x2f3: {  	p1 =	slt.s32 s9, s6;
	s9 =	sld [smem:$0x7DF];
	s8 =	sshll.u32 s8, $0x9  }
0x2f4: {  	s8 =	sand.u32 $0x1FFFFE00, s8  }
0x2f5: {  	s8 =	sadd.s32 s1, s8  }
0x2f6: {  	[sflag:s28] =	ssyncset.done $0x0;
	s8 =	smov.u32 @p0 s9  }
0x2f7: {  	[sflag:s28] =	ssyncadd.s32 $0xFFFFC000;
	s8 =	smov.u32 @p1 s9  }
0x2f8: {  	[tilespmem:s15], [sflag:$0x3] =	stream.linear.gather [hbm4b:s8+s3], $0x4000, $0x38;
	[tilespmem:$0x1C080] =	vst v63  }
0x2f9: {  	_ =	swait.ge [sflag:s29], $0x4000  }
0x2fa: {  	s9 =	sld [smem:$0x75A]  }
0x2fb: {  	[sflag:s29] =	ssyncset.done $0x0  }
0x2fc: {  	[sflag:s29] =	ssyncadd.s32 $0xFFFFC000  }
0x2fd: {  	[hbm4b:s9+s3] =	stream.linear.scatter [tilespmem:s19], [sflag:$0xD], $0x4000, $0x38;
	[tilespmem:$0x1C080] =	vst v63  }
0x2fe: {  	s9 =	sld [smem:$0x762];
	_ =	sdelay $0x2  }
0x2ff: {  	_ =	swait.ge [sflag:s30], $0x4000;
	s8 =	ssub.s32 s9, s6;
	p0 =	sge.s32 s9, s7  }
0x300: {  	p1 =	slt.s32 s9, s6;
	s9 =	sld [smem:$0x7E1];
	s8 =	sshll.u32 s8, $0x9  }
0x301: {  	s8 =	sand.u32 $0x1FFFFE00, s8  }
0x302: {  	s8 =	sadd.s32 s1, s8  }
0x303: {  	[sflag:s30] =	ssyncset.done $0x0;
	s8 =	smov.u32 @p0 s9  }
0x304: {  	[sflag:s30] =	ssyncadd.s32 $0xFFFFC000;
	s8 =	smov.u32 @p1 s9  }
0x305: {  	[tilespmem:s16], [sflag:$0x4] =	stream.linear.gather [hbm4b:s8+s3], $0x4000, $0x38;
	[tilespmem:$0x1C080] =	vst v63  }
0x306: {  	_ =	swait.ge [sflag:s31], $0x4000  }
0x307: {  	s9 =	sld [smem:$0x75D]  }
0x308: {  	[sflag:s31] =	ssyncset.done $0x0  }
0x309: {  	[sflag:s31] =	ssyncadd.s32 $0xFFFFC000  }
0x30a: {  	[hbm4b:s9+s3] =	stream.linear.scatter [tilespmem:s21], [sflag:$0xE], $0x4000, $0x38;
	[tilespmem:$0x1C080] =	vst v63  }
0x30b: {  	s9 =	sld [smem:$0x764];
	_ =	sdelay $0x2  }
0x30c: {  	_ =	swait.ge [sflag:s0], $0x4000;
	s8 =	ssub.s32 s9, s6;
	p0 =	sge.s32 s9, s7  }
0x30d: {  	p1 =	slt.s32 s9, s6;
	s9 =	sld [smem:$0x7E3];
	s8 =	sshll.u32 s8, $0x9  }
0x30e: {  	s8 =	sand.u32 $0x1FFFFE00, s8  }
0x30f: {  	s8 =	sadd.s32 s1, s8  }
0x310: {  	[sflag:s0] =	ssyncset.done $0x0;
	s8 =	smov.u32 @p0 s9  }
0x311: {  	[sflag:s0] =	ssyncadd.s32 $0xFFFFC000;
	s8 =	smov.u32 @p1 s9  }
0x312: {  	[tilespmem:s17], [sflag:$0x5] =	stream.linear.gather [hbm4b:s8+s3], $0x4000, $0x38;
	[tilespmem:$0x1C080] =	vst v63  }
0x313: {  	_ =	swait.ge [sflag:s18], $0x4000  }
0x314: {  	s9 =	sld [smem:$0x75F]  }
0x315: {  	[sflag:s18] =	ssyncset.done $0x0  }
0x316: {  	[sflag:s18] =	ssyncadd.s32 $0xFFFFC000  }
0x317: {  	[hbm4b:s9+s3] =	stream.linear.scatter [tilespmem:s13], [sflag:$0x8], $0x4000, $0x38;
	[tilespmem:$0x1C080] =	vst v63  }
0x318: {  	s9 =	sld [smem:$0x767];
	_ =	sdelay $0x2  }
0x319: {  	_ =	swait.ge [sflag:s2], $0x4000;
	s8 =	ssub.s32 s9, s6;
	p0 =	sge.s32 s9, s7  }
0x31a: {  	p1 =	slt.s32 s9, s6;
	s9 =	sld [smem:$0x7E5];
	s8 =	sshll.u32 s8, $0x9  }
0x31b: {  	s8 =	sand.u32 $0x1FFFFE00, s8  }
0x31c: {  	s8 =	sadd.s32 s1, s8  }
0x31d: {  	[sflag:s2] =	ssyncset.done $0x0;
	s8 =	smov.u32 @p0 s9  }
0x31e: {  	[sflag:s2] =	ssyncadd.s32 $0xFFFFC000;
	s8 =	smov.u32 @p1 s9  }
0x31f: {  	[tilespmem:s19], [sflag:$0x6] =	stream.linear.gather [hbm4b:s8+s3], $0x4000, $0x38;
	[tilespmem:$0x1C080] =	vst v63  }
0x320: {  	_ =	swait.ge [sflag:s20], $0x4000  }
0x321: {  	s9 =	sld [smem:$0x760]  }
0x322: {  	[sflag:s20] =	ssyncset.done $0x0  }
0x323: {  	[sflag:s20] =	ssyncadd.s32 $0xFFFFC000  }
0x324: {  	[hbm4b:s9+s3] =	stream.linear.scatter [tilespmem:s14], [sflag:$0x9], $0x4000, $0x38;
	[tilespmem:$0x1C080] =	vst v63  }
0x325: {  	s9 =	sld [smem:$0x768];
	_ =	sdelay $0x2  }
0x326: {  	_ =	swait.ge [sflag:s5], $0x4000;
	s8 =	ssub.s32 s9, s6;
	p0 =	sge.s32 s9, s7  }
0x327: {  	p1 =	slt.s32 s9, s6;
	s9 =	sld [smem:$0x7E6];
	s8 =	sshll.u32 s8, $0x9  }
0x328: {  	s8 =	sand.u32 $0x1FFFFE00, s8  }
0x329: {  	s8 =	sadd.s32 s1, s8  }
0x32a: {  	[sflag:s5] =	ssyncset.done $0x0;
	s8 =	smov.u32 @p0 s9  }
0x32b: {  	[sflag:s5] =	ssyncadd.s32 $0xFFFFC000;
	s8 =	smov.u32 @p1 s9  }
0x32c: {  	[tilespmem:s21], [sflag:$0x7] =	stream.linear.gather [hbm4b:s8+s3], $0x4000, $0x38;
	[tilespmem:$0x1C080] =	vst v63  }
0x32d: {  	_ =	swait.ge [sflag:s22], $0x4000  }
0x32e: {  	s9 =	sld [smem:$0x763]  }
0x32f: {  	[sflag:s22] =	ssyncset.done $0x0  }
0x330: {  	[sflag:s22] =	ssyncadd.s32 $0xFFFFC000  }
0x331: {  	[hbm4b:s9+s3] =	stream.linear.scatter [tilespmem:s15], [sflag:$0xA], $0x4000, $0x38;
	[tilespmem:$0x1C080] =	vst v63  }
0x332: {  	s9 =	sld [smem:$0x76A];
	_ =	sdelay $0x2  }
0x333: {  	_ =	swait.ge [sflag:s23], $0x4000;
	s8 =	ssub.s32 s9, s6;
	p0 =	sge.s32 s9, s7  }
0x334: {  	p1 =	slt.s32 s9, s6;
	s9 =	sld [smem:$0x7E7];
	s8 =	sshll.u32 s8, $0x9  }
0x335: {  	s8 =	sand.u32 $0x1FFFFE00, s8  }
0x336: {  	s8 =	sadd.s32 s1, s8  }
0x337: {  	[sflag:s23] =	ssyncset.done $0x0;
	s8 =	smov.u32 @p0 s9  }
0x338: {  	[sflag:s23] =	ssyncadd.s32 $0xFFFFC000;
	s8 =	smov.u32 @p1 s9  }
0x339: {  	[tilespmem:s13], [sflag:$0x1] =	stream.linear.gather [hbm4b:s8+s3], $0x4000, $0x38;
	[tilespmem:$0x1C080] =	vst v63  }
0x33a: {  	_ =	swait.ge [sflag:s24], $0x4000  }
0x33b: {  	s9 =	sld [smem:$0x765]  }
0x33c: {  	[sflag:s24] =	ssyncset.done $0x0  }
0x33d: {  	[sflag:s24] =	ssyncadd.s32 $0xFFFFC000  }
0x33e: {  	[hbm4b:s9+s3] =	stream.linear.scatter [tilespmem:s16], [sflag:$0xB], $0x4000, $0x38;
	[tilespmem:$0x1C080] =	vst v63  }
0x33f: {  	s9 =	sld [smem:$0x76D];
	_ =	sdelay $0x2  }
0x340: {  	_ =	swait.ge [sflag:s25], $0x4000;
	s8 =	ssub.s32 s9, s6;
	p0 =	sge.s32 s9, s7  }
0x341: {  	p1 =	slt.s32 s9, s6;
	s9 =	sld [smem:$0x7E8];
	s8 =	sshll.u32 s8, $0x9  }
0x342: {  	s8 =	sand.u32 $0x1FFFFE00, s8  }
0x343: {  	s8 =	sadd.s32 s1, s8  }
0x344: {  	[sflag:s25] =	ssyncset.done $0x0;
	s8 =	smov.u32 @p0 s9  }
0x345: {  	[sflag:s25] =	ssyncadd.s32 $0xFFFFC000;
	s8 =	smov.u32 @p1 s9  }
0x346: {  	[tilespmem:s14], [sflag:$0x2] =	stream.linear.gather [hbm4b:s8+s3], $0x4000, $0x38;
	[tilespmem:$0x1C080] =	vst v63  }
0x347: {  	_ =	swait.ge [sflag:s26], $0x4000  }
0x348: {  	s9 =	sld [smem:$0x766]  }
0x349: {  	[sflag:s26] =	ssyncset.done $0x0  }
0x34a: {  	[sflag:s26] =	ssyncadd.s32 $0xFFFFC000  }
0x34b: {  	[hbm4b:s9+s3] =	stream.linear.scatter [tilespmem:s17], [sflag:$0xC], $0x4000, $0x38;
	[tilespmem:$0x1C080] =	vst v63  }
0x34c: {  	s9 =	sld [smem:$0x76E];
	_ =	sdelay $0x2  }
0x34d: {  	_ =	swait.ge [sflag:s28], $0x4000;
	s8 =	ssub.s32 s9, s6;
	p0 =	sge.s32 s9, s7  }
0x34e: {  	p1 =	slt.s32 s9, s6;
	s9 =	sld [smem:$0x7E9];
	s8 =	sshll.u32 s8, $0x9  }
0x34f: {  	s8 =	sand.u32 $0x1FFFFE00, s8  }
0x350: {  	s8 =	sadd.s32 s1, s8  }
0x351: {  	[sflag:s28] =	ssyncset.done $0x0;
	s8 =	smov.u32 @p0 s9  }
0x352: {  	[sflag:s28] =	ssyncadd.s32 $0xFFFFC000;
	s8 =	smov.u32 @p1 s9  }
0x353: {  	[tilespmem:s15], [sflag:$0x3] =	stream.linear.gather [hbm4b:s8+s3], $0x4000, $0x38;
	[tilespmem:$0x1C080] =	vst v63  }
0x354: {  	_ =	swait.ge [sflag:s29], $0x4000  }
0x355: {  	s9 =	sld [smem:$0x769]  }
0x356: {  	[sflag:s29] =	ssyncset.done $0x0  }
0x357: {  	[sflag:s29] =	ssyncadd.s32 $0xFFFFC000  }
0x358: {  	[hbm4b:s9+s3] =	stream.linear.scatter [tilespmem:s19], [sflag:$0xD], $0x4000, $0x38;
	[tilespmem:$0x1C080] =	vst v63  }
0x359: {  	s9 =	sld [smem:$0x770];
	_ =	sdelay $0x2  }
0x35a: {  	_ =	swait.ge [sflag:s30], $0x4000;
	s8 =	ssub.s32 s9, s6;
	p0 =	sge.s32 s9, s7  }
0x35b: {  	p1 =	slt.s32 s9, s6;
	s9 =	sld [smem:$0x7EA];
	s8 =	sshll.u32 s8, $0x9  }
0x35c: {  	s8 =	sand.u32 $0x1FFFFE00, s8  }
0x35d: {  	s8 =	sadd.s32 s1, s8  }
0x35e: {  	[sflag:s30] =	ssyncset.done $0x0;
	s8 =	smov.u32 @p0 s9  }
0x35f: {  	[sflag:s30] =	ssyncadd.s32 $0xFFFFC000;
	s8 =	smov.u32 @p1 s9  }
0x360: {  	[tilespmem:s16], [sflag:$0x4] =	stream.linear.gather [hbm4b:s8+s3], $0x4000, $0x38;
	[tilespmem:$0x1C080] =	vst v63  }
0x361: {  	_ =	swait.ge [sflag:s31], $0x4000  }
0x362: {  	s9 =	sld [smem:$0x76B]  }
0x363: {  	[sflag:s31] =	ssyncset.done $0x0  }
0x364: {  	[sflag:s31] =	ssyncadd.s32 $0xFFFFC000  }
0x365: {  	[hbm4b:s9+s3] =	stream.linear.scatter [tilespmem:s21], [sflag:$0xE], $0x4000, $0x38;
	[tilespmem:$0x1C080] =	vst v63  }
0x366: {  	s9 =	sld [smem:$0x773];
	_ =	sdelay $0x2  }
0x367: {  	_ =	swait.ge [sflag:s0], $0x4000;
	s8 =	ssub.s32 s9, s6;
	p0 =	sge.s32 s9, s7  }
0x368: {  	p1 =	slt.s32 s9, s6;
	s9 =	sld [smem:$0x7EB];
	s8 =	sshll.u32 s8, $0x9  }
0x369: {  	s8 =	sand.u32 $0x1FFFFE00, s8  }
0x36a: {  	s8 =	sadd.s32 s1, s8  }
0x36b: {  	[sflag:s0] =	ssyncset.done $0x0;
	s8 =	smov.u32 @p0 s9  }
0x36c: {  	[sflag:s0] =	ssyncadd.s32 $0xFFFFC000;
	s8 =	smov.u32 @p1 s9  }
0x36d: {  	[tilespmem:s17], [sflag:$0x5] =	stream.linear.gather [hbm4b:s8+s3], $0x4000, $0x38;
	[tilespmem:$0x1C080] =	vst v63  }
0x36e: {  	_ =	swait.ge [sflag:s18], $0x4000  }
0x36f: {  	s9 =	sld [smem:$0x76C]  }
0x370: {  	[sflag:s18] =	ssyncset.done $0x0  }
0x371: {  	[sflag:s18] =	ssyncadd.s32 $0xFFFFC000  }
0x372: {  	[hbm4b:s9+s3] =	stream.linear.scatter [tilespmem:s13], [sflag:$0x8], $0x4000, $0x38;
	[tilespmem:$0x1C080] =	vst v63  }
0x373: {  	s9 =	sld [smem:$0x774];
	_ =	sdelay $0x2  }
0x374: {  	_ =	swait.ge [sflag:s2], $0x4000;
	s8 =	ssub.s32 s9, s6;
	p0 =	sge.s32 s9, s7  }
0x375: {  	p1 =	slt.s32 s9, s6;
	s9 =	sld [smem:$0x7EC];
	s8 =	sshll.u32 s8, $0x9  }
0x376: {  	s8 =	sand.u32 $0x1FFFFE00, s8  }
0x377: {  	s8 =	sadd.s32 s1, s8  }
0x378: {  	[sflag:s2] =	ssyncset.done $0x0;
	s8 =	smov.u32 @p0 s9  }
0x379: {  	[sflag:s2] =	ssyncadd.s32 $0xFFFFC000;
	s8 =	smov.u32 @p1 s9  }
0x37a: {  	[tilespmem:s19], [sflag:$0x6] =	stream.linear.gather [hbm4b:s8+s3], $0x4000, $0x38;
	[tilespmem:$0x1C080] =	vst v63  }
0x37b: {  	_ =	swait.ge [sflag:s20], $0x4000  }
0x37c: {  	s9 =	sld [smem:$0x76F]  }
0x37d: {  	[sflag:s20] =	ssyncset.done $0x0  }
0x37e: {  	[sflag:s20] =	ssyncadd.s32 $0xFFFFC000  }
0x37f: {  	[hbm4b:s9+s3] =	stream.linear.scatter [tilespmem:s14], [sflag:$0x9], $0x4000, $0x38;
	[tilespmem:$0x1C080] =	vst v63  }
0x380: {  	s9 =	sld [smem:$0x776];
	_ =	sdelay $0x2  }
0x381: {  	_ =	swait.ge [sflag:s5], $0x4000;
	s8 =	ssub.s32 s9, s6;
	p0 =	sge.s32 s9, s7  }
0x382: {  	p1 =	slt.s32 s9, s6;
	s9 =	sld [smem:$0x7ED];
	s8 =	sshll.u32 s8, $0x9  }
0x383: {  	s8 =	sand.u32 $0x1FFFFE00, s8  }
0x384: {  	s8 =	sadd.s32 s1, s8  }
0x385: {  	[sflag:s5] =	ssyncset.done $0x0;
	s8 =	smov.u32 @p0 s9  }
0x386: {  	[sflag:s5] =	ssyncadd.s32 $0xFFFFC000;
	s8 =	smov.u32 @p1 s9  }
0x387: {  	[tilespmem:s21], [sflag:$0x7] =	stream.linear.gather [hbm4b:s8+s3], $0x4000, $0x38;
	[tilespmem:$0x1C080] =	vst v63  }
0x388: {  	_ =	swait.ge [sflag:s22], $0x4000  }
0x389: {  	s9 =	sld [smem:$0x771]  }
0x38a: {  	[sflag:s22] =	ssyncset.done $0x0  }
0x38b: {  	[sflag:s22] =	ssyncadd.s32 $0xFFFFC000  }
0x38c: {  	[hbm4b:s9+s3] =	stream.linear.scatter [tilespmem:s15], [sflag:$0xA], $0x4000, $0x38;
	[tilespmem:$0x1C080] =	vst v63  }
0x38d: {  	s9 =	sld [smem:$0x779];
	_ =	sdelay $0x2  }
0x38e: {  	_ =	swait.ge [sflag:s23], $0x4000;
	s8 =	ssub.s32 s9, s6;
	p0 =	sge.s32 s9, s7  }
0x38f: {  	p1 =	slt.s32 s9, s6;
	s9 =	sld [smem:$0x7EE];
	s8 =	sshll.u32 s8, $0x9  }
0x390: {  	s8 =	sand.u32 $0x1FFFFE00, s8  }
0x391: {  	s8 =	sadd.s32 s1, s8  }
0x392: {  	[sflag:s23] =	ssyncset.done $0x0;
	s8 =	smov.u32 @p0 s9  }
0x393: {  	[sflag:s23] =	ssyncadd.s32 $0xFFFFC000;
	s8 =	smov.u32 @p1 s9  }
0x394: {  	[tilespmem:s13], [sflag:$0x1] =	stream.linear.gather [hbm4b:s8+s3], $0x4000, $0x38;
	[tilespmem:$0x1C080] =	vst v63  }
0x395: {  	_ =	swait.ge [sflag:s24], $0x4000  }
0x396: {  	s9 =	sld [smem:$0x772]  }
0x397: {  	[sflag:s24] =	ssyncset.done $0x0  }
0x398: {  	[sflag:s24] =	ssyncadd.s32 $0xFFFFC000  }
0x399: {  	[hbm4b:s9+s3] =	stream.linear.scatter [tilespmem:s16], [sflag:$0xB], $0x4000, $0x38;
	[tilespmem:$0x1C080] =	vst v63  }
0x39a: {  	s9 =	sld [smem:$0x77A];
	_ =	sdelay $0x2  }
0x39b: {  	_ =	swait.ge [sflag:s25], $0x4000;
	s8 =	ssub.s32 s9, s6;
	p0 =	sge.s32 s9, s7  }
0x39c: {  	p1 =	slt.s32 s9, s6;
	s9 =	sld [smem:$0x7EF];
	s8 =	sshll.u32 s8, $0x9  }
0x39d: {  	s8 =	sand.u32 $0x1FFFFE00, s8  }
0x39e: {  	s8 =	sadd.s32 s1, s8  }
0x39f: {  	[sflag:s25] =	ssyncset.done $0x0;
	s8 =	smov.u32 @p0 s9  }
0x3a0: {  	[sflag:s25] =	ssyncadd.s32 $0xFFFFC000;
	s8 =	smov.u32 @p1 s9  }
0x3a1: {  	[tilespmem:s14], [sflag:$0x2] =	stream.linear.gather [hbm4b:s8+s3], $0x4000, $0x38;
	[tilespmem:$0x1C080] =	vst v63  }
0x3a2: {  	_ =	swait.ge [sflag:s26], $0x4000  }
0x3a3: {  	s9 =	sld [smem:$0x775]  }
0x3a4: {  	[sflag:s26] =	ssyncset.done $0x0  }
0x3a5: {  	[sflag:s26] =	ssyncadd.s32 $0xFFFFC000  }
0x3a6: {  	[hbm4b:s9+s3] =	stream.linear.scatter [tilespmem:s17], [sflag:$0xC], $0x4000, $0x38;
	[tilespmem:$0x1C080] =	vst v63  }
0x3a7: {  	s9 =	sld [smem:$0x77C];
	_ =	sdelay $0x2  }
0x3a8: {  	_ =	swait.ge [sflag:s28], $0x4000;
	s8 =	ssub.s32 s9, s6;
	p0 =	sge.s32 s9, s7  }
0x3a9: {  	p1 =	slt.s32 s9, s6;
	s9 =	sld [smem:$0x7F0];
	s8 =	sshll.u32 s8, $0x9  }
0x3aa: {  	s8 =	sand.u32 $0x1FFFFE00, s8  }
0x3ab: {  	s8 =	sadd.s32 s1, s8  }
0x3ac: {  	[sflag:s28] =	ssyncset.done $0x0;
	s8 =	smov.u32 @p0 s9  }
0x3ad: {  	[sflag:s28] =	ssyncadd.s32 $0xFFFFC000;
	s8 =	smov.u32 @p1 s9  }
0x3ae: {  	[tilespmem:s15], [sflag:$0x3] =	stream.linear.gather [hbm4b:s8+s3], $0x4000, $0x38;
	[tilespmem:$0x1C080] =	vst v63  }
0x3af: {  	_ =	swait.ge [sflag:s29], $0x4000  }
0x3b0: {  	s9 =	sld [smem:$0x777]  }
0x3b1: {  	[sflag:s29] =	ssyncset.done $0x0  }
0x3b2: {  	[sflag:s29] =	ssyncadd.s32 $0xFFFFC000  }
0x3b3: {  	[hbm4b:s9+s3] =	stream.linear.scatter [tilespmem:s19], [sflag:$0xD], $0x4000, $0x38;
	[tilespmem:$0x1C080] =	vst v63  }
0x3b4: {  	s9 =	sld [smem:$0x77F];
	_ =	sdelay $0x2  }
0x3b5: {  	_ =	swait.ge [sflag:s30], $0x4000;
	s8 =	ssub.s32 s9, s6;
	p0 =	sge.s32 s9, s7  }
0x3b6: {  	p1 =	slt.s32 s9, s6;
	s9 =	sld [smem:$0x7F1];
	s8 =	sshll.u32 s8, $0x9  }
0x3b7: {  	s8 =	sand.u32 $0x1FFFFE00, s8  }
0x3b8: {  	s8 =	sadd.s32 s1, s8  }
0x3b9: {  	[sflag:s30] =	ssyncset.done $0x0;
	s8 =	smov.u32 @p0 s9  }
0x3ba: {  	[sflag:s30] =	ssyncadd.s32 $0xFFFFC000;
	s8 =	smov.u32 @p1 s9  }
0x3bb: {  	[tilespmem:s16], [sflag:$0x4] =	stream.linear.gather [hbm4b:s8+s3], $0x4000, $0x38;
	[tilespmem:$0x1C080] =	vst v63  }
0x3bc: {  	_ =	swait.ge [sflag:s31], $0x4000  }
0x3bd: {  	s9 =	sld [smem:$0x778]  }
0x3be: {  	[sflag:s31] =	ssyncset.done $0x0  }
0x3bf: {  	[sflag:s31] =	ssyncadd.s32 $0xFFFFC000  }
0x3c0: {  	[hbm4b:s9+s3] =	stream.linear.scatter [tilespmem:s21], [sflag:$0xE], $0x4000, $0x38;
	[tilespmem:$0x1C080] =	vst v63  }
0x3c1: {  	s9 =	sld [smem:$0x780];
	_ =	sdelay $0x2  }
0x3c2: {  	_ =	swait.ge [sflag:s0], $0x4000;
	s8 =	ssub.s32 s9, s6;
	p0 =	sge.s32 s9, s7  }
0x3c3: {  	p1 =	slt.s32 s9, s6;
	s9 =	sld [smem:$0x7F2];
	s8 =	sshll.u32 s8, $0x9  }
0x3c4: {  	s8 =	sand.u32 $0x1FFFFE00, s8  }
0x3c5: {  	s8 =	sadd.s32 s1, s8  }
0x3c6: {  	[sflag:s0] =	ssyncset.done $0x0;
	s8 =	smov.u32 @p0 s9  }
0x3c7: {  	[sflag:s0] =	ssyncadd.s32 $0xFFFFC000;
	s8 =	smov.u32 @p1 s9  }
0x3c8: {  	[tilespmem:s17], [sflag:$0x5] =	stream.linear.gather [hbm4b:s8+s3], $0x4000, $0x38;
	[tilespmem:$0x1C080] =	vst v63  }
0x3c9: {  	_ =	swait.ge [sflag:s18], $0x4000  }
0x3ca: {  	s9 =	sld [smem:$0x77B]  }
0x3cb: {  	[sflag:s18] =	ssyncset.done $0x0  }
0x3cc: {  	[sflag:s18] =	ssyncadd.s32 $0xFFFFC000  }
0x3cd: {  	[hbm4b:s9+s3] =	stream.linear.scatter [tilespmem:s13], [sflag:$0x8], $0x4000, $0x38;
	[tilespmem:$0x1C080] =	vst v63  }
0x3ce: {  	s9 =	sld [smem:$0x782];
	_ =	sdelay $0x2  }
0x3cf: {  	_ =	swait.ge [sflag:s2], $0x4000;
	s8 =	ssub.s32 s9, s6;
	p0 =	sge.s32 s9, s7  }
0x3d0: {  	p1 =	slt.s32 s9, s6;
	s9 =	sld [smem:$0x7F3];
	s8 =	sshll.u32 s8, $0x9  }
0x3d1: {  	s8 =	sand.u32 $0x1FFFFE00, s8  }
0x3d2: {  	s8 =	sadd.s32 s1, s8  }
0x3d3: {  	[sflag:s2] =	ssyncset.done $0x0;
	s8 =	smov.u32 @p0 s9  }
0x3d4: {  	[sflag:s2] =	ssyncadd.s32 $0xFFFFC000;
	s8 =	smov.u32 @p1 s9  }
0x3d5: {  	[tilespmem:s19], [sflag:$0x6] =	stream.linear.gather [hbm4b:s8+s3], $0x4000, $0x38;
	[tilespmem:$0x1C080] =	vst v63  }
0x3d6: {  	_ =	swait.ge [sflag:s20], $0x4000  }
0x3d7: {  	s9 =	sld [smem:$0x77D]  }
0x3d8: {  	[sflag:s20] =	ssyncset.done $0x0  }
0x3d9: {  	[sflag:s20] =	ssyncadd.s32 $0xFFFFC000  }
0x3da: {  	[hbm4b:s9+s3] =	stream.linear.scatter [tilespmem:s14], [sflag:$0x9], $0x4000, $0x38;
	[tilespmem:$0x1C080] =	vst v63  }
0x3db: {  	s9 =	sld [smem:$0x785];
	_ =	sdelay $0x2  }
0x3dc: {  	_ =	swait.ge [sflag:s5], $0x4000;
	s8 =	ssub.s32 s9, s6;
	p0 =	sge.s32 s9, s7  }
0x3dd: {  	p1 =	slt.s32 s9, s6;
	s9 =	sld [smem:$0x7F4];
	s8 =	sshll.u32 s8, $0x9  }
0x3de: {  	s8 =	sand.u32 $0x1FFFFE00, s8  }
0x3df: {  	s8 =	sadd.s32 s1, s8  }
0x3e0: {  	[sflag:s5] =	ssyncset.done $0x0;
	s8 =	smov.u32 @p0 s9  }
0x3e1: {  	[sflag:s5] =	ssyncadd.s32 $0xFFFFC000;
	s8 =	smov.u32 @p1 s9  }
0x3e2: {  	[tilespmem:s21], [sflag:$0x7] =	stream.linear.gather [hbm4b:s8+s3], $0x4000, $0x38;
	[tilespmem:$0x1C080] =	vst v63  }
0x3e3: {  	_ =	swait.ge [sflag:s22], $0x4000  }
0x3e4: {  	s9 =	sld [smem:$0x77E]  }
0x3e5: {  	[sflag:s22] =	ssyncset.done $0x0  }
0x3e6: {  	[sflag:s22] =	ssyncadd.s32 $0xFFFFC000  }
0x3e7: {  	[hbm4b:s9+s3] =	stream.linear.scatter [tilespmem:s15], [sflag:$0xA], $0x4000, $0x38;
	[tilespmem:$0x1C080] =	vst v63  }
0x3e8: {  	s9 =	sld [smem:$0x786];
	_ =	sdelay $0x2  }
0x3e9: {  	_ =	swait.ge [sflag:s23], $0x4000;
	s8 =	ssub.s32 s9, s6;
	p0 =	sge.s32 s9, s7  }
0x3ea: {  	p1 =	slt.s32 s9, s6;
	s9 =	sld [smem:$0x7F5];
	s8 =	sshll.u32 s8, $0x9  }
0x3eb: {  	s8 =	sand.u32 $0x1FFFFE00, s8  }
0x3ec: {  	s8 =	sadd.s32 s1, s8  }
0x3ed: {  	[sflag:s23] =	ssyncset.done $0x0;
	s8 =	smov.u32 @p0 s9  }
0x3ee: {  	[sflag:s23] =	ssyncadd.s32 $0xFFFFC000;
	s8 =	smov.u32 @p1 s9  }
0x3ef: {  	[tilespmem:s13], [sflag:$0x1] =	stream.linear.gather [hbm4b:s8+s3], $0x4000, $0x38;
	[tilespmem:$0x1C080] =	vst v63  }
0x3f0: {  	_ =	swait.ge [sflag:s24], $0x4000  }
0x3f1: {  	s9 =	sld [smem:$0x781]  }
0x3f2: {  	[sflag:s24] =	ssyncset.done $0x0  }
0x3f3: {  	[sflag:s24] =	ssyncadd.s32 $0xFFFFC000  }
0x3f4: {  	[hbm4b:s9+s3] =	stream.linear.scatter [tilespmem:s16], [sflag:$0xB], $0x4000, $0x38;
	[tilespmem:$0x1C080] =	vst v63  }
0x3f5: {  	s9 =	sld [smem:$0x788];
	_ =	sdelay $0x2  }
0x3f6: {  	_ =	swait.ge [sflag:s25], $0x4000;
	s8 =	ssub.s32 s9, s6;
	p0 =	sge.s32 s9, s7  }
0x3f7: {  	p1 =	slt.s32 s9, s6;
	s9 =	sld [smem:$0x7F6];
	s8 =	sshll.u32 s8, $0x9  }
0x3f8: {  	s8 =	sand.u32 $0x1FFFFE00, s8  }
0x3f9: {  	s8 =	sadd.s32 s1, s8  }
0x3fa: {  	[sflag:s25] =	ssyncset.done $0x0;
	s8 =	smov.u32 @p0 s9  }
0x3fb: {  	[sflag:s25] =	ssyncadd.s32 $0xFFFFC000;
	s8 =	smov.u32 @p1 s9  }
0x3fc: {  	[tilespmem:s14], [sflag:$0x2] =	stream.linear.gather [hbm4b:s8+s3], $0x4000, $0x38;
	[tilespmem:$0x1C080] =	vst v63  }
0x3fd: {  	_ =	swait.ge [sflag:s26], $0x4000  }
0x3fe: {  	s9 =	sld [smem:$0x783]  }
0x3ff: {  	[sflag:s26] =	ssyncset.done $0x0  }
0x400: {  	[sflag:s26] =	ssyncadd.s32 $0xFFFFC000  }
0x401: {  	[hbm4b:s9+s3] =	stream.linear.scatter [tilespmem:s17], [sflag:$0xC], $0x4000, $0x38;
	[tilespmem:$0x1C080] =	vst v63  }
0x402: {  	s9 =	sld [smem:$0x78B];
	_ =	sdelay $0x2  }
0x403: {  	_ =	swait.ge [sflag:s28], $0x4000;
	s8 =	ssub.s32 s9, s6;
	p0 =	sge.s32 s9, s7  }
0x404: {  	p1 =	slt.s32 s9, s6;
	s9 =	sld [smem:$0x7F7];
	s8 =	sshll.u32 s8, $0x9  }
0x405: {  	s8 =	sand.u32 $0x1FFFFE00, s8  }
0x406: {  	s8 =	sadd.s32 s1, s8  }
0x407: {  	[sflag:s28] =	ssyncset.done $0x0;
	s8 =	smov.u32 @p0 s9  }
0x408: {  	[sflag:s28] =	ssyncadd.s32 $0xFFFFC000;
	s8 =	smov.u32 @p1 s9  }
0x409: {  	[tilespmem:s15], [sflag:$0x3] =	stream.linear.gather [hbm4b:s8+s3], $0x4000, $0x38;
	[tilespmem:$0x1C080] =	vst v63  }
0x40a: {  	_ =	swait.ge [sflag:s29], $0x4000  }
0x40b: {  	s9 =	sld [smem:$0x784]  }
0x40c: {  	[sflag:s29] =	ssyncset.done $0x0  }
0x40d: {  	[sflag:s29] =	ssyncadd.s32 $0xFFFFC000  }
0x40e: {  	[hbm4b:s9+s3] =	stream.linear.scatter [tilespmem:s19], [sflag:$0xD], $0x4000, $0x38;
	[tilespmem:$0x1C080] =	vst v63  }
0x40f: {  	s9 =	sld [smem:$0x78C];
	_ =	sdelay $0x2  }
0x410: {  	_ =	swait.ge [sflag:s30], $0x4000;
	s8 =	ssub.s32 s9, s6;
	p0 =	sge.s32 s9, s7  }
0x411: {  	p1 =	slt.s32 s9, s6;
	s9 =	sld [smem:$0x7F8];
	s8 =	sshll.u32 s8, $0x9  }
0x412: {  	s8 =	sand.u32 $0x1FFFFE00, s8  }
0x413: {  	s8 =	sadd.s32 s1, s8  }
0x414: {  	[sflag:s30] =	ssyncset.done $0x0;
	s8 =	smov.u32 @p0 s9  }
0x415: {  	[sflag:s30] =	ssyncadd.s32 $0xFFFFC000;
	s8 =	smov.u32 @p1 s9  }
0x416: {  	[tilespmem:s16], [sflag:$0x4] =	stream.linear.gather [hbm4b:s8+s3], $0x4000, $0x38;
	[tilespmem:$0x1C080] =	vst v63  }
0x417: {  	_ =	swait.ge [sflag:s31], $0x4000  }
0x418: {  	s9 =	sld [smem:$0x787]  }
0x419: {  	[sflag:s31] =	ssyncset.done $0x0  }
0x41a: {  	[sflag:s31] =	ssyncadd.s32 $0xFFFFC000  }
0x41b: {  	[hbm4b:s9+s3] =	stream.linear.scatter [tilespmem:s21], [sflag:$0xE], $0x4000, $0x38;
	[tilespmem:$0x1C080] =	vst v63  }
0x41c: {  	s9 =	sld [smem:$0x78E];
	_ =	sdelay $0x2  }
0x41d: {  	_ =	swait.ge [sflag:s0], $0x4000;
	s8 =	ssub.s32 s9, s6;
	p0 =	sge.s32 s9, s7  }
0x41e: {  	p1 =	slt.s32 s9, s6;
	s9 =	sld [smem:$0x7F9];
	s8 =	sshll.u32 s8, $0x9  }
0x41f: {  	s8 =	sand.u32 $0x1FFFFE00, s8  }
0x420: {  	s8 =	sadd.s32 s1, s8  }
0x421: {  	[sflag:s0] =	ssyncset.done $0x0;
	s8 =	smov.u32 @p0 s9  }
0x422: {  	[sflag:s0] =	ssyncadd.s32 $0xFFFFC000;
	s8 =	smov.u32 @p1 s9  }
0x423: {  	[tilespmem:s17], [sflag:$0x5] =	stream.linear.gather [hbm4b:s8+s3], $0x4000, $0x38;
	[tilespmem:$0x1C080] =	vst v63  }
0x424: {  	_ =	swait.ge [sflag:s18], $0x4000  }
0x425: {  	s9 =	sld [smem:$0x789]  }
0x426: {  	[sflag:s18] =	ssyncset.done $0x0  }
0x427: {  	[sflag:s18] =	ssyncadd.s32 $0xFFFFC000  }
0x428: {  	[hbm4b:s9+s3] =	stream.linear.scatter [tilespmem:s13], [sflag:$0x8], $0x4000, $0x38;
	[tilespmem:$0x1C080] =	vst v63  }
0x429: {  	s9 =	sld [smem:$0x791];
	_ =	sdelay $0x2  }
0x42a: {  	_ =	swait.ge [sflag:s2], $0x4000;
	s8 =	ssub.s32 s9, s6;
	p0 =	sge.s32 s9, s7  }
0x42b: {  	p1 =	slt.s32 s9, s6;
	s9 =	sld [smem:$0x7FA];
	s8 =	sshll.u32 s8, $0x9  }
0x42c: {  	s8 =	sand.u32 $0x1FFFFE00, s8  }
0x42d: {  	s8 =	sadd.s32 s1, s8  }
0x42e: {  	[sflag:s2] =	ssyncset.done $0x0;
	s8 =	smov.u32 @p0 s9  }
0x42f: {  	[sflag:s2] =	ssyncadd.s32 $0xFFFFC000;
	s8 =	smov.u32 @p1 s9  }
0x430: {  	[tilespmem:s19], [sflag:$0x6] =	stream.linear.gather [hbm4b:s8+s3], $0x4000, $0x38;
	[tilespmem:$0x1C080] =	vst v63  }
0x431: {  	_ =	swait.ge [sflag:s20], $0x4000  }
0x432: {  	s9 =	sld [smem:$0x78A]  }
0x433: {  	[sflag:s20] =	ssyncset.done $0x0  }
0x434: {  	[sflag:s20] =	ssyncadd.s32 $0xFFFFC000  }
0x435: {  	[hbm4b:s9+s3] =	stream.linear.scatter [tilespmem:s14], [sflag:$0x9], $0x4000, $0x38;
	[tilespmem:$0x1C080] =	vst v63  }
0x436: {  	s9 =	ssub.s32 s10, s6;
	_ =	swait.ge [sflag:s5], $0x4000  }
0x437: {  	s8 =	sshll.u32 s9, $0x9;
	s9 =	sld [smem:$0x7FB]  }
0x438: {  	s8 =	sand.u32 $0x1FFFFE00, s8  }
0x439: {  	p0 =	sge.s32 s10, s7;
	s8 =	sadd.s32 s1, s8  }
0x43a: {  	p1 =	slt.s32 s10, s6;
	[sflag:s5] =	ssyncset.done $0x0;
	s8 =	smov.u32 @p0 s9  }
0x43b: {  	[sflag:s5] =	ssyncadd.s32 $0xFFFFC000;
	s8 =	smov.u32 @p1 s9  }
0x43c: {  	[tilespmem:s21], [sflag:$0x7] =	stream.linear.gather [hbm4b:s8+s3], $0x4000, $0x38;
	[tilespmem:$0x1C080] =	vst v63  }
0x43d: {  	_ =	swait.ge [sflag:s22], $0x4000  }
0x43e: {  	s9 =	sld [smem:$0x78D]  }
0x43f: {  	[sflag:s22] =	ssyncset.done $0x0  }
0x440: {  	[sflag:s22] =	ssyncadd.s32 $0xFFFFC000  }
0x441: {  	[hbm4b:s9+s3] =	stream.linear.scatter [tilespmem:s15], [sflag:$0xA], $0x4000, $0x38;
	[tilespmem:$0x1C080] =	vst v63  }
0x442: {  	s9 =	ssub.s32 s11, s6;
	_ =	swait.ge [sflag:s23], $0x4000  }
0x443: {  	p1 =	slt.s32 s11, s6;
	s8 =	sshll.u32 s9, $0x9;
	s6 =	sld [smem:$0x7FC]  }
0x444: {  	s8 =	sand.u32 $0x1FFFFE00, s8  }
0x445: {  	p0 =	sge.s32 s11, s7;
	s7 =	sadd.s32 s1, s8  }
0x446: {  	[sflag:s23] =	ssyncset.done $0x0;
	s7 =	smov.u32 @p0 s6  }
0x447: {  	[sflag:s23] =	ssyncadd.s32 $0xFFFFC000;
	s7 =	smov.u32 @p1 s6  }
0x448: {  	[tilespmem:s13], [sflag:$0x1] =	stream.linear.gather [hbm4b:s7+s3], $0x4000, $0x38;
	[tilespmem:$0x1C080] =	vst v63  }
0x449: {  	_ =	swait.ge [sflag:s24], $0x4000  }
0x44a: {  	s8 =	sld [smem:$0x78F]  }
0x44b: {  	[sflag:s24] =	ssyncset.done $0x0  }
0x44c: {  	[sflag:s24] =	ssyncadd.s32 $0xFFFFC000  }
0x44d: {  	[hbm4b:s8+s3] =	stream.linear.scatter [tilespmem:s16], [sflag:$0xB], $0x4000, $0x38;
	[tilespmem:$0x1C080] =	vst v63  }
0x44e: {  	_ =	swait.ge [sflag:s26], $0x4000  }
0x44f: {  	s9 =	sld [smem:$0x790]  }
0x450: {  	[sflag:s26] =	ssyncset.done $0x0  }
0x451: {  	[sflag:s26] =	ssyncadd.s32 $0xFFFFC000  }
0x452: {  	[hbm4b:s9+s3] =	stream.linear.scatter [tilespmem:s17], [sflag:$0xC], $0x4000, $0x38;
	[tilespmem:$0x1C080] =	vst v63  }
0x453: {  	_ =	swait.ge [sflag:s29], $0x4000  }
0x454: {  	s7 =	sld [smem:$0x792]  }
0x455: {  	[sflag:s29] =	ssyncset.done $0x0  }
0x456: {  	[sflag:s29] =	ssyncadd.s32 $0xFFFFC000  }
0x457: {  	[hbm4b:s7+s3] =	stream.linear.scatter [tilespmem:s19], [sflag:$0xD], $0x4000, $0x38;
	[tilespmem:$0x1C080] =	vst v63  }
0x458: {  	_ =	swait.ge [sflag:s31], $0x4000  }
0x459: {  	s8 =	sld [smem:$0x793]  }
0x45a: {  	[sflag:s31] =	ssyncset.done $0x0  }
0x45b: {  	[sflag:s31] =	ssyncadd.s32 $0xFFFFC000  }
0x45c: {  	[hbm4b:s8+s3] =	stream.linear.scatter [tilespmem:s21], [sflag:$0xE], $0x4000, $0x38;
	[tilespmem:$0x1C080] =	vst v63  }
0x45d: {  	_ =	swait.ge [sflag:s18], $0x4000  }
0x45e: {  	s9 =	sld [smem:$0x7FD]  }
0x45f: {  	[sflag:s18] =	ssyncset.done $0x0  }
0x460: {  	[sflag:s18] =	ssyncadd.s32 $0xFFFFC000  }
0x461: {  	[hbm4b:s9+s3] =	stream.linear.scatter [tilespmem:s13], [sflag:$0x8], $0x4000, $0x38;
	[tilespmem:$0x1C080] =	vst v63  }
0x462: {  	_ =	swait.ge [sflag:s25], $0x4000  }
0x463: {  	[sflag:s25] =	ssyncset.done $0x0  }
0x464: {  	[sflag:s25] =	ssyncadd.s32 $0xFFFFC000  }
0x465: {  	_ =	swait.ge [sflag:s28], $0x4000  }
0x466: {  	[sflag:s28] =	ssyncset.done $0x0  }
0x467: {  	[sflag:s28] =	ssyncadd.s32 $0xFFFFC000  }
0x468: {  	_ =	swait.ge [sflag:s30], $0x4000  }
0x469: {  	[sflag:s30] =	ssyncset.done $0x0  }
0x46a: {  	[sflag:s30] =	ssyncadd.s32 $0xFFFFC000  }
0x46b: {  	_ =	swait.ge [sflag:s0], $0x4000  }
0x46c: {  	[sflag:s0] =	ssyncset.done $0x0  }
0x46d: {  	[sflag:s0] =	ssyncadd.s32 $0xFFFFC000  }
0x46e: {  	_ =	swait.ge [sflag:s2], $0x4000  }
0x46f: {  	[sflag:s2] =	ssyncset.done $0x0  }
0x470: {  	[sflag:s2] =	ssyncadd.s32 $0xFFFFC000  }
0x471: {  	p0 =	sne.s32 s12, $0x1;
	_ =	swait.ge [sflag:s5], $0x4000  }
.Ltmp0:
0x472: {  	[sflag:s5] =	ssyncset.done $0x0;
	(pc) =	sbr.rel @p0 .LBB2_1-.Ltmp0, $4  }
0x473: {  	[sflag:s5] =	ssyncadd.s32 $0xFFFFC000  }
0x474: {  	_ =	swait.ge [sflag:s23], $0x4000  }
0x475: {  	[sflag:s23] =	ssyncset.done $0x0  }
0x476: {  	s12 =	sadd.s32 $0xFFFFFFFF, s12;
	[sflag:s23] =	ssyncadd.s32 $0xFFFFC000  }
0x477: {  	_ =	sfence.sel $0x180000  }
0x478: {  	[bflag:$0x0] =	sbarrier.arrive $0xFFFF  }
0x479: {  	_ =	strace $0x90000047  }
0x47a: {  	s0 =	stileid.u32;
	[bflag:$0x2] =	sbarrier.arrive $0xFFFF  }
0x47b: {  	p0 =	sne.s32 s0, $0x0;
	s0 =	rddreg [dreg:$0x4]  }
0x47c: {  	s0 =	sadd.s32 @!p0 $0x100000, s0  }
0x47d: {  	[sflag:s0] =	ssyncadd.tile.s32 @!p0 $0x1;
	_ =	shalt  }
.Lfunc_end2:
_tile_overlayer_lowered:
.L_overlay_start_2:
0x47e: {  	(tag) =	ssettag $0x2  }
0x47f: {  	s0 =	rddreg [dreg:$0x0];
	s2 =	stileid.u32  }
0x480: {  	s1 =	rddreg [dreg:$0x1];
	p0 =	sne.s32 s2, $0x0  }
0x481: {  	s3 =	rddreg [dreg:$0x2];
	[bflag:$0x3] =	sbarrier.arrive $0xFFFF;
	s2 =	simm.s32 @!p0 $0x1C0F  }
0x482: {  	[timem:s3], [sflag:s2] =	dma.local @!p0 [hbm:s0], s1  }
0x483: {  	s0 =	simm.s32 @!p0 $0xF  }
0x484: {  	_ =	swait.ge @!p0 [sflag:s0], s1  }
0x485: {  	s1 =	ssub.s32 @!p0 $0x0, s1;
	[sflag:s0] =	ssyncset.done @!p0 $0x0  }
0x486: {  	[sflag:s0] =	ssyncadd.s32 @!p0 s1  }
0x487: {  	[bflag:$0x3] =	sbarrier.arrive $0xFFFF  }
0x488: {  	_ =	shalt  }

</sc_bundles>
